<compile_context>
chip_gen: v7x
topology: tpu7x:2x2x1
jax: 0.10.2.dev20260603
libtpu: 0.0.44.dev20260713+nightly
codegen_flags: <defaults>
</compile_context>

<pallas_src>
import functools

import jax
import jax.numpy as jnp
from jax import lax
from jax.experimental import pallas as pl
from jax.experimental.pallas import tpu as pltpu
from jax.experimental.pallas import tpu_sc as plsc

_EPS = 1e-5
_NCORES = 2
_NSUB = 16
_CHUNK = 80
_ZROWS = 128
_NBUF = 4


def _pad_rows(n):
    q = _NSUB * _ZROWS
    return ((n + q - 1) // q) * q


def _fill_const(ref, rows, d, val):
    def body(i, carry):
        for l in range(d // 16):
            ref[i, pl.ds(l * 16, 16)] = jnp.full((16,), val, jnp.float32)
        return carry

    lax.fori_loop(0, rows, body, None)


def _deg_call(ei4, n):
    nw, steps, _, c = ei4.shape
    n_pad = _pad_rows(n)
    mesh = plsc.VectorSubcoreMesh(core_axis_name="c", subcore_axis_name="s")

    @functools.partial(
        pl.kernel,
        mesh=mesh,
        out_type=jax.ShapeDtypeStruct((nw, n_pad), jnp.float32),
        compiler_params=pltpu.CompilerParams(needs_layout_passes=False),
        scratch_types=[
            pltpu.VMEM((steps, 2, c), jnp.int32),
            pltpu.VMEM((n_pad,), jnp.float32),
        ],
    )
    def deg_k(ei_hbm, out_hbm, eidx, hist):
        cid = lax.axis_index("c")
        sid = lax.axis_index("s")
        wid = cid * _NSUB + sid

        def z(i, carry):
            hist[pl.ds(i * 16, 16)] = jnp.zeros((16,), jnp.float32)
            return carry

        lax.fori_loop(0, n_pad // 16, z, None)
        pltpu.sync_copy(ei_hbm.at[wid], eidx)
        ones16 = jnp.full((16,), 1.0, jnp.float32)

        def row(r, carry):
            for l in range(c // 16):
                v = eidx[r, 1, pl.ds(l * 16, 16)]
                plsc.addupdate_scatter(hist, [v], ones16)
            return carry

        lax.fori_loop(0, steps, row, None)
        pltpu.sync_copy(hist, out_hbm.at[wid])

    return deg_k(ei4)


_NIDX = 8


def _agg_call(hs, ei4):
    n, d = hs.shape
    nw, steps, _, c = ei4.shape
    epw = steps * c
    n_pad = _pad_rows(n)
    rpt = n_pad // _NSUB
    mesh = plsc.VectorSubcoreMesh(core_axis_name="c", subcore_axis_name="s")

    @functools.partial(
        pl.kernel,
        mesh=mesh,
        out_type=jax.ShapeDtypeStruct((_NCORES, n_pad, d), jnp.float32),
        scratch_types=(
            [pltpu.VMEM((c, d), jnp.float32)] * _NBUF
            + [pltpu.VMEM((2, c), jnp.int32)] * _NIDX
            + [pltpu.VMEM_SHARED((n_pad, d), jnp.float32),
               pltpu.SemaphoreType.DMA,
               pltpu.SemaphoreType.DMA,
               pltpu.SemaphoreType.DMA]
        ),
    )
    def agg_k(hs_hbm, ei_hbm, out_hbm, *refs):
        bufs = refs[:_NBUF]
        idxs = refs[_NBUF:_NBUF + _NIDX]
        acc_sh, isem, gsem, ssem = refs[_NBUF + _NIDX:]
        cid = lax.axis_index("c")
        sid = lax.axis_index("s")
        wid = cid * _NSUB + sid

        def idx_load(j, slot):
            pltpu.async_copy(ei_hbm.at[wid, j], idxs[slot], isem)

        def idx_drain(slot):
            pltpu.make_async_copy(ei_hbm.at[0, 0], idxs[slot], isem).wait()

        def g_drain(b):
            pltpu.make_async_copy(hs_hbm.at[pl.ds(0, c)], bufs[b],
                                  gsem).wait()

        def s_drain(b):
            pltpu.make_async_copy(hs_hbm.at[pl.ds(0, c)], bufs[b],
                                  ssem).wait()

        _fill_const(bufs[0], c, d, 0.0)
        t0 = sid * rpt
        nwb = rpt // c
        for k in range(nwb):
            pltpu.async_copy(bufs[0], acc_sh.at[pl.ds(t0 + k * c, c)], ssem)
        for j in range(4):
            idx_load(j, j)
        for k in range(nwb):
            s_drain(0)
        plsc.subcore_barrier()

        for j in range(2):
            idx_drain(j)
            pltpu.async_copy(hs_hbm.at[idxs[j].at[0]], bufs[j], gsem)

        def chunk_body(j, b, islot):
            static = isinstance(j, int)
            g_drain(b)
            pltpu.async_copy(bufs[b], acc_sh.at[idxs[islot].at[1]], ssem,
                             add=True)

            def drain_prev_scatter():
                s_drain((b + 2) % _NBUF)

            def next_gather():
                idx_drain((islot + 2) % _NIDX)
                pltpu.async_copy(hs_hbm.at[idxs[(islot + 2) % _NIDX].at[0]],
                                 bufs[(b + 2) % _NBUF], gsem)

            def next_idx():
                idx_load(j + 4, (islot + 4) % _NIDX)

            if static:
                if j >= 2:
                    drain_prev_scatter()
                if j + 2 < steps:
                    next_gather()
                if j + 4 < steps:
                    next_idx()
            else:
                pl.when(j >= 2)(drain_prev_scatter)
                pl.when(j + 2 < steps)(next_gather)
                pl.when(j + 4 < steps)(next_idx)

        def blk(jj, carry):
            j0 = jj * _NIDX
            for r in range(_NIDX):
                chunk_body(j0 + r, r % _NBUF, r)
            return carry

        lax.fori_loop(0, steps // _NIDX, blk, None)
        for r in range(steps % _NIDX):
            j = (steps // _NIDX) * _NIDX + r
            chunk_body(j, j % _NBUF, j % _NIDX)
        for r in range(2):
            s_drain(0)
        plsc.subcore_barrier()

        pltpu.async_copy(acc_sh.at[pl.ds(t0, c)], bufs[0], gsem)
        for k in range(nwb):
            b = k % 2
            g_drain(b)
            if k + 1 < nwb:
                pltpu.async_copy(acc_sh.at[pl.ds(t0 + (k + 1) * c, c)],
                                 bufs[(k + 1) % 2], gsem)
            pltpu.async_copy(bufs[b], out_hbm.at[cid, pl.ds(t0 + k * c, c)],
                             ssem)
            if k >= 1:
                s_drain(b)
        s_drain(0)

    return agg_k(hs, ei4)


_BN = 2000


def _tc1_call(x, w1, degp):
    n, d = x.shape
    h = w1.shape[1]
    nw = _NCORES * _NSUB
    bn = 2048

    def tc1(x_ref, w_ref, deg_ref, hs_ref, dinv_ref):
        cnt = jnp.dot(deg_ref[...].T, jnp.ones((nw, 1), jnp.float32),
                      preferred_element_type=jnp.float32)
        dinv = lax.rsqrt(cnt + 1.0)
        hv = jnp.dot(x_ref[...], w_ref[...], preferred_element_type=jnp.float32)
        hs_ref[...] = hv * dinv
        dinv_ref[...] = dinv

    return pl.pallas_call(
        tc1,
        grid=(pl.cdiv(n, bn),),
        in_specs=[
            pl.BlockSpec((bn, d), lambda i: (i, 0)),
            pl.BlockSpec((d, h), lambda i: (0, 0)),
            pl.BlockSpec((nw, bn), lambda i: (0, i)),
        ],
        out_specs=[
            pl.BlockSpec((bn, h), lambda i: (i, 0)),
            pl.BlockSpec((bn, 1), lambda i: (i, 0)),
        ],
        out_shape=[
            jax.ShapeDtypeStruct((n, h), jnp.float32),
            jax.ShapeDtypeStruct((n, 1), jnp.float32),
        ],
    )(x, w1, degp)


def _tc2_call(acc1, hs1, dinv, x, w2, b1, g1, be1):
    n, h = hs1.shape
    bn_scale = 1.0 / (1.0 + _EPS) ** 0.5

    def tc2(acc_ref, hs_ref, dinv_ref, x_ref, w_ref, b_ref, g_ref, be_ref,
            y_ref, hs2_ref):
        a = acc_ref[...]
        dinv = dinv_ref[...]
        pre = (a[0] + a[1] + hs_ref[...]) * dinv + b_ref[...]
        bn = pre * (g_ref[...] * bn_scale) + be_ref[...]
        y = jnp.maximum(bn, 0.0) + x_ref[...]
        y_ref[...] = y
        h2 = jnp.dot(y, w_ref[...], preferred_element_type=jnp.float32)
        hs2_ref[...] = h2 * dinv

    return pl.pallas_call(
        tc2,
        grid=(n // _BN,),
        in_specs=[
            pl.BlockSpec((_NCORES, _BN, h), lambda i: (0, i, 0)),
            pl.BlockSpec((_BN, h), lambda i: (i, 0)),
            pl.BlockSpec((_BN, 1), lambda i: (i, 0)),
            pl.BlockSpec((_BN, h), lambda i: (i, 0)),
            pl.BlockSpec((h, h), lambda i: (0, 0)),
            pl.BlockSpec((1, h), lambda i: (0, 0)),
            pl.BlockSpec((1, h), lambda i: (0, 0)),
            pl.BlockSpec((1, h), lambda i: (0, 0)),
        ],
        out_specs=[
            pl.BlockSpec((_BN, h), lambda i: (i, 0)),
            pl.BlockSpec((_BN, h), lambda i: (i, 0)),
        ],
        out_shape=[
            jax.ShapeDtypeStruct((n, h), jnp.float32),
            jax.ShapeDtypeStruct((n, h), jnp.float32),
        ],
    )(acc1, hs1, dinv, x, w2, b1, g1, be1)


def _tc3_call(acc2, hs2, dinv, y1, b2, g2, be2, wo1, bo1, wo2, bo2):
    n, h = hs2.shape
    hh = wo1.shape[1]
    nc = wo2.shape[1]
    bn_scale = 1.0 / (1.0 + _EPS) ** 0.5

    def tc3(acc_ref, hs_ref, dinv_ref, y1_ref, b_ref, g_ref, be_ref,
            wo1_ref, bo1_ref, wo2_ref, bo2_ref, o_ref):
        a = acc_ref[...]
        dinv = dinv_ref[...]
        pre = (a[0] + a[1] + hs_ref[...]) * dinv + b_ref[...]
        bn = pre * (g_ref[...] * bn_scale) + be_ref[...]
        y2 = jnp.maximum(bn, 0.0) + y1_ref[...]
        t = jnp.dot(y2, wo1_ref[...], preferred_element_type=jnp.float32)
        t = jnp.maximum(t + bo1_ref[...], 0.0)
        o = jnp.dot(t, wo2_ref[...], preferred_element_type=jnp.float32)
        o_ref[...] = o + bo2_ref[...]

    return pl.pallas_call(
        tc3,
        grid=(n // _BN,),
        in_specs=[
            pl.BlockSpec((_NCORES, _BN, h), lambda i: (0, i, 0)),
            pl.BlockSpec((_BN, h), lambda i: (i, 0)),
            pl.BlockSpec((_BN, 1), lambda i: (i, 0)),
            pl.BlockSpec((_BN, h), lambda i: (i, 0)),
            pl.BlockSpec((1, h), lambda i: (0, 0)),
            pl.BlockSpec((1, h), lambda i: (0, 0)),
            pl.BlockSpec((1, h), lambda i: (0, 0)),
            pl.BlockSpec((h, hh), lambda i: (0, 0)),
            pl.BlockSpec((1, hh), lambda i: (0, 0)),
            pl.BlockSpec((hh, nc), lambda i: (0, 0)),
            pl.BlockSpec((1, nc), lambda i: (0, 0)),
        ],
        out_specs=pl.BlockSpec((_BN, nc), lambda i: (i, 0)),
        out_shape=jax.ShapeDtypeStruct((n, nc), jnp.float32),
    )(acc2, hs2, dinv, y1, b2, g2, be2, wo1, bo1, wo2, bo2)


def kernel(x, edge_index, W1, b1, g1, be1, W2, b2, g2, be2, Wo1, bo1, Wo2, bo2):
    n = x.shape[0]
    e = edge_index.shape[1]
    nw = _NCORES * _NSUB
    steps = e // (nw * _CHUNK)
    ei4 = edge_index.reshape(2, nw, steps, _CHUNK).transpose(1, 2, 0, 3)
    degp = _deg_call(ei4, n)
    hs1, dinv = _tc1_call(x, W1, degp)
    acc1 = _agg_call(hs1, ei4)
    y1, hs2 = _tc2_call(acc1, hs1, dinv, x, W2, b1.reshape(1, -1),
                        g1.reshape(1, -1), be1.reshape(1, -1))
    acc2 = _agg_call(hs2, ei4)
    o = _tc3_call(acc2, hs2, dinv, y1, b2.reshape(1, -1),
                  g2.reshape(1, -1), be2.reshape(1, -1), Wo1,
                  bo1.reshape(1, -1), Wo2, bo2.reshape(1, -1))
    return o

# --- scband reference (transcript-rebuilt; emitter-appended) ---
"""Pipeline reference for scband-improved-gcn-9440338117505 (READ-ONLY COPY).

The authoritative reference and input builder live on the scoring server;
editing this copy changes nothing except your own understanding.
"""

import jax, jax.numpy as jnp
import numpy as np

N, E, D, H, NC = 10000, 320000, 128, 128, 2
EPS = 1e-5


def setup_inputs(seed: int = 0):
    key = jax.random.key(seed)
    ks = jax.random.split(key, 16)
    x = jax.random.normal(ks[0], (N, D), dtype=jnp.float32)
    edge_index = jax.random.randint(ks[1], (2, E), 0, N, dtype=jnp.int32)
    s = 1.0 / np.sqrt(D)
    W1 = jax.random.normal(ks[2], (D, H), dtype=jnp.float32) * s
    b1 = jnp.zeros((H,), dtype=jnp.float32)
    g1 = jnp.ones((H,), dtype=jnp.float32)
    be1 = jnp.zeros((H,), dtype=jnp.float32)
    W2 = jax.random.normal(ks[3], (H, H), dtype=jnp.float32) * s
    b2 = jnp.zeros((H,), dtype=jnp.float32)
    g2 = jnp.ones((H,), dtype=jnp.float32)
    be2 = jnp.zeros((H,), dtype=jnp.float32)
    Wo1 = jax.random.normal(ks[4], (H, H // 2), dtype=jnp.float32) * s
    bo1 = jnp.zeros((H // 2,), dtype=jnp.float32)
    Wo2 = jax.random.normal(ks[5], (H // 2, NC), dtype=jnp.float32) * (1.0 / np.sqrt(H // 2))
    bo2 = jnp.zeros((NC,), dtype=jnp.float32)
    return {"x": x, "edge_index": edge_index, "W1": W1, "b1": b1, "g1": g1, "be1": be1,
            "W2": W2, "b2": b2, "g2": g2, "be2": be2, "Wo1": Wo1, "bo1": bo1, "Wo2": Wo2, "bo2": bo2}


def gcn_conv(x, edge_index, W, b):
    n = x.shape[0]
    loop = jnp.arange(n, dtype=edge_index.dtype)
    src = jnp.concatenate([edge_index[0], loop])
    dst = jnp.concatenate([edge_index[1], loop])
    deg = jnp.zeros((n,), dtype=x.dtype).at[dst].add(1.0)
    dinv = jnp.where(deg > 0, deg ** -0.5, 0.0)
    norm = dinv[src] * dinv[dst]
    h = x @ W
    msg = h[src] * norm[:, None]
    out = jnp.zeros_like(h).at[dst].add(msg)
    return out + b


def batchnorm_eval(x, g, b):
    # running_mean=0, running_var=1 (fresh BatchNorm in eval mode)
    return (x / jnp.sqrt(1.0 + EPS)) * g + b


def reference(x, edge_index, W1, b1, g1, be1, W2, b2, g2, be2, Wo1, bo1, Wo2, bo2):
    # layer 1
    residual = x
    h = gcn_conv(x, edge_index, W1, b1)
    h = batchnorm_eval(h, g1, be1)
    h = jax.nn.relu(h)
    h = h + residual if h.shape == residual.shape else h
    # layer 2
    residual = h
    h2 = gcn_conv(h, edge_index, W2, b2)
    h2 = batchnorm_eval(h2, g2, be2)
    h2 = jax.nn.relu(h2)
    h2 = h2 + residual if h2.shape == residual.shape else h2
    # output MLP (dropout inactive in eval)
    o = h2 @ Wo1 + bo1
    o = jax.nn.relu(o)
    o = o @ Wo2 + bo2
    return o

if __name__ == "__main__":
    import jax
    _d = setup_inputs()
    print(jax.jit(kernel)(*tuple(_d.values())))

</pallas_src>

<mosaic_0001>
#map = affine_map<(d0, d1) -> (0, 0, 0, 0)>
#map1 = affine_map<(d0, d1) -> (0, 0)>
module attributes {stable_mosaic.version = 14 : i64} {
  func.func @deg_k(%arg0: i32, %arg1: i32, %arg2: memref<32x125x2x80xi32, #tpu.memory_space<hbm>>, %arg3: memref<32x10240xf32, #tpu.memory_space<hbm>>, %arg4: memref<125x2x80xi32, #tpu.memory_space<vmem>>, %arg5: memref<10240xf32, #tpu.memory_space<vmem>>) attributes {dimension_semantics = [#tpu.dimension_semantics<core_parallel>, #tpu.dimension_semantics<subcore_parallel>], iteration_bounds = array<i64: 2, 16>, scalar_prefetch = 0 : i64, scratch_operands = 2 : i64, tpu.core_type = #tpu.core_type<sc_vector_subcore>, window_params = [{transform_indices = #map}, {transform_indices = #map1}]} {
    %mul3A = arith.constant 16 : i32
    %mul3A_0 = arith.muli %arg0, %mul3A : i32
    %add3A = arith.addi %mul3A_0, %arg1 : i32
    %scan3A = arith.constant 0 : i32
    %scan3A_1 = arith.constant 640 : i32
    %scan3A_2 = arith.addi %scan3A, %scan3A_1 : i32
    %scan3A_3 = arith.constant 1 : i32
    scf.for %scan3A_11 = %scan3A to %scan3A_2 step %scan3A_3  : i32 {
      %broadcast_in_dim3A_12 = arith.constant 0.000000e+00 : f32
      %broadcast_in_dim3A_13 = vector.broadcast %broadcast_in_dim3A_12 : f32 to vector<16xf32>
      %mul3A_14 = arith.constant 16 : i32
      %mul3A_15 = arith.muli %scan3A_11, %mul3A_14 : i32
      %swap3A = arith.index_cast %mul3A_15 : i32 to index
      %swap3A_16 = tpu.vector_load %arg5[%swap3A] {strides = array<i32>} : memref<10240xf32, #tpu.memory_space<vmem>>, vector<16xf32>,
      tpu.vector_store %arg5[%swap3A], %broadcast_in_dim3A_13 {strides = array<i32>} : memref<10240xf32, #tpu.memory_space<vmem>>, vector<16xf32>,
    }
    %scan3A_4 = arith.constant 640 : i32
    "tpu.region"() ({
      %run_scoped3A = tpu.sem_alloc : memref<!tpu.dma_semaphore, #tpu.memory_space<semaphore_mem>>
      %dma_start3A = arith.constant 0 : i32
      %dma_start3A_11 = arith.constant 0 : i32
      %dma_start3A_12 = arith.constant 0 : i32
      %dma_start3A_13 = tpu.memref_slice %arg2[%add3A, %dma_start3A, %dma_start3A_11, %dma_start3A_12] : memref<32x125x2x80xi32, #tpu.memory_space<hbm>> -> memref<1x125x2x80xi32, #tpu.memory_space<hbm>>
      %dma_start3A_14 = tpu.memref_squeeze %dma_start3A_13 : memref<1x125x2x80xi32, #tpu.memory_space<hbm>> -> memref<125x2x80xi32, #tpu.memory_space<hbm>>
      %dma_start3A_15 = arith.constant 0 : i32
      %dma_start3A_16 = arith.constant 0 : i32
      %dma_start3A_17 = arith.constant 0 : i32
      %dma_start3A_18 = tpu.memref_slice %arg2[%add3A, %dma_start3A_15, %dma_start3A_16, %dma_start3A_17] : memref<32x125x2x80xi32, #tpu.memory_space<hbm>> -> memref<1x125x2x80xi32, #tpu.memory_space<hbm>>
      %dma_start3A_19 = tpu.memref_squeeze %dma_start3A_18 : memref<1x125x2x80xi32, #tpu.memory_space<hbm>> -> memref<125x2x80xi32, #tpu.memory_space<hbm>>
      tpu.enqueue_dma source(%dma_start3A_19 : memref<125x2x80xi32, #tpu.memory_space<hbm>>) target(%arg4 : memref<125x2x80xi32, #tpu.memory_space<vmem>>) target_semaphore(%run_scoped3A : memref<!tpu.dma_semaphore, #tpu.memory_space<semaphore_mem>>)
      %dma_wait3A = arith.constant 0 : i32
      %dma_wait3A_20 = arith.constant 0 : i32
      %dma_wait3A_21 = arith.constant 0 : i32
      %dma_wait3A_22 = tpu.memref_slice %arg2[%add3A, %dma_wait3A, %dma_wait3A_20, %dma_wait3A_21] : memref<32x125x2x80xi32, #tpu.memory_space<hbm>> -> memref<1x125x2x80xi32, #tpu.memory_space<hbm>>
      %dma_wait3A_23 = tpu.memref_squeeze %dma_wait3A_22 : memref<1x125x2x80xi32, #tpu.memory_space<hbm>> -> memref<125x2x80xi32, #tpu.memory_space<hbm>>
      %dma_wait3A_24 = arith.constant 0 : i32
      %dma_wait3A_25 = arith.constant 0 : i32
      %dma_wait3A_26 = arith.constant 0 : i32
      %dma_wait3A_27 = tpu.memref_slice %arg2[%add3A, %dma_wait3A_24, %dma_wait3A_25, %dma_wait3A_26] : memref<32x125x2x80xi32, #tpu.memory_space<hbm>> -> memref<1x125x2x80xi32, #tpu.memory_space<hbm>>
      %dma_wait3A_28 = tpu.memref_squeeze %dma_wait3A_27 : memref<1x125x2x80xi32, #tpu.memory_space<hbm>> -> memref<125x2x80xi32, #tpu.memory_space<hbm>>
      tpu.wait_dma2 semaphore(%run_scoped3A : memref<!tpu.dma_semaphore, #tpu.memory_space<semaphore_mem>>) src(%dma_wait3A_28 : memref<125x2x80xi32, #tpu.memory_space<hbm>>) dst(%arg4 : memref<125x2x80xi32, #tpu.memory_space<vmem>>)
      tpu.yield
    }) : () -> ()
    %broadcast_in_dim3A = arith.constant 1.000000e+00 : f32
    %broadcast_in_dim3A_5 = vector.broadcast %broadcast_in_dim3A : f32 to vector<16xf32>
    %scan3A_6 = arith.constant 0 : i32
    %scan3A_7 = arith.constant 125 : i32
    %scan3A_8 = arith.addi %scan3A_6, %scan3A_7 : i32
    %scan3A_9 = arith.constant 1 : i32
    scf.for %scan3A_11 = %scan3A_6 to %scan3A_8 step %scan3A_9  : i32 {
      %get3A = arith.constant 1 : i32
      %get3A_12 = arith.index_cast %scan3A_11 : i32 to index
      %get3A_13 = arith.index_cast %get3A : i32 to index
      %get3A_14 = arith.constant 0 : index
      %get3A_15 = tpu.vector_load %arg4[%get3A_12, %get3A_13, %get3A_14] {strides = array<i32>} : memref<125x2x80xi32, #tpu.memory_space<vmem>>, vector<16xi32>,
      tpu.vector_store_idx %arg5[%get3A_15], %broadcast_in_dim3A_5 {add = true} : memref<10240xf32, #tpu.memory_space<vmem>>[vector<16xi32>], vector<16xf32>,
      %get3A_16 = arith.constant 1 : i32
      %get3A_17 = arith.index_cast %scan3A_11 : i32 to index
      %get3A_18 = arith.index_cast %get3A_16 : i32 to index
      %get3A_19 = arith.constant 16 : index
      %get3A_20 = tpu.vector_load %arg4[%get3A_17, %get3A_18, %get3A_19] {strides = array<i32>} : memref<125x2x80xi32, #tpu.memory_space<vmem>>, vector<16xi32>,
      tpu.vector_store_idx %arg5[%get3A_20], %broadcast_in_dim3A_5 {add = true} : memref<10240xf32, #tpu.memory_space<vmem>>[vector<16xi32>], vector<16xf32>,
      %get3A_21 = arith.constant 1 : i32
      %get3A_22 = arith.index_cast %scan3A_11 : i32 to index
      %get3A_23 = arith.index_cast %get3A_21 : i32 to index
      %get3A_24 = arith.constant 32 : index
      %get3A_25 = tpu.vector_load %arg4[%get3A_22, %get3A_23, %get3A_24] {strides = array<i32>} : memref<125x2x80xi32, #tpu.memory_space<vmem>>, vector<16xi32>,
      tpu.vector_store_idx %arg5[%get3A_25], %broadcast_in_dim3A_5 {add = true} : memref<10240xf32, #tpu.memory_space<vmem>>[vector<16xi32>], vector<16xf32>,
      %get3A_26 = arith.constant 1 : i32
      %get3A_27 = arith.index_cast %scan3A_11 : i32 to index
      %get3A_28 = arith.index_cast %get3A_26 : i32 to index
      %get3A_29 = arith.constant 48 : index
      %get3A_30 = tpu.vector_load %arg4[%get3A_27, %get3A_28, %get3A_29] {strides = array<i32>} : memref<125x2x80xi32, #tpu.memory_space<vmem>>, vector<16xi32>,
      tpu.vector_store_idx %arg5[%get3A_30], %broadcast_in_dim3A_5 {add = true} : memref<10240xf32, #tpu.memory_space<vmem>>[vector<16xi32>], vector<16xf32>,
      %get3A_31 = arith.constant 1 : i32
      %get3A_32 = arith.index_cast %scan3A_11 : i32 to index
      %get3A_33 = arith.index_cast %get3A_31 : i32 to index
      %get3A_34 = arith.constant 64 : index
      %get3A_35 = tpu.vector_load %arg4[%get3A_32, %get3A_33, %get3A_34] {strides = array<i32>} : memref<125x2x80xi32, #tpu.memory_space<vmem>>, vector<16xi32>,
      tpu.vector_store_idx %arg5[%get3A_35], %broadcast_in_dim3A_5 {add = true} : memref<10240xf32, #tpu.memory_space<vmem>>[vector<16xi32>], vector<16xf32>,
    }
    %scan3A_10 = arith.constant 125 : i32
    "tpu.region"() ({
      %run_scoped3A = tpu.sem_alloc : memref<!tpu.dma_semaphore, #tpu.memory_space<semaphore_mem>>
      %dma_start3A = arith.constant 0 : i32
      %dma_start3A_11 = tpu.memref_slice %arg3[%add3A, %dma_start3A] : memref<32x10240xf32, #tpu.memory_space<hbm>> -> memref<1x10240xf32, #tpu.memory_space<hbm>>
      %dma_start3A_12 = tpu.memref_squeeze %dma_start3A_11 : memref<1x10240xf32, #tpu.memory_space<hbm>> -> memref<10240xf32, #tpu.memory_space<hbm>>
      %dma_start3A_13 = arith.constant 0 : i32
      %dma_start3A_14 = tpu.memref_slice %arg3[%add3A, %dma_start3A_13] : memref<32x10240xf32, #tpu.memory_space<hbm>> -> memref<1x10240xf32, #tpu.memory_space<hbm>>
      %dma_start3A_15 = tpu.memref_squeeze %dma_start3A_14 : memref<1x10240xf32, #tpu.memory_space<hbm>> -> memref<10240xf32, #tpu.memory_space<hbm>>
      tpu.enqueue_dma source(%arg5 : memref<10240xf32, #tpu.memory_space<vmem>>) target(%dma_start3A_15 : memref<10240xf32, #tpu.memory_space<hbm>>) target_semaphore(%run_scoped3A : memref<!tpu.dma_semaphore, #tpu.memory_space<semaphore_mem>>)
      %dma_wait3A = arith.constant 0 : i32
      %dma_wait3A_16 = tpu.memref_slice %arg3[%add3A, %dma_wait3A] : memref<32x10240xf32, #tpu.memory_space<hbm>> -> memref<1x10240xf32, #tpu.memory_space<hbm>>
      %dma_wait3A_17 = tpu.memref_squeeze %dma_wait3A_16 : memref<1x10240xf32, #tpu.memory_space<hbm>> -> memref<10240xf32, #tpu.memory_space<hbm>>
      %dma_wait3A_18 = arith.constant 0 : i32
      %dma_wait3A_19 = tpu.memref_slice %arg3[%add3A, %dma_wait3A_18] : memref<32x10240xf32, #tpu.memory_space<hbm>> -> memref<1x10240xf32, #tpu.memory_space<hbm>>
      %dma_wait3A_20 = tpu.memref_squeeze %dma_wait3A_19 : memref<1x10240xf32, #tpu.memory_space<hbm>> -> memref<10240xf32, #tpu.memory_space<hbm>>
      tpu.wait_dma2 semaphore(%run_scoped3A : memref<!tpu.dma_semaphore, #tpu.memory_space<semaphore_mem>>) src(%arg5 : memref<10240xf32, #tpu.memory_space<vmem>>) dst(%dma_wait3A_20 : memref<10240xf32, #tpu.memory_space<hbm>>)
      tpu.yield
    }) : () -> ()
    return
  }
}

#map = affine_map<(d0, d1) -> (0, 0)>
#map1 = affine_map<(d0, d1) -> (0, 0, 0, 0)>
#map2 = affine_map<(d0, d1) -> (0, 0, 0)>
module attributes {stable_mosaic.version = 14 : i64} {
  func.func @agg_k(%arg0: i32, %arg1: i32, %arg2: memref<10000x128xf32, #tpu.memory_space<hbm>>, %arg3: memref<32x125x2x80xi32, #tpu.memory_space<hbm>>, %arg4: memref<2x10240x128xf32, #tpu.memory_space<hbm>>, %arg5: memref<80x128xf32, #tpu.memory_space<vmem>>, %arg6: memref<80x128xf32, #tpu.memory_space<vmem>>, %arg7: memref<80x128xf32, #tpu.memory_space<vmem>>, %arg8: memref<80x128xf32, #tpu.memory_space<vmem>>, %arg9: memref<2x80xi32, #tpu.memory_space<vmem>>, %arg10: memref<2x80xi32, #tpu.memory_space<vmem>>, %arg11: memref<2x80xi32, #tpu.memory_space<vmem>>, %arg12: memref<2x80xi32, #tpu.memory_space<vmem>>, %arg13: memref<2x80xi32, #tpu.memory_space<vmem>>, %arg14: memref<2x80xi32, #tpu.memory_space<vmem>>, %arg15: memref<2x80xi32, #tpu.memory_space<vmem>>, %arg16: memref<2x80xi32, #tpu.memory_space<vmem>>, %arg17: memref<10240x128xf32, #tpu.memory_space<vmem_shared>>, %arg18: memref<!tpu.dma_semaphore, #tpu.memory_space<semaphore_mem>>, %arg19: memref<!tpu.dma_semaphore, #tpu.memory_space<semaphore_mem>>, %arg20: memref<!tpu.dma_semaphore, #tpu.memory_space<semaphore_mem>>) attributes {dimension_semantics = [#tpu.dimension_semantics<core_parallel>, #tpu.dimension_semantics<subcore_parallel>], iteration_bounds = array<i64: 2, 16>, scalar_prefetch = 0 : i64, scratch_operands = 16 : i64, tpu.core_type = #tpu.core_type<sc_vector_subcore>, window_params = [{transform_indices = #map}, {transform_indices = #map1}, {transform_indices = #map2}]} {
    %mul3A = arith.constant 16 : i32
    %mul3A_0 = arith.muli %arg0, %mul3A : i32
    %add3A = arith.addi %mul3A_0, %arg1 : i32
    %scan3A = arith.constant 0 : i32
    %scan3A_1 = arith.constant 80 : i32
    %scan3A_2 = arith.addi %scan3A, %scan3A_1 : i32
    %scan3A_3 = arith.constant 1 : i32
    scf.for %scan3A_550 = %scan3A to %scan3A_2 step %scan3A_3  : i32 {
      %broadcast_in_dim3A = arith.constant 0.000000e+00 : f32
      %broadcast_in_dim3A_551 = vector.broadcast %broadcast_in_dim3A : f32 to vector<16xf32>
      %swap3A = arith.index_cast %scan3A_550 : i32 to index
      %swap3A_552 = arith.constant 0 : index
      %swap3A_553 = tpu.vector_load %arg5[%swap3A, %swap3A_552] {strides = array<i32>} : memref<80x128xf32, #tpu.memory_space<vmem>>, vector<1x16xf32>,
      %swap3A_554 = vector.shape_cast %swap3A_553 : vector<1x16xf32> to vector<16xf32>
      %swap3A_555 = vector.shape_cast %broadcast_in_dim3A_551 : vector<16xf32> to vector<1x16xf32>
      tpu.vector_store %arg5[%swap3A, %swap3A_552], %swap3A_555 {strides = array<i32>} : memref<80x128xf32, #tpu.memory_space<vmem>>, vector<1x16xf32>,
      %broadcast_in_dim3A_556 = arith.constant 0.000000e+00 : f32
      %broadcast_in_dim3A_557 = vector.broadcast %broadcast_in_dim3A_556 : f32 to vector<16xf32>
      %swap3A_558 = arith.index_cast %scan3A_550 : i32 to index
      %swap3A_559 = arith.constant 16 : index
      %swap3A_560 = tpu.vector_load %arg5[%swap3A_558, %swap3A_559] {strides = array<i32>} : memref<80x128xf32, #tpu.memory_space<vmem>>, vector<1x16xf32>,
      %swap3A_561 = vector.shape_cast %swap3A_560 : vector<1x16xf32> to vector<16xf32>
      %swap3A_562 = vector.shape_cast %broadcast_in_dim3A_557 : vector<16xf32> to vector<1x16xf32>
      tpu.vector_store %arg5[%swap3A_558, %swap3A_559], %swap3A_562 {strides = array<i32>} : memref<80x128xf32, #tpu.memory_space<vmem>>, vector<1x16xf32>,
      %broadcast_in_dim3A_563 = arith.constant 0.000000e+00 : f32
      %broadcast_in_dim3A_564 = vector.broadcast %broadcast_in_dim3A_563 : f32 to vector<16xf32>
      %swap3A_565 = arith.index_cast %scan3A_550 : i32 to index
      %swap3A_566 = arith.constant 32 : index
      %swap3A_567 = tpu.vector_load %arg5[%swap3A_565, %swap3A_566] {strides = array<i32>} : memref<80x128xf32, #tpu.memory_space<vmem>>, vector<1x16xf32>,
      %swap3A_568 = vector.shape_cast %swap3A_567 : vector<1x16xf32> to vector<16xf32>
      %swap3A_569 = vector.shape_cast %broadcast_in_dim3A_564 : vector<16xf32> to vector<1x16xf32>
      tpu.vector_store %arg5[%swap3A_565, %swap3A_566], %swap3A_569 {strides = array<i32>} : memref<80x128xf32, #tpu.memory_space<vmem>>, vector<1x16xf32>,
      %broadcast_in_dim3A_570 = arith.constant 0.000000e+00 : f32
      %broadcast_in_dim3A_571 = vector.broadcast %broadcast_in_dim3A_570 : f32 to vector<16xf32>
      %swap3A_572 = arith.index_cast %scan3A_550 : i32 to index
      %swap3A_573 = arith.constant 48 : index
      %swap3A_574 = tpu.vector_load %arg5[%swap3A_572, %swap3A_573] {strides = array<i32>} : memref<80x128xf32, #tpu.memory_space<vmem>>, vector<1x16xf32>,
      %swap3A_575 = vector.shape_cast %swap3A_574 : vector<1x16xf32> to vector<16xf32>
      %swap3A_576 = vector.shape_cast %broadcast_in_dim3A_571 : vector<16xf32> to vector<1x16xf32>
      tpu.vector_store %arg5[%swap3A_572, %swap3A_573], %swap3A_576 {strides = array<i32>} : memref<80x128xf32, #tpu.memory_space<vmem>>, vector<1x16xf32>,
      %broadcast_in_dim3A_577 = arith.constant 0.000000e+00 : f32
      %broadcast_in_dim3A_578 = vector.broadcast %broadcast_in_dim3A_577 : f32 to vector<16xf32>
      %swap3A_579 = arith.index_cast %scan3A_550 : i32 to index
      %swap3A_580 = arith.constant 64 : index
      %swap3A_581 = tpu.vector_load %arg5[%swap3A_579, %swap3A_580] {strides = array<i32>} : memref<80x128xf32, #tpu.memory_space<vmem>>, vector<1x16xf32>,
      %swap3A_582 = vector.shape_cast %swap3A_581 : vector<1x16xf32> to vector<16xf32>
      %swap3A_583 = vector.shape_cast %broadcast_in_dim3A_578 : vector<16xf32> to vector<1x16xf32>
      tpu.vector_store %arg5[%swap3A_579, %swap3A_580], %swap3A_583 {strides = array<i32>} : memref<80x128xf32, #tpu.memory_space<vmem>>, vector<1x16xf32>,
      %broadcast_in_dim3A_584 = arith.constant 0.000000e+00 : f32
      %broadcast_in_dim3A_585 = vector.broadcast %broadcast_in_dim3A_584 : f32 to vector<16xf32>
      %swap3A_586 = arith.index_cast %scan3A_550 : i32 to index
      %swap3A_587 = arith.constant 80 : index
      %swap3A_588 = tpu.vector_load %arg5[%swap3A_586, %swap3A_587] {strides = array<i32>} : memref<80x128xf32, #tpu.memory_space<vmem>>, vector<1x16xf32>,
      %swap3A_589 = vector.shape_cast %swap3A_588 : vector<1x16xf32> to vector<16xf32>
      %swap3A_590 = vector.shape_cast %broadcast_in_dim3A_585 : vector<16xf32> to vector<1x16xf32>
      tpu.vector_store %arg5[%swap3A_586, %swap3A_587], %swap3A_590 {strides = array<i32>} : memref<80x128xf32, #tpu.memory_space<vmem>>, vector<1x16xf32>,
      %broadcast_in_dim3A_591 = arith.constant 0.000000e+00 : f32
      %broadcast_in_dim3A_592 = vector.broadcast %broadcast_in_dim3A_591 : f32 to vector<16xf32>
      %swap3A_593 = arith.index_cast %scan3A_550 : i32 to index
      %swap3A_594 = arith.constant 96 : index
      %swap3A_595 = tpu.vector_load %arg5[%swap3A_593, %swap3A_594] {strides = array<i32>} : memref<80x128xf32, #tpu.memory_space<vmem>>, vector<1x16xf32>,
      %swap3A_596 = vector.shape_cast %swap3A_595 : vector<1x16xf32> to vector<16xf32>
      %swap3A_597 = vector.shape_cast %broadcast_in_dim3A_592 : vector<16xf32> to vector<1x16xf32>
      tpu.vector_store %arg5[%swap3A_593, %swap3A_594], %swap3A_597 {strides = array<i32>} : memref<80x128xf32, #tpu.memory_space<vmem>>, vector<1x16xf32>,
      %broadcast_in_dim3A_598 = arith.constant 0.000000e+00 : f32
      %broadcast_in_dim3A_599 = vector.broadcast %broadcast_in_dim3A_598 : f32 to vector<16xf32>
      %swap3A_600 = arith.index_cast %scan3A_550 : i32 to index
      %swap3A_601 = arith.constant 112 : index
      %swap3A_602 = tpu.vector_load %arg5[%swap3A_600, %swap3A_601] {strides = array<i32>} : memref<80x128xf32, #tpu.memory_space<vmem>>, vector<1x16xf32>,
      %swap3A_603 = vector.shape_cast %swap3A_602 : vector<1x16xf32> to vector<16xf32>
      %swap3A_604 = vector.shape_cast %broadcast_in_dim3A_599 : vector<16xf32> to vector<1x16xf32>
      tpu.vector_store %arg5[%swap3A_600, %swap3A_601], %swap3A_604 {strides = array<i32>} : memref<80x128xf32, #tpu.memory_space<vmem>>, vector<1x16xf32>,
    }
    %scan3A_4 = arith.constant 80 : i32
    %mul3A_5 = arith.constant 640 : i32
    %mul3A_6 = arith.muli %arg1, %mul3A_5 : i32
    %add3A_7 = arith.constant 0 : i32
    %add3A_8 = arith.addi %mul3A_6, %add3A_7 : i32
    %dma_start3A = arith.constant 0 : i32
    %dma_start3A_9 = tpu.memref_slice %arg17[%add3A_8, %dma_start3A] : memref<10240x128xf32, #tpu.memory_space<vmem_shared>> -> memref<80x128xf32, #tpu.memory_space<vmem_shared>>
    %dma_start3A_10 = arith.constant 0 : i32
    %dma_start3A_11 = tpu.memref_slice %arg17[%add3A_8, %dma_start3A_10] : memref<10240x128xf32, #tpu.memory_space<vmem_shared>> -> memref<80x128xf32, #tpu.memory_space<vmem_shared>>
    tpu.enqueue_dma source(%arg5 : memref<80x128xf32, #tpu.memory_space<vmem>>) target(%dma_start3A_11 : memref<80x128xf32, #tpu.memory_space<vmem_shared>>) target_semaphore(%arg20 : memref<!tpu.dma_semaphore, #tpu.memory_space<semaphore_mem>>)
    %add3A_12 = arith.constant 80 : i32
    %add3A_13 = arith.addi %mul3A_6, %add3A_12 : i32
    %dma_start3A_14 = arith.constant 0 : i32
    %dma_start3A_15 = tpu.memref_slice %arg17[%add3A_13, %dma_start3A_14] : memref<10240x128xf32, #tpu.memory_space<vmem_shared>> -> memref<80x128xf32, #tpu.memory_space<vmem_shared>>
    %dma_start3A_16 = arith.constant 0 : i32
    %dma_start3A_17 = tpu.memref_slice %arg17[%add3A_13, %dma_start3A_16] : memref<10240x128xf32, #tpu.memory_space<vmem_shared>> -> memref<80x128xf32, #tpu.memory_space<vmem_shared>>
    tpu.enqueue_dma source(%arg5 : memref<80x128xf32, #tpu.memory_space<vmem>>) target(%dma_start3A_17 : memref<80x128xf32, #tpu.memory_space<vmem_shared>>) target_semaphore(%arg20 : memref<!tpu.dma_semaphore, #tpu.memory_space<semaphore_mem>>)
    %add3A_18 = arith.constant 160 : i32
    %add3A_19 = arith.addi %mul3A_6, %add3A_18 : i32
    %dma_start3A_20 = arith.constant 0 : i32
    %dma_start3A_21 = tpu.memref_slice %arg17[%add3A_19, %dma_start3A_20] : memref<10240x128xf32, #tpu.memory_space<vmem_shared>> -> memref<80x128xf32, #tpu.memory_space<vmem_shared>>
    %dma_start3A_22 = arith.constant 0 : i32
    %dma_start3A_23 = tpu.memref_slice %arg17[%add3A_19, %dma_start3A_22] : memref<10240x128xf32, #tpu.memory_space<vmem_shared>> -> memref<80x128xf32, #tpu.memory_space<vmem_shared>>
    tpu.enqueue_dma source(%arg5 : memref<80x128xf32, #tpu.memory_space<vmem>>) target(%dma_start3A_23 : memref<80x128xf32, #tpu.memory_space<vmem_shared>>) target_semaphore(%arg20 : memref<!tpu.dma_semaphore, #tpu.memory_space<semaphore_mem>>)
    %add3A_24 = arith.constant 240 : i32
    %add3A_25 = arith.addi %mul3A_6, %add3A_24 : i32
    %dma_start3A_26 = arith.constant 0 : i32
    %dma_start3A_27 = tpu.memref_slice %arg17[%add3A_25, %dma_start3A_26] : memref<10240x128xf32, #tpu.memory_space<vmem_shared>> -> memref<80x128xf32, #tpu.memory_space<vmem_shared>>
    %dma_start3A_28 = arith.constant 0 : i32
    %dma_start3A_29 = tpu.memref_slice %arg17[%add3A_25, %dma_start3A_28] : memref<10240x128xf32, #tpu.memory_space<vmem_shared>> -> memref<80x128xf32, #tpu.memory_space<vmem_shared>>
    tpu.enqueue_dma source(%arg5 : memref<80x128xf32, #tpu.memory_space<vmem>>) target(%dma_start3A_29 : memref<80x128xf32, #tpu.memory_space<vmem_shared>>) target_semaphore(%arg20 : memref<!tpu.dma_semaphore, #tpu.memory_space<semaphore_mem>>)
    %add3A_30 = arith.constant 320 : i32
    %add3A_31 = arith.addi %mul3A_6, %add3A_30 : i32
    %dma_start3A_32 = arith.constant 0 : i32
    %dma_start3A_33 = tpu.memref_slice %arg17[%add3A_31, %dma_start3A_32] : memref<10240x128xf32, #tpu.memory_space<vmem_shared>> -> memref<80x128xf32, #tpu.memory_space<vmem_shared>>
    %dma_start3A_34 = arith.constant 0 : i32
    %dma_start3A_35 = tpu.memref_slice %arg17[%add3A_31, %dma_start3A_34] : memref<10240x128xf32, #tpu.memory_space<vmem_shared>> -> memref<80x128xf32, #tpu.memory_space<vmem_shared>>
    tpu.enqueue_dma source(%arg5 : memref<80x128xf32, #tpu.memory_space<vmem>>) target(%dma_start3A_35 : memref<80x128xf32, #tpu.memory_space<vmem_shared>>) target_semaphore(%arg20 : memref<!tpu.dma_semaphore, #tpu.memory_space<semaphore_mem>>)
    %add3A_36 = arith.constant 400 : i32
    %add3A_37 = arith.addi %mul3A_6, %add3A_36 : i32
    %dma_start3A_38 = arith.constant 0 : i32
    %dma_start3A_39 = tpu.memref_slice %arg17[%add3A_37, %dma_start3A_38] : memref<10240x128xf32, #tpu.memory_space<vmem_shared>> -> memref<80x128xf32, #tpu.memory_space<vmem_shared>>
    %dma_start3A_40 = arith.constant 0 : i32
    %dma_start3A_41 = tpu.memref_slice %arg17[%add3A_37, %dma_start3A_40] : memref<10240x128xf32, #tpu.memory_space<vmem_shared>> -> memref<80x128xf32, #tpu.memory_space<vmem_shared>>
    tpu.enqueue_dma source(%arg5 : memref<80x128xf32, #tpu.memory_space<vmem>>) target(%dma_start3A_41 : memref<80x128xf32, #tpu.memory_space<vmem_shared>>) target_semaphore(%arg20 : memref<!tpu.dma_semaphore, #tpu.memory_space<semaphore_mem>>)
    %add3A_42 = arith.constant 480 : i32
    %add3A_43 = arith.addi %mul3A_6, %add3A_42 : i32
    %dma_start3A_44 = arith.constant 0 : i32
    %dma_start3A_45 = tpu.memref_slice %arg17[%add3A_43, %dma_start3A_44] : memref<10240x128xf32, #tpu.memory_space<vmem_shared>> -> memref<80x128xf32, #tpu.memory_space<vmem_shared>>
    %dma_start3A_46 = arith.constant 0 : i32
    %dma_start3A_47 = tpu.memref_slice %arg17[%add3A_43, %dma_start3A_46] : memref<10240x128xf32, #tpu.memory_space<vmem_shared>> -> memref<80x128xf32, #tpu.memory_space<vmem_shared>>
    tpu.enqueue_dma source(%arg5 : memref<80x128xf32, #tpu.memory_space<vmem>>) target(%dma_start3A_47 : memref<80x128xf32, #tpu.memory_space<vmem_shared>>) target_semaphore(%arg20 : memref<!tpu.dma_semaphore, #tpu.memory_space<semaphore_mem>>)
    %add3A_48 = arith.constant 560 : i32
    %add3A_49 = arith.addi %mul3A_6, %add3A_48 : i32
    %dma_start3A_50 = arith.constant 0 : i32
    %dma_start3A_51 = tpu.memref_slice %arg17[%add3A_49, %dma_start3A_50] : memref<10240x128xf32, #tpu.memory_space<vmem_shared>> -> memref<80x128xf32, #tpu.memory_space<vmem_shared>>
    %dma_start3A_52 = arith.constant 0 : i32
    %dma_start3A_53 = tpu.memref_slice %arg17[%add3A_49, %dma_start3A_52] : memref<10240x128xf32, #tpu.memory_space<vmem_shared>> -> memref<80x128xf32, #tpu.memory_space<vmem_shared>>
    tpu.enqueue_dma source(%arg5 : memref<80x128xf32, #tpu.memory_space<vmem>>) target(%dma_start3A_53 : memref<80x128xf32, #tpu.memory_space<vmem_shared>>) target_semaphore(%arg20 : memref<!tpu.dma_semaphore, #tpu.memory_space<semaphore_mem>>)
    %dma_start3A_54 = arith.constant 0 : i32
    %dma_start3A_55 = arith.constant 0 : i32
    %dma_start3A_56 = arith.constant 0 : i32
    %dma_start3A_57 = tpu.memref_slice %arg3[%add3A, %dma_start3A_54, %dma_start3A_55, %dma_start3A_56] : memref<32x125x2x80xi32, #tpu.memory_space<hbm>> -> memref<1x1x2x80xi32, #tpu.memory_space<hbm>>
    %dma_start3A_58 = tpu.memref_squeeze %dma_start3A_57 : memref<1x1x2x80xi32, #tpu.memory_space<hbm>> -> memref<2x80xi32, #tpu.memory_space<hbm>>
    %dma_start3A_59 = arith.constant 0 : i32
    %dma_start3A_60 = arith.constant 0 : i32
    %dma_start3A_61 = tpu.memref_slice %arg3[%add3A, %dma_start3A_54, %dma_start3A_59, %dma_start3A_60] : memref<32x125x2x80xi32, #tpu.memory_space<hbm>> -> memref<1x1x2x80xi32, #tpu.memory_space<hbm>>
    %dma_start3A_62 = tpu.memref_squeeze %dma_start3A_61 : memref<1x1x2x80xi32, #tpu.memory_space<hbm>> -> memref<2x80xi32, #tpu.memory_space<hbm>>
    tpu.enqueue_dma source(%dma_start3A_62 : memref<2x80xi32, #tpu.memory_space<hbm>>) target(%arg9 : memref<2x80xi32, #tpu.memory_space<vmem>>) target_semaphore(%arg18 : memref<!tpu.dma_semaphore, #tpu.memory_space<semaphore_mem>>)
    %dma_start3A_63 = arith.constant 1 : i32
    %dma_start3A_64 = arith.constant 0 : i32
    %dma_start3A_65 = arith.constant 0 : i32
    %dma_start3A_66 = tpu.memref_slice %arg3[%add3A, %dma_start3A_63, %dma_start3A_64, %dma_start3A_65] : memref<32x125x2x80xi32, #tpu.memory_space<hbm>> -> memref<1x1x2x80xi32, #tpu.memory_space<hbm>>
    %dma_start3A_67 = tpu.memref_squeeze %dma_start3A_66 : memref<1x1x2x80xi32, #tpu.memory_space<hbm>> -> memref<2x80xi32, #tpu.memory_space<hbm>>
    %dma_start3A_68 = arith.constant 0 : i32
    %dma_start3A_69 = arith.constant 0 : i32
    %dma_start3A_70 = tpu.memref_slice %arg3[%add3A, %dma_start3A_63, %dma_start3A_68, %dma_start3A_69] : memref<32x125x2x80xi32, #tpu.memory_space<hbm>> -> memref<1x1x2x80xi32, #tpu.memory_space<hbm>>
    %dma_start3A_71 = tpu.memref_squeeze %dma_start3A_70 : memref<1x1x2x80xi32, #tpu.memory_space<hbm>> -> memref<2x80xi32, #tpu.memory_space<hbm>>
    tpu.enqueue_dma source(%dma_start3A_71 : memref<2x80xi32, #tpu.memory_space<hbm>>) target(%arg10 : memref<2x80xi32, #tpu.memory_space<vmem>>) target_semaphore(%arg18 : memref<!tpu.dma_semaphore, #tpu.memory_space<semaphore_mem>>)
    %dma_start3A_72 = arith.constant 2 : i32
    %dma_start3A_73 = arith.constant 0 : i32
    %dma_start3A_74 = arith.constant 0 : i32
    %dma_start3A_75 = tpu.memref_slice %arg3[%add3A, %dma_start3A_72, %dma_start3A_73, %dma_start3A_74] : memref<32x125x2x80xi32, #tpu.memory_space<hbm>> -> memref<1x1x2x80xi32, #tpu.memory_space<hbm>>
    %dma_start3A_76 = tpu.memref_squeeze %dma_start3A_75 : memref<1x1x2x80xi32, #tpu.memory_space<hbm>> -> memref<2x80xi32, #tpu.memory_space<hbm>>
    %dma_start3A_77 = arith.constant 0 : i32
    %dma_start3A_78 = arith.constant 0 : i32
    %dma_start3A_79 = tpu.memref_slice %arg3[%add3A, %dma_start3A_72, %dma_start3A_77, %dma_start3A_78] : memref<32x125x2x80xi32, #tpu.memory_space<hbm>> -> memref<1x1x2x80xi32, #tpu.memory_space<hbm>>
    %dma_start3A_80 = tpu.memref_squeeze %dma_start3A_79 : memref<1x1x2x80xi32, #tpu.memory_space<hbm>> -> memref<2x80xi32, #tpu.memory_space<hbm>>
    tpu.enqueue_dma source(%dma_start3A_80 : memref<2x80xi32, #tpu.memory_space<hbm>>) target(%arg11 : memref<2x80xi32, #tpu.memory_space<vmem>>) target_semaphore(%arg18 : memref<!tpu.dma_semaphore, #tpu.memory_space<semaphore_mem>>)
    %dma_start3A_81 = arith.constant 3 : i32
    %dma_start3A_82 = arith.constant 0 : i32
    %dma_start3A_83 = arith.constant 0 : i32
    %dma_start3A_84 = tpu.memref_slice %arg3[%add3A, %dma_start3A_81, %dma_start3A_82, %dma_start3A_83] : memref<32x125x2x80xi32, #tpu.memory_space<hbm>> -> memref<1x1x2x80xi32, #tpu.memory_space<hbm>>
    %dma_start3A_85 = tpu.memref_squeeze %dma_start3A_84 : memref<1x1x2x80xi32, #tpu.memory_space<hbm>> -> memref<2x80xi32, #tpu.memory_space<hbm>>
    %dma_start3A_86 = arith.constant 0 : i32
    %dma_start3A_87 = arith.constant 0 : i32
    %dma_start3A_88 = tpu.memref_slice %arg3[%add3A, %dma_start3A_81, %dma_start3A_86, %dma_start3A_87] : memref<32x125x2x80xi32, #tpu.memory_space<hbm>> -> memref<1x1x2x80xi32, #tpu.memory_space<hbm>>
    %dma_start3A_89 = tpu.memref_squeeze %dma_start3A_88 : memref<1x1x2x80xi32, #tpu.memory_space<hbm>> -> memref<2x80xi32, #tpu.memory_space<hbm>>
    tpu.enqueue_dma source(%dma_start3A_89 : memref<2x80xi32, #tpu.memory_space<hbm>>) target(%arg12 : memref<2x80xi32, #tpu.memory_space<vmem>>) target_semaphore(%arg18 : memref<!tpu.dma_semaphore, #tpu.memory_space<semaphore_mem>>)
    %dma_wait3A = arith.constant 0 : i32
    %dma_wait3A_90 = arith.constant 0 : i32
    %dma_wait3A_91 = tpu.memref_slice %arg2[%dma_wait3A, %dma_wait3A_90] : memref<10000x128xf32, #tpu.memory_space<hbm>> -> memref<80x128xf32, #tpu.memory_space<hbm>>
    %dma_wait3A_92 = arith.constant 0 : i32
    %dma_wait3A_93 = arith.constant 0 : i32
    %dma_wait3A_94 = tpu.memref_slice %arg2[%dma_wait3A_92, %dma_wait3A_93] : memref<10000x128xf32, #tpu.memory_space<hbm>> -> memref<80x128xf32, #tpu.memory_space<hbm>>
    tpu.wait_dma2 semaphore(%arg20 : memref<!tpu.dma_semaphore, #tpu.memory_space<semaphore_mem>>) src(%dma_wait3A_94 : memref<80x128xf32, #tpu.memory_space<hbm>>) dst(%arg5 : memref<80x128xf32, #tpu.memory_space<vmem>>)
    %dma_wait3A_95 = arith.constant 0 : i32
    %dma_wait3A_96 = arith.constant 0 : i32
    %dma_wait3A_97 = tpu.memref_slice %arg2[%dma_wait3A_95, %dma_wait3A_96] : memref<10000x128xf32, #tpu.memory_space<hbm>> -> memref<80x128xf32, #tpu.memory_space<hbm>>
    %dma_wait3A_98 = arith.constant 0 : i32
    %dma_wait3A_99 = arith.constant 0 : i32
    %dma_wait3A_100 = tpu.memref_slice %arg2[%dma_wait3A_98, %dma_wait3A_99] : memref<10000x128xf32, #tpu.memory_space<hbm>> -> memref<80x128xf32, #tpu.memory_space<hbm>>
    tpu.wait_dma2 semaphore(%arg20 : memref<!tpu.dma_semaphore, #tpu.memory_space<semaphore_mem>>) src(%dma_wait3A_100 : memref<80x128xf32, #tpu.memory_space<hbm>>) dst(%arg5 : memref<80x128xf32, #tpu.memory_space<vmem>>)
    %dma_wait3A_101 = arith.constant 0 : i32
    %dma_wait3A_102 = arith.constant 0 : i32
    %dma_wait3A_103 = tpu.memref_slice %arg2[%dma_wait3A_101, %dma_wait3A_102] : memref<10000x128xf32, #tpu.memory_space<hbm>> -> memref<80x128xf32, #tpu.memory_space<hbm>>
    %dma_wait3A_104 = arith.constant 0 : i32
    %dma_wait3A_105 = arith.constant 0 : i32
    %dma_wait3A_106 = tpu.memref_slice %arg2[%dma_wait3A_104, %dma_wait3A_105] : memref<10000x128xf32, #tpu.memory_space<hbm>> -> memref<80x128xf32, #tpu.memory_space<hbm>>
    tpu.wait_dma2 semaphore(%arg20 : memref<!tpu.dma_semaphore, #tpu.memory_space<semaphore_mem>>) src(%dma_wait3A_106 : memref<80x128xf32, #tpu.memory_space<hbm>>) dst(%arg5 : memref<80x128xf32, #tpu.memory_space<vmem>>)
    %dma_wait3A_107 = arith.constant 0 : i32
    %dma_wait3A_108 = arith.constant 0 : i32
    %dma_wait3A_109 = tpu.memref_slice %arg2[%dma_wait3A_107, %dma_wait3A_108] : memref<10000x128xf32, #tpu.memory_space<hbm>> -> memref<80x128xf32, #tpu.memory_space<hbm>>
    %dma_wait3A_110 = arith.constant 0 : i32
    %dma_wait3A_111 = arith.constant 0 : i32
    %dma_wait3A_112 = tpu.memref_slice %arg2[%dma_wait3A_110, %dma_wait3A_111] : memref<10000x128xf32, #tpu.memory_space<hbm>> -> memref<80x128xf32, #tpu.memory_space<hbm>>
    tpu.wait_dma2 semaphore(%arg20 : memref<!tpu.dma_semaphore, #tpu.memory_space<semaphore_mem>>) src(%dma_wait3A_112 : memref<80x128xf32, #tpu.memory_space<hbm>>) dst(%arg5 : memref<80x128xf32, #tpu.memory_space<vmem>>)
    %dma_wait3A_113 = arith.constant 0 : i32
    %dma_wait3A_114 = arith.constant 0 : i32
    %dma_wait3A_115 = tpu.memref_slice %arg2[%dma_wait3A_113, %dma_wait3A_114] : memref<10000x128xf32, #tpu.memory_space<hbm>> -> memref<80x128xf32, #tpu.memory_space<hbm>>
    %dma_wait3A_116 = arith.constant 0 : i32
    %dma_wait3A_117 = arith.constant 0 : i32
    %dma_wait3A_118 = tpu.memref_slice %arg2[%dma_wait3A_116, %dma_wait3A_117] : memref<10000x128xf32, #tpu.memory_space<hbm>> -> memref<80x128xf32, #tpu.memory_space<hbm>>
    tpu.wait_dma2 semaphore(%arg20 : memref<!tpu.dma_semaphore, #tpu.memory_space<semaphore_mem>>) src(%dma_wait3A_118 : memref<80x128xf32, #tpu.memory_space<hbm>>) dst(%arg5 : memref<80x128xf32, #tpu.memory_space<vmem>>)
    %dma_wait3A_119 = arith.constant 0 : i32
    %dma_wait3A_120 = arith.constant 0 : i32
    %dma_wait3A_121 = tpu.memref_slice %arg2[%dma_wait3A_119, %dma_wait3A_120] : memref<10000x128xf32, #tpu.memory_space<hbm>> -> memref<80x128xf32, #tpu.memory_space<hbm>>
    %dma_wait3A_122 = arith.constant 0 : i32
    %dma_wait3A_123 = arith.constant 0 : i32
    %dma_wait3A_124 = tpu.memref_slice %arg2[%dma_wait3A_122, %dma_wait3A_123] : memref<10000x128xf32, #tpu.memory_space<hbm>> -> memref<80x128xf32, #tpu.memory_space<hbm>>
    tpu.wait_dma2 semaphore(%arg20 : memref<!tpu.dma_semaphore, #tpu.memory_space<semaphore_mem>>) src(%dma_wait3A_124 : memref<80x128xf32, #tpu.memory_space<hbm>>) dst(%arg5 : memref<80x128xf32, #tpu.memory_space<vmem>>)
    %dma_wait3A_125 = arith.constant 0 : i32
    %dma_wait3A_126 = arith.constant 0 : i32
    %dma_wait3A_127 = tpu.memref_slice %arg2[%dma_wait3A_125, %dma_wait3A_126] : memref<10000x128xf32, #tpu.memory_space<hbm>> -> memref<80x128xf32, #tpu.memory_space<hbm>>
    %dma_wait3A_128 = arith.constant 0 : i32
    %dma_wait3A_129 = arith.constant 0 : i32
    %dma_wait3A_130 = tpu.memref_slice %arg2[%dma_wait3A_128, %dma_wait3A_129] : memref<10000x128xf32, #tpu.memory_space<hbm>> -> memref<80x128xf32, #tpu.memory_space<hbm>>
    tpu.wait_dma2 semaphore(%arg20 : memref<!tpu.dma_semaphore, #tpu.memory_space<semaphore_mem>>) src(%dma_wait3A_130 : memref<80x128xf32, #tpu.memory_space<hbm>>) dst(%arg5 : memref<80x128xf32, #tpu.memory_space<vmem>>)
    %dma_wait3A_131 = arith.constant 0 : i32
    %dma_wait3A_132 = arith.constant 0 : i32
    %dma_wait3A_133 = tpu.memref_slice %arg2[%dma_wait3A_131, %dma_wait3A_132] : memref<10000x128xf32, #tpu.memory_space<hbm>> -> memref<80x128xf32, #tpu.memory_space<hbm>>
    %dma_wait3A_134 = arith.constant 0 : i32
    %dma_wait3A_135 = arith.constant 0 : i32
    %dma_wait3A_136 = tpu.memref_slice %arg2[%dma_wait3A_134, %dma_wait3A_135] : memref<10000x128xf32, #tpu.memory_space<hbm>> -> memref<80x128xf32, #tpu.memory_space<hbm>>
    tpu.wait_dma2 semaphore(%arg20 : memref<!tpu.dma_semaphore, #tpu.memory_space<semaphore_mem>>) src(%dma_wait3A_136 : memref<80x128xf32, #tpu.memory_space<hbm>>) dst(%arg5 : memref<80x128xf32, #tpu.memory_space<vmem>>)
    %barrier3A = arith.constant 0 : index
    tpu.barrier barrier_id(%barrier3A)
    %dma_wait3A_137 = arith.constant 0 : i32
    %dma_wait3A_138 = arith.constant 0 : i32
    %dma_wait3A_139 = arith.constant 0 : i32
    %dma_wait3A_140 = arith.constant 0 : i32
    %dma_wait3A_141 = tpu.memref_slice %arg3[%dma_wait3A_137, %dma_wait3A_138, %dma_wait3A_139, %dma_wait3A_140] : memref<32x125x2x80xi32, #tpu.memory_space<hbm>> -> memref<1x1x2x80xi32, #tpu.memory_space<hbm>>
    %dma_wait3A_142 = tpu.memref_squeeze %dma_wait3A_141 : memref<1x1x2x80xi32, #tpu.memory_space<hbm>> -> memref<2x80xi32, #tpu.memory_space<hbm>>
    %dma_wait3A_143 = arith.constant 0 : i32
    %dma_wait3A_144 = arith.constant 0 : i32
    %dma_wait3A_145 = tpu.memref_slice %arg3[%dma_wait3A_137, %dma_wait3A_138, %dma_wait3A_143, %dma_wait3A_144] : memref<32x125x2x80xi32, #tpu.memory_space<hbm>> -> memref<1x1x2x80xi32, #tpu.memory_space<hbm>>
    %dma_wait3A_146 = tpu.memref_squeeze %dma_wait3A_145 : memref<1x1x2x80xi32, #tpu.memory_space<hbm>> -> memref<2x80xi32, #tpu.memory_space<hbm>>
    tpu.wait_dma2 semaphore(%arg18 : memref<!tpu.dma_semaphore, #tpu.memory_space<semaphore_mem>>) src(%dma_wait3A_146 : memref<2x80xi32, #tpu.memory_space<hbm>>) dst(%arg9 : memref<2x80xi32, #tpu.memory_space<vmem>>)
    %dma_start3A_147 = arith.constant 0 : i32
    %dma_start3A_148 = arith.constant 0 : i32
    %dma_start3A_149 = tpu.memref_slice %arg9[%dma_start3A_147, %dma_start3A_148] : memref<2x80xi32, #tpu.memory_space<vmem>> -> memref<1x80xi32, #tpu.memory_space<vmem>>
    %dma_start3A_150 = tpu.memref_squeeze %dma_start3A_149 : memref<1x80xi32, #tpu.memory_space<vmem>> -> memref<80xi32, #tpu.memory_space<vmem>>
    %dma_start3A_151 = arith.constant 0 : i32
    %dma_start3A_152 = arith.constant 0 : i32
    %dma_start3A_153 = tpu.memref_slice %arg2[%dma_start3A_151, %dma_start3A_152] : memref<10000x128xf32, #tpu.memory_space<hbm>> -> memref<10000x128xf32, #tpu.memory_space<hbm>>
    tpu.enqueue_indirect_dma source(%dma_start3A_153 : memref<10000x128xf32, #tpu.memory_space<hbm>>) target(%arg5 : memref<80x128xf32, #tpu.memory_space<vmem>>) offsets(%dma_start3A_150 : memref<80xi32, #tpu.memory_space<vmem>>) semaphore(%arg19 : memref<!tpu.dma_semaphore, #tpu.memory_space<semaphore_mem>>)
    %dma_wait3A_154 = arith.constant 0 : i32
    %dma_wait3A_155 = arith.constant 0 : i32
    %dma_wait3A_156 = arith.constant 0 : i32
    %dma_wait3A_157 = arith.constant 0 : i32
    %dma_wait3A_158 = tpu.memref_slice %arg3[%dma_wait3A_154, %dma_wait3A_155, %dma_wait3A_156, %dma_wait3A_157] : memref<32x125x2x80xi32, #tpu.memory_space<hbm>> -> memref<1x1x2x80xi32, #tpu.memory_space<hbm>>
    %dma_wait3A_159 = tpu.memref_squeeze %dma_wait3A_158 : memref<1x1x2x80xi32, #tpu.memory_space<hbm>> -> memref<2x80xi32, #tpu.memory_space<hbm>>
    %dma_wait3A_160 = arith.constant 0 : i32
    %dma_wait3A_161 = arith.constant 0 : i32
    %dma_wait3A_162 = tpu.memref_slice %arg3[%dma_wait3A_154, %dma_wait3A_155, %dma_wait3A_160, %dma_wait3A_161] : memref<32x125x2x80xi32, #tpu.memory_space<hbm>> -> memref<1x1x2x80xi32, #tpu.memory_space<hbm>>
    %dma_wait3A_163 = tpu.memref_squeeze %dma_wait3A_162 : memref<1x1x2x80xi32, #tpu.memory_space<hbm>> -> memref<2x80xi32, #tpu.memory_space<hbm>>
    tpu.wait_dma2 semaphore(%arg18 : memref<!tpu.dma_semaphore, #tpu.memory_space<semaphore_mem>>) src(%dma_wait3A_163 : memref<2x80xi32, #tpu.memory_space<hbm>>) dst(%arg10 : memref<2x80xi32, #tpu.memory_space<vmem>>)
    %dma_start3A_164 = arith.constant 0 : i32
    %dma_start3A_165 = arith.constant 0 : i32
    %dma_start3A_166 = tpu.memref_slice %arg10[%dma_start3A_164, %dma_start3A_165] : memref<2x80xi32, #tpu.memory_space<vmem>> -> memref<1x80xi32, #tpu.memory_space<vmem>>
    %dma_start3A_167 = tpu.memref_squeeze %dma_start3A_166 : memref<1x80xi32, #tpu.memory_space<vmem>> -> memref<80xi32, #tpu.memory_space<vmem>>
    %dma_start3A_168 = arith.constant 0 : i32
    %dma_start3A_169 = arith.constant 0 : i32
    %dma_start3A_170 = tpu.memref_slice %arg2[%dma_start3A_168, %dma_start3A_169] : memref<10000x128xf32, #tpu.memory_space<hbm>> -> memref<10000x128xf32, #tpu.memory_space<hbm>>
    tpu.enqueue_indirect_dma source(%dma_start3A_170 : memref<10000x128xf32, #tpu.memory_space<hbm>>) target(%arg6 : memref<80x128xf32, #tpu.memory_space<vmem>>) offsets(%dma_start3A_167 : memref<80xi32, #tpu.memory_space<vmem>>) semaphore(%arg19 : memref<!tpu.dma_semaphore, #tpu.memory_space<semaphore_mem>>)
    %scan3A_171 = arith.constant 0 : i32
    %scan3A_172 = arith.constant 15 : i32
    %scan3A_173 = arith.addi %scan3A_171, %scan3A_172 : i32
    %scan3A_174 = arith.constant 1 : i32
    scf.for %scan3A_550 = %scan3A_171 to %scan3A_173 step %scan3A_174  : i32 {
      %mul3A_551 = arith.constant 8 : i32
      %mul3A_552 = arith.muli %scan3A_550, %mul3A_551 : i32
      %add3A_553 = arith.constant 0 : i32
      %add3A_554 = arith.addi %mul3A_552, %add3A_553 : i32
      %dma_wait3A_555 = arith.constant 0 : i32
      %dma_wait3A_556 = arith.constant 0 : i32
      %dma_wait3A_557 = tpu.memref_slice %arg2[%dma_wait3A_555, %dma_wait3A_556] : memref<10000x128xf32, #tpu.memory_space<hbm>> -> memref<80x128xf32, #tpu.memory_space<hbm>>
      %dma_wait3A_558 = arith.constant 0 : i32
      %dma_wait3A_559 = arith.constant 0 : i32
      %dma_wait3A_560 = tpu.memref_slice %arg2[%dma_wait3A_558, %dma_wait3A_559] : memref<10000x128xf32, #tpu.memory_space<hbm>> -> memref<80x128xf32, #tpu.memory_space<hbm>>
      tpu.wait_dma2 semaphore(%arg19 : memref<!tpu.dma_semaphore, #tpu.memory_space<semaphore_mem>>) src(%dma_wait3A_560 : memref<80x128xf32, #tpu.memory_space<hbm>>) dst(%arg5 : memref<80x128xf32, #tpu.memory_space<vmem>>)
      %dma_start3A_561 = arith.constant 1 : i32
      %dma_start3A_562 = arith.constant 0 : i32
      %dma_start3A_563 = tpu.memref_slice %arg9[%dma_start3A_561, %dma_start3A_562] : memref<2x80xi32, #tpu.memory_space<vmem>> -> memref<1x80xi32, #tpu.memory_space<vmem>>
      %dma_start3A_564 = tpu.memref_squeeze %dma_start3A_563 : memref<1x80xi32, #tpu.memory_space<vmem>> -> memref<80xi32, #tpu.memory_space<vmem>>
      %dma_start3A_565 = arith.constant 0 : i32
      %dma_start3A_566 = arith.constant 0 : i32
      %dma_start3A_567 = tpu.memref_slice %arg17[%dma_start3A_565, %dma_start3A_566] : memref<10240x128xf32, #tpu.memory_space<vmem_shared>> -> memref<10240x128xf32, #tpu.memory_space<vmem_shared>>
      tpu.enqueue_indirect_dma source(%arg5 : memref<80x128xf32, #tpu.memory_space<vmem>>) target(%dma_start3A_567 : memref<10240x128xf32, #tpu.memory_space<vmem_shared>>) offsets(%dma_start3A_564 : memref<80xi32, #tpu.memory_space<vmem>>) semaphore(%arg20 : memref<!tpu.dma_semaphore, #tpu.memory_space<semaphore_mem>>) {add = true}
      %ge3A = arith.constant 2 : i32
      %ge3A_568 = arith.cmpi sge, %add3A_554, %ge3A : i32
      %convert_element_type3A = arith.extui %ge3A_568 : i1 to i32
      %cond3A = arith.constant 0 : i32
      %cond3A_569 = arith.cmpi ne, %convert_element_type3A, %cond3A : i32
      scf.if %cond3A_569 {
        %dma_wait3A_821 = arith.constant 0 : i32
        %dma_wait3A_822 = arith.constant 0 : i32
        %dma_wait3A_823 = tpu.memref_slice %arg2[%dma_wait3A_821, %dma_wait3A_822] : memref<10000x128xf32, #tpu.memory_space<hbm>> -> memref<80x128xf32, #tpu.memory_space<hbm>>
        %dma_wait3A_824 = arith.constant 0 : i32
        %dma_wait3A_825 = arith.constant 0 : i32
        %dma_wait3A_826 = tpu.memref_slice %arg2[%dma_wait3A_824, %dma_wait3A_825] : memref<10000x128xf32, #tpu.memory_space<hbm>> -> memref<80x128xf32, #tpu.memory_space<hbm>>
        tpu.wait_dma2 semaphore(%arg20 : memref<!tpu.dma_semaphore, #tpu.memory_space<semaphore_mem>>) src(%dma_wait3A_826 : memref<80x128xf32, #tpu.memory_space<hbm>>) dst(%arg7 : memref<80x128xf32, #tpu.memory_space<vmem>>)
      } else {
      }
      %add3A_570 = arith.constant 2 : i32
      %add3A_571 = arith.addi %add3A_554, %add3A_570 : i32
      %lt3A = arith.constant 125 : i32
      %lt3A_572 = arith.cmpi slt, %add3A_571, %lt3A : i32
      %convert_element_type3A_573 = arith.extui %lt3A_572 : i1 to i32
      %cond3A_574 = arith.constant 0 : i32
      %cond3A_575 = arith.cmpi ne, %convert_element_type3A_573, %cond3A_574 : i32
      scf.if %cond3A_575 {
        %dma_wait3A_821 = arith.constant 0 : i32
        %dma_wait3A_822 = arith.constant 0 : i32
        %dma_wait3A_823 = arith.constant 0 : i32
        %dma_wait3A_824 = arith.constant 0 : i32
        %dma_wait3A_825 = tpu.memref_slice %arg3[%dma_wait3A_821, %dma_wait3A_822, %dma_wait3A_823, %dma_wait3A_824] : memref<32x125x2x80xi32, #tpu.memory_space<hbm>> -> memref<1x1x2x80xi32, #tpu.memory_space<hbm>>
        %dma_wait3A_826 = tpu.memref_squeeze %dma_wait3A_825 : memref<1x1x2x80xi32, #tpu.memory_space<hbm>> -> memref<2x80xi32, #tpu.memory_space<hbm>>
        %dma_wait3A_827 = arith.constant 0 : i32
        %dma_wait3A_828 = arith.constant 0 : i32
        %dma_wait3A_829 = tpu.memref_slice %arg3[%dma_wait3A_821, %dma_wait3A_822, %dma_wait3A_827, %dma_wait3A_828] : memref<32x125x2x80xi32, #tpu.memory_space<hbm>> -> memref<1x1x2x80xi32, #tpu.memory_space<hbm>>
        %dma_wait3A_830 = tpu.memref_squeeze %dma_wait3A_829 : memref<1x1x2x80xi32, #tpu.memory_space<hbm>> -> memref<2x80xi32, #tpu.memory_space<hbm>>
        tpu.wait_dma2 semaphore(%arg18 : memref<!tpu.dma_semaphore, #tpu.memory_space<semaphore_mem>>) src(%dma_wait3A_830 : memref<2x80xi32, #tpu.memory_space<hbm>>) dst(%arg11 : memref<2x80xi32, #tpu.memory_space<vmem>>)
        %dma_start3A_831 = arith.constant 0 : i32
        %dma_start3A_832 = arith.constant 0 : i32
        %dma_start3A_833 = tpu.memref_slice %arg11[%dma_start3A_831, %dma_start3A_832] : memref<2x80xi32, #tpu.memory_space<vmem>> -> memref<1x80xi32, #tpu.memory_space<vmem>>
        %dma_start3A_834 = tpu.memref_squeeze %dma_start3A_833 : memref<1x80xi32, #tpu.memory_space<vmem>> -> memref<80xi32, #tpu.memory_space<vmem>>
        %dma_start3A_835 = arith.constant 0 : i32
        %dma_start3A_836 = arith.constant 0 : i32
        %dma_start3A_837 = tpu.memref_slice %arg2[%dma_start3A_835, %dma_start3A_836] : memref<10000x128xf32, #tpu.memory_space<hbm>> -> memref<10000x128xf32, #tpu.memory_space<hbm>>
        tpu.enqueue_indirect_dma source(%dma_start3A_837 : memref<10000x128xf32, #tpu.memory_space<hbm>>) target(%arg7 : memref<80x128xf32, #tpu.memory_space<vmem>>) offsets(%dma_start3A_834 : memref<80xi32, #tpu.memory_space<vmem>>) semaphore(%arg19 : memref<!tpu.dma_semaphore, #tpu.memory_space<semaphore_mem>>)
      } else {
      }
      %add3A_576 = arith.constant 4 : i32
      %add3A_577 = arith.addi %add3A_554, %add3A_576 : i32
      %lt3A_578 = arith.constant 125 : i32
      %lt3A_579 = arith.cmpi slt, %add3A_577, %lt3A_578 : i32
      %convert_element_type3A_580 = arith.extui %lt3A_579 : i1 to i32
      %cond3A_581 = arith.constant 0 : i32
      %cond3A_582 = arith.cmpi ne, %convert_element_type3A_580, %cond3A_581 : i32
      scf.if %cond3A_582 {
        %add3A_821 = arith.constant 4 : i32
        %add3A_822 = arith.addi %add3A_554, %add3A_821 : i32
        %dma_start3A_823 = arith.constant 0 : i32
        %dma_start3A_824 = arith.constant 0 : i32
        %dma_start3A_825 = tpu.memref_slice %arg3[%add3A, %add3A_822, %dma_start3A_823, %dma_start3A_824] : memref<32x125x2x80xi32, #tpu.memory_space<hbm>> -> memref<1x1x2x80xi32, #tpu.memory_space<hbm>>
        %dma_start3A_826 = tpu.memref_squeeze %dma_start3A_825 : memref<1x1x2x80xi32, #tpu.memory_space<hbm>> -> memref<2x80xi32, #tpu.memory_space<hbm>>
        %dma_start3A_827 = arith.constant 0 : i32
        %dma_start3A_828 = arith.constant 0 : i32
        %dma_start3A_829 = tpu.memref_slice %arg3[%add3A, %add3A_822, %dma_start3A_827, %dma_start3A_828] : memref<32x125x2x80xi32, #tpu.memory_space<hbm>> -> memref<1x1x2x80xi32, #tpu.memory_space<hbm>>
        %dma_start3A_830 = tpu.memref_squeeze %dma_start3A_829 : memref<1x1x2x80xi32, #tpu.memory_space<hbm>> -> memref<2x80xi32, #tpu.memory_space<hbm>>
        tpu.enqueue_dma source(%dma_start3A_830 : memref<2x80xi32, #tpu.memory_space<hbm>>) target(%arg13 : memref<2x80xi32, #tpu.memory_space<vmem>>) target_semaphore(%arg18 : memref<!tpu.dma_semaphore, #tpu.memory_space<semaphore_mem>>)
      } else {
      }
      %add3A_583 = arith.constant 1 : i32
      %add3A_584 = arith.addi %mul3A_552, %add3A_583 : i32
      %dma_wait3A_585 = arith.constant 0 : i32
      %dma_wait3A_586 = arith.constant 0 : i32
      %dma_wait3A_587 = tpu.memref_slice %arg2[%dma_wait3A_585, %dma_wait3A_586] : memref<10000x128xf32, #tpu.memory_space<hbm>> -> memref<80x128xf32, #tpu.memory_space<hbm>>
      %dma_wait3A_588 = arith.constant 0 : i32
      %dma_wait3A_589 = arith.constant 0 : i32
      %dma_wait3A_590 = tpu.memref_slice %arg2[%dma_wait3A_588, %dma_wait3A_589] : memref<10000x128xf32, #tpu.memory_space<hbm>> -> memref<80x128xf32, #tpu.memory_space<hbm>>
      tpu.wait_dma2 semaphore(%arg19 : memref<!tpu.dma_semaphore, #tpu.memory_space<semaphore_mem>>) src(%dma_wait3A_590 : memref<80x128xf32, #tpu.memory_space<hbm>>) dst(%arg6 : memref<80x128xf32, #tpu.memory_space<vmem>>)
      %dma_start3A_591 = arith.constant 1 : i32
      %dma_start3A_592 = arith.constant 0 : i32
      %dma_start3A_593 = tpu.memref_slice %arg10[%dma_start3A_591, %dma_start3A_592] : memref<2x80xi32, #tpu.memory_space<vmem>> -> memref<1x80xi32, #tpu.memory_space<vmem>>
      %dma_start3A_594 = tpu.memref_squeeze %dma_start3A_593 : memref<1x80xi32, #tpu.memory_space<vmem>> -> memref<80xi32, #tpu.memory_space<vmem>>
      %dma_start3A_595 = arith.constant 0 : i32
      %dma_start3A_596 = arith.constant 0 : i32
      %dma_start3A_597 = tpu.memref_slice %arg17[%dma_start3A_595, %dma_start3A_596] : memref<10240x128xf32, #tpu.memory_space<vmem_shared>> -> memref<10240x128xf32, #tpu.memory_space<vmem_shared>>
      tpu.enqueue_indirect_dma source(%arg6 : memref<80x128xf32, #tpu.memory_space<vmem>>) target(%dma_start3A_597 : memref<10240x128xf32, #tpu.memory_space<vmem_shared>>) offsets(%dma_start3A_594 : memref<80xi32, #tpu.memory_space<vmem>>) semaphore(%arg20 : memref<!tpu.dma_semaphore, #tpu.memory_space<semaphore_mem>>) {add = true}
      %ge3A_598 = arith.constant 2 : i32
      %ge3A_599 = arith.cmpi sge, %add3A_584, %ge3A_598 : i32
      %convert_element_type3A_600 = arith.extui %ge3A_599 : i1 to i32
      %cond3A_601 = arith.constant 0 : i32
      %cond3A_602 = arith.cmpi ne, %convert_element_type3A_600, %cond3A_601 : i32
      scf.if %cond3A_602 {
        %dma_wait3A_821 = arith.constant 0 : i32
        %dma_wait3A_822 = arith.constant 0 : i32
        %dma_wait3A_823 = tpu.memref_slice %arg2[%dma_wait3A_821, %dma_wait3A_822] : memref<10000x128xf32, #tpu.memory_space<hbm>> -> memref<80x128xf32, #tpu.memory_space<hbm>>
        %dma_wait3A_824 = arith.constant 0 : i32
        %dma_wait3A_825 = arith.constant 0 : i32
        %dma_wait3A_826 = tpu.memref_slice %arg2[%dma_wait3A_824, %dma_wait3A_825] : memref<10000x128xf32, #tpu.memory_space<hbm>> -> memref<80x128xf32, #tpu.memory_space<hbm>>
        tpu.wait_dma2 semaphore(%arg20 : memref<!tpu.dma_semaphore, #tpu.memory_space<semaphore_mem>>) src(%dma_wait3A_826 : memref<80x128xf32, #tpu.memory_space<hbm>>) dst(%arg8 : memref<80x128xf32, #tpu.memory_space<vmem>>)
      } else {
      }
      %add3A_603 = arith.constant 2 : i32
      %add3A_604 = arith.addi %add3A_584, %add3A_603 : i32
      %lt3A_605 = arith.constant 125 : i32
      %lt3A_606 = arith.cmpi slt, %add3A_604, %lt3A_605 : i32
      %convert_element_type3A_607 = arith.extui %lt3A_606 : i1 to i32
      %cond3A_608 = arith.constant 0 : i32
      %cond3A_609 = arith.cmpi ne, %convert_element_type3A_607, %cond3A_608 : i32
      scf.if %cond3A_609 {
        %dma_wait3A_821 = arith.constant 0 : i32
        %dma_wait3A_822 = arith.constant 0 : i32
        %dma_wait3A_823 = arith.constant 0 : i32
        %dma_wait3A_824 = arith.constant 0 : i32
        %dma_wait3A_825 = tpu.memref_slice %arg3[%dma_wait3A_821, %dma_wait3A_822, %dma_wait3A_823, %dma_wait3A_824] : memref<32x125x2x80xi32, #tpu.memory_space<hbm>> -> memref<1x1x2x80xi32, #tpu.memory_space<hbm>>
        %dma_wait3A_826 = tpu.memref_squeeze %dma_wait3A_825 : memref<1x1x2x80xi32, #tpu.memory_space<hbm>> -> memref<2x80xi32, #tpu.memory_space<hbm>>
        %dma_wait3A_827 = arith.constant 0 : i32
        %dma_wait3A_828 = arith.constant 0 : i32
        %dma_wait3A_829 = tpu.memref_slice %arg3[%dma_wait3A_821, %dma_wait3A_822, %dma_wait3A_827, %dma_wait3A_828] : memref<32x125x2x80xi32, #tpu.memory_space<hbm>> -> memref<1x1x2x80xi32, #tpu.memory_space<hbm>>
        %dma_wait3A_830 = tpu.memref_squeeze %dma_wait3A_829 : memref<1x1x2x80xi32, #tpu.memory_space<hbm>> -> memref<2x80xi32, #tpu.memory_space<hbm>>
        tpu.wait_dma2 semaphore(%arg18 : memref<!tpu.dma_semaphore, #tpu.memory_space<semaphore_mem>>) src(%dma_wait3A_830 : memref<2x80xi32, #tpu.memory_space<hbm>>) dst(%arg12 : memref<2x80xi32, #tpu.memory_space<vmem>>)
        %dma_start3A_831 = arith.constant 0 : i32
        %dma_start3A_832 = arith.constant 0 : i32
        %dma_start3A_833 = tpu.memref_slice %arg12[%dma_start3A_831, %dma_start3A_832] : memref<2x80xi32, #tpu.memory_space<vmem>> -> memref<1x80xi32, #tpu.memory_space<vmem>>
        %dma_start3A_834 = tpu.memref_squeeze %dma_start3A_833 : memref<1x80xi32, #tpu.memory_space<vmem>> -> memref<80xi32, #tpu.memory_space<vmem>>
        %dma_start3A_835 = arith.constant 0 : i32
        %dma_start3A_836 = arith.constant 0 : i32
        %dma_start3A_837 = tpu.memref_slice %arg2[%dma_start3A_835, %dma_start3A_836] : memref<10000x128xf32, #tpu.memory_space<hbm>> -> memref<10000x128xf32, #tpu.memory_space<hbm>>
        tpu.enqueue_indirect_dma source(%dma_start3A_837 : memref<10000x128xf32, #tpu.memory_space<hbm>>) target(%arg8 : memref<80x128xf32, #tpu.memory_space<vmem>>) offsets(%dma_start3A_834 : memref<80xi32, #tpu.memory_space<vmem>>) semaphore(%arg19 : memref<!tpu.dma_semaphore, #tpu.memory_space<semaphore_mem>>)
      } else {
      }
      %add3A_610 = arith.constant 4 : i32
      %add3A_611 = arith.addi %add3A_584, %add3A_610 : i32
      %lt3A_612 = arith.constant 125 : i32
      %lt3A_613 = arith.cmpi slt, %add3A_611, %lt3A_612 : i32
      %convert_element_type3A_614 = arith.extui %lt3A_613 : i1 to i32
      %cond3A_615 = arith.constant 0 : i32
      %cond3A_616 = arith.cmpi ne, %convert_element_type3A_614, %cond3A_615 : i32
      scf.if %cond3A_616 {
        %add3A_821 = arith.constant 4 : i32
        %add3A_822 = arith.addi %add3A_584, %add3A_821 : i32
        %dma_start3A_823 = arith.constant 0 : i32
        %dma_start3A_824 = arith.constant 0 : i32
        %dma_start3A_825 = tpu.memref_slice %arg3[%add3A, %add3A_822, %dma_start3A_823, %dma_start3A_824] : memref<32x125x2x80xi32, #tpu.memory_space<hbm>> -> memref<1x1x2x80xi32, #tpu.memory_space<hbm>>
        %dma_start3A_826 = tpu.memref_squeeze %dma_start3A_825 : memref<1x1x2x80xi32, #tpu.memory_space<hbm>> -> memref<2x80xi32, #tpu.memory_space<hbm>>
        %dma_start3A_827 = arith.constant 0 : i32
        %dma_start3A_828 = arith.constant 0 : i32
        %dma_start3A_829 = tpu.memref_slice %arg3[%add3A, %add3A_822, %dma_start3A_827, %dma_start3A_828] : memref<32x125x2x80xi32, #tpu.memory_space<hbm>> -> memref<1x1x2x80xi32, #tpu.memory_space<hbm>>
        %dma_start3A_830 = tpu.memref_squeeze %dma_start3A_829 : memref<1x1x2x80xi32, #tpu.memory_space<hbm>> -> memref<2x80xi32, #tpu.memory_space<hbm>>
        tpu.enqueue_dma source(%dma_start3A_830 : memref<2x80xi32, #tpu.memory_space<hbm>>) target(%arg14 : memref<2x80xi32, #tpu.memory_space<vmem>>) target_semaphore(%arg18 : memref<!tpu.dma_semaphore, #tpu.memory_space<semaphore_mem>>)
      } else {
      }
      %add3A_617 = arith.constant 2 : i32
      %add3A_618 = arith.addi %mul3A_552, %add3A_617 : i32
      %dma_wait3A_619 = arith.constant 0 : i32
      %dma_wait3A_620 = arith.constant 0 : i32
      %dma_wait3A_621 = tpu.memref_slice %arg2[%dma_wait3A_619, %dma_wait3A_620] : memref<10000x128xf32, #tpu.memory_space<hbm>> -> memref<80x128xf32, #tpu.memory_space<hbm>>
      %dma_wait3A_622 = arith.constant 0 : i32
      %dma_wait3A_623 = arith.constant 0 : i32
      %dma_wait3A_624 = tpu.memref_slice %arg2[%dma_wait3A_622, %dma_wait3A_623] : memref<10000x128xf32, #tpu.memory_space<hbm>> -> memref<80x128xf32, #tpu.memory_space<hbm>>
      tpu.wait_dma2 semaphore(%arg19 : memref<!tpu.dma_semaphore, #tpu.memory_space<semaphore_mem>>) src(%dma_wait3A_624 : memref<80x128xf32, #tpu.memory_space<hbm>>) dst(%arg7 : memref<80x128xf32, #tpu.memory_space<vmem>>)
      %dma_start3A_625 = arith.constant 1 : i32
      %dma_start3A_626 = arith.constant 0 : i32
      %dma_start3A_627 = tpu.memref_slice %arg11[%dma_start3A_625, %dma_start3A_626] : memref<2x80xi32, #tpu.memory_space<vmem>> -> memref<1x80xi32, #tpu.memory_space<vmem>>
      %dma_start3A_628 = tpu.memref_squeeze %dma_start3A_627 : memref<1x80xi32, #tpu.memory_space<vmem>> -> memref<80xi32, #tpu.memory_space<vmem>>
      %dma_start3A_629 = arith.constant 0 : i32
      %dma_start3A_630 = arith.constant 0 : i32
      %dma_start3A_631 = tpu.memref_slice %arg17[%dma_start3A_629, %dma_start3A_630] : memref<10240x128xf32, #tpu.memory_space<vmem_shared>> -> memref<10240x128xf32, #tpu.memory_space<vmem_shared>>
      tpu.enqueue_indirect_dma source(%arg7 : memref<80x128xf32, #tpu.memory_space<vmem>>) target(%dma_start3A_631 : memref<10240x128xf32, #tpu.memory_space<vmem_shared>>) offsets(%dma_start3A_628 : memref<80xi32, #tpu.memory_space<vmem>>) semaphore(%arg20 : memref<!tpu.dma_semaphore, #tpu.memory_space<semaphore_mem>>) {add = true}
      %ge3A_632 = arith.constant 2 : i32
      %ge3A_633 = arith.cmpi sge, %add3A_618, %ge3A_632 : i32
      %convert_element_type3A_634 = arith.extui %ge3A_633 : i1 to i32
      %cond3A_635 = arith.constant 0 : i32
      %cond3A_636 = arith.cmpi ne, %convert_element_type3A_634, %cond3A_635 : i32
      scf.if %cond3A_636 {
        %dma_wait3A_821 = arith.constant 0 : i32
        %dma_wait3A_822 = arith.constant 0 : i32
        %dma_wait3A_823 = tpu.memref_slice %arg2[%dma_wait3A_821, %dma_wait3A_822] : memref<10000x128xf32, #tpu.memory_space<hbm>> -> memref<80x128xf32, #tpu.memory_space<hbm>>
        %dma_wait3A_824 = arith.constant 0 : i32
        %dma_wait3A_825 = arith.constant 0 : i32
        %dma_wait3A_826 = tpu.memref_slice %arg2[%dma_wait3A_824, %dma_wait3A_825] : memref<10000x128xf32, #tpu.memory_space<hbm>> -> memref<80x128xf32, #tpu.memory_space<hbm>>
        tpu.wait_dma2 semaphore(%arg20 : memref<!tpu.dma_semaphore, #tpu.memory_space<semaphore_mem>>) src(%dma_wait3A_826 : memref<80x128xf32, #tpu.memory_space<hbm>>) dst(%arg5 : memref<80x128xf32, #tpu.memory_space<vmem>>)
      } else {
      }
      %add3A_637 = arith.constant 2 : i32
      %add3A_638 = arith.addi %add3A_618, %add3A_637 : i32
      %lt3A_639 = arith.constant 125 : i32
      %lt3A_640 = arith.cmpi slt, %add3A_638, %lt3A_639 : i32
      %convert_element_type3A_641 = arith.extui %lt3A_640 : i1 to i32
      %cond3A_642 = arith.constant 0 : i32
      %cond3A_643 = arith.cmpi ne, %convert_element_type3A_641, %cond3A_642 : i32
      scf.if %cond3A_643 {
        %dma_wait3A_821 = arith.constant 0 : i32
        %dma_wait3A_822 = arith.constant 0 : i32
        %dma_wait3A_823 = arith.constant 0 : i32
        %dma_wait3A_824 = arith.constant 0 : i32
        %dma_wait3A_825 = tpu.memref_slice %arg3[%dma_wait3A_821, %dma_wait3A_822, %dma_wait3A_823, %dma_wait3A_824] : memref<32x125x2x80xi32, #tpu.memory_space<hbm>> -> memref<1x1x2x80xi32, #tpu.memory_space<hbm>>
        %dma_wait3A_826 = tpu.memref_squeeze %dma_wait3A_825 : memref<1x1x2x80xi32, #tpu.memory_space<hbm>> -> memref<2x80xi32, #tpu.memory_space<hbm>>
        %dma_wait3A_827 = arith.constant 0 : i32
        %dma_wait3A_828 = arith.constant 0 : i32
        %dma_wait3A_829 = tpu.memref_slice %arg3[%dma_wait3A_821, %dma_wait3A_822, %dma_wait3A_827, %dma_wait3A_828] : memref<32x125x2x80xi32, #tpu.memory_space<hbm>> -> memref<1x1x2x80xi32, #tpu.memory_space<hbm>>
        %dma_wait3A_830 = tpu.memref_squeeze %dma_wait3A_829 : memref<1x1x2x80xi32, #tpu.memory_space<hbm>> -> memref<2x80xi32, #tpu.memory_space<hbm>>
        tpu.wait_dma2 semaphore(%arg18 : memref<!tpu.dma_semaphore, #tpu.memory_space<semaphore_mem>>) src(%dma_wait3A_830 : memref<2x80xi32, #tpu.memory_space<hbm>>) dst(%arg13 : memref<2x80xi32, #tpu.memory_space<vmem>>)
        %dma_start3A_831 = arith.constant 0 : i32
        %dma_start3A_832 = arith.constant 0 : i32
        %dma_start3A_833 = tpu.memref_slice %arg13[%dma_start3A_831, %dma_start3A_832] : memref<2x80xi32, #tpu.memory_space<vmem>> -> memref<1x80xi32, #tpu.memory_space<vmem>>
        %dma_start3A_834 = tpu.memref_squeeze %dma_start3A_833 : memref<1x80xi32, #tpu.memory_space<vmem>> -> memref<80xi32, #tpu.memory_space<vmem>>
        %dma_start3A_835 = arith.constant 0 : i32
        %dma_start3A_836 = arith.constant 0 : i32
        %dma_start3A_837 = tpu.memref_slice %arg2[%dma_start3A_835, %dma_start3A_836] : memref<10000x128xf32, #tpu.memory_space<hbm>> -> memref<10000x128xf32, #tpu.memory_space<hbm>>
        tpu.enqueue_indirect_dma source(%dma_start3A_837 : memref<10000x128xf32, #tpu.memory_space<hbm>>) target(%arg5 : memref<80x128xf32, #tpu.memory_space<vmem>>) offsets(%dma_start3A_834 : memref<80xi32, #tpu.memory_space<vmem>>) semaphore(%arg19 : memref<!tpu.dma_semaphore, #tpu.memory_space<semaphore_mem>>)
      } else {
      }
      %add3A_644 = arith.constant 4 : i32
      %add3A_645 = arith.addi %add3A_618, %add3A_644 : i32
      %lt3A_646 = arith.constant 125 : i32
      %lt3A_647 = arith.cmpi slt, %add3A_645, %lt3A_646 : i32
      %convert_element_type3A_648 = arith.extui %lt3A_647 : i1 to i32
      %cond3A_649 = arith.constant 0 : i32
      %cond3A_650 = arith.cmpi ne, %convert_element_type3A_648, %cond3A_649 : i32
      scf.if %cond3A_650 {
        %add3A_821 = arith.constant 4 : i32
        %add3A_822 = arith.addi %add3A_618, %add3A_821 : i32
        %dma_start3A_823 = arith.constant 0 : i32
        %dma_start3A_824 = arith.constant 0 : i32
        %dma_start3A_825 = tpu.memref_slice %arg3[%add3A, %add3A_822, %dma_start3A_823, %dma_start3A_824] : memref<32x125x2x80xi32, #tpu.memory_space<hbm>> -> memref<1x1x2x80xi32, #tpu.memory_space<hbm>>
        %dma_start3A_826 = tpu.memref_squeeze %dma_start3A_825 : memref<1x1x2x80xi32, #tpu.memory_space<hbm>> -> memref<2x80xi32, #tpu.memory_space<hbm>>
        %dma_start3A_827 = arith.constant 0 : i32
        %dma_start3A_828 = arith.constant 0 : i32
        %dma_start3A_829 = tpu.memref_slice %arg3[%add3A, %add3A_822, %dma_start3A_827, %dma_start3A_828] : memref<32x125x2x80xi32, #tpu.memory_space<hbm>> -> memref<1x1x2x80xi32, #tpu.memory_space<hbm>>
        %dma_start3A_830 = tpu.memref_squeeze %dma_start3A_829 : memref<1x1x2x80xi32, #tpu.memory_space<hbm>> -> memref<2x80xi32, #tpu.memory_space<hbm>>
        tpu.enqueue_dma source(%dma_start3A_830 : memref<2x80xi32, #tpu.memory_space<hbm>>) target(%arg15 : memref<2x80xi32, #tpu.memory_space<vmem>>) target_semaphore(%arg18 : memref<!tpu.dma_semaphore, #tpu.memory_space<semaphore_mem>>)
      } else {
      }
      %add3A_651 = arith.constant 3 : i32
      %add3A_652 = arith.addi %mul3A_552, %add3A_651 : i32
      %dma_wait3A_653 = arith.constant 0 : i32
      %dma_wait3A_654 = arith.constant 0 : i32
      %dma_wait3A_655 = tpu.memref_slice %arg2[%dma_wait3A_653, %dma_wait3A_654] : memref<10000x128xf32, #tpu.memory_space<hbm>> -> memref<80x128xf32, #tpu.memory_space<hbm>>
      %dma_wait3A_656 = arith.constant 0 : i32
      %dma_wait3A_657 = arith.constant 0 : i32
      %dma_wait3A_658 = tpu.memref_slice %arg2[%dma_wait3A_656, %dma_wait3A_657] : memref<10000x128xf32, #tpu.memory_space<hbm>> -> memref<80x128xf32, #tpu.memory_space<hbm>>
      tpu.wait_dma2 semaphore(%arg19 : memref<!tpu.dma_semaphore, #tpu.memory_space<semaphore_mem>>) src(%dma_wait3A_658 : memref<80x128xf32, #tpu.memory_space<hbm>>) dst(%arg8 : memref<80x128xf32, #tpu.memory_space<vmem>>)
      %dma_start3A_659 = arith.constant 1 : i32
      %dma_start3A_660 = arith.constant 0 : i32
      %dma_start3A_661 = tpu.memref_slice %arg12[%dma_start3A_659, %dma_start3A_660] : memref<2x80xi32, #tpu.memory_space<vmem>> -> memref<1x80xi32, #tpu.memory_space<vmem>>
      %dma_start3A_662 = tpu.memref_squeeze %dma_start3A_661 : memref<1x80xi32, #tpu.memory_space<vmem>> -> memref<80xi32, #tpu.memory_space<vmem>>
      %dma_start3A_663 = arith.constant 0 : i32
      %dma_start3A_664 = arith.constant 0 : i32
      %dma_start3A_665 = tpu.memref_slice %arg17[%dma_start3A_663, %dma_start3A_664] : memref<10240x128xf32, #tpu.memory_space<vmem_shared>> -> memref<10240x128xf32, #tpu.memory_space<vmem_shared>>
      tpu.enqueue_indirect_dma source(%arg8 : memref<80x128xf32, #tpu.memory_space<vmem>>) target(%dma_start3A_665 : memref<10240x128xf32, #tpu.memory_space<vmem_shared>>) offsets(%dma_start3A_662 : memref<80xi32, #tpu.memory_space<vmem>>) semaphore(%arg20 : memref<!tpu.dma_semaphore, #tpu.memory_space<semaphore_mem>>) {add = true}
      %ge3A_666 = arith.constant 2 : i32
      %ge3A_667 = arith.cmpi sge, %add3A_652, %ge3A_666 : i32
      %convert_element_type3A_668 = arith.extui %ge3A_667 : i1 to i32
      %cond3A_669 = arith.constant 0 : i32
      %cond3A_670 = arith.cmpi ne, %convert_element_type3A_668, %cond3A_669 : i32
      scf.if %cond3A_670 {
        %dma_wait3A_821 = arith.constant 0 : i32
        %dma_wait3A_822 = arith.constant 0 : i32
        %dma_wait3A_823 = tpu.memref_slice %arg2[%dma_wait3A_821, %dma_wait3A_822] : memref<10000x128xf32, #tpu.memory_space<hbm>> -> memref<80x128xf32, #tpu.memory_space<hbm>>
        %dma_wait3A_824 = arith.constant 0 : i32
        %dma_wait3A_825 = arith.constant 0 : i32
        %dma_wait3A_826 = tpu.memref_slice %arg2[%dma_wait3A_824, %dma_wait3A_825] : memref<10000x128xf32, #tpu.memory_space<hbm>> -> memref<80x128xf32, #tpu.memory_space<hbm>>
        tpu.wait_dma2 semaphore(%arg20 : memref<!tpu.dma_semaphore, #tpu.memory_space<semaphore_mem>>) src(%dma_wait3A_826 : memref<80x128xf32, #tpu.memory_space<hbm>>) dst(%arg6 : memref<80x128xf32, #tpu.memory_space<vmem>>)
      } else {
      }
      %add3A_671 = arith.constant 2 : i32
      %add3A_672 = arith.addi %add3A_652, %add3A_671 : i32
      %lt3A_673 = arith.constant 125 : i32
      %lt3A_674 = arith.cmpi slt, %add3A_672, %lt3A_673 : i32
      %convert_element_type3A_675 = arith.extui %lt3A_674 : i1 to i32
      %cond3A_676 = arith.constant 0 : i32
      %cond3A_677 = arith.cmpi ne, %convert_element_type3A_675, %cond3A_676 : i32
      scf.if %cond3A_677 {
        %dma_wait3A_821 = arith.constant 0 : i32
        %dma_wait3A_822 = arith.constant 0 : i32
        %dma_wait3A_823 = arith.constant 0 : i32
        %dma_wait3A_824 = arith.constant 0 : i32
        %dma_wait3A_825 = tpu.memref_slice %arg3[%dma_wait3A_821, %dma_wait3A_822, %dma_wait3A_823, %dma_wait3A_824] : memref<32x125x2x80xi32, #tpu.memory_space<hbm>> -> memref<1x1x2x80xi32, #tpu.memory_space<hbm>>
        %dma_wait3A_826 = tpu.memref_squeeze %dma_wait3A_825 : memref<1x1x2x80xi32, #tpu.memory_space<hbm>> -> memref<2x80xi32, #tpu.memory_space<hbm>>
        %dma_wait3A_827 = arith.constant 0 : i32
        %dma_wait3A_828 = arith.constant 0 : i32
        %dma_wait3A_829 = tpu.memref_slice %arg3[%dma_wait3A_821, %dma_wait3A_822, %dma_wait3A_827, %dma_wait3A_828] : memref<32x125x2x80xi32, #tpu.memory_space<hbm>> -> memref<1x1x2x80xi32, #tpu.memory_space<hbm>>
        %dma_wait3A_830 = tpu.memref_squeeze %dma_wait3A_829 : memref<1x1x2x80xi32, #tpu.memory_space<hbm>> -> memref<2x80xi32, #tpu.memory_space<hbm>>
        tpu.wait_dma2 semaphore(%arg18 : memref<!tpu.dma_semaphore, #tpu.memory_space<semaphore_mem>>) src(%dma_wait3A_830 : memref<2x80xi32, #tpu.memory_space<hbm>>) dst(%arg14 : memref<2x80xi32, #tpu.memory_space<vmem>>)
        %dma_start3A_831 = arith.constant 0 : i32
        %dma_start3A_832 = arith.constant 0 : i32
        %dma_start3A_833 = tpu.memref_slice %arg14[%dma_start3A_831, %dma_start3A_832] : memref<2x80xi32, #tpu.memory_space<vmem>> -> memref<1x80xi32, #tpu.memory_space<vmem>>
        %dma_start3A_834 = tpu.memref_squeeze %dma_start3A_833 : memref<1x80xi32, #tpu.memory_space<vmem>> -> memref<80xi32, #tpu.memory_space<vmem>>
        %dma_start3A_835 = arith.constant 0 : i32
        %dma_start3A_836 = arith.constant 0 : i32
        %dma_start3A_837 = tpu.memref_slice %arg2[%dma_start3A_835, %dma_start3A_836] : memref<10000x128xf32, #tpu.memory_space<hbm>> -> memref<10000x128xf32, #tpu.memory_space<hbm>>
        tpu.enqueue_indirect_dma source(%dma_start3A_837 : memref<10000x128xf32, #tpu.memory_space<hbm>>) target(%arg6 : memref<80x128xf32, #tpu.memory_space<vmem>>) offsets(%dma_start3A_834 : memref<80xi32, #tpu.memory_space<vmem>>) semaphore(%arg19 : memref<!tpu.dma_semaphore, #tpu.memory_space<semaphore_mem>>)
      } else {
      }
      %add3A_678 = arith.constant 4 : i32
      %add3A_679 = arith.addi %add3A_652, %add3A_678 : i32
      %lt3A_680 = arith.constant 125 : i32
      %lt3A_681 = arith.cmpi slt, %add3A_679, %lt3A_680 : i32
      %convert_element_type3A_682 = arith.extui %lt3A_681 : i1 to i32
      %cond3A_683 = arith.constant 0 : i32
      %cond3A_684 = arith.cmpi ne, %convert_element_type3A_682, %cond3A_683 : i32
      scf.if %cond3A_684 {
        %add3A_821 = arith.constant 4 : i32
        %add3A_822 = arith.addi %add3A_652, %add3A_821 : i32
        %dma_start3A_823 = arith.constant 0 : i32
        %dma_start3A_824 = arith.constant 0 : i32
        %dma_start3A_825 = tpu.memref_slice %arg3[%add3A, %add3A_822, %dma_start3A_823, %dma_start3A_824] : memref<32x125x2x80xi32, #tpu.memory_space<hbm>> -> memref<1x1x2x80xi32, #tpu.memory_space<hbm>>
        %dma_start3A_826 = tpu.memref_squeeze %dma_start3A_825 : memref<1x1x2x80xi32, #tpu.memory_space<hbm>> -> memref<2x80xi32, #tpu.memory_space<hbm>>
        %dma_start3A_827 = arith.constant 0 : i32
        %dma_start3A_828 = arith.constant 0 : i32
        %dma_start3A_829 = tpu.memref_slice %arg3[%add3A, %add3A_822, %dma_start3A_827, %dma_start3A_828] : memref<32x125x2x80xi32, #tpu.memory_space<hbm>> -> memref<1x1x2x80xi32, #tpu.memory_space<hbm>>
        %dma_start3A_830 = tpu.memref_squeeze %dma_start3A_829 : memref<1x1x2x80xi32, #tpu.memory_space<hbm>> -> memref<2x80xi32, #tpu.memory_space<hbm>>
        tpu.enqueue_dma source(%dma_start3A_830 : memref<2x80xi32, #tpu.memory_space<hbm>>) target(%arg16 : memref<2x80xi32, #tpu.memory_space<vmem>>) target_semaphore(%arg18 : memref<!tpu.dma_semaphore, #tpu.memory_space<semaphore_mem>>)
      } else {
      }
      %add3A_685 = arith.constant 4 : i32
      %add3A_686 = arith.addi %mul3A_552, %add3A_685 : i32
      %dma_wait3A_687 = arith.constant 0 : i32
      %dma_wait3A_688 = arith.constant 0 : i32
      %dma_wait3A_689 = tpu.memref_slice %arg2[%dma_wait3A_687, %dma_wait3A_688] : memref<10000x128xf32, #tpu.memory_space<hbm>> -> memref<80x128xf32, #tpu.memory_space<hbm>>
      %dma_wait3A_690 = arith.constant 0 : i32
      %dma_wait3A_691 = arith.constant 0 : i32
      %dma_wait3A_692 = tpu.memref_slice %arg2[%dma_wait3A_690, %dma_wait3A_691] : memref<10000x128xf32, #tpu.memory_space<hbm>> -> memref<80x128xf32, #tpu.memory_space<hbm>>
      tpu.wait_dma2 semaphore(%arg19 : memref<!tpu.dma_semaphore, #tpu.memory_space<semaphore_mem>>) src(%dma_wait3A_692 : memref<80x128xf32, #tpu.memory_space<hbm>>) dst(%arg5 : memref<80x128xf32, #tpu.memory_space<vmem>>)
      %dma_start3A_693 = arith.constant 1 : i32
      %dma_start3A_694 = arith.constant 0 : i32
      %dma_start3A_695 = tpu.memref_slice %arg13[%dma_start3A_693, %dma_start3A_694] : memref<2x80xi32, #tpu.memory_space<vmem>> -> memref<1x80xi32, #tpu.memory_space<vmem>>
      %dma_start3A_696 = tpu.memref_squeeze %dma_start3A_695 : memref<1x80xi32, #tpu.memory_space<vmem>> -> memref<80xi32, #tpu.memory_space<vmem>>
      %dma_start3A_697 = arith.constant 0 : i32
      %dma_start3A_698 = arith.constant 0 : i32
      %dma_start3A_699 = tpu.memref_slice %arg17[%dma_start3A_697, %dma_start3A_698] : memref<10240x128xf32, #tpu.memory_space<vmem_shared>> -> memref<10240x128xf32, #tpu.memory_space<vmem_shared>>
      tpu.enqueue_indirect_dma source(%arg5 : memref<80x128xf32, #tpu.memory_space<vmem>>) target(%dma_start3A_699 : memref<10240x128xf32, #tpu.memory_space<vmem_shared>>) offsets(%dma_start3A_696 : memref<80xi32, #tpu.memory_space<vmem>>) semaphore(%arg20 : memref<!tpu.dma_semaphore, #tpu.memory_space<semaphore_mem>>) {add = true}
      %ge3A_700 = arith.constant 2 : i32
      %ge3A_701 = arith.cmpi sge, %add3A_686, %ge3A_700 : i32
      %convert_element_type3A_702 = arith.extui %ge3A_701 : i1 to i32
      %cond3A_703 = arith.constant 0 : i32
      %cond3A_704 = arith.cmpi ne, %convert_element_type3A_702, %cond3A_703 : i32
      scf.if %cond3A_704 {
        %dma_wait3A_821 = arith.constant 0 : i32
        %dma_wait3A_822 = arith.constant 0 : i32
        %dma_wait3A_823 = tpu.memref_slice %arg2[%dma_wait3A_821, %dma_wait3A_822] : memref<10000x128xf32, #tpu.memory_space<hbm>> -> memref<80x128xf32, #tpu.memory_space<hbm>>
        %dma_wait3A_824 = arith.constant 0 : i32
        %dma_wait3A_825 = arith.constant 0 : i32
        %dma_wait3A_826 = tpu.memref_slice %arg2[%dma_wait3A_824, %dma_wait3A_825] : memref<10000x128xf32, #tpu.memory_space<hbm>> -> memref<80x128xf32, #tpu.memory_space<hbm>>
        tpu.wait_dma2 semaphore(%arg20 : memref<!tpu.dma_semaphore, #tpu.memory_space<semaphore_mem>>) src(%dma_wait3A_826 : memref<80x128xf32, #tpu.memory_space<hbm>>) dst(%arg7 : memref<80x128xf32, #tpu.memory_space<vmem>>)
      } else {
      }
      %add3A_705 = arith.constant 2 : i32
      %add3A_706 = arith.addi %add3A_686, %add3A_705 : i32
      %lt3A_707 = arith.constant 125 : i32
      %lt3A_708 = arith.cmpi slt, %add3A_706, %lt3A_707 : i32
      %convert_element_type3A_709 = arith.extui %lt3A_708 : i1 to i32
      %cond3A_710 = arith.constant 0 : i32
      %cond3A_711 = arith.cmpi ne, %convert_element_type3A_709, %cond3A_710 : i32
      scf.if %cond3A_711 {
        %dma_wait3A_821 = arith.constant 0 : i32
        %dma_wait3A_822 = arith.constant 0 : i32
        %dma_wait3A_823 = arith.constant 0 : i32
        %dma_wait3A_824 = arith.constant 0 : i32
        %dma_wait3A_825 = tpu.memref_slice %arg3[%dma_wait3A_821, %dma_wait3A_822, %dma_wait3A_823, %dma_wait3A_824] : memref<32x125x2x80xi32, #tpu.memory_space<hbm>> -> memref<1x1x2x80xi32, #tpu.memory_space<hbm>>
        %dma_wait3A_826 = tpu.memref_squeeze %dma_wait3A_825 : memref<1x1x2x80xi32, #tpu.memory_space<hbm>> -> memref<2x80xi32, #tpu.memory_space<hbm>>
        %dma_wait3A_827 = arith.constant 0 : i32
        %dma_wait3A_828 = arith.constant 0 : i32
        %dma_wait3A_829 = tpu.memref_slice %arg3[%dma_wait3A_821, %dma_wait3A_822, %dma_wait3A_827, %dma_wait3A_828] : memref<32x125x2x80xi32, #tpu.memory_space<hbm>> -> memref<1x1x2x80xi32, #tpu.memory_space<hbm>>
        %dma_wait3A_830 = tpu.memref_squeeze %dma_wait3A_829 : memref<1x1x2x80xi32, #tpu.memory_space<hbm>> -> memref<2x80xi32, #tpu.memory_space<hbm>>
        tpu.wait_dma2 semaphore(%arg18 : memref<!tpu.dma_semaphore, #tpu.memory_space<semaphore_mem>>) src(%dma_wait3A_830 : memref<2x80xi32, #tpu.memory_space<hbm>>) dst(%arg15 : memref<2x80xi32, #tpu.memory_space<vmem>>)
        %dma_start3A_831 = arith.constant 0 : i32
        %dma_start3A_832 = arith.constant 0 : i32
        %dma_start3A_833 = tpu.memref_slice %arg15[%dma_start3A_831, %dma_start3A_832] : memref<2x80xi32, #tpu.memory_space<vmem>> -> memref<1x80xi32, #tpu.memory_space<vmem>>
        %dma_start3A_834 = tpu.memref_squeeze %dma_start3A_833 : memref<1x80xi32, #tpu.memory_space<vmem>> -> memref<80xi32, #tpu.memory_space<vmem>>
        %dma_start3A_835 = arith.constant 0 : i32
        %dma_start3A_836 = arith.constant 0 : i32
        %dma_start3A_837 = tpu.memref_slice %arg2[%dma_start3A_835, %dma_start3A_836] : memref<10000x128xf32, #tpu.memory_space<hbm>> -> memref<10000x128xf32, #tpu.memory_space<hbm>>
        tpu.enqueue_indirect_dma source(%dma_start3A_837 : memref<10000x128xf32, #tpu.memory_space<hbm>>) target(%arg7 : memref<80x128xf32, #tpu.memory_space<vmem>>) offsets(%dma_start3A_834 : memref<80xi32, #tpu.memory_space<vmem>>) semaphore(%arg19 : memref<!tpu.dma_semaphore, #tpu.memory_space<semaphore_mem>>)
      } else {
      }
      %add3A_712 = arith.constant 4 : i32
      %add3A_713 = arith.addi %add3A_686, %add3A_712 : i32
      %lt3A_714 = arith.constant 125 : i32
      %lt3A_715 = arith.cmpi slt, %add3A_713, %lt3A_714 : i32
      %convert_element_type3A_716 = arith.extui %lt3A_715 : i1 to i32
      %cond3A_717 = arith.constant 0 : i32
      %cond3A_718 = arith.cmpi ne, %convert_element_type3A_716, %cond3A_717 : i32
      scf.if %cond3A_718 {
        %add3A_821 = arith.constant 4 : i32
        %add3A_822 = arith.addi %add3A_686, %add3A_821 : i32
        %dma_start3A_823 = arith.constant 0 : i32
        %dma_start3A_824 = arith.constant 0 : i32
        %dma_start3A_825 = tpu.memref_slice %arg3[%add3A, %add3A_822, %dma_start3A_823, %dma_start3A_824] : memref<32x125x2x80xi32, #tpu.memory_space<hbm>> -> memref<1x1x2x80xi32, #tpu.memory_space<hbm>>
        %dma_start3A_826 = tpu.memref_squeeze %dma_start3A_825 : memref<1x1x2x80xi32, #tpu.memory_space<hbm>> -> memref<2x80xi32, #tpu.memory_space<hbm>>
        %dma_start3A_827 = arith.constant 0 : i32
        %dma_start3A_828 = arith.constant 0 : i32
        %dma_start3A_829 = tpu.memref_slice %arg3[%add3A, %add3A_822, %dma_start3A_827, %dma_start3A_828] : memref<32x125x2x80xi32, #tpu.memory_space<hbm>> -> memref<1x1x2x80xi32, #tpu.memory_space<hbm>>
        %dma_start3A_830 = tpu.memref_squeeze %dma_start3A_829 : memref<1x1x2x80xi32, #tpu.memory_space<hbm>> -> memref<2x80xi32, #tpu.memory_space<hbm>>
        tpu.enqueue_dma source(%dma_start3A_830 : memref<2x80xi32, #tpu.memory_space<hbm>>) target(%arg9 : memref<2x80xi32, #tpu.memory_space<vmem>>) target_semaphore(%arg18 : memref<!tpu.dma_semaphore, #tpu.memory_space<semaphore_mem>>)
      } else {
      }
      %add3A_719 = arith.constant 5 : i32
      %add3A_720 = arith.addi %mul3A_552, %add3A_719 : i32
      %dma_wait3A_721 = arith.constant 0 : i32
      %dma_wait3A_722 = arith.constant 0 : i32
      %dma_wait3A_723 = tpu.memref_slice %arg2[%dma_wait3A_721, %dma_wait3A_722] : memref<10000x128xf32, #tpu.memory_space<hbm>> -> memref<80x128xf32, #tpu.memory_space<hbm>>
      %dma_wait3A_724 = arith.constant 0 : i32
      %dma_wait3A_725 = arith.constant 0 : i32
      %dma_wait3A_726 = tpu.memref_slice %arg2[%dma_wait3A_724, %dma_wait3A_725] : memref<10000x128xf32, #tpu.memory_space<hbm>> -> memref<80x128xf32, #tpu.memory_space<hbm>>
      tpu.wait_dma2 semaphore(%arg19 : memref<!tpu.dma_semaphore, #tpu.memory_space<semaphore_mem>>) src(%dma_wait3A_726 : memref<80x128xf32, #tpu.memory_space<hbm>>) dst(%arg6 : memref<80x128xf32, #tpu.memory_space<vmem>>)
      %dma_start3A_727 = arith.constant 1 : i32
      %dma_start3A_728 = arith.constant 0 : i32
      %dma_start3A_729 = tpu.memref_slice %arg14[%dma_start3A_727, %dma_start3A_728] : memref<2x80xi32, #tpu.memory_space<vmem>> -> memref<1x80xi32, #tpu.memory_space<vmem>>
      %dma_start3A_730 = tpu.memref_squeeze %dma_start3A_729 : memref<1x80xi32, #tpu.memory_space<vmem>> -> memref<80xi32, #tpu.memory_space<vmem>>
      %dma_start3A_731 = arith.constant 0 : i32
      %dma_start3A_732 = arith.constant 0 : i32
      %dma_start3A_733 = tpu.memref_slice %arg17[%dma_start3A_731, %dma_start3A_732] : memref<10240x128xf32, #tpu.memory_space<vmem_shared>> -> memref<10240x128xf32, #tpu.memory_space<vmem_shared>>
      tpu.enqueue_indirect_dma source(%arg6 : memref<80x128xf32, #tpu.memory_space<vmem>>) target(%dma_start3A_733 : memref<10240x128xf32, #tpu.memory_space<vmem_shared>>) offsets(%dma_start3A_730 : memref<80xi32, #tpu.memory_space<vmem>>) semaphore(%arg20 : memref<!tpu.dma_semaphore, #tpu.memory_space<semaphore_mem>>) {add = true}
      %ge3A_734 = arith.constant 2 : i32
      %ge3A_735 = arith.cmpi sge, %add3A_720, %ge3A_734 : i32
      %convert_element_type3A_736 = arith.extui %ge3A_735 : i1 to i32
      %cond3A_737 = arith.constant 0 : i32
      %cond3A_738 = arith.cmpi ne, %convert_element_type3A_736, %cond3A_737 : i32
      scf.if %cond3A_738 {
        %dma_wait3A_821 = arith.constant 0 : i32
        %dma_wait3A_822 = arith.constant 0 : i32
        %dma_wait3A_823 = tpu.memref_slice %arg2[%dma_wait3A_821, %dma_wait3A_822] : memref<10000x128xf32, #tpu.memory_space<hbm>> -> memref<80x128xf32, #tpu.memory_space<hbm>>
        %dma_wait3A_824 = arith.constant 0 : i32
        %dma_wait3A_825 = arith.constant 0 : i32
        %dma_wait3A_826 = tpu.memref_slice %arg2[%dma_wait3A_824, %dma_wait3A_825] : memref<10000x128xf32, #tpu.memory_space<hbm>> -> memref<80x128xf32, #tpu.memory_space<hbm>>
        tpu.wait_dma2 semaphore(%arg20 : memref<!tpu.dma_semaphore, #tpu.memory_space<semaphore_mem>>) src(%dma_wait3A_826 : memref<80x128xf32, #tpu.memory_space<hbm>>) dst(%arg8 : memref<80x128xf32, #tpu.memory_space<vmem>>)
      } else {
      }
      %add3A_739 = arith.constant 2 : i32
      %add3A_740 = arith.addi %add3A_720, %add3A_739 : i32
      %lt3A_741 = arith.constant 125 : i32
      %lt3A_742 = arith.cmpi slt, %add3A_740, %lt3A_741 : i32
      %convert_element_type3A_743 = arith.extui %lt3A_742 : i1 to i32
      %cond3A_744 = arith.constant 0 : i32
      %cond3A_745 = arith.cmpi ne, %convert_element_type3A_743, %cond3A_744 : i32
      scf.if %cond3A_745 {
        %dma_wait3A_821 = arith.constant 0 : i32
        %dma_wait3A_822 = arith.constant 0 : i32
        %dma_wait3A_823 = arith.constant 0 : i32
        %dma_wait3A_824 = arith.constant 0 : i32
        %dma_wait3A_825 = tpu.memref_slice %arg3[%dma_wait3A_821, %dma_wait3A_822, %dma_wait3A_823, %dma_wait3A_824] : memref<32x125x2x80xi32, #tpu.memory_space<hbm>> -> memref<1x1x2x80xi32, #tpu.memory_space<hbm>>
        %dma_wait3A_826 = tpu.memref_squeeze %dma_wait3A_825 : memref<1x1x2x80xi32, #tpu.memory_space<hbm>> -> memref<2x80xi32, #tpu.memory_space<hbm>>
        %dma_wait3A_827 = arith.constant 0 : i32
        %dma_wait3A_828 = arith.constant 0 : i32
        %dma_wait3A_829 = tpu.memref_slice %arg3[%dma_wait3A_821, %dma_wait3A_822, %dma_wait3A_827, %dma_wait3A_828] : memref<32x125x2x80xi32, #tpu.memory_space<hbm>> -> memref<1x1x2x80xi32, #tpu.memory_space<hbm>>
        %dma_wait3A_830 = tpu.memref_squeeze %dma_wait3A_829 : memref<1x1x2x80xi32, #tpu.memory_space<hbm>> -> memref<2x80xi32, #tpu.memory_space<hbm>>
        tpu.wait_dma2 semaphore(%arg18 : memref<!tpu.dma_semaphore, #tpu.memory_space<semaphore_mem>>) src(%dma_wait3A_830 : memref<2x80xi32, #tpu.memory_space<hbm>>) dst(%arg16 : memref<2x80xi32, #tpu.memory_space<vmem>>)
        %dma_start3A_831 = arith.constant 0 : i32
        %dma_start3A_832 = arith.constant 0 : i32
        %dma_start3A_833 = tpu.memref_slice %arg16[%dma_start3A_831, %dma_start3A_832] : memref<2x80xi32, #tpu.memory_space<vmem>> -> memref<1x80xi32, #tpu.memory_space<vmem>>
        %dma_start3A_834 = tpu.memref_squeeze %dma_start3A_833 : memref<1x80xi32, #tpu.memory_space<vmem>> -> memref<80xi32, #tpu.memory_space<vmem>>
        %dma_start3A_835 = arith.constant 0 : i32
        %dma_start3A_836 = arith.constant 0 : i32
        %dma_start3A_837 = tpu.memref_slice %arg2[%dma_start3A_835, %dma_start3A_836] : memref<10000x128xf32, #tpu.memory_space<hbm>> -> memref<10000x128xf32, #tpu.memory_space<hbm>>
        tpu.enqueue_indirect_dma source(%dma_start3A_837 : memref<10000x128xf32, #tpu.memory_space<hbm>>) target(%arg8 : memref<80x128xf32, #tpu.memory_space<vmem>>) offsets(%dma_start3A_834 : memref<80xi32, #tpu.memory_space<vmem>>) semaphore(%arg19 : memref<!tpu.dma_semaphore, #tpu.memory_space<semaphore_mem>>)
      } else {
      }
      %add3A_746 = arith.constant 4 : i32
      %add3A_747 = arith.addi %add3A_720, %add3A_746 : i32
      %lt3A_748 = arith.constant 125 : i32
      %lt3A_749 = arith.cmpi slt, %add3A_747, %lt3A_748 : i32
      %convert_element_type3A_750 = arith.extui %lt3A_749 : i1 to i32
      %cond3A_751 = arith.constant 0 : i32
      %cond3A_752 = arith.cmpi ne, %convert_element_type3A_750, %cond3A_751 : i32
      scf.if %cond3A_752 {
        %add3A_821 = arith.constant 4 : i32
        %add3A_822 = arith.addi %add3A_720, %add3A_821 : i32
        %dma_start3A_823 = arith.constant 0 : i32
        %dma_start3A_824 = arith.constant 0 : i32
        %dma_start3A_825 = tpu.memref_slice %arg3[%add3A, %add3A_822, %dma_start3A_823, %dma_start3A_824] : memref<32x125x2x80xi32, #tpu.memory_space<hbm>> -> memref<1x1x2x80xi32, #tpu.memory_space<hbm>>
        %dma_start3A_826 = tpu.memref_squeeze %dma_start3A_825 : memref<1x1x2x80xi32, #tpu.memory_space<hbm>> -> memref<2x80xi32, #tpu.memory_space<hbm>>
        %dma_start3A_827 = arith.constant 0 : i32
        %dma_start3A_828 = arith.constant 0 : i32
        %dma_start3A_829 = tpu.memref_slice %arg3[%add3A, %add3A_822, %dma_start3A_827, %dma_start3A_828] : memref<32x125x2x80xi32, #tpu.memory_space<hbm>> -> memref<1x1x2x80xi32, #tpu.memory_space<hbm>>
        %dma_start3A_830 = tpu.memref_squeeze %dma_start3A_829 : memref<1x1x2x80xi32, #tpu.memory_space<hbm>> -> memref<2x80xi32, #tpu.memory_space<hbm>>
        tpu.enqueue_dma source(%dma_start3A_830 : memref<2x80xi32, #tpu.memory_space<hbm>>) target(%arg10 : memref<2x80xi32, #tpu.memory_space<vmem>>) target_semaphore(%arg18 : memref<!tpu.dma_semaphore, #tpu.memory_space<semaphore_mem>>)
      } else {
      }
      %add3A_753 = arith.constant 6 : i32
      %add3A_754 = arith.addi %mul3A_552, %add3A_753 : i32
      %dma_wait3A_755 = arith.constant 0 : i32
      %dma_wait3A_756 = arith.constant 0 : i32
      %dma_wait3A_757 = tpu.memref_slice %arg2[%dma_wait3A_755, %dma_wait3A_756] : memref<10000x128xf32, #tpu.memory_space<hbm>> -> memref<80x128xf32, #tpu.memory_space<hbm>>
      %dma_wait3A_758 = arith.constant 0 : i32
      %dma_wait3A_759 = arith.constant 0 : i32
      %dma_wait3A_760 = tpu.memref_slice %arg2[%dma_wait3A_758, %dma_wait3A_759] : memref<10000x128xf32, #tpu.memory_space<hbm>> -> memref<80x128xf32, #tpu.memory_space<hbm>>
      tpu.wait_dma2 semaphore(%arg19 : memref<!tpu.dma_semaphore, #tpu.memory_space<semaphore_mem>>) src(%dma_wait3A_760 : memref<80x128xf32, #tpu.memory_space<hbm>>) dst(%arg7 : memref<80x128xf32, #tpu.memory_space<vmem>>)
      %dma_start3A_761 = arith.constant 1 : i32
      %dma_start3A_762 = arith.constant 0 : i32
      %dma_start3A_763 = tpu.memref_slice %arg15[%dma_start3A_761, %dma_start3A_762] : memref<2x80xi32, #tpu.memory_space<vmem>> -> memref<1x80xi32, #tpu.memory_space<vmem>>
      %dma_start3A_764 = tpu.memref_squeeze %dma_start3A_763 : memref<1x80xi32, #tpu.memory_space<vmem>> -> memref<80xi32, #tpu.memory_space<vmem>>
      %dma_start3A_765 = arith.constant 0 : i32
      %dma_start3A_766 = arith.constant 0 : i32
      %dma_start3A_767 = tpu.memref_slice %arg17[%dma_start3A_765, %dma_start3A_766] : memref<10240x128xf32, #tpu.memory_space<vmem_shared>> -> memref<10240x128xf32, #tpu.memory_space<vmem_shared>>
      tpu.enqueue_indirect_dma source(%arg7 : memref<80x128xf32, #tpu.memory_space<vmem>>) target(%dma_start3A_767 : memref<10240x128xf32, #tpu.memory_space<vmem_shared>>) offsets(%dma_start3A_764 : memref<80xi32, #tpu.memory_space<vmem>>) semaphore(%arg20 : memref<!tpu.dma_semaphore, #tpu.memory_space<semaphore_mem>>) {add = true}
      %ge3A_768 = arith.constant 2 : i32
      %ge3A_769 = arith.cmpi sge, %add3A_754, %ge3A_768 : i32
      %convert_element_type3A_770 = arith.extui %ge3A_769 : i1 to i32
      %cond3A_771 = arith.constant 0 : i32
      %cond3A_772 = arith.cmpi ne, %convert_element_type3A_770, %cond3A_771 : i32
      scf.if %cond3A_772 {
        %dma_wait3A_821 = arith.constant 0 : i32
        %dma_wait3A_822 = arith.constant 0 : i32
        %dma_wait3A_823 = tpu.memref_slice %arg2[%dma_wait3A_821, %dma_wait3A_822] : memref<10000x128xf32, #tpu.memory_space<hbm>> -> memref<80x128xf32, #tpu.memory_space<hbm>>
        %dma_wait3A_824 = arith.constant 0 : i32
        %dma_wait3A_825 = arith.constant 0 : i32
        %dma_wait3A_826 = tpu.memref_slice %arg2[%dma_wait3A_824, %dma_wait3A_825] : memref<10000x128xf32, #tpu.memory_space<hbm>> -> memref<80x128xf32, #tpu.memory_space<hbm>>
        tpu.wait_dma2 semaphore(%arg20 : memref<!tpu.dma_semaphore, #tpu.memory_space<semaphore_mem>>) src(%dma_wait3A_826 : memref<80x128xf32, #tpu.memory_space<hbm>>) dst(%arg5 : memref<80x128xf32, #tpu.memory_space<vmem>>)
      } else {
      }
      %add3A_773 = arith.constant 2 : i32
      %add3A_774 = arith.addi %add3A_754, %add3A_773 : i32
      %lt3A_775 = arith.constant 125 : i32
      %lt3A_776 = arith.cmpi slt, %add3A_774, %lt3A_775 : i32
      %convert_element_type3A_777 = arith.extui %lt3A_776 : i1 to i32
      %cond3A_778 = arith.constant 0 : i32
      %cond3A_779 = arith.cmpi ne, %convert_element_type3A_777, %cond3A_778 : i32
      scf.if %cond3A_779 {
        %dma_wait3A_821 = arith.constant 0 : i32
        %dma_wait3A_822 = arith.constant 0 : i32
        %dma_wait3A_823 = arith.constant 0 : i32
        %dma_wait3A_824 = arith.constant 0 : i32
        %dma_wait3A_825 = tpu.memref_slice %arg3[%dma_wait3A_821, %dma_wait3A_822, %dma_wait3A_823, %dma_wait3A_824] : memref<32x125x2x80xi32, #tpu.memory_space<hbm>> -> memref<1x1x2x80xi32, #tpu.memory_space<hbm>>
        %dma_wait3A_826 = tpu.memref_squeeze %dma_wait3A_825 : memref<1x1x2x80xi32, #tpu.memory_space<hbm>> -> memref<2x80xi32, #tpu.memory_space<hbm>>
        %dma_wait3A_827 = arith.constant 0 : i32
        %dma_wait3A_828 = arith.constant 0 : i32
        %dma_wait3A_829 = tpu.memref_slice %arg3[%dma_wait3A_821, %dma_wait3A_822, %dma_wait3A_827, %dma_wait3A_828] : memref<32x125x2x80xi32, #tpu.memory_space<hbm>> -> memref<1x1x2x80xi32, #tpu.memory_space<hbm>>
        %dma_wait3A_830 = tpu.memref_squeeze %dma_wait3A_829 : memref<1x1x2x80xi32, #tpu.memory_space<hbm>> -> memref<2x80xi32, #tpu.memory_space<hbm>>
        tpu.wait_dma2 semaphore(%arg18 : memref<!tpu.dma_semaphore, #tpu.memory_space<semaphore_mem>>) src(%dma_wait3A_830 : memref<2x80xi32, #tpu.memory_space<hbm>>) dst(%arg9 : memref<2x80xi32, #tpu.memory_space<vmem>>)
        %dma_start3A_831 = arith.constant 0 : i32
        %dma_start3A_832 = arith.constant 0 : i32
        %dma_start3A_833 = tpu.memref_slice %arg9[%dma_start3A_831, %dma_start3A_832] : memref<2x80xi32, #tpu.memory_space<vmem>> -> memref<1x80xi32, #tpu.memory_space<vmem>>
        %dma_start3A_834 = tpu.memref_squeeze %dma_start3A_833 : memref<1x80xi32, #tpu.memory_space<vmem>> -> memref<80xi32, #tpu.memory_space<vmem>>
        %dma_start3A_835 = arith.constant 0 : i32
        %dma_start3A_836 = arith.constant 0 : i32
        %dma_start3A_837 = tpu.memref_slice %arg2[%dma_start3A_835, %dma_start3A_836] : memref<10000x128xf32, #tpu.memory_space<hbm>> -> memref<10000x128xf32, #tpu.memory_space<hbm>>
        tpu.enqueue_indirect_dma source(%dma_start3A_837 : memref<10000x128xf32, #tpu.memory_space<hbm>>) target(%arg5 : memref<80x128xf32, #tpu.memory_space<vmem>>) offsets(%dma_start3A_834 : memref<80xi32, #tpu.memory_space<vmem>>) semaphore(%arg19 : memref<!tpu.dma_semaphore, #tpu.memory_space<semaphore_mem>>)
      } else {
      }
      %add3A_780 = arith.constant 4 : i32
      %add3A_781 = arith.addi %add3A_754, %add3A_780 : i32
      %lt3A_782 = arith.constant 125 : i32
      %lt3A_783 = arith.cmpi slt, %add3A_781, %lt3A_782 : i32
      %convert_element_type3A_784 = arith.extui %lt3A_783 : i1 to i32
      %cond3A_785 = arith.constant 0 : i32
      %cond3A_786 = arith.cmpi ne, %convert_element_type3A_784, %cond3A_785 : i32
      scf.if %cond3A_786 {
        %add3A_821 = arith.constant 4 : i32
        %add3A_822 = arith.addi %add3A_754, %add3A_821 : i32
        %dma_start3A_823 = arith.constant 0 : i32
        %dma_start3A_824 = arith.constant 0 : i32
        %dma_start3A_825 = tpu.memref_slice %arg3[%add3A, %add3A_822, %dma_start3A_823, %dma_start3A_824] : memref<32x125x2x80xi32, #tpu.memory_space<hbm>> -> memref<1x1x2x80xi32, #tpu.memory_space<hbm>>
        %dma_start3A_826 = tpu.memref_squeeze %dma_start3A_825 : memref<1x1x2x80xi32, #tpu.memory_space<hbm>> -> memref<2x80xi32, #tpu.memory_space<hbm>>
        %dma_start3A_827 = arith.constant 0 : i32
        %dma_start3A_828 = arith.constant 0 : i32
        %dma_start3A_829 = tpu.memref_slice %arg3[%add3A, %add3A_822, %dma_start3A_827, %dma_start3A_828] : memref<32x125x2x80xi32, #tpu.memory_space<hbm>> -> memref<1x1x2x80xi32, #tpu.memory_space<hbm>>
        %dma_start3A_830 = tpu.memref_squeeze %dma_start3A_829 : memref<1x1x2x80xi32, #tpu.memory_space<hbm>> -> memref<2x80xi32, #tpu.memory_space<hbm>>
        tpu.enqueue_dma source(%dma_start3A_830 : memref<2x80xi32, #tpu.memory_space<hbm>>) target(%arg11 : memref<2x80xi32, #tpu.memory_space<vmem>>) target_semaphore(%arg18 : memref<!tpu.dma_semaphore, #tpu.memory_space<semaphore_mem>>)
      } else {
      }
      %add3A_787 = arith.constant 7 : i32
      %add3A_788 = arith.addi %mul3A_552, %add3A_787 : i32
      %dma_wait3A_789 = arith.constant 0 : i32
      %dma_wait3A_790 = arith.constant 0 : i32
      %dma_wait3A_791 = tpu.memref_slice %arg2[%dma_wait3A_789, %dma_wait3A_790] : memref<10000x128xf32, #tpu.memory_space<hbm>> -> memref<80x128xf32, #tpu.memory_space<hbm>>
      %dma_wait3A_792 = arith.constant 0 : i32
      %dma_wait3A_793 = arith.constant 0 : i32
      %dma_wait3A_794 = tpu.memref_slice %arg2[%dma_wait3A_792, %dma_wait3A_793] : memref<10000x128xf32, #tpu.memory_space<hbm>> -> memref<80x128xf32, #tpu.memory_space<hbm>>
      tpu.wait_dma2 semaphore(%arg19 : memref<!tpu.dma_semaphore, #tpu.memory_space<semaphore_mem>>) src(%dma_wait3A_794 : memref<80x128xf32, #tpu.memory_space<hbm>>) dst(%arg8 : memref<80x128xf32, #tpu.memory_space<vmem>>)
      %dma_start3A_795 = arith.constant 1 : i32
      %dma_start3A_796 = arith.constant 0 : i32
      %dma_start3A_797 = tpu.memref_slice %arg16[%dma_start3A_795, %dma_start3A_796] : memref<2x80xi32, #tpu.memory_space<vmem>> -> memref<1x80xi32, #tpu.memory_space<vmem>>
      %dma_start3A_798 = tpu.memref_squeeze %dma_start3A_797 : memref<1x80xi32, #tpu.memory_space<vmem>> -> memref<80xi32, #tpu.memory_space<vmem>>
      %dma_start3A_799 = arith.constant 0 : i32
      %dma_start3A_800 = arith.constant 0 : i32
      %dma_start3A_801 = tpu.memref_slice %arg17[%dma_start3A_799, %dma_start3A_800] : memref<10240x128xf32, #tpu.memory_space<vmem_shared>> -> memref<10240x128xf32, #tpu.memory_space<vmem_shared>>
      tpu.enqueue_indirect_dma source(%arg8 : memref<80x128xf32, #tpu.memory_space<vmem>>) target(%dma_start3A_801 : memref<10240x128xf32, #tpu.memory_space<vmem_shared>>) offsets(%dma_start3A_798 : memref<80xi32, #tpu.memory_space<vmem>>) semaphore(%arg20 : memref<!tpu.dma_semaphore, #tpu.memory_space<semaphore_mem>>) {add = true}
      %ge3A_802 = arith.constant 2 : i32
      %ge3A_803 = arith.cmpi sge, %add3A_788, %ge3A_802 : i32
      %convert_element_type3A_804 = arith.extui %ge3A_803 : i1 to i32
      %cond3A_805 = arith.constant 0 : i32
      %cond3A_806 = arith.cmpi ne, %convert_element_type3A_804, %cond3A_805 : i32
      scf.if %cond3A_806 {
        %dma_wait3A_821 = arith.constant 0 : i32
        %dma_wait3A_822 = arith.constant 0 : i32
        %dma_wait3A_823 = tpu.memref_slice %arg2[%dma_wait3A_821, %dma_wait3A_822] : memref<10000x128xf32, #tpu.memory_space<hbm>> -> memref<80x128xf32, #tpu.memory_space<hbm>>
        %dma_wait3A_824 = arith.constant 0 : i32
        %dma_wait3A_825 = arith.constant 0 : i32
        %dma_wait3A_826 = tpu.memref_slice %arg2[%dma_wait3A_824, %dma_wait3A_825] : memref<10000x128xf32, #tpu.memory_space<hbm>> -> memref<80x128xf32, #tpu.memory_space<hbm>>
        tpu.wait_dma2 semaphore(%arg20 : memref<!tpu.dma_semaphore, #tpu.memory_space<semaphore_mem>>) src(%dma_wait3A_826 : memref<80x128xf32, #tpu.memory_space<hbm>>) dst(%arg6 : memref<80x128xf32, #tpu.memory_space<vmem>>)
      } else {
      }
      %add3A_807 = arith.constant 2 : i32
      %add3A_808 = arith.addi %add3A_788, %add3A_807 : i32
      %lt3A_809 = arith.constant 125 : i32
      %lt3A_810 = arith.cmpi slt, %add3A_808, %lt3A_809 : i32
      %convert_element_type3A_811 = arith.extui %lt3A_810 : i1 to i32
      %cond3A_812 = arith.constant 0 : i32
      %cond3A_813 = arith.cmpi ne, %convert_element_type3A_811, %cond3A_812 : i32
      scf.if %cond3A_813 {
        %dma_wait3A_821 = arith.constant 0 : i32
        %dma_wait3A_822 = arith.constant 0 : i32
        %dma_wait3A_823 = arith.constant 0 : i32
        %dma_wait3A_824 = arith.constant 0 : i32
        %dma_wait3A_825 = tpu.memref_slice %arg3[%dma_wait3A_821, %dma_wait3A_822, %dma_wait3A_823, %dma_wait3A_824] : memref<32x125x2x80xi32, #tpu.memory_space<hbm>> -> memref<1x1x2x80xi32, #tpu.memory_space<hbm>>
        %dma_wait3A_826 = tpu.memref_squeeze %dma_wait3A_825 : memref<1x1x2x80xi32, #tpu.memory_space<hbm>> -> memref<2x80xi32, #tpu.memory_space<hbm>>
        %dma_wait3A_827 = arith.constant 0 : i32
        %dma_wait3A_828 = arith.constant 0 : i32
        %dma_wait3A_829 = tpu.memref_slice %arg3[%dma_wait3A_821, %dma_wait3A_822, %dma_wait3A_827, %dma_wait3A_828] : memref<32x125x2x80xi32, #tpu.memory_space<hbm>> -> memref<1x1x2x80xi32, #tpu.memory_space<hbm>>
        %dma_wait3A_830 = tpu.memref_squeeze %dma_wait3A_829 : memref<1x1x2x80xi32, #tpu.memory_space<hbm>> -> memref<2x80xi32, #tpu.memory_space<hbm>>
        tpu.wait_dma2 semaphore(%arg18 : memref<!tpu.dma_semaphore, #tpu.memory_space<semaphore_mem>>) src(%dma_wait3A_830 : memref<2x80xi32, #tpu.memory_space<hbm>>) dst(%arg10 : memref<2x80xi32, #tpu.memory_space<vmem>>)
        %dma_start3A_831 = arith.constant 0 : i32
        %dma_start3A_832 = arith.constant 0 : i32
        %dma_start3A_833 = tpu.memref_slice %arg10[%dma_start3A_831, %dma_start3A_832] : memref<2x80xi32, #tpu.memory_space<vmem>> -> memref<1x80xi32, #tpu.memory_space<vmem>>
        %dma_start3A_834 = tpu.memref_squeeze %dma_start3A_833 : memref<1x80xi32, #tpu.memory_space<vmem>> -> memref<80xi32, #tpu.memory_space<vmem>>
        %dma_start3A_835 = arith.constant 0 : i32
        %dma_start3A_836 = arith.constant 0 : i32
        %dma_start3A_837 = tpu.memref_slice %arg2[%dma_start3A_835, %dma_start3A_836] : memref<10000x128xf32, #tpu.memory_space<hbm>> -> memref<10000x128xf32, #tpu.memory_space<hbm>>
        tpu.enqueue_indirect_dma source(%dma_start3A_837 : memref<10000x128xf32, #tpu.memory_space<hbm>>) target(%arg6 : memref<80x128xf32, #tpu.memory_space<vmem>>) offsets(%dma_start3A_834 : memref<80xi32, #tpu.memory_space<vmem>>) semaphore(%arg19 : memref<!tpu.dma_semaphore, #tpu.memory_space<semaphore_mem>>)
      } else {
      }
      %add3A_814 = arith.constant 4 : i32
      %add3A_815 = arith.addi %add3A_788, %add3A_814 : i32
      %lt3A_816 = arith.constant 125 : i32
      %lt3A_817 = arith.cmpi slt, %add3A_815, %lt3A_816 : i32
      %convert_element_type3A_818 = arith.extui %lt3A_817 : i1 to i32
      %cond3A_819 = arith.constant 0 : i32
      %cond3A_820 = arith.cmpi ne, %convert_element_type3A_818, %cond3A_819 : i32
      scf.if %cond3A_820 {
        %add3A_821 = arith.constant 4 : i32
        %add3A_822 = arith.addi %add3A_788, %add3A_821 : i32
        %dma_start3A_823 = arith.constant 0 : i32
        %dma_start3A_824 = arith.constant 0 : i32
        %dma_start3A_825 = tpu.memref_slice %arg3[%add3A, %add3A_822, %dma_start3A_823, %dma_start3A_824] : memref<32x125x2x80xi32, #tpu.memory_space<hbm>> -> memref<1x1x2x80xi32, #tpu.memory_space<hbm>>
        %dma_start3A_826 = tpu.memref_squeeze %dma_start3A_825 : memref<1x1x2x80xi32, #tpu.memory_space<hbm>> -> memref<2x80xi32, #tpu.memory_space<hbm>>
        %dma_start3A_827 = arith.constant 0 : i32
        %dma_start3A_828 = arith.constant 0 : i32
        %dma_start3A_829 = tpu.memref_slice %arg3[%add3A, %add3A_822, %dma_start3A_827, %dma_start3A_828] : memref<32x125x2x80xi32, #tpu.memory_space<hbm>> -> memref<1x1x2x80xi32, #tpu.memory_space<hbm>>
        %dma_start3A_830 = tpu.memref_squeeze %dma_start3A_829 : memref<1x1x2x80xi32, #tpu.memory_space<hbm>> -> memref<2x80xi32, #tpu.memory_space<hbm>>
        tpu.enqueue_dma source(%dma_start3A_830 : memref<2x80xi32, #tpu.memory_space<hbm>>) target(%arg12 : memref<2x80xi32, #tpu.memory_space<vmem>>) target_semaphore(%arg18 : memref<!tpu.dma_semaphore, #tpu.memory_space<semaphore_mem>>)
      } else {
      }
    }
    %scan3A_175 = arith.constant 15 : i32
    %dma_wait3A_176 = arith.constant 0 : i32
    %dma_wait3A_177 = arith.constant 0 : i32
    %dma_wait3A_178 = tpu.memref_slice %arg2[%dma_wait3A_176, %dma_wait3A_177] : memref<10000x128xf32, #tpu.memory_space<hbm>> -> memref<80x128xf32, #tpu.memory_space<hbm>>
    %dma_wait3A_179 = arith.constant 0 : i32
    %dma_wait3A_180 = arith.constant 0 : i32
    %dma_wait3A_181 = tpu.memref_slice %arg2[%dma_wait3A_179, %dma_wait3A_180] : memref<10000x128xf32, #tpu.memory_space<hbm>> -> memref<80x128xf32, #tpu.memory_space<hbm>>
    tpu.wait_dma2 semaphore(%arg19 : memref<!tpu.dma_semaphore, #tpu.memory_space<semaphore_mem>>) src(%dma_wait3A_181 : memref<80x128xf32, #tpu.memory_space<hbm>>) dst(%arg5 : memref<80x128xf32, #tpu.memory_space<vmem>>)
    %dma_start3A_182 = arith.constant 1 : i32
    %dma_start3A_183 = arith.constant 0 : i32
    %dma_start3A_184 = tpu.memref_slice %arg9[%dma_start3A_182, %dma_start3A_183] : memref<2x80xi32, #tpu.memory_space<vmem>> -> memref<1x80xi32, #tpu.memory_space<vmem>>
    %dma_start3A_185 = tpu.memref_squeeze %dma_start3A_184 : memref<1x80xi32, #tpu.memory_space<vmem>> -> memref<80xi32, #tpu.memory_space<vmem>>
    %dma_start3A_186 = arith.constant 0 : i32
    %dma_start3A_187 = arith.constant 0 : i32
    %dma_start3A_188 = tpu.memref_slice %arg17[%dma_start3A_186, %dma_start3A_187] : memref<10240x128xf32, #tpu.memory_space<vmem_shared>> -> memref<10240x128xf32, #tpu.memory_space<vmem_shared>>
    tpu.enqueue_indirect_dma source(%arg5 : memref<80x128xf32, #tpu.memory_space<vmem>>) target(%dma_start3A_188 : memref<10240x128xf32, #tpu.memory_space<vmem_shared>>) offsets(%dma_start3A_185 : memref<80xi32, #tpu.memory_space<vmem>>) semaphore(%arg20 : memref<!tpu.dma_semaphore, #tpu.memory_space<semaphore_mem>>) {add = true}
    %dma_wait3A_189 = arith.constant 0 : i32
    %dma_wait3A_190 = arith.constant 0 : i32
    %dma_wait3A_191 = tpu.memref_slice %arg2[%dma_wait3A_189, %dma_wait3A_190] : memref<10000x128xf32, #tpu.memory_space<hbm>> -> memref<80x128xf32, #tpu.memory_space<hbm>>
    %dma_wait3A_192 = arith.constant 0 : i32
    %dma_wait3A_193 = arith.constant 0 : i32
    %dma_wait3A_194 = tpu.memref_slice %arg2[%dma_wait3A_192, %dma_wait3A_193] : memref<10000x128xf32, #tpu.memory_space<hbm>> -> memref<80x128xf32, #tpu.memory_space<hbm>>
    tpu.wait_dma2 semaphore(%arg20 : memref<!tpu.dma_semaphore, #tpu.memory_space<semaphore_mem>>) src(%dma_wait3A_194 : memref<80x128xf32, #tpu.memory_space<hbm>>) dst(%arg7 : memref<80x128xf32, #tpu.memory_space<vmem>>)
    %dma_wait3A_195 = arith.constant 0 : i32
    %dma_wait3A_196 = arith.constant 0 : i32
    %dma_wait3A_197 = arith.constant 0 : i32
    %dma_wait3A_198 = arith.constant 0 : i32
    %dma_wait3A_199 = tpu.memref_slice %arg3[%dma_wait3A_195, %dma_wait3A_196, %dma_wait3A_197, %dma_wait3A_198] : memref<32x125x2x80xi32, #tpu.memory_space<hbm>> -> memref<1x1x2x80xi32, #tpu.memory_space<hbm>>
    %dma_wait3A_200 = tpu.memref_squeeze %dma_wait3A_199 : memref<1x1x2x80xi32, #tpu.memory_space<hbm>> -> memref<2x80xi32, #tpu.memory_space<hbm>>
    %dma_wait3A_201 = arith.constant 0 : i32
    %dma_wait3A_202 = arith.constant 0 : i32
    %dma_wait3A_203 = tpu.memref_slice %arg3[%dma_wait3A_195, %dma_wait3A_196, %dma_wait3A_201, %dma_wait3A_202] : memref<32x125x2x80xi32, #tpu.memory_space<hbm>> -> memref<1x1x2x80xi32, #tpu.memory_space<hbm>>
    %dma_wait3A_204 = tpu.memref_squeeze %dma_wait3A_203 : memref<1x1x2x80xi32, #tpu.memory_space<hbm>> -> memref<2x80xi32, #tpu.memory_space<hbm>>
    tpu.wait_dma2 semaphore(%arg18 : memref<!tpu.dma_semaphore, #tpu.memory_space<semaphore_mem>>) src(%dma_wait3A_204 : memref<2x80xi32, #tpu.memory_space<hbm>>) dst(%arg11 : memref<2x80xi32, #tpu.memory_space<vmem>>)
    %dma_start3A_205 = arith.constant 0 : i32
    %dma_start3A_206 = arith.constant 0 : i32
    %dma_start3A_207 = tpu.memref_slice %arg11[%dma_start3A_205, %dma_start3A_206] : memref<2x80xi32, #tpu.memory_space<vmem>> -> memref<1x80xi32, #tpu.memory_space<vmem>>
    %dma_start3A_208 = tpu.memref_squeeze %dma_start3A_207 : memref<1x80xi32, #tpu.memory_space<vmem>> -> memref<80xi32, #tpu.memory_space<vmem>>
    %dma_start3A_209 = arith.constant 0 : i32
    %dma_start3A_210 = arith.constant 0 : i32
    %dma_start3A_211 = tpu.memref_slice %arg2[%dma_start3A_209, %dma_start3A_210] : memref<10000x128xf32, #tpu.memory_space<hbm>> -> memref<10000x128xf32, #tpu.memory_space<hbm>>
    tpu.enqueue_indirect_dma source(%dma_start3A_211 : memref<10000x128xf32, #tpu.memory_space<hbm>>) target(%arg7 : memref<80x128xf32, #tpu.memory_space<vmem>>) offsets(%dma_start3A_208 : memref<80xi32, #tpu.memory_space<vmem>>) semaphore(%arg19 : memref<!tpu.dma_semaphore, #tpu.memory_space<semaphore_mem>>)
    %dma_start3A_212 = arith.constant 124 : i32
    %dma_start3A_213 = arith.constant 0 : i32
    %dma_start3A_214 = arith.constant 0 : i32
    %dma_start3A_215 = tpu.memref_slice %arg3[%add3A, %dma_start3A_212, %dma_start3A_213, %dma_start3A_214] : memref<32x125x2x80xi32, #tpu.memory_space<hbm>> -> memref<1x1x2x80xi32, #tpu.memory_space<hbm>>
    %dma_start3A_216 = tpu.memref_squeeze %dma_start3A_215 : memref<1x1x2x80xi32, #tpu.memory_space<hbm>> -> memref<2x80xi32, #tpu.memory_space<hbm>>
    %dma_start3A_217 = arith.constant 0 : i32
    %dma_start3A_218 = arith.constant 0 : i32
    %dma_start3A_219 = tpu.memref_slice %arg3[%add3A, %dma_start3A_212, %dma_start3A_217, %dma_start3A_218] : memref<32x125x2x80xi32, #tpu.memory_space<hbm>> -> memref<1x1x2x80xi32, #tpu.memory_space<hbm>>
    %dma_start3A_220 = tpu.memref_squeeze %dma_start3A_219 : memref<1x1x2x80xi32, #tpu.memory_space<hbm>> -> memref<2x80xi32, #tpu.memory_space<hbm>>
    tpu.enqueue_dma source(%dma_start3A_220 : memref<2x80xi32, #tpu.memory_space<hbm>>) target(%arg13 : memref<2x80xi32, #tpu.memory_space<vmem>>) target_semaphore(%arg18 : memref<!tpu.dma_semaphore, #tpu.memory_space<semaphore_mem>>)
    %dma_wait3A_221 = arith.constant 0 : i32
    %dma_wait3A_222 = arith.constant 0 : i32
    %dma_wait3A_223 = tpu.memref_slice %arg2[%dma_wait3A_221, %dma_wait3A_222] : memref<10000x128xf32, #tpu.memory_space<hbm>> -> memref<80x128xf32, #tpu.memory_space<hbm>>
    %dma_wait3A_224 = arith.constant 0 : i32
    %dma_wait3A_225 = arith.constant 0 : i32
    %dma_wait3A_226 = tpu.memref_slice %arg2[%dma_wait3A_224, %dma_wait3A_225] : memref<10000x128xf32, #tpu.memory_space<hbm>> -> memref<80x128xf32, #tpu.memory_space<hbm>>
    tpu.wait_dma2 semaphore(%arg19 : memref<!tpu.dma_semaphore, #tpu.memory_space<semaphore_mem>>) src(%dma_wait3A_226 : memref<80x128xf32, #tpu.memory_space<hbm>>) dst(%arg6 : memref<80x128xf32, #tpu.memory_space<vmem>>)
    %dma_start3A_227 = arith.constant 1 : i32
    %dma_start3A_228 = arith.constant 0 : i32
    %dma_start3A_229 = tpu.memref_slice %arg10[%dma_start3A_227, %dma_start3A_228] : memref<2x80xi32, #tpu.memory_space<vmem>> -> memref<1x80xi32, #tpu.memory_space<vmem>>
    %dma_start3A_230 = tpu.memref_squeeze %dma_start3A_229 : memref<1x80xi32, #tpu.memory_space<vmem>> -> memref<80xi32, #tpu.memory_space<vmem>>
    %dma_start3A_231 = arith.constant 0 : i32
    %dma_start3A_232 = arith.constant 0 : i32
    %dma_start3A_233 = tpu.memref_slice %arg17[%dma_start3A_231, %dma_start3A_232] : memref<10240x128xf32, #tpu.memory_space<vmem_shared>> -> memref<10240x128xf32, #tpu.memory_space<vmem_shared>>
    tpu.enqueue_indirect_dma source(%arg6 : memref<80x128xf32, #tpu.memory_space<vmem>>) target(%dma_start3A_233 : memref<10240x128xf32, #tpu.memory_space<vmem_shared>>) offsets(%dma_start3A_230 : memref<80xi32, #tpu.memory_space<vmem>>) semaphore(%arg20 : memref<!tpu.dma_semaphore, #tpu.memory_space<semaphore_mem>>) {add = true}
    %dma_wait3A_234 = arith.constant 0 : i32
    %dma_wait3A_235 = arith.constant 0 : i32
    %dma_wait3A_236 = tpu.memref_slice %arg2[%dma_wait3A_234, %dma_wait3A_235] : memref<10000x128xf32, #tpu.memory_space<hbm>> -> memref<80x128xf32, #tpu.memory_space<hbm>>
    %dma_wait3A_237 = arith.constant 0 : i32
    %dma_wait3A_238 = arith.constant 0 : i32
    %dma_wait3A_239 = tpu.memref_slice %arg2[%dma_wait3A_237, %dma_wait3A_238] : memref<10000x128xf32, #tpu.memory_space<hbm>> -> memref<80x128xf32, #tpu.memory_space<hbm>>
    tpu.wait_dma2 semaphore(%arg20 : memref<!tpu.dma_semaphore, #tpu.memory_space<semaphore_mem>>) src(%dma_wait3A_239 : memref<80x128xf32, #tpu.memory_space<hbm>>) dst(%arg8 : memref<80x128xf32, #tpu.memory_space<vmem>>)
    %dma_wait3A_240 = arith.constant 0 : i32
    %dma_wait3A_241 = arith.constant 0 : i32
    %dma_wait3A_242 = arith.constant 0 : i32
    %dma_wait3A_243 = arith.constant 0 : i32
    %dma_wait3A_244 = tpu.memref_slice %arg3[%dma_wait3A_240, %dma_wait3A_241, %dma_wait3A_242, %dma_wait3A_243] : memref<32x125x2x80xi32, #tpu.memory_space<hbm>> -> memref<1x1x2x80xi32, #tpu.memory_space<hbm>>
    %dma_wait3A_245 = tpu.memref_squeeze %dma_wait3A_244 : memref<1x1x2x80xi32, #tpu.memory_space<hbm>> -> memref<2x80xi32, #tpu.memory_space<hbm>>
    %dma_wait3A_246 = arith.constant 0 : i32
    %dma_wait3A_247 = arith.constant 0 : i32
    %dma_wait3A_248 = tpu.memref_slice %arg3[%dma_wait3A_240, %dma_wait3A_241, %dma_wait3A_246, %dma_wait3A_247] : memref<32x125x2x80xi32, #tpu.memory_space<hbm>> -> memref<1x1x2x80xi32, #tpu.memory_space<hbm>>
    %dma_wait3A_249 = tpu.memref_squeeze %dma_wait3A_248 : memref<1x1x2x80xi32, #tpu.memory_space<hbm>> -> memref<2x80xi32, #tpu.memory_space<hbm>>
    tpu.wait_dma2 semaphore(%arg18 : memref<!tpu.dma_semaphore, #tpu.memory_space<semaphore_mem>>) src(%dma_wait3A_249 : memref<2x80xi32, #tpu.memory_space<hbm>>) dst(%arg12 : memref<2x80xi32, #tpu.memory_space<vmem>>)
    %dma_start3A_250 = arith.constant 0 : i32
    %dma_start3A_251 = arith.constant 0 : i32
    %dma_start3A_252 = tpu.memref_slice %arg12[%dma_start3A_250, %dma_start3A_251] : memref<2x80xi32, #tpu.memory_space<vmem>> -> memref<1x80xi32, #tpu.memory_space<vmem>>
    %dma_start3A_253 = tpu.memref_squeeze %dma_start3A_252 : memref<1x80xi32, #tpu.memory_space<vmem>> -> memref<80xi32, #tpu.memory_space<vmem>>
    %dma_start3A_254 = arith.constant 0 : i32
    %dma_start3A_255 = arith.constant 0 : i32
    %dma_start3A_256 = tpu.memref_slice %arg2[%dma_start3A_254, %dma_start3A_255] : memref<10000x128xf32, #tpu.memory_space<hbm>> -> memref<10000x128xf32, #tpu.memory_space<hbm>>
    tpu.enqueue_indirect_dma source(%dma_start3A_256 : memref<10000x128xf32, #tpu.memory_space<hbm>>) target(%arg8 : memref<80x128xf32, #tpu.memory_space<vmem>>) offsets(%dma_start3A_253 : memref<80xi32, #tpu.memory_space<vmem>>) semaphore(%arg19 : memref<!tpu.dma_semaphore, #tpu.memory_space<semaphore_mem>>)
    %dma_wait3A_257 = arith.constant 0 : i32
    %dma_wait3A_258 = arith.constant 0 : i32
    %dma_wait3A_259 = tpu.memref_slice %arg2[%dma_wait3A_257, %dma_wait3A_258] : memref<10000x128xf32, #tpu.memory_space<hbm>> -> memref<80x128xf32, #tpu.memory_space<hbm>>
    %dma_wait3A_260 = arith.constant 0 : i32
    %dma_wait3A_261 = arith.constant 0 : i32
    %dma_wait3A_262 = tpu.memref_slice %arg2[%dma_wait3A_260, %dma_wait3A_261] : memref<10000x128xf32, #tpu.memory_space<hbm>> -> memref<80x128xf32, #tpu.memory_space<hbm>>
    tpu.wait_dma2 semaphore(%arg19 : memref<!tpu.dma_semaphore, #tpu.memory_space<semaphore_mem>>) src(%dma_wait3A_262 : memref<80x128xf32, #tpu.memory_space<hbm>>) dst(%arg7 : memref<80x128xf32, #tpu.memory_space<vmem>>)
    %dma_start3A_263 = arith.constant 1 : i32
    %dma_start3A_264 = arith.constant 0 : i32
    %dma_start3A_265 = tpu.memref_slice %arg11[%dma_start3A_263, %dma_start3A_264] : memref<2x80xi32, #tpu.memory_space<vmem>> -> memref<1x80xi32, #tpu.memory_space<vmem>>
    %dma_start3A_266 = tpu.memref_squeeze %dma_start3A_265 : memref<1x80xi32, #tpu.memory_space<vmem>> -> memref<80xi32, #tpu.memory_space<vmem>>
    %dma_start3A_267 = arith.constant 0 : i32
    %dma_start3A_268 = arith.constant 0 : i32
    %dma_start3A_269 = tpu.memref_slice %arg17[%dma_start3A_267, %dma_start3A_268] : memref<10240x128xf32, #tpu.memory_space<vmem_shared>> -> memref<10240x128xf32, #tpu.memory_space<vmem_shared>>
    tpu.enqueue_indirect_dma source(%arg7 : memref<80x128xf32, #tpu.memory_space<vmem>>) target(%dma_start3A_269 : memref<10240x128xf32, #tpu.memory_space<vmem_shared>>) offsets(%dma_start3A_266 : memref<80xi32, #tpu.memory_space<vmem>>) semaphore(%arg20 : memref<!tpu.dma_semaphore, #tpu.memory_space<semaphore_mem>>) {add = true}
    %dma_wait3A_270 = arith.constant 0 : i32
    %dma_wait3A_271 = arith.constant 0 : i32
    %dma_wait3A_272 = tpu.memref_slice %arg2[%dma_wait3A_270, %dma_wait3A_271] : memref<10000x128xf32, #tpu.memory_space<hbm>> -> memref<80x128xf32, #tpu.memory_space<hbm>>
    %dma_wait3A_273 = arith.constant 0 : i32
    %dma_wait3A_274 = arith.constant 0 : i32
    %dma_wait3A_275 = tpu.memref_slice %arg2[%dma_wait3A_273, %dma_wait3A_274] : memref<10000x128xf32, #tpu.memory_space<hbm>> -> memref<80x128xf32, #tpu.memory_space<hbm>>
    tpu.wait_dma2 semaphore(%arg20 : memref<!tpu.dma_semaphore, #tpu.memory_space<semaphore_mem>>) src(%dma_wait3A_275 : memref<80x128xf32, #tpu.memory_space<hbm>>) dst(%arg5 : memref<80x128xf32, #tpu.memory_space<vmem>>)
    %dma_wait3A_276 = arith.constant 0 : i32
    %dma_wait3A_277 = arith.constant 0 : i32
    %dma_wait3A_278 = arith.constant 0 : i32
    %dma_wait3A_279 = arith.constant 0 : i32
    %dma_wait3A_280 = tpu.memref_slice %arg3[%dma_wait3A_276, %dma_wait3A_277, %dma_wait3A_278, %dma_wait3A_279] : memref<32x125x2x80xi32, #tpu.memory_space<hbm>> -> memref<1x1x2x80xi32, #tpu.memory_space<hbm>>
    %dma_wait3A_281 = tpu.memref_squeeze %dma_wait3A_280 : memref<1x1x2x80xi32, #tpu.memory_space<hbm>> -> memref<2x80xi32, #tpu.memory_space<hbm>>
    %dma_wait3A_282 = arith.constant 0 : i32
    %dma_wait3A_283 = arith.constant 0 : i32
    %dma_wait3A_284 = tpu.memref_slice %arg3[%dma_wait3A_276, %dma_wait3A_277, %dma_wait3A_282, %dma_wait3A_283] : memref<32x125x2x80xi32, #tpu.memory_space<hbm>> -> memref<1x1x2x80xi32, #tpu.memory_space<hbm>>
    %dma_wait3A_285 = tpu.memref_squeeze %dma_wait3A_284 : memref<1x1x2x80xi32, #tpu.memory_space<hbm>> -> memref<2x80xi32, #tpu.memory_space<hbm>>
    tpu.wait_dma2 semaphore(%arg18 : memref<!tpu.dma_semaphore, #tpu.memory_space<semaphore_mem>>) src(%dma_wait3A_285 : memref<2x80xi32, #tpu.memory_space<hbm>>) dst(%arg13 : memref<2x80xi32, #tpu.memory_space<vmem>>)
    %dma_start3A_286 = arith.constant 0 : i32
    %dma_start3A_287 = arith.constant 0 : i32
    %dma_start3A_288 = tpu.memref_slice %arg13[%dma_start3A_286, %dma_start3A_287] : memref<2x80xi32, #tpu.memory_space<vmem>> -> memref<1x80xi32, #tpu.memory_space<vmem>>
    %dma_start3A_289 = tpu.memref_squeeze %dma_start3A_288 : memref<1x80xi32, #tpu.memory_space<vmem>> -> memref<80xi32, #tpu.memory_space<vmem>>
    %dma_start3A_290 = arith.constant 0 : i32
    %dma_start3A_291 = arith.constant 0 : i32
    %dma_start3A_292 = tpu.memref_slice %arg2[%dma_start3A_290, %dma_start3A_291] : memref<10000x128xf32, #tpu.memory_space<hbm>> -> memref<10000x128xf32, #tpu.memory_space<hbm>>
    tpu.enqueue_indirect_dma source(%dma_start3A_292 : memref<10000x128xf32, #tpu.memory_space<hbm>>) target(%arg5 : memref<80x128xf32, #tpu.memory_space<vmem>>) offsets(%dma_start3A_289 : memref<80xi32, #tpu.memory_space<vmem>>) semaphore(%arg19 : memref<!tpu.dma_semaphore, #tpu.memory_space<semaphore_mem>>)
    %dma_wait3A_293 = arith.constant 0 : i32
    %dma_wait3A_294 = arith.constant 0 : i32
    %dma_wait3A_295 = tpu.memref_slice %arg2[%dma_wait3A_293, %dma_wait3A_294] : memref<10000x128xf32, #tpu.memory_space<hbm>> -> memref<80x128xf32, #tpu.memory_space<hbm>>
    %dma_wait3A_296 = arith.constant 0 : i32
    %dma_wait3A_297 = arith.constant 0 : i32
    %dma_wait3A_298 = tpu.memref_slice %arg2[%dma_wait3A_296, %dma_wait3A_297] : memref<10000x128xf32, #tpu.memory_space<hbm>> -> memref<80x128xf32, #tpu.memory_space<hbm>>
    tpu.wait_dma2 semaphore(%arg19 : memref<!tpu.dma_semaphore, #tpu.memory_space<semaphore_mem>>) src(%dma_wait3A_298 : memref<80x128xf32, #tpu.memory_space<hbm>>) dst(%arg8 : memref<80x128xf32, #tpu.memory_space<vmem>>)
    %dma_start3A_299 = arith.constant 1 : i32
    %dma_start3A_300 = arith.constant 0 : i32
    %dma_start3A_301 = tpu.memref_slice %arg12[%dma_start3A_299, %dma_start3A_300] : memref<2x80xi32, #tpu.memory_space<vmem>> -> memref<1x80xi32, #tpu.memory_space<vmem>>
    %dma_start3A_302 = tpu.memref_squeeze %dma_start3A_301 : memref<1x80xi32, #tpu.memory_space<vmem>> -> memref<80xi32, #tpu.memory_space<vmem>>
    %dma_start3A_303 = arith.constant 0 : i32
    %dma_start3A_304 = arith.constant 0 : i32
    %dma_start3A_305 = tpu.memref_slice %arg17[%dma_start3A_303, %dma_start3A_304] : memref<10240x128xf32, #tpu.memory_space<vmem_shared>> -> memref<10240x128xf32, #tpu.memory_space<vmem_shared>>
    tpu.enqueue_indirect_dma source(%arg8 : memref<80x128xf32, #tpu.memory_space<vmem>>) target(%dma_start3A_305 : memref<10240x128xf32, #tpu.memory_space<vmem_shared>>) offsets(%dma_start3A_302 : memref<80xi32, #tpu.memory_space<vmem>>) semaphore(%arg20 : memref<!tpu.dma_semaphore, #tpu.memory_space<semaphore_mem>>) {add = true}
    %dma_wait3A_306 = arith.constant 0 : i32
    %dma_wait3A_307 = arith.constant 0 : i32
    %dma_wait3A_308 = tpu.memref_slice %arg2[%dma_wait3A_306, %dma_wait3A_307] : memref<10000x128xf32, #tpu.memory_space<hbm>> -> memref<80x128xf32, #tpu.memory_space<hbm>>
    %dma_wait3A_309 = arith.constant 0 : i32
    %dma_wait3A_310 = arith.constant 0 : i32
    %dma_wait3A_311 = tpu.memref_slice %arg2[%dma_wait3A_309, %dma_wait3A_310] : memref<10000x128xf32, #tpu.memory_space<hbm>> -> memref<80x128xf32, #tpu.memory_space<hbm>>
    tpu.wait_dma2 semaphore(%arg20 : memref<!tpu.dma_semaphore, #tpu.memory_space<semaphore_mem>>) src(%dma_wait3A_311 : memref<80x128xf32, #tpu.memory_space<hbm>>) dst(%arg6 : memref<80x128xf32, #tpu.memory_space<vmem>>)
    %dma_wait3A_312 = arith.constant 0 : i32
    %dma_wait3A_313 = arith.constant 0 : i32
    %dma_wait3A_314 = tpu.memref_slice %arg2[%dma_wait3A_312, %dma_wait3A_313] : memref<10000x128xf32, #tpu.memory_space<hbm>> -> memref<80x128xf32, #tpu.memory_space<hbm>>
    %dma_wait3A_315 = arith.constant 0 : i32
    %dma_wait3A_316 = arith.constant 0 : i32
    %dma_wait3A_317 = tpu.memref_slice %arg2[%dma_wait3A_315, %dma_wait3A_316] : memref<10000x128xf32, #tpu.memory_space<hbm>> -> memref<80x128xf32, #tpu.memory_space<hbm>>
    tpu.wait_dma2 semaphore(%arg19 : memref<!tpu.dma_semaphore, #tpu.memory_space<semaphore_mem>>) src(%dma_wait3A_317 : memref<80x128xf32, #tpu.memory_space<hbm>>) dst(%arg5 : memref<80x128xf32, #tpu.memory_space<vmem>>)
    %dma_start3A_318 = arith.constant 1 : i32
    %dma_start3A_319 = arith.constant 0 : i32
    %dma_start3A_320 = tpu.memref_slice %arg13[%dma_start3A_318, %dma_start3A_319] : memref<2x80xi32, #tpu.memory_space<vmem>> -> memref<1x80xi32, #tpu.memory_space<vmem>>
    %dma_start3A_321 = tpu.memref_squeeze %dma_start3A_320 : memref<1x80xi32, #tpu.memory_space<vmem>> -> memref<80xi32, #tpu.memory_space<vmem>>
    %dma_start3A_322 = arith.constant 0 : i32
    %dma_start3A_323 = arith.constant 0 : i32
    %dma_start3A_324 = tpu.memref_slice %arg17[%dma_start3A_322, %dma_start3A_323] : memref<10240x128xf32, #tpu.memory_space<vmem_shared>> -> memref<10240x128xf32, #tpu.memory_space<vmem_shared>>
    tpu.enqueue_indirect_dma source(%arg5 : memref<80x128xf32, #tpu.memory_space<vmem>>) target(%dma_start3A_324 : memref<10240x128xf32, #tpu.memory_space<vmem_shared>>) offsets(%dma_start3A_321 : memref<80xi32, #tpu.memory_space<vmem>>) semaphore(%arg20 : memref<!tpu.dma_semaphore, #tpu.memory_space<semaphore_mem>>) {add = true}
    %dma_wait3A_325 = arith.constant 0 : i32
    %dma_wait3A_326 = arith.constant 0 : i32
    %dma_wait3A_327 = tpu.memref_slice %arg2[%dma_wait3A_325, %dma_wait3A_326] : memref<10000x128xf32, #tpu.memory_space<hbm>> -> memref<80x128xf32, #tpu.memory_space<hbm>>
    %dma_wait3A_328 = arith.constant 0 : i32
    %dma_wait3A_329 = arith.constant 0 : i32
    %dma_wait3A_330 = tpu.memref_slice %arg2[%dma_wait3A_328, %dma_wait3A_329] : memref<10000x128xf32, #tpu.memory_space<hbm>> -> memref<80x128xf32, #tpu.memory_space<hbm>>
    tpu.wait_dma2 semaphore(%arg20 : memref<!tpu.dma_semaphore, #tpu.memory_space<semaphore_mem>>) src(%dma_wait3A_330 : memref<80x128xf32, #tpu.memory_space<hbm>>) dst(%arg7 : memref<80x128xf32, #tpu.memory_space<vmem>>)
    %dma_wait3A_331 = arith.constant 0 : i32
    %dma_wait3A_332 = arith.constant 0 : i32
    %dma_wait3A_333 = tpu.memref_slice %arg2[%dma_wait3A_331, %dma_wait3A_332] : memref<10000x128xf32, #tpu.memory_space<hbm>> -> memref<80x128xf32, #tpu.memory_space<hbm>>
    %dma_wait3A_334 = arith.constant 0 : i32
    %dma_wait3A_335 = arith.constant 0 : i32
    %dma_wait3A_336 = tpu.memref_slice %arg2[%dma_wait3A_334, %dma_wait3A_335] : memref<10000x128xf32, #tpu.memory_space<hbm>> -> memref<80x128xf32, #tpu.memory_space<hbm>>
    tpu.wait_dma2 semaphore(%arg20 : memref<!tpu.dma_semaphore, #tpu.memory_space<semaphore_mem>>) src(%dma_wait3A_336 : memref<80x128xf32, #tpu.memory_space<hbm>>) dst(%arg5 : memref<80x128xf32, #tpu.memory_space<vmem>>)
    %dma_wait3A_337 = arith.constant 0 : i32
    %dma_wait3A_338 = arith.constant 0 : i32
    %dma_wait3A_339 = tpu.memref_slice %arg2[%dma_wait3A_337, %dma_wait3A_338] : memref<10000x128xf32, #tpu.memory_space<hbm>> -> memref<80x128xf32, #tpu.memory_space<hbm>>
    %dma_wait3A_340 = arith.constant 0 : i32
    %dma_wait3A_341 = arith.constant 0 : i32
    %dma_wait3A_342 = tpu.memref_slice %arg2[%dma_wait3A_340, %dma_wait3A_341] : memref<10000x128xf32, #tpu.memory_space<hbm>> -> memref<80x128xf32, #tpu.memory_space<hbm>>
    tpu.wait_dma2 semaphore(%arg20 : memref<!tpu.dma_semaphore, #tpu.memory_space<semaphore_mem>>) src(%dma_wait3A_342 : memref<80x128xf32, #tpu.memory_space<hbm>>) dst(%arg5 : memref<80x128xf32, #tpu.memory_space<vmem>>)
    %barrier3A_343 = arith.constant 0 : index
    tpu.barrier barrier_id(%barrier3A_343)
    %dma_start3A_344 = arith.constant 0 : i32
    %dma_start3A_345 = tpu.memref_slice %arg17[%mul3A_6, %dma_start3A_344] : memref<10240x128xf32, #tpu.memory_space<vmem_shared>> -> memref<80x128xf32, #tpu.memory_space<vmem_shared>>
    %dma_start3A_346 = arith.constant 0 : i32
    %dma_start3A_347 = tpu.memref_slice %arg17[%mul3A_6, %dma_start3A_346] : memref<10240x128xf32, #tpu.memory_space<vmem_shared>> -> memref<80x128xf32, #tpu.memory_space<vmem_shared>>
    tpu.enqueue_dma source(%dma_start3A_347 : memref<80x128xf32, #tpu.memory_space<vmem_shared>>) target(%arg5 : memref<80x128xf32, #tpu.memory_space<vmem>>) target_semaphore(%arg19 : memref<!tpu.dma_semaphore, #tpu.memory_space<semaphore_mem>>)
    %dma_wait3A_348 = arith.constant 0 : i32
    %dma_wait3A_349 = arith.constant 0 : i32
    %dma_wait3A_350 = tpu.memref_slice %arg2[%dma_wait3A_348, %dma_wait3A_349] : memref<10000x128xf32, #tpu.memory_space<hbm>> -> memref<80x128xf32, #tpu.memory_space<hbm>>
    %dma_wait3A_351 = arith.constant 0 : i32
    %dma_wait3A_352 = arith.constant 0 : i32
    %dma_wait3A_353 = tpu.memref_slice %arg2[%dma_wait3A_351, %dma_wait3A_352] : memref<10000x128xf32, #tpu.memory_space<hbm>> -> memref<80x128xf32, #tpu.memory_space<hbm>>
    tpu.wait_dma2 semaphore(%arg19 : memref<!tpu.dma_semaphore, #tpu.memory_space<semaphore_mem>>) src(%dma_wait3A_353 : memref<80x128xf32, #tpu.memory_space<hbm>>) dst(%arg5 : memref<80x128xf32, #tpu.memory_space<vmem>>)
    %add3A_354 = arith.constant 80 : i32
    %add3A_355 = arith.addi %mul3A_6, %add3A_354 : i32
    %dma_start3A_356 = arith.constant 0 : i32
    %dma_start3A_357 = tpu.memref_slice %arg17[%add3A_355, %dma_start3A_356] : memref<10240x128xf32, #tpu.memory_space<vmem_shared>> -> memref<80x128xf32, #tpu.memory_space<vmem_shared>>
    %dma_start3A_358 = arith.constant 0 : i32
    %dma_start3A_359 = tpu.memref_slice %arg17[%add3A_355, %dma_start3A_358] : memref<10240x128xf32, #tpu.memory_space<vmem_shared>> -> memref<80x128xf32, #tpu.memory_space<vmem_shared>>
    tpu.enqueue_dma source(%dma_start3A_359 : memref<80x128xf32, #tpu.memory_space<vmem_shared>>) target(%arg6 : memref<80x128xf32, #tpu.memory_space<vmem>>) target_semaphore(%arg19 : memref<!tpu.dma_semaphore, #tpu.memory_space<semaphore_mem>>)
    %add3A_360 = arith.constant 0 : i32
    %add3A_361 = arith.addi %mul3A_6, %add3A_360 : i32
    %dma_start3A_362 = arith.constant 0 : i32
    %dma_start3A_363 = tpu.memref_slice %arg4[%arg0, %add3A_361, %dma_start3A_362] : memref<2x10240x128xf32, #tpu.memory_space<hbm>> -> memref<1x80x128xf32, #tpu.memory_space<hbm>>
    %dma_start3A_364 = tpu.memref_squeeze %dma_start3A_363 : memref<1x80x128xf32, #tpu.memory_space<hbm>> -> memref<80x128xf32, #tpu.memory_space<hbm>>
    %dma_start3A_365 = arith.constant 0 : i32
    %dma_start3A_366 = tpu.memref_slice %arg4[%arg0, %add3A_361, %dma_start3A_365] : memref<2x10240x128xf32, #tpu.memory_space<hbm>> -> memref<1x80x128xf32, #tpu.memory_space<hbm>>
    %dma_start3A_367 = tpu.memref_squeeze %dma_start3A_366 : memref<1x80x128xf32, #tpu.memory_space<hbm>> -> memref<80x128xf32, #tpu.memory_space<hbm>>
    tpu.enqueue_dma source(%arg5 : memref<80x128xf32, #tpu.memory_space<vmem>>) target(%dma_start3A_367 : memref<80x128xf32, #tpu.memory_space<hbm>>) target_semaphore(%arg20 : memref<!tpu.dma_semaphore, #tpu.memory_space<semaphore_mem>>)
    %dma_wait3A_368 = arith.constant 0 : i32
    %dma_wait3A_369 = arith.constant 0 : i32
    %dma_wait3A_370 = tpu.memref_slice %arg2[%dma_wait3A_368, %dma_wait3A_369] : memref<10000x128xf32, #tpu.memory_space<hbm>> -> memref<80x128xf32, #tpu.memory_space<hbm>>
    %dma_wait3A_371 = arith.constant 0 : i32
    %dma_wait3A_372 = arith.constant 0 : i32
    %dma_wait3A_373 = tpu.memref_slice %arg2[%dma_wait3A_371, %dma_wait3A_372] : memref<10000x128xf32, #tpu.memory_space<hbm>> -> memref<80x128xf32, #tpu.memory_space<hbm>>
    tpu.wait_dma2 semaphore(%arg19 : memref<!tpu.dma_semaphore, #tpu.memory_space<semaphore_mem>>) src(%dma_wait3A_373 : memref<80x128xf32, #tpu.memory_space<hbm>>) dst(%arg6 : memref<80x128xf32, #tpu.memory_space<vmem>>)
    %add3A_374 = arith.constant 160 : i32
    %add3A_375 = arith.addi %mul3A_6, %add3A_374 : i32
    %dma_start3A_376 = arith.constant 0 : i32
    %dma_start3A_377 = tpu.memref_slice %arg17[%add3A_375, %dma_start3A_376] : memref<10240x128xf32, #tpu.memory_space<vmem_shared>> -> memref<80x128xf32, #tpu.memory_space<vmem_shared>>
    %dma_start3A_378 = arith.constant 0 : i32
    %dma_start3A_379 = tpu.memref_slice %arg17[%add3A_375, %dma_start3A_378] : memref<10240x128xf32, #tpu.memory_space<vmem_shared>> -> memref<80x128xf32, #tpu.memory_space<vmem_shared>>
    tpu.enqueue_dma source(%dma_start3A_379 : memref<80x128xf32, #tpu.memory_space<vmem_shared>>) target(%arg5 : memref<80x128xf32, #tpu.memory_space<vmem>>) target_semaphore(%arg19 : memref<!tpu.dma_semaphore, #tpu.memory_space<semaphore_mem>>)
    %add3A_380 = arith.constant 80 : i32
    %add3A_381 = arith.addi %mul3A_6, %add3A_380 : i32
    %dma_start3A_382 = arith.constant 0 : i32
    %dma_start3A_383 = tpu.memref_slice %arg4[%arg0, %add3A_381, %dma_start3A_382] : memref<2x10240x128xf32, #tpu.memory_space<hbm>> -> memref<1x80x128xf32, #tpu.memory_space<hbm>>
    %dma_start3A_384 = tpu.memref_squeeze %dma_start3A_383 : memref<1x80x128xf32, #tpu.memory_space<hbm>> -> memref<80x128xf32, #tpu.memory_space<hbm>>
    %dma_start3A_385 = arith.constant 0 : i32
    %dma_start3A_386 = tpu.memref_slice %arg4[%arg0, %add3A_381, %dma_start3A_385] : memref<2x10240x128xf32, #tpu.memory_space<hbm>> -> memref<1x80x128xf32, #tpu.memory_space<hbm>>
    %dma_start3A_387 = tpu.memref_squeeze %dma_start3A_386 : memref<1x80x128xf32, #tpu.memory_space<hbm>> -> memref<80x128xf32, #tpu.memory_space<hbm>>
    tpu.enqueue_dma source(%arg6 : memref<80x128xf32, #tpu.memory_space<vmem>>) target(%dma_start3A_387 : memref<80x128xf32, #tpu.memory_space<hbm>>) target_semaphore(%arg20 : memref<!tpu.dma_semaphore, #tpu.memory_space<semaphore_mem>>)
    %dma_wait3A_388 = arith.constant 0 : i32
    %dma_wait3A_389 = arith.constant 0 : i32
    %dma_wait3A_390 = tpu.memref_slice %arg2[%dma_wait3A_388, %dma_wait3A_389] : memref<10000x128xf32, #tpu.memory_space<hbm>> -> memref<80x128xf32, #tpu.memory_space<hbm>>
    %dma_wait3A_391 = arith.constant 0 : i32
    %dma_wait3A_392 = arith.constant 0 : i32
    %dma_wait3A_393 = tpu.memref_slice %arg2[%dma_wait3A_391, %dma_wait3A_392] : memref<10000x128xf32, #tpu.memory_space<hbm>> -> memref<80x128xf32, #tpu.memory_space<hbm>>
    tpu.wait_dma2 semaphore(%arg20 : memref<!tpu.dma_semaphore, #tpu.memory_space<semaphore_mem>>) src(%dma_wait3A_393 : memref<80x128xf32, #tpu.memory_space<hbm>>) dst(%arg6 : memref<80x128xf32, #tpu.memory_space<vmem>>)
    %dma_wait3A_394 = arith.constant 0 : i32
    %dma_wait3A_395 = arith.constant 0 : i32
    %dma_wait3A_396 = tpu.memref_slice %arg2[%dma_wait3A_394, %dma_wait3A_395] : memref<10000x128xf32, #tpu.memory_space<hbm>> -> memref<80x128xf32, #tpu.memory_space<hbm>>
    %dma_wait3A_397 = arith.constant 0 : i32
    %dma_wait3A_398 = arith.constant 0 : i32
    %dma_wait3A_399 = tpu.memref_slice %arg2[%dma_wait3A_397, %dma_wait3A_398] : memref<10000x128xf32, #tpu.memory_space<hbm>> -> memref<80x128xf32, #tpu.memory_space<hbm>>
    tpu.wait_dma2 semaphore(%arg19 : memref<!tpu.dma_semaphore, #tpu.memory_space<semaphore_mem>>) src(%dma_wait3A_399 : memref<80x128xf32, #tpu.memory_space<hbm>>) dst(%arg5 : memref<80x128xf32, #tpu.memory_space<vmem>>)
    %add3A_400 = arith.constant 240 : i32
    %add3A_401 = arith.addi %mul3A_6, %add3A_400 : i32
    %dma_start3A_402 = arith.constant 0 : i32
    %dma_start3A_403 = tpu.memref_slice %arg17[%add3A_401, %dma_start3A_402] : memref<10240x128xf32, #tpu.memory_space<vmem_shared>> -> memref<80x128xf32, #tpu.memory_space<vmem_shared>>
    %dma_start3A_404 = arith.constant 0 : i32
    %dma_start3A_405 = tpu.memref_slice %arg17[%add3A_401, %dma_start3A_404] : memref<10240x128xf32, #tpu.memory_space<vmem_shared>> -> memref<80x128xf32, #tpu.memory_space<vmem_shared>>
    tpu.enqueue_dma source(%dma_start3A_405 : memref<80x128xf32, #tpu.memory_space<vmem_shared>>) target(%arg6 : memref<80x128xf32, #tpu.memory_space<vmem>>) target_semaphore(%arg19 : memref<!tpu.dma_semaphore, #tpu.memory_space<semaphore_mem>>)
    %add3A_406 = arith.constant 160 : i32
    %add3A_407 = arith.addi %mul3A_6, %add3A_406 : i32
    %dma_start3A_408 = arith.constant 0 : i32
    %dma_start3A_409 = tpu.memref_slice %arg4[%arg0, %add3A_407, %dma_start3A_408] : memref<2x10240x128xf32, #tpu.memory_space<hbm>> -> memref<1x80x128xf32, #tpu.memory_space<hbm>>
    %dma_start3A_410 = tpu.memref_squeeze %dma_start3A_409 : memref<1x80x128xf32, #tpu.memory_space<hbm>> -> memref<80x128xf32, #tpu.memory_space<hbm>>
    %dma_start3A_411 = arith.constant 0 : i32
    %dma_start3A_412 = tpu.memref_slice %arg4[%arg0, %add3A_407, %dma_start3A_411] : memref<2x10240x128xf32, #tpu.memory_space<hbm>> -> memref<1x80x128xf32, #tpu.memory_space<hbm>>
    %dma_start3A_413 = tpu.memref_squeeze %dma_start3A_412 : memref<1x80x128xf32, #tpu.memory_space<hbm>> -> memref<80x128xf32, #tpu.memory_space<hbm>>
    tpu.enqueue_dma source(%arg5 : memref<80x128xf32, #tpu.memory_space<vmem>>) target(%dma_start3A_413 : memref<80x128xf32, #tpu.memory_space<hbm>>) target_semaphore(%arg20 : memref<!tpu.dma_semaphore, #tpu.memory_space<semaphore_mem>>)
    %dma_wait3A_414 = arith.constant 0 : i32
    %dma_wait3A_415 = arith.constant 0 : i32
    %dma_wait3A_416 = tpu.memref_slice %arg2[%dma_wait3A_414, %dma_wait3A_415] : memref<10000x128xf32, #tpu.memory_space<hbm>> -> memref<80x128xf32, #tpu.memory_space<hbm>>
    %dma_wait3A_417 = arith.constant 0 : i32
    %dma_wait3A_418 = arith.constant 0 : i32
    %dma_wait3A_419 = tpu.memref_slice %arg2[%dma_wait3A_417, %dma_wait3A_418] : memref<10000x128xf32, #tpu.memory_space<hbm>> -> memref<80x128xf32, #tpu.memory_space<hbm>>
    tpu.wait_dma2 semaphore(%arg20 : memref<!tpu.dma_semaphore, #tpu.memory_space<semaphore_mem>>) src(%dma_wait3A_419 : memref<80x128xf32, #tpu.memory_space<hbm>>) dst(%arg5 : memref<80x128xf32, #tpu.memory_space<vmem>>)
    %dma_wait3A_420 = arith.constant 0 : i32
    %dma_wait3A_421 = arith.constant 0 : i32
    %dma_wait3A_422 = tpu.memref_slice %arg2[%dma_wait3A_420, %dma_wait3A_421] : memref<10000x128xf32, #tpu.memory_space<hbm>> -> memref<80x128xf32, #tpu.memory_space<hbm>>
    %dma_wait3A_423 = arith.constant 0 : i32
    %dma_wait3A_424 = arith.constant 0 : i32
    %dma_wait3A_425 = tpu.memref_slice %arg2[%dma_wait3A_423, %dma_wait3A_424] : memref<10000x128xf32, #tpu.memory_space<hbm>> -> memref<80x128xf32, #tpu.memory_space<hbm>>
    tpu.wait_dma2 semaphore(%arg19 : memref<!tpu.dma_semaphore, #tpu.memory_space<semaphore_mem>>) src(%dma_wait3A_425 : memref<80x128xf32, #tpu.memory_space<hbm>>) dst(%arg6 : memref<80x128xf32, #tpu.memory_space<vmem>>)
    %add3A_426 = arith.constant 320 : i32
    %add3A_427 = arith.addi %mul3A_6, %add3A_426 : i32
    %dma_start3A_428 = arith.constant 0 : i32
    %dma_start3A_429 = tpu.memref_slice %arg17[%add3A_427, %dma_start3A_428] : memref<10240x128xf32, #tpu.memory_space<vmem_shared>> -> memref<80x128xf32, #tpu.memory_space<vmem_shared>>
    %dma_start3A_430 = arith.constant 0 : i32
    %dma_start3A_431 = tpu.memref_slice %arg17[%add3A_427, %dma_start3A_430] : memref<10240x128xf32, #tpu.memory_space<vmem_shared>> -> memref<80x128xf32, #tpu.memory_space<vmem_shared>>
    tpu.enqueue_dma source(%dma_start3A_431 : memref<80x128xf32, #tpu.memory_space<vmem_shared>>) target(%arg5 : memref<80x128xf32, #tpu.memory_space<vmem>>) target_semaphore(%arg19 : memref<!tpu.dma_semaphore, #tpu.memory_space<semaphore_mem>>)
    %add3A_432 = arith.constant 240 : i32
    %add3A_433 = arith.addi %mul3A_6, %add3A_432 : i32
    %dma_start3A_434 = arith.constant 0 : i32
    %dma_start3A_435 = tpu.memref_slice %arg4[%arg0, %add3A_433, %dma_start3A_434] : memref<2x10240x128xf32, #tpu.memory_space<hbm>> -> memref<1x80x128xf32, #tpu.memory_space<hbm>>
    %dma_start3A_436 = tpu.memref_squeeze %dma_start3A_435 : memref<1x80x128xf32, #tpu.memory_space<hbm>> -> memref<80x128xf32, #tpu.memory_space<hbm>>
    %dma_start3A_437 = arith.constant 0 : i32
    %dma_start3A_438 = tpu.memref_slice %arg4[%arg0, %add3A_433, %dma_start3A_437] : memref<2x10240x128xf32, #tpu.memory_space<hbm>> -> memref<1x80x128xf32, #tpu.memory_space<hbm>>
    %dma_start3A_439 = tpu.memref_squeeze %dma_start3A_438 : memref<1x80x128xf32, #tpu.memory_space<hbm>> -> memref<80x128xf32, #tpu.memory_space<hbm>>
    tpu.enqueue_dma source(%arg6 : memref<80x128xf32, #tpu.memory_space<vmem>>) target(%dma_start3A_439 : memref<80x128xf32, #tpu.memory_space<hbm>>) target_semaphore(%arg20 : memref<!tpu.dma_semaphore, #tpu.memory_space<semaphore_mem>>)
    %dma_wait3A_440 = arith.constant 0 : i32
    %dma_wait3A_441 = arith.constant 0 : i32
    %dma_wait3A_442 = tpu.memref_slice %arg2[%dma_wait3A_440, %dma_wait3A_441] : memref<10000x128xf32, #tpu.memory_space<hbm>> -> memref<80x128xf32, #tpu.memory_space<hbm>>
    %dma_wait3A_443 = arith.constant 0 : i32
    %dma_wait3A_444 = arith.constant 0 : i32
    %dma_wait3A_445 = tpu.memref_slice %arg2[%dma_wait3A_443, %dma_wait3A_444] : memref<10000x128xf32, #tpu.memory_space<hbm>> -> memref<80x128xf32, #tpu.memory_space<hbm>>
    tpu.wait_dma2 semaphore(%arg20 : memref<!tpu.dma_semaphore, #tpu.memory_space<semaphore_mem>>) src(%dma_wait3A_445 : memref<80x128xf32, #tpu.memory_space<hbm>>) dst(%arg6 : memref<80x128xf32, #tpu.memory_space<vmem>>)
    %dma_wait3A_446 = arith.constant 0 : i32
    %dma_wait3A_447 = arith.constant 0 : i32
    %dma_wait3A_448 = tpu.memref_slice %arg2[%dma_wait3A_446, %dma_wait3A_447] : memref<10000x128xf32, #tpu.memory_space<hbm>> -> memref<80x128xf32, #tpu.memory_space<hbm>>
    %dma_wait3A_449 = arith.constant 0 : i32
    %dma_wait3A_450 = arith.constant 0 : i32
    %dma_wait3A_451 = tpu.memref_slice %arg2[%dma_wait3A_449, %dma_wait3A_450] : memref<10000x128xf32, #tpu.memory_space<hbm>> -> memref<80x128xf32, #tpu.memory_space<hbm>>
    tpu.wait_dma2 semaphore(%arg19 : memref<!tpu.dma_semaphore, #tpu.memory_space<semaphore_mem>>) src(%dma_wait3A_451 : memref<80x128xf32, #tpu.memory_space<hbm>>) dst(%arg5 : memref<80x128xf32, #tpu.memory_space<vmem>>)
    %add3A_452 = arith.constant 400 : i32
    %add3A_453 = arith.addi %mul3A_6, %add3A_452 : i32
    %dma_start3A_454 = arith.constant 0 : i32
    %dma_start3A_455 = tpu.memref_slice %arg17[%add3A_453, %dma_start3A_454] : memref<10240x128xf32, #tpu.memory_space<vmem_shared>> -> memref<80x128xf32, #tpu.memory_space<vmem_shared>>
    %dma_start3A_456 = arith.constant 0 : i32
    %dma_start3A_457 = tpu.memref_slice %arg17[%add3A_453, %dma_start3A_456] : memref<10240x128xf32, #tpu.memory_space<vmem_shared>> -> memref<80x128xf32, #tpu.memory_space<vmem_shared>>
    tpu.enqueue_dma source(%dma_start3A_457 : memref<80x128xf32, #tpu.memory_space<vmem_shared>>) target(%arg6 : memref<80x128xf32, #tpu.memory_space<vmem>>) target_semaphore(%arg19 : memref<!tpu.dma_semaphore, #tpu.memory_space<semaphore_mem>>)
    %add3A_458 = arith.constant 320 : i32
    %add3A_459 = arith.addi %mul3A_6, %add3A_458 : i32
    %dma_start3A_460 = arith.constant 0 : i32
    %dma_start3A_461 = tpu.memref_slice %arg4[%arg0, %add3A_459, %dma_start3A_460] : memref<2x10240x128xf32, #tpu.memory_space<hbm>> -> memref<1x80x128xf32, #tpu.memory_space<hbm>>
    %dma_start3A_462 = tpu.memref_squeeze %dma_start3A_461 : memref<1x80x128xf32, #tpu.memory_space<hbm>> -> memref<80x128xf32, #tpu.memory_space<hbm>>
    %dma_start3A_463 = arith.constant 0 : i32
    %dma_start3A_464 = tpu.memref_slice %arg4[%arg0, %add3A_459, %dma_start3A_463] : memref<2x10240x128xf32, #tpu.memory_space<hbm>> -> memref<1x80x128xf32, #tpu.memory_space<hbm>>
    %dma_start3A_465 = tpu.memref_squeeze %dma_start3A_464 : memref<1x80x128xf32, #tpu.memory_space<hbm>> -> memref<80x128xf32, #tpu.memory_space<hbm>>
    tpu.enqueue_dma source(%arg5 : memref<80x128xf32, #tpu.memory_space<vmem>>) target(%dma_start3A_465 : memref<80x128xf32, #tpu.memory_space<hbm>>) target_semaphore(%arg20 : memref<!tpu.dma_semaphore, #tpu.memory_space<semaphore_mem>>)
    %dma_wait3A_466 = arith.constant 0 : i32
    %dma_wait3A_467 = arith.constant 0 : i32
    %dma_wait3A_468 = tpu.memref_slice %arg2[%dma_wait3A_466, %dma_wait3A_467] : memref<10000x128xf32, #tpu.memory_space<hbm>> -> memref<80x128xf32, #tpu.memory_space<hbm>>
    %dma_wait3A_469 = arith.constant 0 : i32
    %dma_wait3A_470 = arith.constant 0 : i32
    %dma_wait3A_471 = tpu.memref_slice %arg2[%dma_wait3A_469, %dma_wait3A_470] : memref<10000x128xf32, #tpu.memory_space<hbm>> -> memref<80x128xf32, #tpu.memory_space<hbm>>
    tpu.wait_dma2 semaphore(%arg20 : memref<!tpu.dma_semaphore, #tpu.memory_space<semaphore_mem>>) src(%dma_wait3A_471 : memref<80x128xf32, #tpu.memory_space<hbm>>) dst(%arg5 : memref<80x128xf32, #tpu.memory_space<vmem>>)
    %dma_wait3A_472 = arith.constant 0 : i32
    %dma_wait3A_473 = arith.constant 0 : i32
    %dma_wait3A_474 = tpu.memref_slice %arg2[%dma_wait3A_472, %dma_wait3A_473] : memref<10000x128xf32, #tpu.memory_space<hbm>> -> memref<80x128xf32, #tpu.memory_space<hbm>>
    %dma_wait3A_475 = arith.constant 0 : i32
    %dma_wait3A_476 = arith.constant 0 : i32
    %dma_wait3A_477 = tpu.memref_slice %arg2[%dma_wait3A_475, %dma_wait3A_476] : memref<10000x128xf32, #tpu.memory_space<hbm>> -> memref<80x128xf32, #tpu.memory_space<hbm>>
    tpu.wait_dma2 semaphore(%arg19 : memref<!tpu.dma_semaphore, #tpu.memory_space<semaphore_mem>>) src(%dma_wait3A_477 : memref<80x128xf32, #tpu.memory_space<hbm>>) dst(%arg6 : memref<80x128xf32, #tpu.memory_space<vmem>>)
    %add3A_478 = arith.constant 480 : i32
    %add3A_479 = arith.addi %mul3A_6, %add3A_478 : i32
    %dma_start3A_480 = arith.constant 0 : i32
    %dma_start3A_481 = tpu.memref_slice %arg17[%add3A_479, %dma_start3A_480] : memref<10240x128xf32, #tpu.memory_space<vmem_shared>> -> memref<80x128xf32, #tpu.memory_space<vmem_shared>>
    %dma_start3A_482 = arith.constant 0 : i32
    %dma_start3A_483 = tpu.memref_slice %arg17[%add3A_479, %dma_start3A_482] : memref<10240x128xf32, #tpu.memory_space<vmem_shared>> -> memref<80x128xf32, #tpu.memory_space<vmem_shared>>
    tpu.enqueue_dma source(%dma_start3A_483 : memref<80x128xf32, #tpu.memory_space<vmem_shared>>) target(%arg5 : memref<80x128xf32, #tpu.memory_space<vmem>>) target_semaphore(%arg19 : memref<!tpu.dma_semaphore, #tpu.memory_space<semaphore_mem>>)
    %add3A_484 = arith.constant 400 : i32
    %add3A_485 = arith.addi %mul3A_6, %add3A_484 : i32
    %dma_start3A_486 = arith.constant 0 : i32
    %dma_start3A_487 = tpu.memref_slice %arg4[%arg0, %add3A_485, %dma_start3A_486] : memref<2x10240x128xf32, #tpu.memory_space<hbm>> -> memref<1x80x128xf32, #tpu.memory_space<hbm>>
    %dma_start3A_488 = tpu.memref_squeeze %dma_start3A_487 : memref<1x80x128xf32, #tpu.memory_space<hbm>> -> memref<80x128xf32, #tpu.memory_space<hbm>>
    %dma_start3A_489 = arith.constant 0 : i32
    %dma_start3A_490 = tpu.memref_slice %arg4[%arg0, %add3A_485, %dma_start3A_489] : memref<2x10240x128xf32, #tpu.memory_space<hbm>> -> memref<1x80x128xf32, #tpu.memory_space<hbm>>
    %dma_start3A_491 = tpu.memref_squeeze %dma_start3A_490 : memref<1x80x128xf32, #tpu.memory_space<hbm>> -> memref<80x128xf32, #tpu.memory_space<hbm>>
    tpu.enqueue_dma source(%arg6 : memref<80x128xf32, #tpu.memory_space<vmem>>) target(%dma_start3A_491 : memref<80x128xf32, #tpu.memory_space<hbm>>) target_semaphore(%arg20 : memref<!tpu.dma_semaphore, #tpu.memory_space<semaphore_mem>>)
    %dma_wait3A_492 = arith.constant 0 : i32
    %dma_wait3A_493 = arith.constant 0 : i32
    %dma_wait3A_494 = tpu.memref_slice %arg2[%dma_wait3A_492, %dma_wait3A_493] : memref<10000x128xf32, #tpu.memory_space<hbm>> -> memref<80x128xf32, #tpu.memory_space<hbm>>
    %dma_wait3A_495 = arith.constant 0 : i32
    %dma_wait3A_496 = arith.constant 0 : i32
    %dma_wait3A_497 = tpu.memref_slice %arg2[%dma_wait3A_495, %dma_wait3A_496] : memref<10000x128xf32, #tpu.memory_space<hbm>> -> memref<80x128xf32, #tpu.memory_space<hbm>>
    tpu.wait_dma2 semaphore(%arg20 : memref<!tpu.dma_semaphore, #tpu.memory_space<semaphore_mem>>) src(%dma_wait3A_497 : memref<80x128xf32, #tpu.memory_space<hbm>>) dst(%arg6 : memref<80x128xf32, #tpu.memory_space<vmem>>)
    %dma_wait3A_498 = arith.constant 0 : i32
    %dma_wait3A_499 = arith.constant 0 : i32
    %dma_wait3A_500 = tpu.memref_slice %arg2[%dma_wait3A_498, %dma_wait3A_499] : memref<10000x128xf32, #tpu.memory_space<hbm>> -> memref<80x128xf32, #tpu.memory_space<hbm>>
    %dma_wait3A_501 = arith.constant 0 : i32
    %dma_wait3A_502 = arith.constant 0 : i32
    %dma_wait3A_503 = tpu.memref_slice %arg2[%dma_wait3A_501, %dma_wait3A_502] : memref<10000x128xf32, #tpu.memory_space<hbm>> -> memref<80x128xf32, #tpu.memory_space<hbm>>
    tpu.wait_dma2 semaphore(%arg19 : memref<!tpu.dma_semaphore, #tpu.memory_space<semaphore_mem>>) src(%dma_wait3A_503 : memref<80x128xf32, #tpu.memory_space<hbm>>) dst(%arg5 : memref<80x128xf32, #tpu.memory_space<vmem>>)
    %add3A_504 = arith.constant 560 : i32
    %add3A_505 = arith.addi %mul3A_6, %add3A_504 : i32
    %dma_start3A_506 = arith.constant 0 : i32
    %dma_start3A_507 = tpu.memref_slice %arg17[%add3A_505, %dma_start3A_506] : memref<10240x128xf32, #tpu.memory_space<vmem_shared>> -> memref<80x128xf32, #tpu.memory_space<vmem_shared>>
    %dma_start3A_508 = arith.constant 0 : i32
    %dma_start3A_509 = tpu.memref_slice %arg17[%add3A_505, %dma_start3A_508] : memref<10240x128xf32, #tpu.memory_space<vmem_shared>> -> memref<80x128xf32, #tpu.memory_space<vmem_shared>>
    tpu.enqueue_dma source(%dma_start3A_509 : memref<80x128xf32, #tpu.memory_space<vmem_shared>>) target(%arg6 : memref<80x128xf32, #tpu.memory_space<vmem>>) target_semaphore(%arg19 : memref<!tpu.dma_semaphore, #tpu.memory_space<semaphore_mem>>)
    %add3A_510 = arith.constant 480 : i32
    %add3A_511 = arith.addi %mul3A_6, %add3A_510 : i32
    %dma_start3A_512 = arith.constant 0 : i32
    %dma_start3A_513 = tpu.memref_slice %arg4[%arg0, %add3A_511, %dma_start3A_512] : memref<2x10240x128xf32, #tpu.memory_space<hbm>> -> memref<1x80x128xf32, #tpu.memory_space<hbm>>
    %dma_start3A_514 = tpu.memref_squeeze %dma_start3A_513 : memref<1x80x128xf32, #tpu.memory_space<hbm>> -> memref<80x128xf32, #tpu.memory_space<hbm>>
    %dma_start3A_515 = arith.constant 0 : i32
    %dma_start3A_516 = tpu.memref_slice %arg4[%arg0, %add3A_511, %dma_start3A_515] : memref<2x10240x128xf32, #tpu.memory_space<hbm>> -> memref<1x80x128xf32, #tpu.memory_space<hbm>>
    %dma_start3A_517 = tpu.memref_squeeze %dma_start3A_516 : memref<1x80x128xf32, #tpu.memory_space<hbm>> -> memref<80x128xf32, #tpu.memory_space<hbm>>
    tpu.enqueue_dma source(%arg5 : memref<80x128xf32, #tpu.memory_space<vmem>>) target(%dma_start3A_517 : memref<80x128xf32, #tpu.memory_space<hbm>>) target_semaphore(%arg20 : memref<!tpu.dma_semaphore, #tpu.memory_space<semaphore_mem>>)
    %dma_wait3A_518 = arith.constant 0 : i32
    %dma_wait3A_519 = arith.constant 0 : i32
    %dma_wait3A_520 = tpu.memref_slice %arg2[%dma_wait3A_518, %dma_wait3A_519] : memref<10000x128xf32, #tpu.memory_space<hbm>> -> memref<80x128xf32, #tpu.memory_space<hbm>>
    %dma_wait3A_521 = arith.constant 0 : i32
    %dma_wait3A_522 = arith.constant 0 : i32
    %dma_wait3A_523 = tpu.memref_slice %arg2[%dma_wait3A_521, %dma_wait3A_522] : memref<10000x128xf32, #tpu.memory_space<hbm>> -> memref<80x128xf32, #tpu.memory_space<hbm>>
    tpu.wait_dma2 semaphore(%arg20 : memref<!tpu.dma_semaphore, #tpu.memory_space<semaphore_mem>>) src(%dma_wait3A_523 : memref<80x128xf32, #tpu.memory_space<hbm>>) dst(%arg5 : memref<80x128xf32, #tpu.memory_space<vmem>>)
    %dma_wait3A_524 = arith.constant 0 : i32
    %dma_wait3A_525 = arith.constant 0 : i32
    %dma_wait3A_526 = tpu.memref_slice %arg2[%dma_wait3A_524, %dma_wait3A_525] : memref<10000x128xf32, #tpu.memory_space<hbm>> -> memref<80x128xf32, #tpu.memory_space<hbm>>
    %dma_wait3A_527 = arith.constant 0 : i32
    %dma_wait3A_528 = arith.constant 0 : i32
    %dma_wait3A_529 = tpu.memref_slice %arg2[%dma_wait3A_527, %dma_wait3A_528] : memref<10000x128xf32, #tpu.memory_space<hbm>> -> memref<80x128xf32, #tpu.memory_space<hbm>>
    tpu.wait_dma2 semaphore(%arg19 : memref<!tpu.dma_semaphore, #tpu.memory_space<semaphore_mem>>) src(%dma_wait3A_529 : memref<80x128xf32, #tpu.memory_space<hbm>>) dst(%arg6 : memref<80x128xf32, #tpu.memory_space<vmem>>)
    %add3A_530 = arith.constant 560 : i32
    %add3A_531 = arith.addi %mul3A_6, %add3A_530 : i32
    %dma_start3A_532 = arith.constant 0 : i32
    %dma_start3A_533 = tpu.memref_slice %arg4[%arg0, %add3A_531, %dma_start3A_532] : memref<2x10240x128xf32, #tpu.memory_space<hbm>> -> memref<1x80x128xf32, #tpu.memory_space<hbm>>
    %dma_start3A_534 = tpu.memref_squeeze %dma_start3A_533 : memref<1x80x128xf32, #tpu.memory_space<hbm>> -> memref<80x128xf32, #tpu.memory_space<hbm>>
    %dma_start3A_535 = arith.constant 0 : i32
    %dma_start3A_536 = tpu.memref_slice %arg4[%arg0, %add3A_531, %dma_start3A_535] : memref<2x10240x128xf32, #tpu.memory_space<hbm>> -> memref<1x80x128xf32, #tpu.memory_space<hbm>>
    %dma_start3A_537 = tpu.memref_squeeze %dma_start3A_536 : memref<1x80x128xf32, #tpu.memory_space<hbm>> -> memref<80x128xf32, #tpu.memory_space<hbm>>
    tpu.enqueue_dma source(%arg6 : memref<80x128xf32, #tpu.memory_space<vmem>>) target(%dma_start3A_537 : memref<80x128xf32, #tpu.memory_space<hbm>>) target_semaphore(%arg20 : memref<!tpu.dma_semaphore, #tpu.memory_space<semaphore_mem>>)
    %dma_wait3A_538 = arith.constant 0 : i32
    %dma_wait3A_539 = arith.constant 0 : i32
    %dma_wait3A_540 = tpu.memref_slice %arg2[%dma_wait3A_538, %dma_wait3A_539] : memref<10000x128xf32, #tpu.memory_space<hbm>> -> memref<80x128xf32, #tpu.memory_space<hbm>>
    %dma_wait3A_541 = arith.constant 0 : i32
    %dma_wait3A_542 = arith.constant 0 : i32
    %dma_wait3A_543 = tpu.memref_slice %arg2[%dma_wait3A_541, %dma_wait3A_542] : memref<10000x128xf32, #tpu.memory_space<hbm>> -> memref<80x128xf32, #tpu.memory_space<hbm>>
    tpu.wait_dma2 semaphore(%arg20 : memref<!tpu.dma_semaphore, #tpu.memory_space<semaphore_mem>>) src(%dma_wait3A_543 : memref<80x128xf32, #tpu.memory_space<hbm>>) dst(%arg6 : memref<80x128xf32, #tpu.memory_space<vmem>>)
    %dma_wait3A_544 = arith.constant 0 : i32
    %dma_wait3A_545 = arith.constant 0 : i32
    %dma_wait3A_546 = tpu.memref_slice %arg2[%dma_wait3A_544, %dma_wait3A_545] : memref<10000x128xf32, #tpu.memory_space<hbm>> -> memref<80x128xf32, #tpu.memory_space<hbm>>
    %dma_wait3A_547 = arith.constant 0 : i32
    %dma_wait3A_548 = arith.constant 0 : i32
    %dma_wait3A_549 = tpu.memref_slice %arg2[%dma_wait3A_547, %dma_wait3A_548] : memref<10000x128xf32, #tpu.memory_space<hbm>> -> memref<80x128xf32, #tpu.memory_space<hbm>>
    tpu.wait_dma2 semaphore(%arg20 : memref<!tpu.dma_semaphore, #tpu.memory_space<semaphore_mem>>) src(%dma_wait3A_549 : memref<80x128xf32, #tpu.memory_space<hbm>>) dst(%arg5 : memref<80x128xf32, #tpu.memory_space<vmem>>)
    return
  }
}

#map = affine_map<(d0, d1) -> (0, 0)>
#map1 = affine_map<(d0, d1) -> (0, 0, 0, 0)>
#map2 = affine_map<(d0, d1) -> (0, 0, 0)>
module attributes {stable_mosaic.version = 14 : i64} {
  func.func @agg_k(%arg0: i32, %arg1: i32, %arg2: memref<10000x128xf32, #tpu.memory_space<hbm>>, %arg3: memref<32x125x2x80xi32, #tpu.memory_space<hbm>>, %arg4: memref<2x10240x128xf32, #tpu.memory_space<hbm>>, %arg5: memref<80x128xf32, #tpu.memory_space<vmem>>, %arg6: memref<80x128xf32, #tpu.memory_space<vmem>>, %arg7: memref<80x128xf32, #tpu.memory_space<vmem>>, %arg8: memref<80x128xf32, #tpu.memory_space<vmem>>, %arg9: memref<2x80xi32, #tpu.memory_space<vmem>>, %arg10: memref<2x80xi32, #tpu.memory_space<vmem>>, %arg11: memref<2x80xi32, #tpu.memory_space<vmem>>, %arg12: memref<2x80xi32, #tpu.memory_space<vmem>>, %arg13: memref<2x80xi32, #tpu.memory_space<vmem>>, %arg14: memref<2x80xi32, #tpu.memory_space<vmem>>, %arg15: memref<2x80xi32, #tpu.memory_space<vmem>>, %arg16: memref<2x80xi32, #tpu.memory_space<vmem>>, %arg17: memref<10240x128xf32, #tpu.memory_space<vmem_shared>>, %arg18: memref<!tpu.dma_semaphore, #tpu.memory_space<semaphore_mem>>, %arg19: memref<!tpu.dma_semaphore, #tpu.memory_space<semaphore_mem>>, %arg20: memref<!tpu.dma_semaphore, #tpu.memory_space<semaphore_mem>>) attributes {dimension_semantics = [#tpu.dimension_semantics<core_parallel>, #tpu.dimension_semantics<subcore_parallel>], iteration_bounds = array<i64: 2, 16>, scalar_prefetch = 0 : i64, scratch_operands = 16 : i64, tpu.core_type = #tpu.core_type<sc_vector_subcore>, window_params = [{transform_indices = #map}, {transform_indices = #map1}, {transform_indices = #map2}]} {
    %mul3A = arith.constant 16 : i32
    %mul3A_0 = arith.muli %arg0, %mul3A : i32
    %add3A = arith.addi %mul3A_0, %arg1 : i32
    %scan3A = arith.constant 0 : i32
    %scan3A_1 = arith.constant 80 : i32
    %scan3A_2 = arith.addi %scan3A, %scan3A_1 : i32
    %scan3A_3 = arith.constant 1 : i32
    scf.for %scan3A_550 = %scan3A to %scan3A_2 step %scan3A_3  : i32 {
      %broadcast_in_dim3A = arith.constant 0.000000e+00 : f32
      %broadcast_in_dim3A_551 = vector.broadcast %broadcast_in_dim3A : f32 to vector<16xf32>
      %swap3A = arith.index_cast %scan3A_550 : i32 to index
      %swap3A_552 = arith.constant 0 : index
      %swap3A_553 = tpu.vector_load %arg5[%swap3A, %swap3A_552] {strides = array<i32>} : memref<80x128xf32, #tpu.memory_space<vmem>>, vector<1x16xf32>,
      %swap3A_554 = vector.shape_cast %swap3A_553 : vector<1x16xf32> to vector<16xf32>
      %swap3A_555 = vector.shape_cast %broadcast_in_dim3A_551 : vector<16xf32> to vector<1x16xf32>
      tpu.vector_store %arg5[%swap3A, %swap3A_552], %swap3A_555 {strides = array<i32>} : memref<80x128xf32, #tpu.memory_space<vmem>>, vector<1x16xf32>,
      %broadcast_in_dim3A_556 = arith.constant 0.000000e+00 : f32
      %broadcast_in_dim3A_557 = vector.broadcast %broadcast_in_dim3A_556 : f32 to vector<16xf32>
      %swap3A_558 = arith.index_cast %scan3A_550 : i32 to index
      %swap3A_559 = arith.constant 16 : index
      %swap3A_560 = tpu.vector_load %arg5[%swap3A_558, %swap3A_559] {strides = array<i32>} : memref<80x128xf32, #tpu.memory_space<vmem>>, vector<1x16xf32>,
      %swap3A_561 = vector.shape_cast %swap3A_560 : vector<1x16xf32> to vector<16xf32>
      %swap3A_562 = vector.shape_cast %broadcast_in_dim3A_557 : vector<16xf32> to vector<1x16xf32>
      tpu.vector_store %arg5[%swap3A_558, %swap3A_559], %swap3A_562 {strides = array<i32>} : memref<80x128xf32, #tpu.memory_space<vmem>>, vector<1x16xf32>,
      %broadcast_in_dim3A_563 = arith.constant 0.000000e+00 : f32
      %broadcast_in_dim3A_564 = vector.broadcast %broadcast_in_dim3A_563 : f32 to vector<16xf32>
      %swap3A_565 = arith.index_cast %scan3A_550 : i32 to index
      %swap3A_566 = arith.constant 32 : index
      %swap3A_567 = tpu.vector_load %arg5[%swap3A_565, %swap3A_566] {strides = array<i32>} : memref<80x128xf32, #tpu.memory_space<vmem>>, vector<1x16xf32>,
      %swap3A_568 = vector.shape_cast %swap3A_567 : vector<1x16xf32> to vector<16xf32>
      %swap3A_569 = vector.shape_cast %broadcast_in_dim3A_564 : vector<16xf32> to vector<1x16xf32>
      tpu.vector_store %arg5[%swap3A_565, %swap3A_566], %swap3A_569 {strides = array<i32>} : memref<80x128xf32, #tpu.memory_space<vmem>>, vector<1x16xf32>,
      %broadcast_in_dim3A_570 = arith.constant 0.000000e+00 : f32
      %broadcast_in_dim3A_571 = vector.broadcast %broadcast_in_dim3A_570 : f32 to vector<16xf32>
      %swap3A_572 = arith.index_cast %scan3A_550 : i32 to index
      %swap3A_573 = arith.constant 48 : index
      %swap3A_574 = tpu.vector_load %arg5[%swap3A_572, %swap3A_573] {strides = array<i32>} : memref<80x128xf32, #tpu.memory_space<vmem>>, vector<1x16xf32>,
      %swap3A_575 = vector.shape_cast %swap3A_574 : vector<1x16xf32> to vector<16xf32>
      %swap3A_576 = vector.shape_cast %broadcast_in_dim3A_571 : vector<16xf32> to vector<1x16xf32>
      tpu.vector_store %arg5[%swap3A_572, %swap3A_573], %swap3A_576 {strides = array<i32>} : memref<80x128xf32, #tpu.memory_space<vmem>>, vector<1x16xf32>,
      %broadcast_in_dim3A_577 = arith.constant 0.000000e+00 : f32
      %broadcast_in_dim3A_578 = vector.broadcast %broadcast_in_dim3A_577 : f32 to vector<16xf32>
      %swap3A_579 = arith.index_cast %scan3A_550 : i32 to index
      %swap3A_580 = arith.constant 64 : index
      %swap3A_581 = tpu.vector_load %arg5[%swap3A_579, %swap3A_580] {strides = array<i32>} : memref<80x128xf32, #tpu.memory_space<vmem>>, vector<1x16xf32>,
      %swap3A_582 = vector.shape_cast %swap3A_581 : vector<1x16xf32> to vector<16xf32>
      %swap3A_583 = vector.shape_cast %broadcast_in_dim3A_578 : vector<16xf32> to vector<1x16xf32>
      tpu.vector_store %arg5[%swap3A_579, %swap3A_580], %swap3A_583 {strides = array<i32>} : memref<80x128xf32, #tpu.memory_space<vmem>>, vector<1x16xf32>,
      %broadcast_in_dim3A_584 = arith.constant 0.000000e+00 : f32
      %broadcast_in_dim3A_585 = vector.broadcast %broadcast_in_dim3A_584 : f32 to vector<16xf32>
      %swap3A_586 = arith.index_cast %scan3A_550 : i32 to index
      %swap3A_587 = arith.constant 80 : index
      %swap3A_588 = tpu.vector_load %arg5[%swap3A_586, %swap3A_587] {strides = array<i32>} : memref<80x128xf32, #tpu.memory_space<vmem>>, vector<1x16xf32>,
      %swap3A_589 = vector.shape_cast %swap3A_588 : vector<1x16xf32> to vector<16xf32>
      %swap3A_590 = vector.shape_cast %broadcast_in_dim3A_585 : vector<16xf32> to vector<1x16xf32>
      tpu.vector_store %arg5[%swap3A_586, %swap3A_587], %swap3A_590 {strides = array<i32>} : memref<80x128xf32, #tpu.memory_space<vmem>>, vector<1x16xf32>,
      %broadcast_in_dim3A_591 = arith.constant 0.000000e+00 : f32
      %broadcast_in_dim3A_592 = vector.broadcast %broadcast_in_dim3A_591 : f32 to vector<16xf32>
      %swap3A_593 = arith.index_cast %scan3A_550 : i32 to index
      %swap3A_594 = arith.constant 96 : index
      %swap3A_595 = tpu.vector_load %arg5[%swap3A_593, %swap3A_594] {strides = array<i32>} : memref<80x128xf32, #tpu.memory_space<vmem>>, vector<1x16xf32>,
      %swap3A_596 = vector.shape_cast %swap3A_595 : vector<1x16xf32> to vector<16xf32>
      %swap3A_597 = vector.shape_cast %broadcast_in_dim3A_592 : vector<16xf32> to vector<1x16xf32>
      tpu.vector_store %arg5[%swap3A_593, %swap3A_594], %swap3A_597 {strides = array<i32>} : memref<80x128xf32, #tpu.memory_space<vmem>>, vector<1x16xf32>,
      %broadcast_in_dim3A_598 = arith.constant 0.000000e+00 : f32
      %broadcast_in_dim3A_599 = vector.broadcast %broadcast_in_dim3A_598 : f32 to vector<16xf32>
      %swap3A_600 = arith.index_cast %scan3A_550 : i32 to index
      %swap3A_601 = arith.constant 112 : index
      %swap3A_602 = tpu.vector_load %arg5[%swap3A_600, %swap3A_601] {strides = array<i32>} : memref<80x128xf32, #tpu.memory_space<vmem>>, vector<1x16xf32>,
      %swap3A_603 = vector.shape_cast %swap3A_602 : vector<1x16xf32> to vector<16xf32>
      %swap3A_604 = vector.shape_cast %broadcast_in_dim3A_599 : vector<16xf32> to vector<1x16xf32>
      tpu.vector_store %arg5[%swap3A_600, %swap3A_601], %swap3A_604 {strides = array<i32>} : memref<80x128xf32, #tpu.memory_space<vmem>>, vector<1x16xf32>,
    }
    %scan3A_4 = arith.constant 80 : i32
    %mul3A_5 = arith.constant 640 : i32
    %mul3A_6 = arith.muli %arg1, %mul3A_5 : i32
    %add3A_7 = arith.constant 0 : i32
    %add3A_8 = arith.addi %mul3A_6, %add3A_7 : i32
    %dma_start3A = arith.constant 0 : i32
    %dma_start3A_9 = tpu.memref_slice %arg17[%add3A_8, %dma_start3A] : memref<10240x128xf32, #tpu.memory_space<vmem_shared>> -> memref<80x128xf32, #tpu.memory_space<vmem_shared>>
    %dma_start3A_10 = arith.constant 0 : i32
    %dma_start3A_11 = tpu.memref_slice %arg17[%add3A_8, %dma_start3A_10] : memref<10240x128xf32, #tpu.memory_space<vmem_shared>> -> memref<80x128xf32, #tpu.memory_space<vmem_shared>>
    tpu.enqueue_dma source(%arg5 : memref<80x128xf32, #tpu.memory_space<vmem>>) target(%dma_start3A_11 : memref<80x128xf32, #tpu.memory_space<vmem_shared>>) target_semaphore(%arg20 : memref<!tpu.dma_semaphore, #tpu.memory_space<semaphore_mem>>)
    %add3A_12 = arith.constant 80 : i32
    %add3A_13 = arith.addi %mul3A_6, %add3A_12 : i32
    %dma_start3A_14 = arith.constant 0 : i32
    %dma_start3A_15 = tpu.memref_slice %arg17[%add3A_13, %dma_start3A_14] : memref<10240x128xf32, #tpu.memory_space<vmem_shared>> -> memref<80x128xf32, #tpu.memory_space<vmem_shared>>
    %dma_start3A_16 = arith.constant 0 : i32
    %dma_start3A_17 = tpu.memref_slice %arg17[%add3A_13, %dma_start3A_16] : memref<10240x128xf32, #tpu.memory_space<vmem_shared>> -> memref<80x128xf32, #tpu.memory_space<vmem_shared>>
    tpu.enqueue_dma source(%arg5 : memref<80x128xf32, #tpu.memory_space<vmem>>) target(%dma_start3A_17 : memref<80x128xf32, #tpu.memory_space<vmem_shared>>) target_semaphore(%arg20 : memref<!tpu.dma_semaphore, #tpu.memory_space<semaphore_mem>>)
    %add3A_18 = arith.constant 160 : i32
    %add3A_19 = arith.addi %mul3A_6, %add3A_18 : i32
    %dma_start3A_20 = arith.constant 0 : i32
    %dma_start3A_21 = tpu.memref_slice %arg17[%add3A_19, %dma_start3A_20] : memref<10240x128xf32, #tpu.memory_space<vmem_shared>> -> memref<80x128xf32, #tpu.memory_space<vmem_shared>>
    %dma_start3A_22 = arith.constant 0 : i32
    %dma_start3A_23 = tpu.memref_slice %arg17[%add3A_19, %dma_start3A_22] : memref<10240x128xf32, #tpu.memory_space<vmem_shared>> -> memref<80x128xf32, #tpu.memory_space<vmem_shared>>
    tpu.enqueue_dma source(%arg5 : memref<80x128xf32, #tpu.memory_space<vmem>>) target(%dma_start3A_23 : memref<80x128xf32, #tpu.memory_space<vmem_shared>>) target_semaphore(%arg20 : memref<!tpu.dma_semaphore, #tpu.memory_space<semaphore_mem>>)
    %add3A_24 = arith.constant 240 : i32
    %add3A_25 = arith.addi %mul3A_6, %add3A_24 : i32
    %dma_start3A_26 = arith.constant 0 : i32
    %dma_start3A_27 = tpu.memref_slice %arg17[%add3A_25, %dma_start3A_26] : memref<10240x128xf32, #tpu.memory_space<vmem_shared>> -> memref<80x128xf32, #tpu.memory_space<vmem_shared>>
    %dma_start3A_28 = arith.constant 0 : i32
    %dma_start3A_29 = tpu.memref_slice %arg17[%add3A_25, %dma_start3A_28] : memref<10240x128xf32, #tpu.memory_space<vmem_shared>> -> memref<80x128xf32, #tpu.memory_space<vmem_shared>>
    tpu.enqueue_dma source(%arg5 : memref<80x128xf32, #tpu.memory_space<vmem>>) target(%dma_start3A_29 : memref<80x128xf32, #tpu.memory_space<vmem_shared>>) target_semaphore(%arg20 : memref<!tpu.dma_semaphore, #tpu.memory_space<semaphore_mem>>)
    %add3A_30 = arith.constant 320 : i32
    %add3A_31 = arith.addi %mul3A_6, %add3A_30 : i32
    %dma_start3A_32 = arith.constant 0 : i32
    %dma_start3A_33 = tpu.memref_slice %arg17[%add3A_31, %dma_start3A_32] : memref<10240x128xf32, #tpu.memory_space<vmem_shared>> -> memref<80x128xf32, #tpu.memory_space<vmem_shared>>
    %dma_start3A_34 = arith.constant 0 : i32
    %dma_start3A_35 = tpu.memref_slice %arg17[%add3A_31, %dma_start3A_34] : memref<10240x128xf32, #tpu.memory_space<vmem_shared>> -> memref<80x128xf32, #tpu.memory_space<vmem_shared>>
    tpu.enqueue_dma source(%arg5 : memref<80x128xf32, #tpu.memory_space<vmem>>) target(%dma_start3A_35 : memref<80x128xf32, #tpu.memory_space<vmem_shared>>) target_semaphore(%arg20 : memref<!tpu.dma_semaphore, #tpu.memory_space<semaphore_mem>>)
    %add3A_36 = arith.constant 400 : i32
    %add3A_37 = arith.addi %mul3A_6, %add3A_36 : i32
    %dma_start3A_38 = arith.constant 0 : i32
    %dma_start3A_39 = tpu.memref_slice %arg17[%add3A_37, %dma_start3A_38] : memref<10240x128xf32, #tpu.memory_space<vmem_shared>> -> memref<80x128xf32, #tpu.memory_space<vmem_shared>>
    %dma_start3A_40 = arith.constant 0 : i32
    %dma_start3A_41 = tpu.memref_slice %arg17[%add3A_37, %dma_start3A_40] : memref<10240x128xf32, #tpu.memory_space<vmem_shared>> -> memref<80x128xf32, #tpu.memory_space<vmem_shared>>
    tpu.enqueue_dma source(%arg5 : memref<80x128xf32, #tpu.memory_space<vmem>>) target(%dma_start3A_41 : memref<80x128xf32, #tpu.memory_space<vmem_shared>>) target_semaphore(%arg20 : memref<!tpu.dma_semaphore, #tpu.memory_space<semaphore_mem>>)
    %add3A_42 = arith.constant 480 : i32
    %add3A_43 = arith.addi %mul3A_6, %add3A_42 : i32
    %dma_start3A_44 = arith.constant 0 : i32
    %dma_start3A_45 = tpu.memref_slice %arg17[%add3A_43, %dma_start3A_44] : memref<10240x128xf32, #tpu.memory_space<vmem_shared>> -> memref<80x128xf32, #tpu.memory_space<vmem_shared>>
    %dma_start3A_46 = arith.constant 0 : i32
    %dma_start3A_47 = tpu.memref_slice %arg17[%add3A_43, %dma_start3A_46] : memref<10240x128xf32, #tpu.memory_space<vmem_shared>> -> memref<80x128xf32, #tpu.memory_space<vmem_shared>>
    tpu.enqueue_dma source(%arg5 : memref<80x128xf32, #tpu.memory_space<vmem>>) target(%dma_start3A_47 : memref<80x128xf32, #tpu.memory_space<vmem_shared>>) target_semaphore(%arg20 : memref<!tpu.dma_semaphore, #tpu.memory_space<semaphore_mem>>)
    %add3A_48 = arith.constant 560 : i32
    %add3A_49 = arith.addi %mul3A_6, %add3A_48 : i32
    %dma_start3A_50 = arith.constant 0 : i32
    %dma_start3A_51 = tpu.memref_slice %arg17[%add3A_49, %dma_start3A_50] : memref<10240x128xf32, #tpu.memory_space<vmem_shared>> -> memref<80x128xf32, #tpu.memory_space<vmem_shared>>
    %dma_start3A_52 = arith.constant 0 : i32
    %dma_start3A_53 = tpu.memref_slice %arg17[%add3A_49, %dma_start3A_52] : memref<10240x128xf32, #tpu.memory_space<vmem_shared>> -> memref<80x128xf32, #tpu.memory_space<vmem_shared>>
    tpu.enqueue_dma source(%arg5 : memref<80x128xf32, #tpu.memory_space<vmem>>) target(%dma_start3A_53 : memref<80x128xf32, #tpu.memory_space<vmem_shared>>) target_semaphore(%arg20 : memref<!tpu.dma_semaphore, #tpu.memory_space<semaphore_mem>>)
    %dma_start3A_54 = arith.constant 0 : i32
    %dma_start3A_55 = arith.constant 0 : i32
    %dma_start3A_56 = arith.constant 0 : i32
    %dma_start3A_57 = tpu.memref_slice %arg3[%add3A, %dma_start3A_54, %dma_start3A_55, %dma_start3A_56] : memref<32x125x2x80xi32, #tpu.memory_space<hbm>> -> memref<1x1x2x80xi32, #tpu.memory_space<hbm>>
    %dma_start3A_58 = tpu.memref_squeeze %dma_start3A_57 : memref<1x1x2x80xi32, #tpu.memory_space<hbm>> -> memref<2x80xi32, #tpu.memory_space<hbm>>
    %dma_start3A_59 = arith.constant 0 : i32
    %dma_start3A_60 = arith.constant 0 : i32
    %dma_start3A_61 = tpu.memref_slice %arg3[%add3A, %dma_start3A_54, %dma_start3A_59, %dma_start3A_60] : memref<32x125x2x80xi32, #tpu.memory_space<hbm>> -> memref<1x1x2x80xi32, #tpu.memory_space<hbm>>
    %dma_start3A_62 = tpu.memref_squeeze %dma_start3A_61 : memref<1x1x2x80xi32, #tpu.memory_space<hbm>> -> memref<2x80xi32, #tpu.memory_space<hbm>>
    tpu.enqueue_dma source(%dma_start3A_62 : memref<2x80xi32, #tpu.memory_space<hbm>>) target(%arg9 : memref<2x80xi32, #tpu.memory_space<vmem>>) target_semaphore(%arg18 : memref<!tpu.dma_semaphore, #tpu.memory_space<semaphore_mem>>)
    %dma_start3A_63 = arith.constant 1 : i32
    %dma_start3A_64 = arith.constant 0 : i32
    %dma_start3A_65 = arith.constant 0 : i32
    %dma_start3A_66 = tpu.memref_slice %arg3[%add3A, %dma_start3A_63, %dma_start3A_64, %dma_start3A_65] : memref<32x125x2x80xi32, #tpu.memory_space<hbm>> -> memref<1x1x2x80xi32, #tpu.memory_space<hbm>>
    %dma_start3A_67 = tpu.memref_squeeze %dma_start3A_66 : memref<1x1x2x80xi32, #tpu.memory_space<hbm>> -> memref<2x80xi32, #tpu.memory_space<hbm>>
    %dma_start3A_68 = arith.constant 0 : i32
    %dma_start3A_69 = arith.constant 0 : i32
    %dma_start3A_70 = tpu.memref_slice %arg3[%add3A, %dma_start3A_63, %dma_start3A_68, %dma_start3A_69] : memref<32x125x2x80xi32, #tpu.memory_space<hbm>> -> memref<1x1x2x80xi32, #tpu.memory_space<hbm>>
    %dma_start3A_71 = tpu.memref_squeeze %dma_start3A_70 : memref<1x1x2x80xi32, #tpu.memory_space<hbm>> -> memref<2x80xi32, #tpu.memory_space<hbm>>
    tpu.enqueue_dma source(%dma_start3A_71 : memref<2x80xi32, #tpu.memory_space<hbm>>) target(%arg10 : memref<2x80xi32, #tpu.memory_space<vmem>>) target_semaphore(%arg18 : memref<!tpu.dma_semaphore, #tpu.memory_space<semaphore_mem>>)
    %dma_start3A_72 = arith.constant 2 : i32
    %dma_start3A_73 = arith.constant 0 : i32
    %dma_start3A_74 = arith.constant 0 : i32
    %dma_start3A_75 = tpu.memref_slice %arg3[%add3A, %dma_start3A_72, %dma_start3A_73, %dma_start3A_74] : memref<32x125x2x80xi32, #tpu.memory_space<hbm>> -> memref<1x1x2x80xi32, #tpu.memory_space<hbm>>
    %dma_start3A_76 = tpu.memref_squeeze %dma_start3A_75 : memref<1x1x2x80xi32, #tpu.memory_space<hbm>> -> memref<2x80xi32, #tpu.memory_space<hbm>>
    %dma_start3A_77 = arith.constant 0 : i32
    %dma_start3A_78 = arith.constant 0 : i32
    %dma_start3A_79 = tpu.memref_slice %arg3[%add3A, %dma_start3A_72, %dma_start3A_77, %dma_start3A_78] : memref<32x125x2x80xi32, #tpu.memory_space<hbm>> -> memref<1x1x2x80xi32, #tpu.memory_space<hbm>>
    %dma_start3A_80 = tpu.memref_squeeze %dma_start3A_79 : memref<1x1x2x80xi32, #tpu.memory_space<hbm>> -> memref<2x80xi32, #tpu.memory_space<hbm>>
    tpu.enqueue_dma source(%dma_start3A_80 : memref<2x80xi32, #tpu.memory_space<hbm>>) target(%arg11 : memref<2x80xi32, #tpu.memory_space<vmem>>) target_semaphore(%arg18 : memref<!tpu.dma_semaphore, #tpu.memory_space<semaphore_mem>>)
    %dma_start3A_81 = arith.constant 3 : i32
    %dma_start3A_82 = arith.constant 0 : i32
    %dma_start3A_83 = arith.constant 0 : i32
    %dma_start3A_84 = tpu.memref_slice %arg3[%add3A, %dma_start3A_81, %dma_start3A_82, %dma_start3A_83] : memref<32x125x2x80xi32, #tpu.memory_space<hbm>> -> memref<1x1x2x80xi32, #tpu.memory_space<hbm>>
    %dma_start3A_85 = tpu.memref_squeeze %dma_start3A_84 : memref<1x1x2x80xi32, #tpu.memory_space<hbm>> -> memref<2x80xi32, #tpu.memory_space<hbm>>
    %dma_start3A_86 = arith.constant 0 : i32
    %dma_start3A_87 = arith.constant 0 : i32
    %dma_start3A_88 = tpu.memref_slice %arg3[%add3A, %dma_start3A_81, %dma_start3A_86, %dma_start3A_87] : memref<32x125x2x80xi32, #tpu.memory_space<hbm>> -> memref<1x1x2x80xi32, #tpu.memory_space<hbm>>
    %dma_start3A_89 = tpu.memref_squeeze %dma_start3A_88 : memref<1x1x2x80xi32, #tpu.memory_space<hbm>> -> memref<2x80xi32, #tpu.memory_space<hbm>>
    tpu.enqueue_dma source(%dma_start3A_89 : memref<2x80xi32, #tpu.memory_space<hbm>>) target(%arg12 : memref<2x80xi32, #tpu.memory_space<vmem>>) target_semaphore(%arg18 : memref<!tpu.dma_semaphore, #tpu.memory_space<semaphore_mem>>)
    %dma_wait3A = arith.constant 0 : i32
    %dma_wait3A_90 = arith.constant 0 : i32
    %dma_wait3A_91 = tpu.memref_slice %arg2[%dma_wait3A, %dma_wait3A_90] : memref<10000x128xf32, #tpu.memory_space<hbm>> -> memref<80x128xf32, #tpu.memory_space<hbm>>
    %dma_wait3A_92 = arith.constant 0 : i32
    %dma_wait3A_93 = arith.constant 0 : i32
    %dma_wait3A_94 = tpu.memref_slice %arg2[%dma_wait3A_92, %dma_wait3A_93] : memref<10000x128xf32, #tpu.memory_space<hbm>> -> memref<80x128xf32, #tpu.memory_space<hbm>>
    tpu.wait_dma2 semaphore(%arg20 : memref<!tpu.dma_semaphore, #tpu.memory_space<semaphore_mem>>) src(%dma_wait3A_94 : memref<80x128xf32, #tpu.memory_space<hbm>>) dst(%arg5 : memref<80x128xf32, #tpu.memory_space<vmem>>)
    %dma_wait3A_95 = arith.constant 0 : i32
    %dma_wait3A_96 = arith.constant 0 : i32
    %dma_wait3A_97 = tpu.memref_slice %arg2[%dma_wait3A_95, %dma_wait3A_96] : memref<10000x128xf32, #tpu.memory_space<hbm>> -> memref<80x128xf32, #tpu.memory_space<hbm>>
    %dma_wait3A_98 = arith.constant 0 : i32
    %dma_wait3A_99 = arith.constant 0 : i32
    %dma_wait3A_100 = tpu.memref_slice %arg2[%dma_wait3A_98, %dma_wait3A_99] : memref<10000x128xf32, #tpu.memory_space<hbm>> -> memref<80x128xf32, #tpu.memory_space<hbm>>
    tpu.wait_dma2 semaphore(%arg20 : memref<!tpu.dma_semaphore, #tpu.memory_space<semaphore_mem>>) src(%dma_wait3A_100 : memref<80x128xf32, #tpu.memory_space<hbm>>) dst(%arg5 : memref<80x128xf32, #tpu.memory_space<vmem>>)
    %dma_wait3A_101 = arith.constant 0 : i32
    %dma_wait3A_102 = arith.constant 0 : i32
    %dma_wait3A_103 = tpu.memref_slice %arg2[%dma_wait3A_101, %dma_wait3A_102] : memref<10000x128xf32, #tpu.memory_space<hbm>> -> memref<80x128xf32, #tpu.memory_space<hbm>>
    %dma_wait3A_104 = arith.constant 0 : i32
    %dma_wait3A_105 = arith.constant 0 : i32
    %dma_wait3A_106 = tpu.memref_slice %arg2[%dma_wait3A_104, %dma_wait3A_105] : memref<10000x128xf32, #tpu.memory_space<hbm>> -> memref<80x128xf32, #tpu.memory_space<hbm>>
    tpu.wait_dma2 semaphore(%arg20 : memref<!tpu.dma_semaphore, #tpu.memory_space<semaphore_mem>>) src(%dma_wait3A_106 : memref<80x128xf32, #tpu.memory_space<hbm>>) dst(%arg5 : memref<80x128xf32, #tpu.memory_space<vmem>>)
    %dma_wait3A_107 = arith.constant 0 : i32
    %dma_wait3A_108 = arith.constant 0 : i32
    %dma_wait3A_109 = tpu.memref_slice %arg2[%dma_wait3A_107, %dma_wait3A_108] : memref<10000x128xf32, #tpu.memory_space<hbm>> -> memref<80x128xf32, #tpu.memory_space<hbm>>
    %dma_wait3A_110 = arith.constant 0 : i32
    %dma_wait3A_111 = arith.constant 0 : i32
    %dma_wait3A_112 = tpu.memref_slice %arg2[%dma_wait3A_110, %dma_wait3A_111] : memref<10000x128xf32, #tpu.memory_space<hbm>> -> memref<80x128xf32, #tpu.memory_space<hbm>>
    tpu.wait_dma2 semaphore(%arg20 : memref<!tpu.dma_semaphore, #tpu.memory_space<semaphore_mem>>) src(%dma_wait3A_112 : memref<80x128xf32, #tpu.memory_space<hbm>>) dst(%arg5 : memref<80x128xf32, #tpu.memory_space<vmem>>)
    %dma_wait3A_113 = arith.constant 0 : i32
    %dma_wait3A_114 = arith.constant 0 : i32
    %dma_wait3A_115 = tpu.memref_slice %arg2[%dma_wait3A_113, %dma_wait3A_114] : memref<10000x128xf32, #tpu.memory_space<hbm>> -> memref<80x128xf32, #tpu.memory_space<hbm>>
    %dma_wait3A_116 = arith.constant 0 : i32
    %dma_wait3A_117 = arith.constant 0 : i32
    %dma_wait3A_118 = tpu.memref_slice %arg2[%dma_wait3A_116, %dma_wait3A_117] : memref<10000x128xf32, #tpu.memory_space<hbm>> -> memref<80x128xf32, #tpu.memory_space<hbm>>
    tpu.wait_dma2 semaphore(%arg20 : memref<!tpu.dma_semaphore, #tpu.memory_space<semaphore_mem>>) src(%dma_wait3A_118 : memref<80x128xf32, #tpu.memory_space<hbm>>) dst(%arg5 : memref<80x128xf32, #tpu.memory_space<vmem>>)
    %dma_wait3A_119 = arith.constant 0 : i32
    %dma_wait3A_120 = arith.constant 0 : i32
    %dma_wait3A_121 = tpu.memref_slice %arg2[%dma_wait3A_119, %dma_wait3A_120] : memref<10000x128xf32, #tpu.memory_space<hbm>> -> memref<80x128xf32, #tpu.memory_space<hbm>>
    %dma_wait3A_122 = arith.constant 0 : i32
    %dma_wait3A_123 = arith.constant 0 : i32
    %dma_wait3A_124 = tpu.memref_slice %arg2[%dma_wait3A_122, %dma_wait3A_123] : memref<10000x128xf32, #tpu.memory_space<hbm>> -> memref<80x128xf32, #tpu.memory_space<hbm>>
    tpu.wait_dma2 semaphore(%arg20 : memref<!tpu.dma_semaphore, #tpu.memory_space<semaphore_mem>>) src(%dma_wait3A_124 : memref<80x128xf32, #tpu.memory_space<hbm>>) dst(%arg5 : memref<80x128xf32, #tpu.memory_space<vmem>>)
    %dma_wait3A_125 = arith.constant 0 : i32
    %dma_wait3A_126 = arith.constant 0 : i32
    %dma_wait3A_127 = tpu.memref_slice %arg2[%dma_wait3A_125, %dma_wait3A_126] : memref<10000x128xf32, #tpu.memory_space<hbm>> -> memref<80x128xf32, #tpu.memory_space<hbm>>
    %dma_wait3A_128 = arith.constant 0 : i32
    %dma_wait3A_129 = arith.constant 0 : i32
    %dma_wait3A_130 = tpu.memref_slice %arg2[%dma_wait3A_128, %dma_wait3A_129] : memref<10000x128xf32, #tpu.memory_space<hbm>> -> memref<80x128xf32, #tpu.memory_space<hbm>>
    tpu.wait_dma2 semaphore(%arg20 : memref<!tpu.dma_semaphore, #tpu.memory_space<semaphore_mem>>) src(%dma_wait3A_130 : memref<80x128xf32, #tpu.memory_space<hbm>>) dst(%arg5 : memref<80x128xf32, #tpu.memory_space<vmem>>)
    %dma_wait3A_131 = arith.constant 0 : i32
    %dma_wait3A_132 = arith.constant 0 : i32
    %dma_wait3A_133 = tpu.memref_slice %arg2[%dma_wait3A_131, %dma_wait3A_132] : memref<10000x128xf32, #tpu.memory_space<hbm>> -> memref<80x128xf32, #tpu.memory_space<hbm>>
    %dma_wait3A_134 = arith.constant 0 : i32
    %dma_wait3A_135 = arith.constant 0 : i32
    %dma_wait3A_136 = tpu.memref_slice %arg2[%dma_wait3A_134, %dma_wait3A_135] : memref<10000x128xf32, #tpu.memory_space<hbm>> -> memref<80x128xf32, #tpu.memory_space<hbm>>
    tpu.wait_dma2 semaphore(%arg20 : memref<!tpu.dma_semaphore, #tpu.memory_space<semaphore_mem>>) src(%dma_wait3A_136 : memref<80x128xf32, #tpu.memory_space<hbm>>) dst(%arg5 : memref<80x128xf32, #tpu.memory_space<vmem>>)
    %barrier3A = arith.constant 0 : index
    tpu.barrier barrier_id(%barrier3A)
    %dma_wait3A_137 = arith.constant 0 : i32
    %dma_wait3A_138 = arith.constant 0 : i32
    %dma_wait3A_139 = arith.constant 0 : i32
    %dma_wait3A_140 = arith.constant 0 : i32
    %dma_wait3A_141 = tpu.memref_slice %arg3[%dma_wait3A_137, %dma_wait3A_138, %dma_wait3A_139, %dma_wait3A_140] : memref<32x125x2x80xi32, #tpu.memory_space<hbm>> -> memref<1x1x2x80xi32, #tpu.memory_space<hbm>>
    %dma_wait3A_142 = tpu.memref_squeeze %dma_wait3A_141 : memref<1x1x2x80xi32, #tpu.memory_space<hbm>> -> memref<2x80xi32, #tpu.memory_space<hbm>>
    %dma_wait3A_143 = arith.constant 0 : i32
    %dma_wait3A_144 = arith.constant 0 : i32
    %dma_wait3A_145 = tpu.memref_slice %arg3[%dma_wait3A_137, %dma_wait3A_138, %dma_wait3A_143, %dma_wait3A_144] : memref<32x125x2x80xi32, #tpu.memory_space<hbm>> -> memref<1x1x2x80xi32, #tpu.memory_space<hbm>>
    %dma_wait3A_146 = tpu.memref_squeeze %dma_wait3A_145 : memref<1x1x2x80xi32, #tpu.memory_space<hbm>> -> memref<2x80xi32, #tpu.memory_space<hbm>>
    tpu.wait_dma2 semaphore(%arg18 : memref<!tpu.dma_semaphore, #tpu.memory_space<semaphore_mem>>) src(%dma_wait3A_146 : memref<2x80xi32, #tpu.memory_space<hbm>>) dst(%arg9 : memref<2x80xi32, #tpu.memory_space<vmem>>)
    %dma_start3A_147 = arith.constant 0 : i32
    %dma_start3A_148 = arith.constant 0 : i32
    %dma_start3A_149 = tpu.memref_slice %arg9[%dma_start3A_147, %dma_start3A_148] : memref<2x80xi32, #tpu.memory_space<vmem>> -> memref<1x80xi32, #tpu.memory_space<vmem>>
    %dma_start3A_150 = tpu.memref_squeeze %dma_start3A_149 : memref<1x80xi32, #tpu.memory_space<vmem>> -> memref<80xi32, #tpu.memory_space<vmem>>
    %dma_start3A_151 = arith.constant 0 : i32
    %dma_start3A_152 = arith.constant 0 : i32
    %dma_start3A_153 = tpu.memref_slice %arg2[%dma_start3A_151, %dma_start3A_152] : memref<10000x128xf32, #tpu.memory_space<hbm>> -> memref<10000x128xf32, #tpu.memory_space<hbm>>
    tpu.enqueue_indirect_dma source(%dma_start3A_153 : memref<10000x128xf32, #tpu.memory_space<hbm>>) target(%arg5 : memref<80x128xf32, #tpu.memory_space<vmem>>) offsets(%dma_start3A_150 : memref<80xi32, #tpu.memory_space<vmem>>) semaphore(%arg19 : memref<!tpu.dma_semaphore, #tpu.memory_space<semaphore_mem>>)
    %dma_wait3A_154 = arith.constant 0 : i32
    %dma_wait3A_155 = arith.constant 0 : i32
    %dma_wait3A_156 = arith.constant 0 : i32
    %dma_wait3A_157 = arith.constant 0 : i32
    %dma_wait3A_158 = tpu.memref_slice %arg3[%dma_wait3A_154, %dma_wait3A_155, %dma_wait3A_156, %dma_wait3A_157] : memref<32x125x2x80xi32, #tpu.memory_space<hbm>> -> memref<1x1x2x80xi32, #tpu.memory_space<hbm>>
    %dma_wait3A_159 = tpu.memref_squeeze %dma_wait3A_158 : memref<1x1x2x80xi32, #tpu.memory_space<hbm>> -> memref<2x80xi32, #tpu.memory_space<hbm>>
    %dma_wait3A_160 = arith.constant 0 : i32
    %dma_wait3A_161 = arith.constant 0 : i32
    %dma_wait3A_162 = tpu.memref_slice %arg3[%dma_wait3A_154, %dma_wait3A_155, %dma_wait3A_160, %dma_wait3A_161] : memref<32x125x2x80xi32, #tpu.memory_space<hbm>> -> memref<1x1x2x80xi32, #tpu.memory_space<hbm>>
    %dma_wait3A_163 = tpu.memref_squeeze %dma_wait3A_162 : memref<1x1x2x80xi32, #tpu.memory_space<hbm>> -> memref<2x80xi32, #tpu.memory_space<hbm>>
    tpu.wait_dma2 semaphore(%arg18 : memref<!tpu.dma_semaphore, #tpu.memory_space<semaphore_mem>>) src(%dma_wait3A_163 : memref<2x80xi32, #tpu.memory_space<hbm>>) dst(%arg10 : memref<2x80xi32, #tpu.memory_space<vmem>>)
    %dma_start3A_164 = arith.constant 0 : i32
    %dma_start3A_165 = arith.constant 0 : i32
    %dma_start3A_166 = tpu.memref_slice %arg10[%dma_start3A_164, %dma_start3A_165] : memref<2x80xi32, #tpu.memory_space<vmem>> -> memref<1x80xi32, #tpu.memory_space<vmem>>
    %dma_start3A_167 = tpu.memref_squeeze %dma_start3A_166 : memref<1x80xi32, #tpu.memory_space<vmem>> -> memref<80xi32, #tpu.memory_space<vmem>>
    %dma_start3A_168 = arith.constant 0 : i32
    %dma_start3A_169 = arith.constant 0 : i32
    %dma_start3A_170 = tpu.memref_slice %arg2[%dma_start3A_168, %dma_start3A_169] : memref<10000x128xf32, #tpu.memory_space<hbm>> -> memref<10000x128xf32, #tpu.memory_space<hbm>>
    tpu.enqueue_indirect_dma source(%dma_start3A_170 : memref<10000x128xf32, #tpu.memory_space<hbm>>) target(%arg6 : memref<80x128xf32, #tpu.memory_space<vmem>>) offsets(%dma_start3A_167 : memref<80xi32, #tpu.memory_space<vmem>>) semaphore(%arg19 : memref<!tpu.dma_semaphore, #tpu.memory_space<semaphore_mem>>)
    %scan3A_171 = arith.constant 0 : i32
    %scan3A_172 = arith.constant 15 : i32
    %scan3A_173 = arith.addi %scan3A_171, %scan3A_172 : i32
    %scan3A_174 = arith.constant 1 : i32
    scf.for %scan3A_550 = %scan3A_171 to %scan3A_173 step %scan3A_174  : i32 {
      %mul3A_551 = arith.constant 8 : i32
      %mul3A_552 = arith.muli %scan3A_550, %mul3A_551 : i32
      %add3A_553 = arith.constant 0 : i32
      %add3A_554 = arith.addi %mul3A_552, %add3A_553 : i32
      %dma_wait3A_555 = arith.constant 0 : i32
      %dma_wait3A_556 = arith.constant 0 : i32
      %dma_wait3A_557 = tpu.memref_slice %arg2[%dma_wait3A_555, %dma_wait3A_556] : memref<10000x128xf32, #tpu.memory_space<hbm>> -> memref<80x128xf32, #tpu.memory_space<hbm>>
      %dma_wait3A_558 = arith.constant 0 : i32
      %dma_wait3A_559 = arith.constant 0 : i32
      %dma_wait3A_560 = tpu.memref_slice %arg2[%dma_wait3A_558, %dma_wait3A_559] : memref<10000x128xf32, #tpu.memory_space<hbm>> -> memref<80x128xf32, #tpu.memory_space<hbm>>
      tpu.wait_dma2 semaphore(%arg19 : memref<!tpu.dma_semaphore, #tpu.memory_space<semaphore_mem>>) src(%dma_wait3A_560 : memref<80x128xf32, #tpu.memory_space<hbm>>) dst(%arg5 : memref<80x128xf32, #tpu.memory_space<vmem>>)
      %dma_start3A_561 = arith.constant 1 : i32
      %dma_start3A_562 = arith.constant 0 : i32
      %dma_start3A_563 = tpu.memref_slice %arg9[%dma_start3A_561, %dma_start3A_562] : memref<2x80xi32, #tpu.memory_space<vmem>> -> memref<1x80xi32, #tpu.memory_space<vmem>>
      %dma_start3A_564 = tpu.memref_squeeze %dma_start3A_563 : memref<1x80xi32, #tpu.memory_space<vmem>> -> memref<80xi32, #tpu.memory_space<vmem>>
      %dma_start3A_565 = arith.constant 0 : i32
      %dma_start3A_566 = arith.constant 0 : i32
      %dma_start3A_567 = tpu.memref_slice %arg17[%dma_start3A_565, %dma_start3A_566] : memref<10240x128xf32, #tpu.memory_space<vmem_shared>> -> memref<10240x128xf32, #tpu.memory_space<vmem_shared>>
      tpu.enqueue_indirect_dma source(%arg5 : memref<80x128xf32, #tpu.memory_space<vmem>>) target(%dma_start3A_567 : memref<10240x128xf32, #tpu.memory_space<vmem_shared>>) offsets(%dma_start3A_564 : memref<80xi32, #tpu.memory_space<vmem>>) semaphore(%arg20 : memref<!tpu.dma_semaphore, #tpu.memory_space<semaphore_mem>>) {add = true}
      %ge3A = arith.constant 2 : i32
      %ge3A_568 = arith.cmpi sge, %add3A_554, %ge3A : i32
      %convert_element_type3A = arith.extui %ge3A_568 : i1 to i32
      %cond3A = arith.constant 0 : i32
      %cond3A_569 = arith.cmpi ne, %convert_element_type3A, %cond3A : i32
      scf.if %cond3A_569 {
        %dma_wait3A_821 = arith.constant 0 : i32
        %dma_wait3A_822 = arith.constant 0 : i32
        %dma_wait3A_823 = tpu.memref_slice %arg2[%dma_wait3A_821, %dma_wait3A_822] : memref<10000x128xf32, #tpu.memory_space<hbm>> -> memref<80x128xf32, #tpu.memory_space<hbm>>
        %dma_wait3A_824 = arith.constant 0 : i32
        %dma_wait3A_825 = arith.constant 0 : i32
        %dma_wait3A_826 = tpu.memref_slice %arg2[%dma_wait3A_824, %dma_wait3A_825] : memref<10000x128xf32, #tpu.memory_space<hbm>> -> memref<80x128xf32, #tpu.memory_space<hbm>>
        tpu.wait_dma2 semaphore(%arg20 : memref<!tpu.dma_semaphore, #tpu.memory_space<semaphore_mem>>) src(%dma_wait3A_826 : memref<80x128xf32, #tpu.memory_space<hbm>>) dst(%arg7 : memref<80x128xf32, #tpu.memory_space<vmem>>)
      } else {
      }
      %add3A_570 = arith.constant 2 : i32
      %add3A_571 = arith.addi %add3A_554, %add3A_570 : i32
      %lt3A = arith.constant 125 : i32
      %lt3A_572 = arith.cmpi slt, %add3A_571, %lt3A : i32
      %convert_element_type3A_573 = arith.extui %lt3A_572 : i1 to i32
      %cond3A_574 = arith.constant 0 : i32
      %cond3A_575 = arith.cmpi ne, %convert_element_type3A_573, %cond3A_574 : i32
      scf.if %cond3A_575 {
        %dma_wait3A_821 = arith.constant 0 : i32
        %dma_wait3A_822 = arith.constant 0 : i32
        %dma_wait3A_823 = arith.constant 0 : i32
        %dma_wait3A_824 = arith.constant 0 : i32
        %dma_wait3A_825 = tpu.memref_slice %arg3[%dma_wait3A_821, %dma_wait3A_822, %dma_wait3A_823, %dma_wait3A_824] : memref<32x125x2x80xi32, #tpu.memory_space<hbm>> -> memref<1x1x2x80xi32, #tpu.memory_space<hbm>>
        %dma_wait3A_826 = tpu.memref_squeeze %dma_wait3A_825 : memref<1x1x2x80xi32, #tpu.memory_space<hbm>> -> memref<2x80xi32, #tpu.memory_space<hbm>>
        %dma_wait3A_827 = arith.constant 0 : i32
        %dma_wait3A_828 = arith.constant 0 : i32
        %dma_wait3A_829 = tpu.memref_slice %arg3[%dma_wait3A_821, %dma_wait3A_822, %dma_wait3A_827, %dma_wait3A_828] : memref<32x125x2x80xi32, #tpu.memory_space<hbm>> -> memref<1x1x2x80xi32, #tpu.memory_space<hbm>>
        %dma_wait3A_830 = tpu.memref_squeeze %dma_wait3A_829 : memref<1x1x2x80xi32, #tpu.memory_space<hbm>> -> memref<2x80xi32, #tpu.memory_space<hbm>>
        tpu.wait_dma2 semaphore(%arg18 : memref<!tpu.dma_semaphore, #tpu.memory_space<semaphore_mem>>) src(%dma_wait3A_830 : memref<2x80xi32, #tpu.memory_space<hbm>>) dst(%arg11 : memref<2x80xi32, #tpu.memory_space<vmem>>)
        %dma_start3A_831 = arith.constant 0 : i32
        %dma_start3A_832 = arith.constant 0 : i32
        %dma_start3A_833 = tpu.memref_slice %arg11[%dma_start3A_831, %dma_start3A_832] : memref<2x80xi32, #tpu.memory_space<vmem>> -> memref<1x80xi32, #tpu.memory_space<vmem>>
        %dma_start3A_834 = tpu.memref_squeeze %dma_start3A_833 : memref<1x80xi32, #tpu.memory_space<vmem>> -> memref<80xi32, #tpu.memory_space<vmem>>
        %dma_start3A_835 = arith.constant 0 : i32
        %dma_start3A_836 = arith.constant 0 : i32
        %dma_start3A_837 = tpu.memref_slice %arg2[%dma_start3A_835, %dma_start3A_836] : memref<10000x128xf32, #tpu.memory_space<hbm>> -> memref<10000x128xf32, #tpu.memory_space<hbm>>
        tpu.enqueue_indirect_dma source(%dma_start3A_837 : memref<10000x128xf32, #tpu.memory_space<hbm>>) target(%arg7 : memref<80x128xf32, #tpu.memory_space<vmem>>) offsets(%dma_start3A_834 : memref<80xi32, #tpu.memory_space<vmem>>) semaphore(%arg19 : memref<!tpu.dma_semaphore, #tpu.memory_space<semaphore_mem>>)
      } else {
      }
      %add3A_576 = arith.constant 4 : i32
      %add3A_577 = arith.addi %add3A_554, %add3A_576 : i32
      %lt3A_578 = arith.constant 125 : i32
      %lt3A_579 = arith.cmpi slt, %add3A_577, %lt3A_578 : i32
      %convert_element_type3A_580 = arith.extui %lt3A_579 : i1 to i32
      %cond3A_581 = arith.constant 0 : i32
      %cond3A_582 = arith.cmpi ne, %convert_element_type3A_580, %cond3A_581 : i32
      scf.if %cond3A_582 {
        %add3A_821 = arith.constant 4 : i32
        %add3A_822 = arith.addi %add3A_554, %add3A_821 : i32
        %dma_start3A_823 = arith.constant 0 : i32
        %dma_start3A_824 = arith.constant 0 : i32
        %dma_start3A_825 = tpu.memref_slice %arg3[%add3A, %add3A_822, %dma_start3A_823, %dma_start3A_824] : memref<32x125x2x80xi32, #tpu.memory_space<hbm>> -> memref<1x1x2x80xi32, #tpu.memory_space<hbm>>
        %dma_start3A_826 = tpu.memref_squeeze %dma_start3A_825 : memref<1x1x2x80xi32, #tpu.memory_space<hbm>> -> memref<2x80xi32, #tpu.memory_space<hbm>>
        %dma_start3A_827 = arith.constant 0 : i32
        %dma_start3A_828 = arith.constant 0 : i32
        %dma_start3A_829 = tpu.memref_slice %arg3[%add3A, %add3A_822, %dma_start3A_827, %dma_start3A_828] : memref<32x125x2x80xi32, #tpu.memory_space<hbm>> -> memref<1x1x2x80xi32, #tpu.memory_space<hbm>>
        %dma_start3A_830 = tpu.memref_squeeze %dma_start3A_829 : memref<1x1x2x80xi32, #tpu.memory_space<hbm>> -> memref<2x80xi32, #tpu.memory_space<hbm>>
        tpu.enqueue_dma source(%dma_start3A_830 : memref<2x80xi32, #tpu.memory_space<hbm>>) target(%arg13 : memref<2x80xi32, #tpu.memory_space<vmem>>) target_semaphore(%arg18 : memref<!tpu.dma_semaphore, #tpu.memory_space<semaphore_mem>>)
      } else {
      }
      %add3A_583 = arith.constant 1 : i32
      %add3A_584 = arith.addi %mul3A_552, %add3A_583 : i32
      %dma_wait3A_585 = arith.constant 0 : i32
      %dma_wait3A_586 = arith.constant 0 : i32
      %dma_wait3A_587 = tpu.memref_slice %arg2[%dma_wait3A_585, %dma_wait3A_586] : memref<10000x128xf32, #tpu.memory_space<hbm>> -> memref<80x128xf32, #tpu.memory_space<hbm>>
      %dma_wait3A_588 = arith.constant 0 : i32
      %dma_wait3A_589 = arith.constant 0 : i32
      %dma_wait3A_590 = tpu.memref_slice %arg2[%dma_wait3A_588, %dma_wait3A_589] : memref<10000x128xf32, #tpu.memory_space<hbm>> -> memref<80x128xf32, #tpu.memory_space<hbm>>
      tpu.wait_dma2 semaphore(%arg19 : memref<!tpu.dma_semaphore, #tpu.memory_space<semaphore_mem>>) src(%dma_wait3A_590 : memref<80x128xf32, #tpu.memory_space<hbm>>) dst(%arg6 : memref<80x128xf32, #tpu.memory_space<vmem>>)
      %dma_start3A_591 = arith.constant 1 : i32
      %dma_start3A_592 = arith.constant 0 : i32
      %dma_start3A_593 = tpu.memref_slice %arg10[%dma_start3A_591, %dma_start3A_592] : memref<2x80xi32, #tpu.memory_space<vmem>> -> memref<1x80xi32, #tpu.memory_space<vmem>>
      %dma_start3A_594 = tpu.memref_squeeze %dma_start3A_593 : memref<1x80xi32, #tpu.memory_space<vmem>> -> memref<80xi32, #tpu.memory_space<vmem>>
      %dma_start3A_595 = arith.constant 0 : i32
      %dma_start3A_596 = arith.constant 0 : i32
      %dma_start3A_597 = tpu.memref_slice %arg17[%dma_start3A_595, %dma_start3A_596] : memref<10240x128xf32, #tpu.memory_space<vmem_shared>> -> memref<10240x128xf32, #tpu.memory_space<vmem_shared>>
      tpu.enqueue_indirect_dma source(%arg6 : memref<80x128xf32, #tpu.memory_space<vmem>>) target(%dma_start3A_597 : memref<10240x128xf32, #tpu.memory_space<vmem_shared>>) offsets(%dma_start3A_594 : memref<80xi32, #tpu.memory_space<vmem>>) semaphore(%arg20 : memref<!tpu.dma_semaphore, #tpu.memory_space<semaphore_mem>>) {add = true}
      %ge3A_598 = arith.constant 2 : i32
      %ge3A_599 = arith.cmpi sge, %add3A_584, %ge3A_598 : i32
      %convert_element_type3A_600 = arith.extui %ge3A_599 : i1 to i32
      %cond3A_601 = arith.constant 0 : i32
      %cond3A_602 = arith.cmpi ne, %convert_element_type3A_600, %cond3A_601 : i32
      scf.if %cond3A_602 {
        %dma_wait3A_821 = arith.constant 0 : i32
        %dma_wait3A_822 = arith.constant 0 : i32
        %dma_wait3A_823 = tpu.memref_slice %arg2[%dma_wait3A_821, %dma_wait3A_822] : memref<10000x128xf32, #tpu.memory_space<hbm>> -> memref<80x128xf32, #tpu.memory_space<hbm>>
        %dma_wait3A_824 = arith.constant 0 : i32
        %dma_wait3A_825 = arith.constant 0 : i32
        %dma_wait3A_826 = tpu.memref_slice %arg2[%dma_wait3A_824, %dma_wait3A_825] : memref<10000x128xf32, #tpu.memory_space<hbm>> -> memref<80x128xf32, #tpu.memory_space<hbm>>
        tpu.wait_dma2 semaphore(%arg20 : memref<!tpu.dma_semaphore, #tpu.memory_space<semaphore_mem>>) src(%dma_wait3A_826 : memref<80x128xf32, #tpu.memory_space<hbm>>) dst(%arg8 : memref<80x128xf32, #tpu.memory_space<vmem>>)
      } else {
      }
      %add3A_603 = arith.constant 2 : i32
      %add3A_604 = arith.addi %add3A_584, %add3A_603 : i32
      %lt3A_605 = arith.constant 125 : i32
      %lt3A_606 = arith.cmpi slt, %add3A_604, %lt3A_605 : i32
      %convert_element_type3A_607 = arith.extui %lt3A_606 : i1 to i32
      %cond3A_608 = arith.constant 0 : i32
      %cond3A_609 = arith.cmpi ne, %convert_element_type3A_607, %cond3A_608 : i32
      scf.if %cond3A_609 {
        %dma_wait3A_821 = arith.constant 0 : i32
        %dma_wait3A_822 = arith.constant 0 : i32
        %dma_wait3A_823 = arith.constant 0 : i32
        %dma_wait3A_824 = arith.constant 0 : i32
        %dma_wait3A_825 = tpu.memref_slice %arg3[%dma_wait3A_821, %dma_wait3A_822, %dma_wait3A_823, %dma_wait3A_824] : memref<32x125x2x80xi32, #tpu.memory_space<hbm>> -> memref<1x1x2x80xi32, #tpu.memory_space<hbm>>
        %dma_wait3A_826 = tpu.memref_squeeze %dma_wait3A_825 : memref<1x1x2x80xi32, #tpu.memory_space<hbm>> -> memref<2x80xi32, #tpu.memory_space<hbm>>
        %dma_wait3A_827 = arith.constant 0 : i32
        %dma_wait3A_828 = arith.constant 0 : i32
        %dma_wait3A_829 = tpu.memref_slice %arg3[%dma_wait3A_821, %dma_wait3A_822, %dma_wait3A_827, %dma_wait3A_828] : memref<32x125x2x80xi32, #tpu.memory_space<hbm>> -> memref<1x1x2x80xi32, #tpu.memory_space<hbm>>
        %dma_wait3A_830 = tpu.memref_squeeze %dma_wait3A_829 : memref<1x1x2x80xi32, #tpu.memory_space<hbm>> -> memref<2x80xi32, #tpu.memory_space<hbm>>
        tpu.wait_dma2 semaphore(%arg18 : memref<!tpu.dma_semaphore, #tpu.memory_space<semaphore_mem>>) src(%dma_wait3A_830 : memref<2x80xi32, #tpu.memory_space<hbm>>) dst(%arg12 : memref<2x80xi32, #tpu.memory_space<vmem>>)
        %dma_start3A_831 = arith.constant 0 : i32
        %dma_start3A_832 = arith.constant 0 : i32
        %dma_start3A_833 = tpu.memref_slice %arg12[%dma_start3A_831, %dma_start3A_832] : memref<2x80xi32, #tpu.memory_space<vmem>> -> memref<1x80xi32, #tpu.memory_space<vmem>>
        %dma_start3A_834 = tpu.memref_squeeze %dma_start3A_833 : memref<1x80xi32, #tpu.memory_space<vmem>> -> memref<80xi32, #tpu.memory_space<vmem>>
        %dma_start3A_835 = arith.constant 0 : i32
        %dma_start3A_836 = arith.constant 0 : i32
        %dma_start3A_837 = tpu.memref_slice %arg2[%dma_start3A_835, %dma_start3A_836] : memref<10000x128xf32, #tpu.memory_space<hbm>> -> memref<10000x128xf32, #tpu.memory_space<hbm>>
        tpu.enqueue_indirect_dma source(%dma_start3A_837 : memref<10000x128xf32, #tpu.memory_space<hbm>>) target(%arg8 : memref<80x128xf32, #tpu.memory_space<vmem>>) offsets(%dma_start3A_834 : memref<80xi32, #tpu.memory_space<vmem>>) semaphore(%arg19 : memref<!tpu.dma_semaphore, #tpu.memory_space<semaphore_mem>>)
      } else {
      }
      %add3A_610 = arith.constant 4 : i32
      %add3A_611 = arith.addi %add3A_584, %add3A_610 : i32
      %lt3A_612 = arith.constant 125 : i32
      %lt3A_613 = arith.cmpi slt, %add3A_611, %lt3A_612 : i32
      %convert_element_type3A_614 = arith.extui %lt3A_613 : i1 to i32
      %cond3A_615 = arith.constant 0 : i32
      %cond3A_616 = arith.cmpi ne, %convert_element_type3A_614, %cond3A_615 : i32
      scf.if %cond3A_616 {
        %add3A_821 = arith.constant 4 : i32
        %add3A_822 = arith.addi %add3A_584, %add3A_821 : i32
        %dma_start3A_823 = arith.constant 0 : i32
        %dma_start3A_824 = arith.constant 0 : i32
        %dma_start3A_825 = tpu.memref_slice %arg3[%add3A, %add3A_822, %dma_start3A_823, %dma_start3A_824] : memref<32x125x2x80xi32, #tpu.memory_space<hbm>> -> memref<1x1x2x80xi32, #tpu.memory_space<hbm>>
        %dma_start3A_826 = tpu.memref_squeeze %dma_start3A_825 : memref<1x1x2x80xi32, #tpu.memory_space<hbm>> -> memref<2x80xi32, #tpu.memory_space<hbm>>
        %dma_start3A_827 = arith.constant 0 : i32
        %dma_start3A_828 = arith.constant 0 : i32
        %dma_start3A_829 = tpu.memref_slice %arg3[%add3A, %add3A_822, %dma_start3A_827, %dma_start3A_828] : memref<32x125x2x80xi32, #tpu.memory_space<hbm>> -> memref<1x1x2x80xi32, #tpu.memory_space<hbm>>
        %dma_start3A_830 = tpu.memref_squeeze %dma_start3A_829 : memref<1x1x2x80xi32, #tpu.memory_space<hbm>> -> memref<2x80xi32, #tpu.memory_space<hbm>>
        tpu.enqueue_dma source(%dma_start3A_830 : memref<2x80xi32, #tpu.memory_space<hbm>>) target(%arg14 : memref<2x80xi32, #tpu.memory_space<vmem>>) target_semaphore(%arg18 : memref<!tpu.dma_semaphore, #tpu.memory_space<semaphore_mem>>)
      } else {
      }
      %add3A_617 = arith.constant 2 : i32
      %add3A_618 = arith.addi %mul3A_552, %add3A_617 : i32
      %dma_wait3A_619 = arith.constant 0 : i32
      %dma_wait3A_620 = arith.constant 0 : i32
      %dma_wait3A_621 = tpu.memref_slice %arg2[%dma_wait3A_619, %dma_wait3A_620] : memref<10000x128xf32, #tpu.memory_space<hbm>> -> memref<80x128xf32, #tpu.memory_space<hbm>>
      %dma_wait3A_622 = arith.constant 0 : i32
      %dma_wait3A_623 = arith.constant 0 : i32
      %dma_wait3A_624 = tpu.memref_slice %arg2[%dma_wait3A_622, %dma_wait3A_623] : memref<10000x128xf32, #tpu.memory_space<hbm>> -> memref<80x128xf32, #tpu.memory_space<hbm>>
      tpu.wait_dma2 semaphore(%arg19 : memref<!tpu.dma_semaphore, #tpu.memory_space<semaphore_mem>>) src(%dma_wait3A_624 : memref<80x128xf32, #tpu.memory_space<hbm>>) dst(%arg7 : memref<80x128xf32, #tpu.memory_space<vmem>>)
      %dma_start3A_625 = arith.constant 1 : i32
      %dma_start3A_626 = arith.constant 0 : i32
      %dma_start3A_627 = tpu.memref_slice %arg11[%dma_start3A_625, %dma_start3A_626] : memref<2x80xi32, #tpu.memory_space<vmem>> -> memref<1x80xi32, #tpu.memory_space<vmem>>
      %dma_start3A_628 = tpu.memref_squeeze %dma_start3A_627 : memref<1x80xi32, #tpu.memory_space<vmem>> -> memref<80xi32, #tpu.memory_space<vmem>>
      %dma_start3A_629 = arith.constant 0 : i32
      %dma_start3A_630 = arith.constant 0 : i32
      %dma_start3A_631 = tpu.memref_slice %arg17[%dma_start3A_629, %dma_start3A_630] : memref<10240x128xf32, #tpu.memory_space<vmem_shared>> -> memref<10240x128xf32, #tpu.memory_space<vmem_shared>>
      tpu.enqueue_indirect_dma source(%arg7 : memref<80x128xf32, #tpu.memory_space<vmem>>) target(%dma_start3A_631 : memref<10240x128xf32, #tpu.memory_space<vmem_shared>>) offsets(%dma_start3A_628 : memref<80xi32, #tpu.memory_space<vmem>>) semaphore(%arg20 : memref<!tpu.dma_semaphore, #tpu.memory_space<semaphore_mem>>) {add = true}
      %ge3A_632 = arith.constant 2 : i32
      %ge3A_633 = arith.cmpi sge, %add3A_618, %ge3A_632 : i32
      %convert_element_type3A_634 = arith.extui %ge3A_633 : i1 to i32
      %cond3A_635 = arith.constant 0 : i32
      %cond3A_636 = arith.cmpi ne, %convert_element_type3A_634, %cond3A_635 : i32
      scf.if %cond3A_636 {
        %dma_wait3A_821 = arith.constant 0 : i32
        %dma_wait3A_822 = arith.constant 0 : i32
        %dma_wait3A_823 = tpu.memref_slice %arg2[%dma_wait3A_821, %dma_wait3A_822] : memref<10000x128xf32, #tpu.memory_space<hbm>> -> memref<80x128xf32, #tpu.memory_space<hbm>>
        %dma_wait3A_824 = arith.constant 0 : i32
        %dma_wait3A_825 = arith.constant 0 : i32
        %dma_wait3A_826 = tpu.memref_slice %arg2[%dma_wait3A_824, %dma_wait3A_825] : memref<10000x128xf32, #tpu.memory_space<hbm>> -> memref<80x128xf32, #tpu.memory_space<hbm>>
        tpu.wait_dma2 semaphore(%arg20 : memref<!tpu.dma_semaphore, #tpu.memory_space<semaphore_mem>>) src(%dma_wait3A_826 : memref<80x128xf32, #tpu.memory_space<hbm>>) dst(%arg5 : memref<80x128xf32, #tpu.memory_space<vmem>>)
      } else {
      }
      %add3A_637 = arith.constant 2 : i32
      %add3A_638 = arith.addi %add3A_618, %add3A_637 : i32
      %lt3A_639 = arith.constant 125 : i32
      %lt3A_640 = arith.cmpi slt, %add3A_638, %lt3A_639 : i32
      %convert_element_type3A_641 = arith.extui %lt3A_640 : i1 to i32
      %cond3A_642 = arith.constant 0 : i32
      %cond3A_643 = arith.cmpi ne, %convert_element_type3A_641, %cond3A_642 : i32
      scf.if %cond3A_643 {
        %dma_wait3A_821 = arith.constant 0 : i32
        %dma_wait3A_822 = arith.constant 0 : i32
        %dma_wait3A_823 = arith.constant 0 : i32
        %dma_wait3A_824 = arith.constant 0 : i32
        %dma_wait3A_825 = tpu.memref_slice %arg3[%dma_wait3A_821, %dma_wait3A_822, %dma_wait3A_823, %dma_wait3A_824] : memref<32x125x2x80xi32, #tpu.memory_space<hbm>> -> memref<1x1x2x80xi32, #tpu.memory_space<hbm>>
        %dma_wait3A_826 = tpu.memref_squeeze %dma_wait3A_825 : memref<1x1x2x80xi32, #tpu.memory_space<hbm>> -> memref<2x80xi32, #tpu.memory_space<hbm>>
        %dma_wait3A_827 = arith.constant 0 : i32
        %dma_wait3A_828 = arith.constant 0 : i32
        %dma_wait3A_829 = tpu.memref_slice %arg3[%dma_wait3A_821, %dma_wait3A_822, %dma_wait3A_827, %dma_wait3A_828] : memref<32x125x2x80xi32, #tpu.memory_space<hbm>> -> memref<1x1x2x80xi32, #tpu.memory_space<hbm>>
        %dma_wait3A_830 = tpu.memref_squeeze %dma_wait3A_829 : memref<1x1x2x80xi32, #tpu.memory_space<hbm>> -> memref<2x80xi32, #tpu.memory_space<hbm>>
        tpu.wait_dma2 semaphore(%arg18 : memref<!tpu.dma_semaphore, #tpu.memory_space<semaphore_mem>>) src(%dma_wait3A_830 : memref<2x80xi32, #tpu.memory_space<hbm>>) dst(%arg13 : memref<2x80xi32, #tpu.memory_space<vmem>>)
        %dma_start3A_831 = arith.constant 0 : i32
        %dma_start3A_832 = arith.constant 0 : i32
        %dma_start3A_833 = tpu.memref_slice %arg13[%dma_start3A_831, %dma_start3A_832] : memref<2x80xi32, #tpu.memory_space<vmem>> -> memref<1x80xi32, #tpu.memory_space<vmem>>
        %dma_start3A_834 = tpu.memref_squeeze %dma_start3A_833 : memref<1x80xi32, #tpu.memory_space<vmem>> -> memref<80xi32, #tpu.memory_space<vmem>>
        %dma_start3A_835 = arith.constant 0 : i32
        %dma_start3A_836 = arith.constant 0 : i32
        %dma_start3A_837 = tpu.memref_slice %arg2[%dma_start3A_835, %dma_start3A_836] : memref<10000x128xf32, #tpu.memory_space<hbm>> -> memref<10000x128xf32, #tpu.memory_space<hbm>>
        tpu.enqueue_indirect_dma source(%dma_start3A_837 : memref<10000x128xf32, #tpu.memory_space<hbm>>) target(%arg5 : memref<80x128xf32, #tpu.memory_space<vmem>>) offsets(%dma_start3A_834 : memref<80xi32, #tpu.memory_space<vmem>>) semaphore(%arg19 : memref<!tpu.dma_semaphore, #tpu.memory_space<semaphore_mem>>)
      } else {
      }
      %add3A_644 = arith.constant 4 : i32
      %add3A_645 = arith.addi %add3A_618, %add3A_644 : i32
      %lt3A_646 = arith.constant 125 : i32
      %lt3A_647 = arith.cmpi slt, %add3A_645, %lt3A_646 : i32
      %convert_element_type3A_648 = arith.extui %lt3A_647 : i1 to i32
      %cond3A_649 = arith.constant 0 : i32
      %cond3A_650 = arith.cmpi ne, %convert_element_type3A_648, %cond3A_649 : i32
      scf.if %cond3A_650 {
        %add3A_821 = arith.constant 4 : i32
        %add3A_822 = arith.addi %add3A_618, %add3A_821 : i32
        %dma_start3A_823 = arith.constant 0 : i32
        %dma_start3A_824 = arith.constant 0 : i32
        %dma_start3A_825 = tpu.memref_slice %arg3[%add3A, %add3A_822, %dma_start3A_823, %dma_start3A_824] : memref<32x125x2x80xi32, #tpu.memory_space<hbm>> -> memref<1x1x2x80xi32, #tpu.memory_space<hbm>>
        %dma_start3A_826 = tpu.memref_squeeze %dma_start3A_825 : memref<1x1x2x80xi32, #tpu.memory_space<hbm>> -> memref<2x80xi32, #tpu.memory_space<hbm>>
        %dma_start3A_827 = arith.constant 0 : i32
        %dma_start3A_828 = arith.constant 0 : i32
        %dma_start3A_829 = tpu.memref_slice %arg3[%add3A, %add3A_822, %dma_start3A_827, %dma_start3A_828] : memref<32x125x2x80xi32, #tpu.memory_space<hbm>> -> memref<1x1x2x80xi32, #tpu.memory_space<hbm>>
        %dma_start3A_830 = tpu.memref_squeeze %dma_start3A_829 : memref<1x1x2x80xi32, #tpu.memory_space<hbm>> -> memref<2x80xi32, #tpu.memory_space<hbm>>
        tpu.enqueue_dma source(%dma_start3A_830 : memref<2x80xi32, #tpu.memory_space<hbm>>) target(%arg15 : memref<2x80xi32, #tpu.memory_space<vmem>>) target_semaphore(%arg18 : memref<!tpu.dma_semaphore, #tpu.memory_space<semaphore_mem>>)
      } else {
      }
      %add3A_651 = arith.constant 3 : i32
      %add3A_652 = arith.addi %mul3A_552, %add3A_651 : i32
      %dma_wait3A_653 = arith.constant 0 : i32
      %dma_wait3A_654 = arith.constant 0 : i32
      %dma_wait3A_655 = tpu.memref_slice %arg2[%dma_wait3A_653, %dma_wait3A_654] : memref<10000x128xf32, #tpu.memory_space<hbm>> -> memref<80x128xf32, #tpu.memory_space<hbm>>
      %dma_wait3A_656 = arith.constant 0 : i32
      %dma_wait3A_657 = arith.constant 0 : i32
      %dma_wait3A_658 = tpu.memref_slice %arg2[%dma_wait3A_656, %dma_wait3A_657] : memref<10000x128xf32, #tpu.memory_space<hbm>> -> memref<80x128xf32, #tpu.memory_space<hbm>>
      tpu.wait_dma2 semaphore(%arg19 : memref<!tpu.dma_semaphore, #tpu.memory_space<semaphore_mem>>) src(%dma_wait3A_658 : memref<80x128xf32, #tpu.memory_space<hbm>>) dst(%arg8 : memref<80x128xf32, #tpu.memory_space<vmem>>)
      %dma_start3A_659 = arith.constant 1 : i32
      %dma_start3A_660 = arith.constant 0 : i32
      %dma_start3A_661 = tpu.memref_slice %arg12[%dma_start3A_659, %dma_start3A_660] : memref<2x80xi32, #tpu.memory_space<vmem>> -> memref<1x80xi32, #tpu.memory_space<vmem>>
      %dma_start3A_662 = tpu.memref_squeeze %dma_start3A_661 : memref<1x80xi32, #tpu.memory_space<vmem>> -> memref<80xi32, #tpu.memory_space<vmem>>
      %dma_start3A_663 = arith.constant 0 : i32
      %dma_start3A_664 = arith.constant 0 : i32
      %dma_start3A_665 = tpu.memref_slice %arg17[%dma_start3A_663, %dma_start3A_664] : memref<10240x128xf32, #tpu.memory_space<vmem_shared>> -> memref<10240x128xf32, #tpu.memory_space<vmem_shared>>
      tpu.enqueue_indirect_dma source(%arg8 : memref<80x128xf32, #tpu.memory_space<vmem>>) target(%dma_start3A_665 : memref<10240x128xf32, #tpu.memory_space<vmem_shared>>) offsets(%dma_start3A_662 : memref<80xi32, #tpu.memory_space<vmem>>) semaphore(%arg20 : memref<!tpu.dma_semaphore, #tpu.memory_space<semaphore_mem>>) {add = true}
      %ge3A_666 = arith.constant 2 : i32
      %ge3A_667 = arith.cmpi sge, %add3A_652, %ge3A_666 : i32
      %convert_element_type3A_668 = arith.extui %ge3A_667 : i1 to i32
      %cond3A_669 = arith.constant 0 : i32
      %cond3A_670 = arith.cmpi ne, %convert_element_type3A_668, %cond3A_669 : i32
      scf.if %cond3A_670 {
        %dma_wait3A_821 = arith.constant 0 : i32
        %dma_wait3A_822 = arith.constant 0 : i32
        %dma_wait3A_823 = tpu.memref_slice %arg2[%dma_wait3A_821, %dma_wait3A_822] : memref<10000x128xf32, #tpu.memory_space<hbm>> -> memref<80x128xf32, #tpu.memory_space<hbm>>
        %dma_wait3A_824 = arith.constant 0 : i32
        %dma_wait3A_825 = arith.constant 0 : i32
        %dma_wait3A_826 = tpu.memref_slice %arg2[%dma_wait3A_824, %dma_wait3A_825] : memref<10000x128xf32, #tpu.memory_space<hbm>> -> memref<80x128xf32, #tpu.memory_space<hbm>>
        tpu.wait_dma2 semaphore(%arg20 : memref<!tpu.dma_semaphore, #tpu.memory_space<semaphore_mem>>) src(%dma_wait3A_826 : memref<80x128xf32, #tpu.memory_space<hbm>>) dst(%arg6 : memref<80x128xf32, #tpu.memory_space<vmem>>)
      } else {
      }
      %add3A_671 = arith.constant 2 : i32
      %add3A_672 = arith.addi %add3A_652, %add3A_671 : i32
      %lt3A_673 = arith.constant 125 : i32
      %lt3A_674 = arith.cmpi slt, %add3A_672, %lt3A_673 : i32
      %convert_element_type3A_675 = arith.extui %lt3A_674 : i1 to i32
      %cond3A_676 = arith.constant 0 : i32
      %cond3A_677 = arith.cmpi ne, %convert_element_type3A_675, %cond3A_676 : i32
      scf.if %cond3A_677 {
        %dma_wait3A_821 = arith.constant 0 : i32
        %dma_wait3A_822 = arith.constant 0 : i32
        %dma_wait3A_823 = arith.constant 0 : i32
        %dma_wait3A_824 = arith.constant 0 : i32
        %dma_wait3A_825 = tpu.memref_slice %arg3[%dma_wait3A_821, %dma_wait3A_822, %dma_wait3A_823, %dma_wait3A_824] : memref<32x125x2x80xi32, #tpu.memory_space<hbm>> -> memref<1x1x2x80xi32, #tpu.memory_space<hbm>>
        %dma_wait3A_826 = tpu.memref_squeeze %dma_wait3A_825 : memref<1x1x2x80xi32, #tpu.memory_space<hbm>> -> memref<2x80xi32, #tpu.memory_space<hbm>>
        %dma_wait3A_827 = arith.constant 0 : i32
        %dma_wait3A_828 = arith.constant 0 : i32
        %dma_wait3A_829 = tpu.memref_slice %arg3[%dma_wait3A_821, %dma_wait3A_822, %dma_wait3A_827, %dma_wait3A_828] : memref<32x125x2x80xi32, #tpu.memory_space<hbm>> -> memref<1x1x2x80xi32, #tpu.memory_space<hbm>>
        %dma_wait3A_830 = tpu.memref_squeeze %dma_wait3A_829 : memref<1x1x2x80xi32, #tpu.memory_space<hbm>> -> memref<2x80xi32, #tpu.memory_space<hbm>>
        tpu.wait_dma2 semaphore(%arg18 : memref<!tpu.dma_semaphore, #tpu.memory_space<semaphore_mem>>) src(%dma_wait3A_830 : memref<2x80xi32, #tpu.memory_space<hbm>>) dst(%arg14 : memref<2x80xi32, #tpu.memory_space<vmem>>)
        %dma_start3A_831 = arith.constant 0 : i32
        %dma_start3A_832 = arith.constant 0 : i32
        %dma_start3A_833 = tpu.memref_slice %arg14[%dma_start3A_831, %dma_start3A_832] : memref<2x80xi32, #tpu.memory_space<vmem>> -> memref<1x80xi32, #tpu.memory_space<vmem>>
        %dma_start3A_834 = tpu.memref_squeeze %dma_start3A_833 : memref<1x80xi32, #tpu.memory_space<vmem>> -> memref<80xi32, #tpu.memory_space<vmem>>
        %dma_start3A_835 = arith.constant 0 : i32
        %dma_start3A_836 = arith.constant 0 : i32
        %dma_start3A_837 = tpu.memref_slice %arg2[%dma_start3A_835, %dma_start3A_836] : memref<10000x128xf32, #tpu.memory_space<hbm>> -> memref<10000x128xf32, #tpu.memory_space<hbm>>
        tpu.enqueue_indirect_dma source(%dma_start3A_837 : memref<10000x128xf32, #tpu.memory_space<hbm>>) target(%arg6 : memref<80x128xf32, #tpu.memory_space<vmem>>) offsets(%dma_start3A_834 : memref<80xi32, #tpu.memory_space<vmem>>) semaphore(%arg19 : memref<!tpu.dma_semaphore, #tpu.memory_space<semaphore_mem>>)
      } else {
      }
      %add3A_678 = arith.constant 4 : i32
      %add3A_679 = arith.addi %add3A_652, %add3A_678 : i32
      %lt3A_680 = arith.constant 125 : i32
      %lt3A_681 = arith.cmpi slt, %add3A_679, %lt3A_680 : i32
      %convert_element_type3A_682 = arith.extui %lt3A_681 : i1 to i32
      %cond3A_683 = arith.constant 0 : i32
      %cond3A_684 = arith.cmpi ne, %convert_element_type3A_682, %cond3A_683 : i32
      scf.if %cond3A_684 {
        %add3A_821 = arith.constant 4 : i32
        %add3A_822 = arith.addi %add3A_652, %add3A_821 : i32
        %dma_start3A_823 = arith.constant 0 : i32
        %dma_start3A_824 = arith.constant 0 : i32
        %dma_start3A_825 = tpu.memref_slice %arg3[%add3A, %add3A_822, %dma_start3A_823, %dma_start3A_824] : memref<32x125x2x80xi32, #tpu.memory_space<hbm>> -> memref<1x1x2x80xi32, #tpu.memory_space<hbm>>
        %dma_start3A_826 = tpu.memref_squeeze %dma_start3A_825 : memref<1x1x2x80xi32, #tpu.memory_space<hbm>> -> memref<2x80xi32, #tpu.memory_space<hbm>>
        %dma_start3A_827 = arith.constant 0 : i32
        %dma_start3A_828 = arith.constant 0 : i32
        %dma_start3A_829 = tpu.memref_slice %arg3[%add3A, %add3A_822, %dma_start3A_827, %dma_start3A_828] : memref<32x125x2x80xi32, #tpu.memory_space<hbm>> -> memref<1x1x2x80xi32, #tpu.memory_space<hbm>>
        %dma_start3A_830 = tpu.memref_squeeze %dma_start3A_829 : memref<1x1x2x80xi32, #tpu.memory_space<hbm>> -> memref<2x80xi32, #tpu.memory_space<hbm>>
        tpu.enqueue_dma source(%dma_start3A_830 : memref<2x80xi32, #tpu.memory_space<hbm>>) target(%arg16 : memref<2x80xi32, #tpu.memory_space<vmem>>) target_semaphore(%arg18 : memref<!tpu.dma_semaphore, #tpu.memory_space<semaphore_mem>>)
      } else {
      }
      %add3A_685 = arith.constant 4 : i32
      %add3A_686 = arith.addi %mul3A_552, %add3A_685 : i32
      %dma_wait3A_687 = arith.constant 0 : i32
      %dma_wait3A_688 = arith.constant 0 : i32
      %dma_wait3A_689 = tpu.memref_slice %arg2[%dma_wait3A_687, %dma_wait3A_688] : memref<10000x128xf32, #tpu.memory_space<hbm>> -> memref<80x128xf32, #tpu.memory_space<hbm>>
      %dma_wait3A_690 = arith.constant 0 : i32
      %dma_wait3A_691 = arith.constant 0 : i32
      %dma_wait3A_692 = tpu.memref_slice %arg2[%dma_wait3A_690, %dma_wait3A_691] : memref<10000x128xf32, #tpu.memory_space<hbm>> -> memref<80x128xf32, #tpu.memory_space<hbm>>
      tpu.wait_dma2 semaphore(%arg19 : memref<!tpu.dma_semaphore, #tpu.memory_space<semaphore_mem>>) src(%dma_wait3A_692 : memref<80x128xf32, #tpu.memory_space<hbm>>) dst(%arg5 : memref<80x128xf32, #tpu.memory_space<vmem>>)
      %dma_start3A_693 = arith.constant 1 : i32
      %dma_start3A_694 = arith.constant 0 : i32
      %dma_start3A_695 = tpu.memref_slice %arg13[%dma_start3A_693, %dma_start3A_694] : memref<2x80xi32, #tpu.memory_space<vmem>> -> memref<1x80xi32, #tpu.memory_space<vmem>>
      %dma_start3A_696 = tpu.memref_squeeze %dma_start3A_695 : memref<1x80xi32, #tpu.memory_space<vmem>> -> memref<80xi32, #tpu.memory_space<vmem>>
      %dma_start3A_697 = arith.constant 0 : i32
      %dma_start3A_698 = arith.constant 0 : i32
      %dma_start3A_699 = tpu.memref_slice %arg17[%dma_start3A_697, %dma_start3A_698] : memref<10240x128xf32, #tpu.memory_space<vmem_shared>> -> memref<10240x128xf32, #tpu.memory_space<vmem_shared>>
      tpu.enqueue_indirect_dma source(%arg5 : memref<80x128xf32, #tpu.memory_space<vmem>>) target(%dma_start3A_699 : memref<10240x128xf32, #tpu.memory_space<vmem_shared>>) offsets(%dma_start3A_696 : memref<80xi32, #tpu.memory_space<vmem>>) semaphore(%arg20 : memref<!tpu.dma_semaphore, #tpu.memory_space<semaphore_mem>>) {add = true}
      %ge3A_700 = arith.constant 2 : i32
      %ge3A_701 = arith.cmpi sge, %add3A_686, %ge3A_700 : i32
      %convert_element_type3A_702 = arith.extui %ge3A_701 : i1 to i32
      %cond3A_703 = arith.constant 0 : i32
      %cond3A_704 = arith.cmpi ne, %convert_element_type3A_702, %cond3A_703 : i32
      scf.if %cond3A_704 {
        %dma_wait3A_821 = arith.constant 0 : i32
        %dma_wait3A_822 = arith.constant 0 : i32
        %dma_wait3A_823 = tpu.memref_slice %arg2[%dma_wait3A_821, %dma_wait3A_822] : memref<10000x128xf32, #tpu.memory_space<hbm>> -> memref<80x128xf32, #tpu.memory_space<hbm>>
        %dma_wait3A_824 = arith.constant 0 : i32
        %dma_wait3A_825 = arith.constant 0 : i32
        %dma_wait3A_826 = tpu.memref_slice %arg2[%dma_wait3A_824, %dma_wait3A_825] : memref<10000x128xf32, #tpu.memory_space<hbm>> -> memref<80x128xf32, #tpu.memory_space<hbm>>
        tpu.wait_dma2 semaphore(%arg20 : memref<!tpu.dma_semaphore, #tpu.memory_space<semaphore_mem>>) src(%dma_wait3A_826 : memref<80x128xf32, #tpu.memory_space<hbm>>) dst(%arg7 : memref<80x128xf32, #tpu.memory_space<vmem>>)
      } else {
      }
      %add3A_705 = arith.constant 2 : i32
      %add3A_706 = arith.addi %add3A_686, %add3A_705 : i32
      %lt3A_707 = arith.constant 125 : i32
      %lt3A_708 = arith.cmpi slt, %add3A_706, %lt3A_707 : i32
      %convert_element_type3A_709 = arith.extui %lt3A_708 : i1 to i32
      %cond3A_710 = arith.constant 0 : i32
      %cond3A_711 = arith.cmpi ne, %convert_element_type3A_709, %cond3A_710 : i32
      scf.if %cond3A_711 {
        %dma_wait3A_821 = arith.constant 0 : i32
        %dma_wait3A_822 = arith.constant 0 : i32
        %dma_wait3A_823 = arith.constant 0 : i32
        %dma_wait3A_824 = arith.constant 0 : i32
        %dma_wait3A_825 = tpu.memref_slice %arg3[%dma_wait3A_821, %dma_wait3A_822, %dma_wait3A_823, %dma_wait3A_824] : memref<32x125x2x80xi32, #tpu.memory_space<hbm>> -> memref<1x1x2x80xi32, #tpu.memory_space<hbm>>
        %dma_wait3A_826 = tpu.memref_squeeze %dma_wait3A_825 : memref<1x1x2x80xi32, #tpu.memory_space<hbm>> -> memref<2x80xi32, #tpu.memory_space<hbm>>
        %dma_wait3A_827 = arith.constant 0 : i32
        %dma_wait3A_828 = arith.constant 0 : i32
        %dma_wait3A_829 = tpu.memref_slice %arg3[%dma_wait3A_821, %dma_wait3A_822, %dma_wait3A_827, %dma_wait3A_828] : memref<32x125x2x80xi32, #tpu.memory_space<hbm>> -> memref<1x1x2x80xi32, #tpu.memory_space<hbm>>
        %dma_wait3A_830 = tpu.memref_squeeze %dma_wait3A_829 : memref<1x1x2x80xi32, #tpu.memory_space<hbm>> -> memref<2x80xi32, #tpu.memory_space<hbm>>
        tpu.wait_dma2 semaphore(%arg18 : memref<!tpu.dma_semaphore, #tpu.memory_space<semaphore_mem>>) src(%dma_wait3A_830 : memref<2x80xi32, #tpu.memory_space<hbm>>) dst(%arg15 : memref<2x80xi32, #tpu.memory_space<vmem>>)
        %dma_start3A_831 = arith.constant 0 : i32
        %dma_start3A_832 = arith.constant 0 : i32
        %dma_start3A_833 = tpu.memref_slice %arg15[%dma_start3A_831, %dma_start3A_832] : memref<2x80xi32, #tpu.memory_space<vmem>> -> memref<1x80xi32, #tpu.memory_space<vmem>>
        %dma_start3A_834 = tpu.memref_squeeze %dma_start3A_833 : memref<1x80xi32, #tpu.memory_space<vmem>> -> memref<80xi32, #tpu.memory_space<vmem>>
        %dma_start3A_835 = arith.constant 0 : i32
        %dma_start3A_836 = arith.constant 0 : i32
        %dma_start3A_837 = tpu.memref_slice %arg2[%dma_start3A_835, %dma_start3A_836] : memref<10000x128xf32, #tpu.memory_space<hbm>> -> memref<10000x128xf32, #tpu.memory_space<hbm>>
        tpu.enqueue_indirect_dma source(%dma_start3A_837 : memref<10000x128xf32, #tpu.memory_space<hbm>>) target(%arg7 : memref<80x128xf32, #tpu.memory_space<vmem>>) offsets(%dma_start3A_834 : memref<80xi32, #tpu.memory_space<vmem>>) semaphore(%arg19 : memref<!tpu.dma_semaphore, #tpu.memory_space<semaphore_mem>>)
      } else {
      }
      %add3A_712 = arith.constant 4 : i32
      %add3A_713 = arith.addi %add3A_686, %add3A_712 : i32
      %lt3A_714 = arith.constant 125 : i32
      %lt3A_715 = arith.cmpi slt, %add3A_713, %lt3A_714 : i32
      %convert_element_type3A_716 = arith.extui %lt3A_715 : i1 to i32
      %cond3A_717 = arith.constant 0 : i32
      %cond3A_718 = arith.cmpi ne, %convert_element_type3A_716, %cond3A_717 : i32
      scf.if %cond3A_718 {
        %add3A_821 = arith.constant 4 : i32
        %add3A_822 = arith.addi %add3A_686, %add3A_821 : i32
        %dma_start3A_823 = arith.constant 0 : i32
        %dma_start3A_824 = arith.constant 0 : i32
        %dma_start3A_825 = tpu.memref_slice %arg3[%add3A, %add3A_822, %dma_start3A_823, %dma_start3A_824] : memref<32x125x2x80xi32, #tpu.memory_space<hbm>> -> memref<1x1x2x80xi32, #tpu.memory_space<hbm>>
        %dma_start3A_826 = tpu.memref_squeeze %dma_start3A_825 : memref<1x1x2x80xi32, #tpu.memory_space<hbm>> -> memref<2x80xi32, #tpu.memory_space<hbm>>
        %dma_start3A_827 = arith.constant 0 : i32
        %dma_start3A_828 = arith.constant 0 : i32
        %dma_start3A_829 = tpu.memref_slice %arg3[%add3A, %add3A_822, %dma_start3A_827, %dma_start3A_828] : memref<32x125x2x80xi32, #tpu.memory_space<hbm>> -> memref<1x1x2x80xi32, #tpu.memory_space<hbm>>
        %dma_start3A_830 = tpu.memref_squeeze %dma_start3A_829 : memref<1x1x2x80xi32, #tpu.memory_space<hbm>> -> memref<2x80xi32, #tpu.memory_space<hbm>>
        tpu.enqueue_dma source(%dma_start3A_830 : memref<2x80xi32, #tpu.memory_space<hbm>>) target(%arg9 : memref<2x80xi32, #tpu.memory_space<vmem>>) target_semaphore(%arg18 : memref<!tpu.dma_semaphore, #tpu.memory_space<semaphore_mem>>)
      } else {
      }
      %add3A_719 = arith.constant 5 : i32
      %add3A_720 = arith.addi %mul3A_552, %add3A_719 : i32
      %dma_wait3A_721 = arith.constant 0 : i32
      %dma_wait3A_722 = arith.constant 0 : i32
      %dma_wait3A_723 = tpu.memref_slice %arg2[%dma_wait3A_721, %dma_wait3A_722] : memref<10000x128xf32, #tpu.memory_space<hbm>> -> memref<80x128xf32, #tpu.memory_space<hbm>>
      %dma_wait3A_724 = arith.constant 0 : i32
      %dma_wait3A_725 = arith.constant 0 : i32
      %dma_wait3A_726 = tpu.memref_slice %arg2[%dma_wait3A_724, %dma_wait3A_725] : memref<10000x128xf32, #tpu.memory_space<hbm>> -> memref<80x128xf32, #tpu.memory_space<hbm>>
      tpu.wait_dma2 semaphore(%arg19 : memref<!tpu.dma_semaphore, #tpu.memory_space<semaphore_mem>>) src(%dma_wait3A_726 : memref<80x128xf32, #tpu.memory_space<hbm>>) dst(%arg6 : memref<80x128xf32, #tpu.memory_space<vmem>>)
      %dma_start3A_727 = arith.constant 1 : i32
      %dma_start3A_728 = arith.constant 0 : i32
      %dma_start3A_729 = tpu.memref_slice %arg14[%dma_start3A_727, %dma_start3A_728] : memref<2x80xi32, #tpu.memory_space<vmem>> -> memref<1x80xi32, #tpu.memory_space<vmem>>
      %dma_start3A_730 = tpu.memref_squeeze %dma_start3A_729 : memref<1x80xi32, #tpu.memory_space<vmem>> -> memref<80xi32, #tpu.memory_space<vmem>>
      %dma_start3A_731 = arith.constant 0 : i32
      %dma_start3A_732 = arith.constant 0 : i32
      %dma_start3A_733 = tpu.memref_slice %arg17[%dma_start3A_731, %dma_start3A_732] : memref<10240x128xf32, #tpu.memory_space<vmem_shared>> -> memref<10240x128xf32, #tpu.memory_space<vmem_shared>>
      tpu.enqueue_indirect_dma source(%arg6 : memref<80x128xf32, #tpu.memory_space<vmem>>) target(%dma_start3A_733 : memref<10240x128xf32, #tpu.memory_space<vmem_shared>>) offsets(%dma_start3A_730 : memref<80xi32, #tpu.memory_space<vmem>>) semaphore(%arg20 : memref<!tpu.dma_semaphore, #tpu.memory_space<semaphore_mem>>) {add = true}
      %ge3A_734 = arith.constant 2 : i32
      %ge3A_735 = arith.cmpi sge, %add3A_720, %ge3A_734 : i32
      %convert_element_type3A_736 = arith.extui %ge3A_735 : i1 to i32
      %cond3A_737 = arith.constant 0 : i32
      %cond3A_738 = arith.cmpi ne, %convert_element_type3A_736, %cond3A_737 : i32
      scf.if %cond3A_738 {
        %dma_wait3A_821 = arith.constant 0 : i32
        %dma_wait3A_822 = arith.constant 0 : i32
        %dma_wait3A_823 = tpu.memref_slice %arg2[%dma_wait3A_821, %dma_wait3A_822] : memref<10000x128xf32, #tpu.memory_space<hbm>> -> memref<80x128xf32, #tpu.memory_space<hbm>>
        %dma_wait3A_824 = arith.constant 0 : i32
        %dma_wait3A_825 = arith.constant 0 : i32
        %dma_wait3A_826 = tpu.memref_slice %arg2[%dma_wait3A_824, %dma_wait3A_825] : memref<10000x128xf32, #tpu.memory_space<hbm>> -> memref<80x128xf32, #tpu.memory_space<hbm>>
        tpu.wait_dma2 semaphore(%arg20 : memref<!tpu.dma_semaphore, #tpu.memory_space<semaphore_mem>>) src(%dma_wait3A_826 : memref<80x128xf32, #tpu.memory_space<hbm>>) dst(%arg8 : memref<80x128xf32, #tpu.memory_space<vmem>>)
      } else {
      }
      %add3A_739 = arith.constant 2 : i32
      %add3A_740 = arith.addi %add3A_720, %add3A_739 : i32
      %lt3A_741 = arith.constant 125 : i32
      %lt3A_742 = arith.cmpi slt, %add3A_740, %lt3A_741 : i32
      %convert_element_type3A_743 = arith.extui %lt3A_742 : i1 to i32
      %cond3A_744 = arith.constant 0 : i32
      %cond3A_745 = arith.cmpi ne, %convert_element_type3A_743, %cond3A_744 : i32
      scf.if %cond3A_745 {
        %dma_wait3A_821 = arith.constant 0 : i32
        %dma_wait3A_822 = arith.constant 0 : i32
        %dma_wait3A_823 = arith.constant 0 : i32
        %dma_wait3A_824 = arith.constant 0 : i32
        %dma_wait3A_825 = tpu.memref_slice %arg3[%dma_wait3A_821, %dma_wait3A_822, %dma_wait3A_823, %dma_wait3A_824] : memref<32x125x2x80xi32, #tpu.memory_space<hbm>> -> memref<1x1x2x80xi32, #tpu.memory_space<hbm>>
        %dma_wait3A_826 = tpu.memref_squeeze %dma_wait3A_825 : memref<1x1x2x80xi32, #tpu.memory_space<hbm>> -> memref<2x80xi32, #tpu.memory_space<hbm>>
        %dma_wait3A_827 = arith.constant 0 : i32
        %dma_wait3A_828 = arith.constant 0 : i32
        %dma_wait3A_829 = tpu.memref_slice %arg3[%dma_wait3A_821, %dma_wait3A_822, %dma_wait3A_827, %dma_wait3A_828] : memref<32x125x2x80xi32, #tpu.memory_space<hbm>> -> memref<1x1x2x80xi32, #tpu.memory_space<hbm>>
        %dma_wait3A_830 = tpu.memref_squeeze %dma_wait3A_829 : memref<1x1x2x80xi32, #tpu.memory_space<hbm>> -> memref<2x80xi32, #tpu.memory_space<hbm>>
        tpu.wait_dma2 semaphore(%arg18 : memref<!tpu.dma_semaphore, #tpu.memory_space<semaphore_mem>>) src(%dma_wait3A_830 : memref<2x80xi32, #tpu.memory_space<hbm>>) dst(%arg16 : memref<2x80xi32, #tpu.memory_space<vmem>>)
        %dma_start3A_831 = arith.constant 0 : i32
        %dma_start3A_832 = arith.constant 0 : i32
        %dma_start3A_833 = tpu.memref_slice %arg16[%dma_start3A_831, %dma_start3A_832] : memref<2x80xi32, #tpu.memory_space<vmem>> -> memref<1x80xi32, #tpu.memory_space<vmem>>
        %dma_start3A_834 = tpu.memref_squeeze %dma_start3A_833 : memref<1x80xi32, #tpu.memory_space<vmem>> -> memref<80xi32, #tpu.memory_space<vmem>>
        %dma_start3A_835 = arith.constant 0 : i32
        %dma_start3A_836 = arith.constant 0 : i32
        %dma_start3A_837 = tpu.memref_slice %arg2[%dma_start3A_835, %dma_start3A_836] : memref<10000x128xf32, #tpu.memory_space<hbm>> -> memref<10000x128xf32, #tpu.memory_space<hbm>>
        tpu.enqueue_indirect_dma source(%dma_start3A_837 : memref<10000x128xf32, #tpu.memory_space<hbm>>) target(%arg8 : memref<80x128xf32, #tpu.memory_space<vmem>>) offsets(%dma_start3A_834 : memref<80xi32, #tpu.memory_space<vmem>>) semaphore(%arg19 : memref<!tpu.dma_semaphore, #tpu.memory_space<semaphore_mem>>)
      } else {
      }
      %add3A_746 = arith.constant 4 : i32
      %add3A_747 = arith.addi %add3A_720, %add3A_746 : i32
      %lt3A_748 = arith.constant 125 : i32
      %lt3A_749 = arith.cmpi slt, %add3A_747, %lt3A_748 : i32
      %convert_element_type3A_750 = arith.extui %lt3A_749 : i1 to i32
      %cond3A_751 = arith.constant 0 : i32
      %cond3A_752 = arith.cmpi ne, %convert_element_type3A_750, %cond3A_751 : i32
      scf.if %cond3A_752 {
        %add3A_821 = arith.constant 4 : i32
        %add3A_822 = arith.addi %add3A_720, %add3A_821 : i32
        %dma_start3A_823 = arith.constant 0 : i32
        %dma_start3A_824 = arith.constant 0 : i32
        %dma_start3A_825 = tpu.memref_slice %arg3[%add3A, %add3A_822, %dma_start3A_823, %dma_start3A_824] : memref<32x125x2x80xi32, #tpu.memory_space<hbm>> -> memref<1x1x2x80xi32, #tpu.memory_space<hbm>>
        %dma_start3A_826 = tpu.memref_squeeze %dma_start3A_825 : memref<1x1x2x80xi32, #tpu.memory_space<hbm>> -> memref<2x80xi32, #tpu.memory_space<hbm>>
        %dma_start3A_827 = arith.constant 0 : i32
        %dma_start3A_828 = arith.constant 0 : i32
        %dma_start3A_829 = tpu.memref_slice %arg3[%add3A, %add3A_822, %dma_start3A_827, %dma_start3A_828] : memref<32x125x2x80xi32, #tpu.memory_space<hbm>> -> memref<1x1x2x80xi32, #tpu.memory_space<hbm>>
        %dma_start3A_830 = tpu.memref_squeeze %dma_start3A_829 : memref<1x1x2x80xi32, #tpu.memory_space<hbm>> -> memref<2x80xi32, #tpu.memory_space<hbm>>
        tpu.enqueue_dma source(%dma_start3A_830 : memref<2x80xi32, #tpu.memory_space<hbm>>) target(%arg10 : memref<2x80xi32, #tpu.memory_space<vmem>>) target_semaphore(%arg18 : memref<!tpu.dma_semaphore, #tpu.memory_space<semaphore_mem>>)
      } else {
      }
      %add3A_753 = arith.constant 6 : i32
      %add3A_754 = arith.addi %mul3A_552, %add3A_753 : i32
      %dma_wait3A_755 = arith.constant 0 : i32
      %dma_wait3A_756 = arith.constant 0 : i32
      %dma_wait3A_757 = tpu.memref_slice %arg2[%dma_wait3A_755, %dma_wait3A_756] : memref<10000x128xf32, #tpu.memory_space<hbm>> -> memref<80x128xf32, #tpu.memory_space<hbm>>
      %dma_wait3A_758 = arith.constant 0 : i32
      %dma_wait3A_759 = arith.constant 0 : i32
      %dma_wait3A_760 = tpu.memref_slice %arg2[%dma_wait3A_758, %dma_wait3A_759] : memref<10000x128xf32, #tpu.memory_space<hbm>> -> memref<80x128xf32, #tpu.memory_space<hbm>>
      tpu.wait_dma2 semaphore(%arg19 : memref<!tpu.dma_semaphore, #tpu.memory_space<semaphore_mem>>) src(%dma_wait3A_760 : memref<80x128xf32, #tpu.memory_space<hbm>>) dst(%arg7 : memref<80x128xf32, #tpu.memory_space<vmem>>)
      %dma_start3A_761 = arith.constant 1 : i32
      %dma_start3A_762 = arith.constant 0 : i32
      %dma_start3A_763 = tpu.memref_slice %arg15[%dma_start3A_761, %dma_start3A_762] : memref<2x80xi32, #tpu.memory_space<vmem>> -> memref<1x80xi32, #tpu.memory_space<vmem>>
      %dma_start3A_764 = tpu.memref_squeeze %dma_start3A_763 : memref<1x80xi32, #tpu.memory_space<vmem>> -> memref<80xi32, #tpu.memory_space<vmem>>
      %dma_start3A_765 = arith.constant 0 : i32
      %dma_start3A_766 = arith.constant 0 : i32
      %dma_start3A_767 = tpu.memref_slice %arg17[%dma_start3A_765, %dma_start3A_766] : memref<10240x128xf32, #tpu.memory_space<vmem_shared>> -> memref<10240x128xf32, #tpu.memory_space<vmem_shared>>
      tpu.enqueue_indirect_dma source(%arg7 : memref<80x128xf32, #tpu.memory_space<vmem>>) target(%dma_start3A_767 : memref<10240x128xf32, #tpu.memory_space<vmem_shared>>) offsets(%dma_start3A_764 : memref<80xi32, #tpu.memory_space<vmem>>) semaphore(%arg20 : memref<!tpu.dma_semaphore, #tpu.memory_space<semaphore_mem>>) {add = true}
      %ge3A_768 = arith.constant 2 : i32
      %ge3A_769 = arith.cmpi sge, %add3A_754, %ge3A_768 : i32
      %convert_element_type3A_770 = arith.extui %ge3A_769 : i1 to i32
      %cond3A_771 = arith.constant 0 : i32
      %cond3A_772 = arith.cmpi ne, %convert_element_type3A_770, %cond3A_771 : i32
      scf.if %cond3A_772 {
        %dma_wait3A_821 = arith.constant 0 : i32
        %dma_wait3A_822 = arith.constant 0 : i32
        %dma_wait3A_823 = tpu.memref_slice %arg2[%dma_wait3A_821, %dma_wait3A_822] : memref<10000x128xf32, #tpu.memory_space<hbm>> -> memref<80x128xf32, #tpu.memory_space<hbm>>
        %dma_wait3A_824 = arith.constant 0 : i32
        %dma_wait3A_825 = arith.constant 0 : i32
        %dma_wait3A_826 = tpu.memref_slice %arg2[%dma_wait3A_824, %dma_wait3A_825] : memref<10000x128xf32, #tpu.memory_space<hbm>> -> memref<80x128xf32, #tpu.memory_space<hbm>>
        tpu.wait_dma2 semaphore(%arg20 : memref<!tpu.dma_semaphore, #tpu.memory_space<semaphore_mem>>) src(%dma_wait3A_826 : memref<80x128xf32, #tpu.memory_space<hbm>>) dst(%arg5 : memref<80x128xf32, #tpu.memory_space<vmem>>)
      } else {
      }
      %add3A_773 = arith.constant 2 : i32
      %add3A_774 = arith.addi %add3A_754, %add3A_773 : i32
      %lt3A_775 = arith.constant 125 : i32
      %lt3A_776 = arith.cmpi slt, %add3A_774, %lt3A_775 : i32
      %convert_element_type3A_777 = arith.extui %lt3A_776 : i1 to i32
      %cond3A_778 = arith.constant 0 : i32
      %cond3A_779 = arith.cmpi ne, %convert_element_type3A_777, %cond3A_778 : i32
      scf.if %cond3A_779 {
        %dma_wait3A_821 = arith.constant 0 : i32
        %dma_wait3A_822 = arith.constant 0 : i32
        %dma_wait3A_823 = arith.constant 0 : i32
        %dma_wait3A_824 = arith.constant 0 : i32
        %dma_wait3A_825 = tpu.memref_slice %arg3[%dma_wait3A_821, %dma_wait3A_822, %dma_wait3A_823, %dma_wait3A_824] : memref<32x125x2x80xi32, #tpu.memory_space<hbm>> -> memref<1x1x2x80xi32, #tpu.memory_space<hbm>>
        %dma_wait3A_826 = tpu.memref_squeeze %dma_wait3A_825 : memref<1x1x2x80xi32, #tpu.memory_space<hbm>> -> memref<2x80xi32, #tpu.memory_space<hbm>>
        %dma_wait3A_827 = arith.constant 0 : i32
        %dma_wait3A_828 = arith.constant 0 : i32
        %dma_wait3A_829 = tpu.memref_slice %arg3[%dma_wait3A_821, %dma_wait3A_822, %dma_wait3A_827, %dma_wait3A_828] : memref<32x125x2x80xi32, #tpu.memory_space<hbm>> -> memref<1x1x2x80xi32, #tpu.memory_space<hbm>>
        %dma_wait3A_830 = tpu.memref_squeeze %dma_wait3A_829 : memref<1x1x2x80xi32, #tpu.memory_space<hbm>> -> memref<2x80xi32, #tpu.memory_space<hbm>>
        tpu.wait_dma2 semaphore(%arg18 : memref<!tpu.dma_semaphore, #tpu.memory_space<semaphore_mem>>) src(%dma_wait3A_830 : memref<2x80xi32, #tpu.memory_space<hbm>>) dst(%arg9 : memref<2x80xi32, #tpu.memory_space<vmem>>)
        %dma_start3A_831 = arith.constant 0 : i32
        %dma_start3A_832 = arith.constant 0 : i32
        %dma_start3A_833 = tpu.memref_slice %arg9[%dma_start3A_831, %dma_start3A_832] : memref<2x80xi32, #tpu.memory_space<vmem>> -> memref<1x80xi32, #tpu.memory_space<vmem>>
        %dma_start3A_834 = tpu.memref_squeeze %dma_start3A_833 : memref<1x80xi32, #tpu.memory_space<vmem>> -> memref<80xi32, #tpu.memory_space<vmem>>
        %dma_start3A_835 = arith.constant 0 : i32
        %dma_start3A_836 = arith.constant 0 : i32
        %dma_start3A_837 = tpu.memref_slice %arg2[%dma_start3A_835, %dma_start3A_836] : memref<10000x128xf32, #tpu.memory_space<hbm>> -> memref<10000x128xf32, #tpu.memory_space<hbm>>
        tpu.enqueue_indirect_dma source(%dma_start3A_837 : memref<10000x128xf32, #tpu.memory_space<hbm>>) target(%arg5 : memref<80x128xf32, #tpu.memory_space<vmem>>) offsets(%dma_start3A_834 : memref<80xi32, #tpu.memory_space<vmem>>) semaphore(%arg19 : memref<!tpu.dma_semaphore, #tpu.memory_space<semaphore_mem>>)
      } else {
      }
      %add3A_780 = arith.constant 4 : i32
      %add3A_781 = arith.addi %add3A_754, %add3A_780 : i32
      %lt3A_782 = arith.constant 125 : i32
      %lt3A_783 = arith.cmpi slt, %add3A_781, %lt3A_782 : i32
      %convert_element_type3A_784 = arith.extui %lt3A_783 : i1 to i32
      %cond3A_785 = arith.constant 0 : i32
      %cond3A_786 = arith.cmpi ne, %convert_element_type3A_784, %cond3A_785 : i32
      scf.if %cond3A_786 {
        %add3A_821 = arith.constant 4 : i32
        %add3A_822 = arith.addi %add3A_754, %add3A_821 : i32
        %dma_start3A_823 = arith.constant 0 : i32
        %dma_start3A_824 = arith.constant 0 : i32
        %dma_start3A_825 = tpu.memref_slice %arg3[%add3A, %add3A_822, %dma_start3A_823, %dma_start3A_824] : memref<32x125x2x80xi32, #tpu.memory_space<hbm>> -> memref<1x1x2x80xi32, #tpu.memory_space<hbm>>
        %dma_start3A_826 = tpu.memref_squeeze %dma_start3A_825 : memref<1x1x2x80xi32, #tpu.memory_space<hbm>> -> memref<2x80xi32, #tpu.memory_space<hbm>>
        %dma_start3A_827 = arith.constant 0 : i32
        %dma_start3A_828 = arith.constant 0 : i32
        %dma_start3A_829 = tpu.memref_slice %arg3[%add3A, %add3A_822, %dma_start3A_827, %dma_start3A_828] : memref<32x125x2x80xi32, #tpu.memory_space<hbm>> -> memref<1x1x2x80xi32, #tpu.memory_space<hbm>>
        %dma_start3A_830 = tpu.memref_squeeze %dma_start3A_829 : memref<1x1x2x80xi32, #tpu.memory_space<hbm>> -> memref<2x80xi32, #tpu.memory_space<hbm>>
        tpu.enqueue_dma source(%dma_start3A_830 : memref<2x80xi32, #tpu.memory_space<hbm>>) target(%arg11 : memref<2x80xi32, #tpu.memory_space<vmem>>) target_semaphore(%arg18 : memref<!tpu.dma_semaphore, #tpu.memory_space<semaphore_mem>>)
      } else {
      }
      %add3A_787 = arith.constant 7 : i32
      %add3A_788 = arith.addi %mul3A_552, %add3A_787 : i32
      %dma_wait3A_789 = arith.constant 0 : i32
      %dma_wait3A_790 = arith.constant 0 : i32
      %dma_wait3A_791 = tpu.memref_slice %arg2[%dma_wait3A_789, %dma_wait3A_790] : memref<10000x128xf32, #tpu.memory_space<hbm>> -> memref<80x128xf32, #tpu.memory_space<hbm>>
      %dma_wait3A_792 = arith.constant 0 : i32
      %dma_wait3A_793 = arith.constant 0 : i32
      %dma_wait3A_794 = tpu.memref_slice %arg2[%dma_wait3A_792, %dma_wait3A_793] : memref<10000x128xf32, #tpu.memory_space<hbm>> -> memref<80x128xf32, #tpu.memory_space<hbm>>
      tpu.wait_dma2 semaphore(%arg19 : memref<!tpu.dma_semaphore, #tpu.memory_space<semaphore_mem>>) src(%dma_wait3A_794 : memref<80x128xf32, #tpu.memory_space<hbm>>) dst(%arg8 : memref<80x128xf32, #tpu.memory_space<vmem>>)
      %dma_start3A_795 = arith.constant 1 : i32
      %dma_start3A_796 = arith.constant 0 : i32
      %dma_start3A_797 = tpu.memref_slice %arg16[%dma_start3A_795, %dma_start3A_796] : memref<2x80xi32, #tpu.memory_space<vmem>> -> memref<1x80xi32, #tpu.memory_space<vmem>>
      %dma_start3A_798 = tpu.memref_squeeze %dma_start3A_797 : memref<1x80xi32, #tpu.memory_space<vmem>> -> memref<80xi32, #tpu.memory_space<vmem>>
      %dma_start3A_799 = arith.constant 0 : i32
      %dma_start3A_800 = arith.constant 0 : i32
      %dma_start3A_801 = tpu.memref_slice %arg17[%dma_start3A_799, %dma_start3A_800] : memref<10240x128xf32, #tpu.memory_space<vmem_shared>> -> memref<10240x128xf32, #tpu.memory_space<vmem_shared>>
      tpu.enqueue_indirect_dma source(%arg8 : memref<80x128xf32, #tpu.memory_space<vmem>>) target(%dma_start3A_801 : memref<10240x128xf32, #tpu.memory_space<vmem_shared>>) offsets(%dma_start3A_798 : memref<80xi32, #tpu.memory_space<vmem>>) semaphore(%arg20 : memref<!tpu.dma_semaphore, #tpu.memory_space<semaphore_mem>>) {add = true}
      %ge3A_802 = arith.constant 2 : i32
      %ge3A_803 = arith.cmpi sge, %add3A_788, %ge3A_802 : i32
      %convert_element_type3A_804 = arith.extui %ge3A_803 : i1 to i32
      %cond3A_805 = arith.constant 0 : i32
      %cond3A_806 = arith.cmpi ne, %convert_element_type3A_804, %cond3A_805 : i32
      scf.if %cond3A_806 {
        %dma_wait3A_821 = arith.constant 0 : i32
        %dma_wait3A_822 = arith.constant 0 : i32
        %dma_wait3A_823 = tpu.memref_slice %arg2[%dma_wait3A_821, %dma_wait3A_822] : memref<10000x128xf32, #tpu.memory_space<hbm>> -> memref<80x128xf32, #tpu.memory_space<hbm>>
        %dma_wait3A_824 = arith.constant 0 : i32
        %dma_wait3A_825 = arith.constant 0 : i32
        %dma_wait3A_826 = tpu.memref_slice %arg2[%dma_wait3A_824, %dma_wait3A_825] : memref<10000x128xf32, #tpu.memory_space<hbm>> -> memref<80x128xf32, #tpu.memory_space<hbm>>
        tpu.wait_dma2 semaphore(%arg20 : memref<!tpu.dma_semaphore, #tpu.memory_space<semaphore_mem>>) src(%dma_wait3A_826 : memref<80x128xf32, #tpu.memory_space<hbm>>) dst(%arg6 : memref<80x128xf32, #tpu.memory_space<vmem>>)
      } else {
      }
      %add3A_807 = arith.constant 2 : i32
      %add3A_808 = arith.addi %add3A_788, %add3A_807 : i32
      %lt3A_809 = arith.constant 125 : i32
      %lt3A_810 = arith.cmpi slt, %add3A_808, %lt3A_809 : i32
      %convert_element_type3A_811 = arith.extui %lt3A_810 : i1 to i32
      %cond3A_812 = arith.constant 0 : i32
      %cond3A_813 = arith.cmpi ne, %convert_element_type3A_811, %cond3A_812 : i32
      scf.if %cond3A_813 {
        %dma_wait3A_821 = arith.constant 0 : i32
        %dma_wait3A_822 = arith.constant 0 : i32
        %dma_wait3A_823 = arith.constant 0 : i32
        %dma_wait3A_824 = arith.constant 0 : i32
        %dma_wait3A_825 = tpu.memref_slice %arg3[%dma_wait3A_821, %dma_wait3A_822, %dma_wait3A_823, %dma_wait3A_824] : memref<32x125x2x80xi32, #tpu.memory_space<hbm>> -> memref<1x1x2x80xi32, #tpu.memory_space<hbm>>
        %dma_wait3A_826 = tpu.memref_squeeze %dma_wait3A_825 : memref<1x1x2x80xi32, #tpu.memory_space<hbm>> -> memref<2x80xi32, #tpu.memory_space<hbm>>
        %dma_wait3A_827 = arith.constant 0 : i32
        %dma_wait3A_828 = arith.constant 0 : i32
        %dma_wait3A_829 = tpu.memref_slice %arg3[%dma_wait3A_821, %dma_wait3A_822, %dma_wait3A_827, %dma_wait3A_828] : memref<32x125x2x80xi32, #tpu.memory_space<hbm>> -> memref<1x1x2x80xi32, #tpu.memory_space<hbm>>
        %dma_wait3A_830 = tpu.memref_squeeze %dma_wait3A_829 : memref<1x1x2x80xi32, #tpu.memory_space<hbm>> -> memref<2x80xi32, #tpu.memory_space<hbm>>
        tpu.wait_dma2 semaphore(%arg18 : memref<!tpu.dma_semaphore, #tpu.memory_space<semaphore_mem>>) src(%dma_wait3A_830 : memref<2x80xi32, #tpu.memory_space<hbm>>) dst(%arg10 : memref<2x80xi32, #tpu.memory_space<vmem>>)
        %dma_start3A_831 = arith.constant 0 : i32
        %dma_start3A_832 = arith.constant 0 : i32
        %dma_start3A_833 = tpu.memref_slice %arg10[%dma_start3A_831, %dma_start3A_832] : memref<2x80xi32, #tpu.memory_space<vmem>> -> memref<1x80xi32, #tpu.memory_space<vmem>>
        %dma_start3A_834 = tpu.memref_squeeze %dma_start3A_833 : memref<1x80xi32, #tpu.memory_space<vmem>> -> memref<80xi32, #tpu.memory_space<vmem>>
        %dma_start3A_835 = arith.constant 0 : i32
        %dma_start3A_836 = arith.constant 0 : i32
        %dma_start3A_837 = tpu.memref_slice %arg2[%dma_start3A_835, %dma_start3A_836] : memref<10000x128xf32, #tpu.memory_space<hbm>> -> memref<10000x128xf32, #tpu.memory_space<hbm>>
        tpu.enqueue_indirect_dma source(%dma_start3A_837 : memref<10000x128xf32, #tpu.memory_space<hbm>>) target(%arg6 : memref<80x128xf32, #tpu.memory_space<vmem>>) offsets(%dma_start3A_834 : memref<80xi32, #tpu.memory_space<vmem>>) semaphore(%arg19 : memref<!tpu.dma_semaphore, #tpu.memory_space<semaphore_mem>>)
      } else {
      }
      %add3A_814 = arith.constant 4 : i32
      %add3A_815 = arith.addi %add3A_788, %add3A_814 : i32
      %lt3A_816 = arith.constant 125 : i32
      %lt3A_817 = arith.cmpi slt, %add3A_815, %lt3A_816 : i32
      %convert_element_type3A_818 = arith.extui %lt3A_817 : i1 to i32
      %cond3A_819 = arith.constant 0 : i32
      %cond3A_820 = arith.cmpi ne, %convert_element_type3A_818, %cond3A_819 : i32
      scf.if %cond3A_820 {
        %add3A_821 = arith.constant 4 : i32
        %add3A_822 = arith.addi %add3A_788, %add3A_821 : i32
        %dma_start3A_823 = arith.constant 0 : i32
        %dma_start3A_824 = arith.constant 0 : i32
        %dma_start3A_825 = tpu.memref_slice %arg3[%add3A, %add3A_822, %dma_start3A_823, %dma_start3A_824] : memref<32x125x2x80xi32, #tpu.memory_space<hbm>> -> memref<1x1x2x80xi32, #tpu.memory_space<hbm>>
        %dma_start3A_826 = tpu.memref_squeeze %dma_start3A_825 : memref<1x1x2x80xi32, #tpu.memory_space<hbm>> -> memref<2x80xi32, #tpu.memory_space<hbm>>
        %dma_start3A_827 = arith.constant 0 : i32
        %dma_start3A_828 = arith.constant 0 : i32
        %dma_start3A_829 = tpu.memref_slice %arg3[%add3A, %add3A_822, %dma_start3A_827, %dma_start3A_828] : memref<32x125x2x80xi32, #tpu.memory_space<hbm>> -> memref<1x1x2x80xi32, #tpu.memory_space<hbm>>
        %dma_start3A_830 = tpu.memref_squeeze %dma_start3A_829 : memref<1x1x2x80xi32, #tpu.memory_space<hbm>> -> memref<2x80xi32, #tpu.memory_space<hbm>>
        tpu.enqueue_dma source(%dma_start3A_830 : memref<2x80xi32, #tpu.memory_space<hbm>>) target(%arg12 : memref<2x80xi32, #tpu.memory_space<vmem>>) target_semaphore(%arg18 : memref<!tpu.dma_semaphore, #tpu.memory_space<semaphore_mem>>)
      } else {
      }
    }
    %scan3A_175 = arith.constant 15 : i32
    %dma_wait3A_176 = arith.constant 0 : i32
    %dma_wait3A_177 = arith.constant 0 : i32
    %dma_wait3A_178 = tpu.memref_slice %arg2[%dma_wait3A_176, %dma_wait3A_177] : memref<10000x128xf32, #tpu.memory_space<hbm>> -> memref<80x128xf32, #tpu.memory_space<hbm>>
    %dma_wait3A_179 = arith.constant 0 : i32
    %dma_wait3A_180 = arith.constant 0 : i32
    %dma_wait3A_181 = tpu.memref_slice %arg2[%dma_wait3A_179, %dma_wait3A_180] : memref<10000x128xf32, #tpu.memory_space<hbm>> -> memref<80x128xf32, #tpu.memory_space<hbm>>
    tpu.wait_dma2 semaphore(%arg19 : memref<!tpu.dma_semaphore, #tpu.memory_space<semaphore_mem>>) src(%dma_wait3A_181 : memref<80x128xf32, #tpu.memory_space<hbm>>) dst(%arg5 : memref<80x128xf32, #tpu.memory_space<vmem>>)
    %dma_start3A_182 = arith.constant 1 : i32
    %dma_start3A_183 = arith.constant 0 : i32
    %dma_start3A_184 = tpu.memref_slice %arg9[%dma_start3A_182, %dma_start3A_183] : memref<2x80xi32, #tpu.memory_space<vmem>> -> memref<1x80xi32, #tpu.memory_space<vmem>>
    %dma_start3A_185 = tpu.memref_squeeze %dma_start3A_184 : memref<1x80xi32, #tpu.memory_space<vmem>> -> memref<80xi32, #tpu.memory_space<vmem>>
    %dma_start3A_186 = arith.constant 0 : i32
    %dma_start3A_187 = arith.constant 0 : i32
    %dma_start3A_188 = tpu.memref_slice %arg17[%dma_start3A_186, %dma_start3A_187] : memref<10240x128xf32, #tpu.memory_space<vmem_shared>> -> memref<10240x128xf32, #tpu.memory_space<vmem_shared>>
    tpu.enqueue_indirect_dma source(%arg5 : memref<80x128xf32, #tpu.memory_space<vmem>>) target(%dma_start3A_188 : memref<10240x128xf32, #tpu.memory_space<vmem_shared>>) offsets(%dma_start3A_185 : memref<80xi32, #tpu.memory_space<vmem>>) semaphore(%arg20 : memref<!tpu.dma_semaphore, #tpu.memory_space<semaphore_mem>>) {add = true}
    %dma_wait3A_189 = arith.constant 0 : i32
    %dma_wait3A_190 = arith.constant 0 : i32
    %dma_wait3A_191 = tpu.memref_slice %arg2[%dma_wait3A_189, %dma_wait3A_190] : memref<10000x128xf32, #tpu.memory_space<hbm>> -> memref<80x128xf32, #tpu.memory_space<hbm>>
    %dma_wait3A_192 = arith.constant 0 : i32
    %dma_wait3A_193 = arith.constant 0 : i32
    %dma_wait3A_194 = tpu.memref_slice %arg2[%dma_wait3A_192, %dma_wait3A_193] : memref<10000x128xf32, #tpu.memory_space<hbm>> -> memref<80x128xf32, #tpu.memory_space<hbm>>
    tpu.wait_dma2 semaphore(%arg20 : memref<!tpu.dma_semaphore, #tpu.memory_space<semaphore_mem>>) src(%dma_wait3A_194 : memref<80x128xf32, #tpu.memory_space<hbm>>) dst(%arg7 : memref<80x128xf32, #tpu.memory_space<vmem>>)
    %dma_wait3A_195 = arith.constant 0 : i32
    %dma_wait3A_196 = arith.constant 0 : i32
    %dma_wait3A_197 = arith.constant 0 : i32
    %dma_wait3A_198 = arith.constant 0 : i32
    %dma_wait3A_199 = tpu.memref_slice %arg3[%dma_wait3A_195, %dma_wait3A_196, %dma_wait3A_197, %dma_wait3A_198] : memref<32x125x2x80xi32, #tpu.memory_space<hbm>> -> memref<1x1x2x80xi32, #tpu.memory_space<hbm>>
    %dma_wait3A_200 = tpu.memref_squeeze %dma_wait3A_199 : memref<1x1x2x80xi32, #tpu.memory_space<hbm>> -> memref<2x80xi32, #tpu.memory_space<hbm>>
    %dma_wait3A_201 = arith.constant 0 : i32
    %dma_wait3A_202 = arith.constant 0 : i32
    %dma_wait3A_203 = tpu.memref_slice %arg3[%dma_wait3A_195, %dma_wait3A_196, %dma_wait3A_201, %dma_wait3A_202] : memref<32x125x2x80xi32, #tpu.memory_space<hbm>> -> memref<1x1x2x80xi32, #tpu.memory_space<hbm>>
    %dma_wait3A_204 = tpu.memref_squeeze %dma_wait3A_203 : memref<1x1x2x80xi32, #tpu.memory_space<hbm>> -> memref<2x80xi32, #tpu.memory_space<hbm>>
    tpu.wait_dma2 semaphore(%arg18 : memref<!tpu.dma_semaphore, #tpu.memory_space<semaphore_mem>>) src(%dma_wait3A_204 : memref<2x80xi32, #tpu.memory_space<hbm>>) dst(%arg11 : memref<2x80xi32, #tpu.memory_space<vmem>>)
    %dma_start3A_205 = arith.constant 0 : i32
    %dma_start3A_206 = arith.constant 0 : i32
    %dma_start3A_207 = tpu.memref_slice %arg11[%dma_start3A_205, %dma_start3A_206] : memref<2x80xi32, #tpu.memory_space<vmem>> -> memref<1x80xi32, #tpu.memory_space<vmem>>
    %dma_start3A_208 = tpu.memref_squeeze %dma_start3A_207 : memref<1x80xi32, #tpu.memory_space<vmem>> -> memref<80xi32, #tpu.memory_space<vmem>>
    %dma_start3A_209 = arith.constant 0 : i32
    %dma_start3A_210 = arith.constant 0 : i32
    %dma_start3A_211 = tpu.memref_slice %arg2[%dma_start3A_209, %dma_start3A_210] : memref<10000x128xf32, #tpu.memory_space<hbm>> -> memref<10000x128xf32, #tpu.memory_space<hbm>>
    tpu.enqueue_indirect_dma source(%dma_start3A_211 : memref<10000x128xf32, #tpu.memory_space<hbm>>) target(%arg7 : memref<80x128xf32, #tpu.memory_space<vmem>>) offsets(%dma_start3A_208 : memref<80xi32, #tpu.memory_space<vmem>>) semaphore(%arg19 : memref<!tpu.dma_semaphore, #tpu.memory_space<semaphore_mem>>)
    %dma_start3A_212 = arith.constant 124 : i32
    %dma_start3A_213 = arith.constant 0 : i32
    %dma_start3A_214 = arith.constant 0 : i32
    %dma_start3A_215 = tpu.memref_slice %arg3[%add3A, %dma_start3A_212, %dma_start3A_213, %dma_start3A_214] : memref<32x125x2x80xi32, #tpu.memory_space<hbm>> -> memref<1x1x2x80xi32, #tpu.memory_space<hbm>>
    %dma_start3A_216 = tpu.memref_squeeze %dma_start3A_215 : memref<1x1x2x80xi32, #tpu.memory_space<hbm>> -> memref<2x80xi32, #tpu.memory_space<hbm>>
    %dma_start3A_217 = arith.constant 0 : i32
    %dma_start3A_218 = arith.constant 0 : i32
    %dma_start3A_219 = tpu.memref_slice %arg3[%add3A, %dma_start3A_212, %dma_start3A_217, %dma_start3A_218] : memref<32x125x2x80xi32, #tpu.memory_space<hbm>> -> memref<1x1x2x80xi32, #tpu.memory_space<hbm>>
    %dma_start3A_220 = tpu.memref_squeeze %dma_start3A_219 : memref<1x1x2x80xi32, #tpu.memory_space<hbm>> -> memref<2x80xi32, #tpu.memory_space<hbm>>
    tpu.enqueue_dma source(%dma_start3A_220 : memref<2x80xi32, #tpu.memory_space<hbm>>) target(%arg13 : memref<2x80xi32, #tpu.memory_space<vmem>>) target_semaphore(%arg18 : memref<!tpu.dma_semaphore, #tpu.memory_space<semaphore_mem>>)
    %dma_wait3A_221 = arith.constant 0 : i32
    %dma_wait3A_222 = arith.constant 0 : i32
    %dma_wait3A_223 = tpu.memref_slice %arg2[%dma_wait3A_221, %dma_wait3A_222] : memref<10000x128xf32, #tpu.memory_space<hbm>> -> memref<80x128xf32, #tpu.memory_space<hbm>>
    %dma_wait3A_224 = arith.constant 0 : i32
    %dma_wait3A_225 = arith.constant 0 : i32
    %dma_wait3A_226 = tpu.memref_slice %arg2[%dma_wait3A_224, %dma_wait3A_225] : memref<10000x128xf32, #tpu.memory_space<hbm>> -> memref<80x128xf32, #tpu.memory_space<hbm>>
    tpu.wait_dma2 semaphore(%arg19 : memref<!tpu.dma_semaphore, #tpu.memory_space<semaphore_mem>>) src(%dma_wait3A_226 : memref<80x128xf32, #tpu.memory_space<hbm>>) dst(%arg6 : memref<80x128xf32, #tpu.memory_space<vmem>>)
    %dma_start3A_227 = arith.constant 1 : i32
    %dma_start3A_228 = arith.constant 0 : i32
    %dma_start3A_229 = tpu.memref_slice %arg10[%dma_start3A_227, %dma_start3A_228] : memref<2x80xi32, #tpu.memory_space<vmem>> -> memref<1x80xi32, #tpu.memory_space<vmem>>
    %dma_start3A_230 = tpu.memref_squeeze %dma_start3A_229 : memref<1x80xi32, #tpu.memory_space<vmem>> -> memref<80xi32, #tpu.memory_space<vmem>>
    %dma_start3A_231 = arith.constant 0 : i32
    %dma_start3A_232 = arith.constant 0 : i32
    %dma_start3A_233 = tpu.memref_slice %arg17[%dma_start3A_231, %dma_start3A_232] : memref<10240x128xf32, #tpu.memory_space<vmem_shared>> -> memref<10240x128xf32, #tpu.memory_space<vmem_shared>>
    tpu.enqueue_indirect_dma source(%arg6 : memref<80x128xf32, #tpu.memory_space<vmem>>) target(%dma_start3A_233 : memref<10240x128xf32, #tpu.memory_space<vmem_shared>>) offsets(%dma_start3A_230 : memref<80xi32, #tpu.memory_space<vmem>>) semaphore(%arg20 : memref<!tpu.dma_semaphore, #tpu.memory_space<semaphore_mem>>) {add = true}
    %dma_wait3A_234 = arith.constant 0 : i32
    %dma_wait3A_235 = arith.constant 0 : i32
    %dma_wait3A_236 = tpu.memref_slice %arg2[%dma_wait3A_234, %dma_wait3A_235] : memref<10000x128xf32, #tpu.memory_space<hbm>> -> memref<80x128xf32, #tpu.memory_space<hbm>>
    %dma_wait3A_237 = arith.constant 0 : i32
    %dma_wait3A_238 = arith.constant 0 : i32
    %dma_wait3A_239 = tpu.memref_slice %arg2[%dma_wait3A_237, %dma_wait3A_238] : memref<10000x128xf32, #tpu.memory_space<hbm>> -> memref<80x128xf32, #tpu.memory_space<hbm>>
    tpu.wait_dma2 semaphore(%arg20 : memref<!tpu.dma_semaphore, #tpu.memory_space<semaphore_mem>>) src(%dma_wait3A_239 : memref<80x128xf32, #tpu.memory_space<hbm>>) dst(%arg8 : memref<80x128xf32, #tpu.memory_space<vmem>>)
    %dma_wait3A_240 = arith.constant 0 : i32
    %dma_wait3A_241 = arith.constant 0 : i32
    %dma_wait3A_242 = arith.constant 0 : i32
    %dma_wait3A_243 = arith.constant 0 : i32
    %dma_wait3A_244 = tpu.memref_slice %arg3[%dma_wait3A_240, %dma_wait3A_241, %dma_wait3A_242, %dma_wait3A_243] : memref<32x125x2x80xi32, #tpu.memory_space<hbm>> -> memref<1x1x2x80xi32, #tpu.memory_space<hbm>>
    %dma_wait3A_245 = tpu.memref_squeeze %dma_wait3A_244 : memref<1x1x2x80xi32, #tpu.memory_space<hbm>> -> memref<2x80xi32, #tpu.memory_space<hbm>>
    %dma_wait3A_246 = arith.constant 0 : i32
    %dma_wait3A_247 = arith.constant 0 : i32
    %dma_wait3A_248 = tpu.memref_slice %arg3[%dma_wait3A_240, %dma_wait3A_241, %dma_wait3A_246, %dma_wait3A_247] : memref<32x125x2x80xi32, #tpu.memory_space<hbm>> -> memref<1x1x2x80xi32, #tpu.memory_space<hbm>>
    %dma_wait3A_249 = tpu.memref_squeeze %dma_wait3A_248 : memref<1x1x2x80xi32, #tpu.memory_space<hbm>> -> memref<2x80xi32, #tpu.memory_space<hbm>>
    tpu.wait_dma2 semaphore(%arg18 : memref<!tpu.dma_semaphore, #tpu.memory_space<semaphore_mem>>) src(%dma_wait3A_249 : memref<2x80xi32, #tpu.memory_space<hbm>>) dst(%arg12 : memref<2x80xi32, #tpu.memory_space<vmem>>)
    %dma_start3A_250 = arith.constant 0 : i32
    %dma_start3A_251 = arith.constant 0 : i32
    %dma_start3A_252 = tpu.memref_slice %arg12[%dma_start3A_250, %dma_start3A_251] : memref<2x80xi32, #tpu.memory_space<vmem>> -> memref<1x80xi32, #tpu.memory_space<vmem>>
    %dma_start3A_253 = tpu.memref_squeeze %dma_start3A_252 : memref<1x80xi32, #tpu.memory_space<vmem>> -> memref<80xi32, #tpu.memory_space<vmem>>
    %dma_start3A_254 = arith.constant 0 : i32
    %dma_start3A_255 = arith.constant 0 : i32
    %dma_start3A_256 = tpu.memref_slice %arg2[%dma_start3A_254, %dma_start3A_255] : memref<10000x128xf32, #tpu.memory_space<hbm>> -> memref<10000x128xf32, #tpu.memory_space<hbm>>
    tpu.enqueue_indirect_dma source(%dma_start3A_256 : memref<10000x128xf32, #tpu.memory_space<hbm>>) target(%arg8 : memref<80x128xf32, #tpu.memory_space<vmem>>) offsets(%dma_start3A_253 : memref<80xi32, #tpu.memory_space<vmem>>) semaphore(%arg19 : memref<!tpu.dma_semaphore, #tpu.memory_space<semaphore_mem>>)
    %dma_wait3A_257 = arith.constant 0 : i32
    %dma_wait3A_258 = arith.constant 0 : i32
    %dma_wait3A_259 = tpu.memref_slice %arg2[%dma_wait3A_257, %dma_wait3A_258] : memref<10000x128xf32, #tpu.memory_space<hbm>> -> memref<80x128xf32, #tpu.memory_space<hbm>>
    %dma_wait3A_260 = arith.constant 0 : i32
    %dma_wait3A_261 = arith.constant 0 : i32
    %dma_wait3A_262 = tpu.memref_slice %arg2[%dma_wait3A_260, %dma_wait3A_261] : memref<10000x128xf32, #tpu.memory_space<hbm>> -> memref<80x128xf32, #tpu.memory_space<hbm>>
    tpu.wait_dma2 semaphore(%arg19 : memref<!tpu.dma_semaphore, #tpu.memory_space<semaphore_mem>>) src(%dma_wait3A_262 : memref<80x128xf32, #tpu.memory_space<hbm>>) dst(%arg7 : memref<80x128xf32, #tpu.memory_space<vmem>>)
    %dma_start3A_263 = arith.constant 1 : i32
    %dma_start3A_264 = arith.constant 0 : i32
    %dma_start3A_265 = tpu.memref_slice %arg11[%dma_start3A_263, %dma_start3A_264] : memref<2x80xi32, #tpu.memory_space<vmem>> -> memref<1x80xi32, #tpu.memory_space<vmem>>
    %dma_start3A_266 = tpu.memref_squeeze %dma_start3A_265 : memref<1x80xi32, #tpu.memory_space<vmem>> -> memref<80xi32, #tpu.memory_space<vmem>>
    %dma_start3A_267 = arith.constant 0 : i32
    %dma_start3A_268 = arith.constant 0 : i32
    %dma_start3A_269 = tpu.memref_slice %arg17[%dma_start3A_267, %dma_start3A_268] : memref<10240x128xf32, #tpu.memory_space<vmem_shared>> -> memref<10240x128xf32, #tpu.memory_space<vmem_shared>>
    tpu.enqueue_indirect_dma source(%arg7 : memref<80x128xf32, #tpu.memory_space<vmem>>) target(%dma_start3A_269 : memref<10240x128xf32, #tpu.memory_space<vmem_shared>>) offsets(%dma_start3A_266 : memref<80xi32, #tpu.memory_space<vmem>>) semaphore(%arg20 : memref<!tpu.dma_semaphore, #tpu.memory_space<semaphore_mem>>) {add = true}
    %dma_wait3A_270 = arith.constant 0 : i32
    %dma_wait3A_271 = arith.constant 0 : i32
    %dma_wait3A_272 = tpu.memref_slice %arg2[%dma_wait3A_270, %dma_wait3A_271] : memref<10000x128xf32, #tpu.memory_space<hbm>> -> memref<80x128xf32, #tpu.memory_space<hbm>>
    %dma_wait3A_273 = arith.constant 0 : i32
    %dma_wait3A_274 = arith.constant 0 : i32
    %dma_wait3A_275 = tpu.memref_slice %arg2[%dma_wait3A_273, %dma_wait3A_274] : memref<10000x128xf32, #tpu.memory_space<hbm>> -> memref<80x128xf32, #tpu.memory_space<hbm>>
    tpu.wait_dma2 semaphore(%arg20 : memref<!tpu.dma_semaphore, #tpu.memory_space<semaphore_mem>>) src(%dma_wait3A_275 : memref<80x128xf32, #tpu.memory_space<hbm>>) dst(%arg5 : memref<80x128xf32, #tpu.memory_space<vmem>>)
    %dma_wait3A_276 = arith.constant 0 : i32
    %dma_wait3A_277 = arith.constant 0 : i32
    %dma_wait3A_278 = arith.constant 0 : i32
    %dma_wait3A_279 = arith.constant 0 : i32
    %dma_wait3A_280 = tpu.memref_slice %arg3[%dma_wait3A_276, %dma_wait3A_277, %dma_wait3A_278, %dma_wait3A_279] : memref<32x125x2x80xi32, #tpu.memory_space<hbm>> -> memref<1x1x2x80xi32, #tpu.memory_space<hbm>>
    %dma_wait3A_281 = tpu.memref_squeeze %dma_wait3A_280 : memref<1x1x2x80xi32, #tpu.memory_space<hbm>> -> memref<2x80xi32, #tpu.memory_space<hbm>>
    %dma_wait3A_282 = arith.constant 0 : i32
    %dma_wait3A_283 = arith.constant 0 : i32
    %dma_wait3A_284 = tpu.memref_slice %arg3[%dma_wait3A_276, %dma_wait3A_277, %dma_wait3A_282, %dma_wait3A_283] : memref<32x125x2x80xi32, #tpu.memory_space<hbm>> -> memref<1x1x2x80xi32, #tpu.memory_space<hbm>>
    %dma_wait3A_285 = tpu.memref_squeeze %dma_wait3A_284 : memref<1x1x2x80xi32, #tpu.memory_space<hbm>> -> memref<2x80xi32, #tpu.memory_space<hbm>>
    tpu.wait_dma2 semaphore(%arg18 : memref<!tpu.dma_semaphore, #tpu.memory_space<semaphore_mem>>) src(%dma_wait3A_285 : memref<2x80xi32, #tpu.memory_space<hbm>>) dst(%arg13 : memref<2x80xi32, #tpu.memory_space<vmem>>)
    %dma_start3A_286 = arith.constant 0 : i32
    %dma_start3A_287 = arith.constant 0 : i32
    %dma_start3A_288 = tpu.memref_slice %arg13[%dma_start3A_286, %dma_start3A_287] : memref<2x80xi32, #tpu.memory_space<vmem>> -> memref<1x80xi32, #tpu.memory_space<vmem>>
    %dma_start3A_289 = tpu.memref_squeeze %dma_start3A_288 : memref<1x80xi32, #tpu.memory_space<vmem>> -> memref<80xi32, #tpu.memory_space<vmem>>
    %dma_start3A_290 = arith.constant 0 : i32
    %dma_start3A_291 = arith.constant 0 : i32
    %dma_start3A_292 = tpu.memref_slice %arg2[%dma_start3A_290, %dma_start3A_291] : memref<10000x128xf32, #tpu.memory_space<hbm>> -> memref<10000x128xf32, #tpu.memory_space<hbm>>
    tpu.enqueue_indirect_dma source(%dma_start3A_292 : memref<10000x128xf32, #tpu.memory_space<hbm>>) target(%arg5 : memref<80x128xf32, #tpu.memory_space<vmem>>) offsets(%dma_start3A_289 : memref<80xi32, #tpu.memory_space<vmem>>) semaphore(%arg19 : memref<!tpu.dma_semaphore, #tpu.memory_space<semaphore_mem>>)
    %dma_wait3A_293 = arith.constant 0 : i32
    %dma_wait3A_294 = arith.constant 0 : i32
    %dma_wait3A_295 = tpu.memref_slice %arg2[%dma_wait3A_293, %dma_wait3A_294] : memref<10000x128xf32, #tpu.memory_space<hbm>> -> memref<80x128xf32, #tpu.memory_space<hbm>>
    %dma_wait3A_296 = arith.constant 0 : i32
    %dma_wait3A_297 = arith.constant 0 : i32
    %dma_wait3A_298 = tpu.memref_slice %arg2[%dma_wait3A_296, %dma_wait3A_297] : memref<10000x128xf32, #tpu.memory_space<hbm>> -> memref<80x128xf32, #tpu.memory_space<hbm>>
    tpu.wait_dma2 semaphore(%arg19 : memref<!tpu.dma_semaphore, #tpu.memory_space<semaphore_mem>>) src(%dma_wait3A_298 : memref<80x128xf32, #tpu.memory_space<hbm>>) dst(%arg8 : memref<80x128xf32, #tpu.memory_space<vmem>>)
    %dma_start3A_299 = arith.constant 1 : i32
    %dma_start3A_300 = arith.constant 0 : i32
    %dma_start3A_301 = tpu.memref_slice %arg12[%dma_start3A_299, %dma_start3A_300] : memref<2x80xi32, #tpu.memory_space<vmem>> -> memref<1x80xi32, #tpu.memory_space<vmem>>
    %dma_start3A_302 = tpu.memref_squeeze %dma_start3A_301 : memref<1x80xi32, #tpu.memory_space<vmem>> -> memref<80xi32, #tpu.memory_space<vmem>>
    %dma_start3A_303 = arith.constant 0 : i32
    %dma_start3A_304 = arith.constant 0 : i32
    %dma_start3A_305 = tpu.memref_slice %arg17[%dma_start3A_303, %dma_start3A_304] : memref<10240x128xf32, #tpu.memory_space<vmem_shared>> -> memref<10240x128xf32, #tpu.memory_space<vmem_shared>>
    tpu.enqueue_indirect_dma source(%arg8 : memref<80x128xf32, #tpu.memory_space<vmem>>) target(%dma_start3A_305 : memref<10240x128xf32, #tpu.memory_space<vmem_shared>>) offsets(%dma_start3A_302 : memref<80xi32, #tpu.memory_space<vmem>>) semaphore(%arg20 : memref<!tpu.dma_semaphore, #tpu.memory_space<semaphore_mem>>) {add = true}
    %dma_wait3A_306 = arith.constant 0 : i32
    %dma_wait3A_307 = arith.constant 0 : i32
    %dma_wait3A_308 = tpu.memref_slice %arg2[%dma_wait3A_306, %dma_wait3A_307] : memref<10000x128xf32, #tpu.memory_space<hbm>> -> memref<80x128xf32, #tpu.memory_space<hbm>>
    %dma_wait3A_309 = arith.constant 0 : i32
    %dma_wait3A_310 = arith.constant 0 : i32
    %dma_wait3A_311 = tpu.memref_slice %arg2[%dma_wait3A_309, %dma_wait3A_310] : memref<10000x128xf32, #tpu.memory_space<hbm>> -> memref<80x128xf32, #tpu.memory_space<hbm>>
    tpu.wait_dma2 semaphore(%arg20 : memref<!tpu.dma_semaphore, #tpu.memory_space<semaphore_mem>>) src(%dma_wait3A_311 : memref<80x128xf32, #tpu.memory_space<hbm>>) dst(%arg6 : memref<80x128xf32, #tpu.memory_space<vmem>>)
    %dma_wait3A_312 = arith.constant 0 : i32
    %dma_wait3A_313 = arith.constant 0 : i32
    %dma_wait3A_314 = tpu.memref_slice %arg2[%dma_wait3A_312, %dma_wait3A_313] : memref<10000x128xf32, #tpu.memory_space<hbm>> -> memref<80x128xf32, #tpu.memory_space<hbm>>
    %dma_wait3A_315 = arith.constant 0 : i32
    %dma_wait3A_316 = arith.constant 0 : i32
    %dma_wait3A_317 = tpu.memref_slice %arg2[%dma_wait3A_315, %dma_wait3A_316] : memref<10000x128xf32, #tpu.memory_space<hbm>> -> memref<80x128xf32, #tpu.memory_space<hbm>>
    tpu.wait_dma2 semaphore(%arg19 : memref<!tpu.dma_semaphore, #tpu.memory_space<semaphore_mem>>) src(%dma_wait3A_317 : memref<80x128xf32, #tpu.memory_space<hbm>>) dst(%arg5 : memref<80x128xf32, #tpu.memory_space<vmem>>)
    %dma_start3A_318 = arith.constant 1 : i32
    %dma_start3A_319 = arith.constant 0 : i32
    %dma_start3A_320 = tpu.memref_slice %arg13[%dma_start3A_318, %dma_start3A_319] : memref<2x80xi32, #tpu.memory_space<vmem>> -> memref<1x80xi32, #tpu.memory_space<vmem>>
    %dma_start3A_321 = tpu.memref_squeeze %dma_start3A_320 : memref<1x80xi32, #tpu.memory_space<vmem>> -> memref<80xi32, #tpu.memory_space<vmem>>
    %dma_start3A_322 = arith.constant 0 : i32
    %dma_start3A_323 = arith.constant 0 : i32
    %dma_start3A_324 = tpu.memref_slice %arg17[%dma_start3A_322, %dma_start3A_323] : memref<10240x128xf32, #tpu.memory_space<vmem_shared>> -> memref<10240x128xf32, #tpu.memory_space<vmem_shared>>
    tpu.enqueue_indirect_dma source(%arg5 : memref<80x128xf32, #tpu.memory_space<vmem>>) target(%dma_start3A_324 : memref<10240x128xf32, #tpu.memory_space<vmem_shared>>) offsets(%dma_start3A_321 : memref<80xi32, #tpu.memory_space<vmem>>) semaphore(%arg20 : memref<!tpu.dma_semaphore, #tpu.memory_space<semaphore_mem>>) {add = true}
    %dma_wait3A_325 = arith.constant 0 : i32
    %dma_wait3A_326 = arith.constant 0 : i32
    %dma_wait3A_327 = tpu.memref_slice %arg2[%dma_wait3A_325, %dma_wait3A_326] : memref<10000x128xf32, #tpu.memory_space<hbm>> -> memref<80x128xf32, #tpu.memory_space<hbm>>
    %dma_wait3A_328 = arith.constant 0 : i32
    %dma_wait3A_329 = arith.constant 0 : i32
    %dma_wait3A_330 = tpu.memref_slice %arg2[%dma_wait3A_328, %dma_wait3A_329] : memref<10000x128xf32, #tpu.memory_space<hbm>> -> memref<80x128xf32, #tpu.memory_space<hbm>>
    tpu.wait_dma2 semaphore(%arg20 : memref<!tpu.dma_semaphore, #tpu.memory_space<semaphore_mem>>) src(%dma_wait3A_330 : memref<80x128xf32, #tpu.memory_space<hbm>>) dst(%arg7 : memref<80x128xf32, #tpu.memory_space<vmem>>)
    %dma_wait3A_331 = arith.constant 0 : i32
    %dma_wait3A_332 = arith.constant 0 : i32
    %dma_wait3A_333 = tpu.memref_slice %arg2[%dma_wait3A_331, %dma_wait3A_332] : memref<10000x128xf32, #tpu.memory_space<hbm>> -> memref<80x128xf32, #tpu.memory_space<hbm>>
    %dma_wait3A_334 = arith.constant 0 : i32
    %dma_wait3A_335 = arith.constant 0 : i32
    %dma_wait3A_336 = tpu.memref_slice %arg2[%dma_wait3A_334, %dma_wait3A_335] : memref<10000x128xf32, #tpu.memory_space<hbm>> -> memref<80x128xf32, #tpu.memory_space<hbm>>
    tpu.wait_dma2 semaphore(%arg20 : memref<!tpu.dma_semaphore, #tpu.memory_space<semaphore_mem>>) src(%dma_wait3A_336 : memref<80x128xf32, #tpu.memory_space<hbm>>) dst(%arg5 : memref<80x128xf32, #tpu.memory_space<vmem>>)
    %dma_wait3A_337 = arith.constant 0 : i32
    %dma_wait3A_338 = arith.constant 0 : i32
    %dma_wait3A_339 = tpu.memref_slice %arg2[%dma_wait3A_337, %dma_wait3A_338] : memref<10000x128xf32, #tpu.memory_space<hbm>> -> memref<80x128xf32, #tpu.memory_space<hbm>>
    %dma_wait3A_340 = arith.constant 0 : i32
    %dma_wait3A_341 = arith.constant 0 : i32
    %dma_wait3A_342 = tpu.memref_slice %arg2[%dma_wait3A_340, %dma_wait3A_341] : memref<10000x128xf32, #tpu.memory_space<hbm>> -> memref<80x128xf32, #tpu.memory_space<hbm>>
    tpu.wait_dma2 semaphore(%arg20 : memref<!tpu.dma_semaphore, #tpu.memory_space<semaphore_mem>>) src(%dma_wait3A_342 : memref<80x128xf32, #tpu.memory_space<hbm>>) dst(%arg5 : memref<80x128xf32, #tpu.memory_space<vmem>>)
    %barrier3A_343 = arith.constant 0 : index
    tpu.barrier barrier_id(%barrier3A_343)
    %dma_start3A_344 = arith.constant 0 : i32
    %dma_start3A_345 = tpu.memref_slice %arg17[%mul3A_6, %dma_start3A_344] : memref<10240x128xf32, #tpu.memory_space<vmem_shared>> -> memref<80x128xf32, #tpu.memory_space<vmem_shared>>
    %dma_start3A_346 = arith.constant 0 : i32
    %dma_start3A_347 = tpu.memref_slice %arg17[%mul3A_6, %dma_start3A_346] : memref<10240x128xf32, #tpu.memory_space<vmem_shared>> -> memref<80x128xf32, #tpu.memory_space<vmem_shared>>
    tpu.enqueue_dma source(%dma_start3A_347 : memref<80x128xf32, #tpu.memory_space<vmem_shared>>) target(%arg5 : memref<80x128xf32, #tpu.memory_space<vmem>>) target_semaphore(%arg19 : memref<!tpu.dma_semaphore, #tpu.memory_space<semaphore_mem>>)
    %dma_wait3A_348 = arith.constant 0 : i32
    %dma_wait3A_349 = arith.constant 0 : i32
    %dma_wait3A_350 = tpu.memref_slice %arg2[%dma_wait3A_348, %dma_wait3A_349] : memref<10000x128xf32, #tpu.memory_space<hbm>> -> memref<80x128xf32, #tpu.memory_space<hbm>>
    %dma_wait3A_351 = arith.constant 0 : i32
    %dma_wait3A_352 = arith.constant 0 : i32
    %dma_wait3A_353 = tpu.memref_slice %arg2[%dma_wait3A_351, %dma_wait3A_352] : memref<10000x128xf32, #tpu.memory_space<hbm>> -> memref<80x128xf32, #tpu.memory_space<hbm>>
    tpu.wait_dma2 semaphore(%arg19 : memref<!tpu.dma_semaphore, #tpu.memory_space<semaphore_mem>>) src(%dma_wait3A_353 : memref<80x128xf32, #tpu.memory_space<hbm>>) dst(%arg5 : memref<80x128xf32, #tpu.memory_space<vmem>>)
    %add3A_354 = arith.constant 80 : i32
    %add3A_355 = arith.addi %mul3A_6, %add3A_354 : i32
    %dma_start3A_356 = arith.constant 0 : i32
    %dma_start3A_357 = tpu.memref_slice %arg17[%add3A_355, %dma_start3A_356] : memref<10240x128xf32, #tpu.memory_space<vmem_shared>> -> memref<80x128xf32, #tpu.memory_space<vmem_shared>>
    %dma_start3A_358 = arith.constant 0 : i32
    %dma_start3A_359 = tpu.memref_slice %arg17[%add3A_355, %dma_start3A_358] : memref<10240x128xf32, #tpu.memory_space<vmem_shared>> -> memref<80x128xf32, #tpu.memory_space<vmem_shared>>
    tpu.enqueue_dma source(%dma_start3A_359 : memref<80x128xf32, #tpu.memory_space<vmem_shared>>) target(%arg6 : memref<80x128xf32, #tpu.memory_space<vmem>>) target_semaphore(%arg19 : memref<!tpu.dma_semaphore, #tpu.memory_space<semaphore_mem>>)
    %add3A_360 = arith.constant 0 : i32
    %add3A_361 = arith.addi %mul3A_6, %add3A_360 : i32
    %dma_start3A_362 = arith.constant 0 : i32
    %dma_start3A_363 = tpu.memref_slice %arg4[%arg0, %add3A_361, %dma_start3A_362] : memref<2x10240x128xf32, #tpu.memory_space<hbm>> -> memref<1x80x128xf32, #tpu.memory_space<hbm>>
    %dma_start3A_364 = tpu.memref_squeeze %dma_start3A_363 : memref<1x80x128xf32, #tpu.memory_space<hbm>> -> memref<80x128xf32, #tpu.memory_space<hbm>>
    %dma_start3A_365 = arith.constant 0 : i32
    %dma_start3A_366 = tpu.memref_slice %arg4[%arg0, %add3A_361, %dma_start3A_365] : memref<2x10240x128xf32, #tpu.memory_space<hbm>> -> memref<1x80x128xf32, #tpu.memory_space<hbm>>
    %dma_start3A_367 = tpu.memref_squeeze %dma_start3A_366 : memref<1x80x128xf32, #tpu.memory_space<hbm>> -> memref<80x128xf32, #tpu.memory_space<hbm>>
    tpu.enqueue_dma source(%arg5 : memref<80x128xf32, #tpu.memory_space<vmem>>) target(%dma_start3A_367 : memref<80x128xf32, #tpu.memory_space<hbm>>) target_semaphore(%arg20 : memref<!tpu.dma_semaphore, #tpu.memory_space<semaphore_mem>>)
    %dma_wait3A_368 = arith.constant 0 : i32
    %dma_wait3A_369 = arith.constant 0 : i32
    %dma_wait3A_370 = tpu.memref_slice %arg2[%dma_wait3A_368, %dma_wait3A_369] : memref<10000x128xf32, #tpu.memory_space<hbm>> -> memref<80x128xf32, #tpu.memory_space<hbm>>
    %dma_wait3A_371 = arith.constant 0 : i32
    %dma_wait3A_372 = arith.constant 0 : i32
    %dma_wait3A_373 = tpu.memref_slice %arg2[%dma_wait3A_371, %dma_wait3A_372] : memref<10000x128xf32, #tpu.memory_space<hbm>> -> memref<80x128xf32, #tpu.memory_space<hbm>>
    tpu.wait_dma2 semaphore(%arg19 : memref<!tpu.dma_semaphore, #tpu.memory_space<semaphore_mem>>) src(%dma_wait3A_373 : memref<80x128xf32, #tpu.memory_space<hbm>>) dst(%arg6 : memref<80x128xf32, #tpu.memory_space<vmem>>)
    %add3A_374 = arith.constant 160 : i32
    %add3A_375 = arith.addi %mul3A_6, %add3A_374 : i32
    %dma_start3A_376 = arith.constant 0 : i32
    %dma_start3A_377 = tpu.memref_slice %arg17[%add3A_375, %dma_start3A_376] : memref<10240x128xf32, #tpu.memory_space<vmem_shared>> -> memref<80x128xf32, #tpu.memory_space<vmem_shared>>
    %dma_start3A_378 = arith.constant 0 : i32
    %dma_start3A_379 = tpu.memref_slice %arg17[%add3A_375, %dma_start3A_378] : memref<10240x128xf32, #tpu.memory_space<vmem_shared>> -> memref<80x128xf32, #tpu.memory_space<vmem_shared>>
    tpu.enqueue_dma source(%dma_start3A_379 : memref<80x128xf32, #tpu.memory_space<vmem_shared>>) target(%arg5 : memref<80x128xf32, #tpu.memory_space<vmem>>) target_semaphore(%arg19 : memref<!tpu.dma_semaphore, #tpu.memory_space<semaphore_mem>>)
    %add3A_380 = arith.constant 80 : i32
    %add3A_381 = arith.addi %mul3A_6, %add3A_380 : i32
    %dma_start3A_382 = arith.constant 0 : i32
    %dma_start3A_383 = tpu.memref_slice %arg4[%arg0, %add3A_381, %dma_start3A_382] : memref<2x10240x128xf32, #tpu.memory_space<hbm>> -> memref<1x80x128xf32, #tpu.memory_space<hbm>>
    %dma_start3A_384 = tpu.memref_squeeze %dma_start3A_383 : memref<1x80x128xf32, #tpu.memory_space<hbm>> -> memref<80x128xf32, #tpu.memory_space<hbm>>
    %dma_start3A_385 = arith.constant 0 : i32
    %dma_start3A_386 = tpu.memref_slice %arg4[%arg0, %add3A_381, %dma_start3A_385] : memref<2x10240x128xf32, #tpu.memory_space<hbm>> -> memref<1x80x128xf32, #tpu.memory_space<hbm>>
    %dma_start3A_387 = tpu.memref_squeeze %dma_start3A_386 : memref<1x80x128xf32, #tpu.memory_space<hbm>> -> memref<80x128xf32, #tpu.memory_space<hbm>>
    tpu.enqueue_dma source(%arg6 : memref<80x128xf32, #tpu.memory_space<vmem>>) target(%dma_start3A_387 : memref<80x128xf32, #tpu.memory_space<hbm>>) target_semaphore(%arg20 : memref<!tpu.dma_semaphore, #tpu.memory_space<semaphore_mem>>)
    %dma_wait3A_388 = arith.constant 0 : i32
    %dma_wait3A_389 = arith.constant 0 : i32
    %dma_wait3A_390 = tpu.memref_slice %arg2[%dma_wait3A_388, %dma_wait3A_389] : memref<10000x128xf32, #tpu.memory_space<hbm>> -> memref<80x128xf32, #tpu.memory_space<hbm>>
    %dma_wait3A_391 = arith.constant 0 : i32
    %dma_wait3A_392 = arith.constant 0 : i32
    %dma_wait3A_393 = tpu.memref_slice %arg2[%dma_wait3A_391, %dma_wait3A_392] : memref<10000x128xf32, #tpu.memory_space<hbm>> -> memref<80x128xf32, #tpu.memory_space<hbm>>
    tpu.wait_dma2 semaphore(%arg20 : memref<!tpu.dma_semaphore, #tpu.memory_space<semaphore_mem>>) src(%dma_wait3A_393 : memref<80x128xf32, #tpu.memory_space<hbm>>) dst(%arg6 : memref<80x128xf32, #tpu.memory_space<vmem>>)
    %dma_wait3A_394 = arith.constant 0 : i32
    %dma_wait3A_395 = arith.constant 0 : i32
    %dma_wait3A_396 = tpu.memref_slice %arg2[%dma_wait3A_394, %dma_wait3A_395] : memref<10000x128xf32, #tpu.memory_space<hbm>> -> memref<80x128xf32, #tpu.memory_space<hbm>>
    %dma_wait3A_397 = arith.constant 0 : i32
    %dma_wait3A_398 = arith.constant 0 : i32
    %dma_wait3A_399 = tpu.memref_slice %arg2[%dma_wait3A_397, %dma_wait3A_398] : memref<10000x128xf32, #tpu.memory_space<hbm>> -> memref<80x128xf32, #tpu.memory_space<hbm>>
    tpu.wait_dma2 semaphore(%arg19 : memref<!tpu.dma_semaphore, #tpu.memory_space<semaphore_mem>>) src(%dma_wait3A_399 : memref<80x128xf32, #tpu.memory_space<hbm>>) dst(%arg5 : memref<80x128xf32, #tpu.memory_space<vmem>>)
    %add3A_400 = arith.constant 240 : i32
    %add3A_401 = arith.addi %mul3A_6, %add3A_400 : i32
    %dma_start3A_402 = arith.constant 0 : i32
    %dma_start3A_403 = tpu.memref_slice %arg17[%add3A_401, %dma_start3A_402] : memref<10240x128xf32, #tpu.memory_space<vmem_shared>> -> memref<80x128xf32, #tpu.memory_space<vmem_shared>>
    %dma_start3A_404 = arith.constant 0 : i32
    %dma_start3A_405 = tpu.memref_slice %arg17[%add3A_401, %dma_start3A_404] : memref<10240x128xf32, #tpu.memory_space<vmem_shared>> -> memref<80x128xf32, #tpu.memory_space<vmem_shared>>
    tpu.enqueue_dma source(%dma_start3A_405 : memref<80x128xf32, #tpu.memory_space<vmem_shared>>) target(%arg6 : memref<80x128xf32, #tpu.memory_space<vmem>>) target_semaphore(%arg19 : memref<!tpu.dma_semaphore, #tpu.memory_space<semaphore_mem>>)
    %add3A_406 = arith.constant 160 : i32
    %add3A_407 = arith.addi %mul3A_6, %add3A_406 : i32
    %dma_start3A_408 = arith.constant 0 : i32
    %dma_start3A_409 = tpu.memref_slice %arg4[%arg0, %add3A_407, %dma_start3A_408] : memref<2x10240x128xf32, #tpu.memory_space<hbm>> -> memref<1x80x128xf32, #tpu.memory_space<hbm>>
    %dma_start3A_410 = tpu.memref_squeeze %dma_start3A_409 : memref<1x80x128xf32, #tpu.memory_space<hbm>> -> memref<80x128xf32, #tpu.memory_space<hbm>>
    %dma_start3A_411 = arith.constant 0 : i32
    %dma_start3A_412 = tpu.memref_slice %arg4[%arg0, %add3A_407, %dma_start3A_411] : memref<2x10240x128xf32, #tpu.memory_space<hbm>> -> memref<1x80x128xf32, #tpu.memory_space<hbm>>
    %dma_start3A_413 = tpu.memref_squeeze %dma_start3A_412 : memref<1x80x128xf32, #tpu.memory_space<hbm>> -> memref<80x128xf32, #tpu.memory_space<hbm>>
    tpu.enqueue_dma source(%arg5 : memref<80x128xf32, #tpu.memory_space<vmem>>) target(%dma_start3A_413 : memref<80x128xf32, #tpu.memory_space<hbm>>) target_semaphore(%arg20 : memref<!tpu.dma_semaphore, #tpu.memory_space<semaphore_mem>>)
    %dma_wait3A_414 = arith.constant 0 : i32
    %dma_wait3A_415 = arith.constant 0 : i32
    %dma_wait3A_416 = tpu.memref_slice %arg2[%dma_wait3A_414, %dma_wait3A_415] : memref<10000x128xf32, #tpu.memory_space<hbm>> -> memref<80x128xf32, #tpu.memory_space<hbm>>
    %dma_wait3A_417 = arith.constant 0 : i32
    %dma_wait3A_418 = arith.constant 0 : i32
    %dma_wait3A_419 = tpu.memref_slice %arg2[%dma_wait3A_417, %dma_wait3A_418] : memref<10000x128xf32, #tpu.memory_space<hbm>> -> memref<80x128xf32, #tpu.memory_space<hbm>>
    tpu.wait_dma2 semaphore(%arg20 : memref<!tpu.dma_semaphore, #tpu.memory_space<semaphore_mem>>) src(%dma_wait3A_419 : memref<80x128xf32, #tpu.memory_space<hbm>>) dst(%arg5 : memref<80x128xf32, #tpu.memory_space<vmem>>)
    %dma_wait3A_420 = arith.constant 0 : i32
    %dma_wait3A_421 = arith.constant 0 : i32
    %dma_wait3A_422 = tpu.memref_slice %arg2[%dma_wait3A_420, %dma_wait3A_421] : memref<10000x128xf32, #tpu.memory_space<hbm>> -> memref<80x128xf32, #tpu.memory_space<hbm>>
    %dma_wait3A_423 = arith.constant 0 : i32
    %dma_wait3A_424 = arith.constant 0 : i32
    %dma_wait3A_425 = tpu.memref_slice %arg2[%dma_wait3A_423, %dma_wait3A_424] : memref<10000x128xf32, #tpu.memory_space<hbm>> -> memref<80x128xf32, #tpu.memory_space<hbm>>
    tpu.wait_dma2 semaphore(%arg19 : memref<!tpu.dma_semaphore, #tpu.memory_space<semaphore_mem>>) src(%dma_wait3A_425 : memref<80x128xf32, #tpu.memory_space<hbm>>) dst(%arg6 : memref<80x128xf32, #tpu.memory_space<vmem>>)
    %add3A_426 = arith.constant 320 : i32
    %add3A_427 = arith.addi %mul3A_6, %add3A_426 : i32
    %dma_start3A_428 = arith.constant 0 : i32
    %dma_start3A_429 = tpu.memref_slice %arg17[%add3A_427, %dma_start3A_428] : memref<10240x128xf32, #tpu.memory_space<vmem_shared>> -> memref<80x128xf32, #tpu.memory_space<vmem_shared>>
    %dma_start3A_430 = arith.constant 0 : i32
    %dma_start3A_431 = tpu.memref_slice %arg17[%add3A_427, %dma_start3A_430] : memref<10240x128xf32, #tpu.memory_space<vmem_shared>> -> memref<80x128xf32, #tpu.memory_space<vmem_shared>>
    tpu.enqueue_dma source(%dma_start3A_431 : memref<80x128xf32, #tpu.memory_space<vmem_shared>>) target(%arg5 : memref<80x128xf32, #tpu.memory_space<vmem>>) target_semaphore(%arg19 : memref<!tpu.dma_semaphore, #tpu.memory_space<semaphore_mem>>)
    %add3A_432 = arith.constant 240 : i32
    %add3A_433 = arith.addi %mul3A_6, %add3A_432 : i32
    %dma_start3A_434 = arith.constant 0 : i32
    %dma_start3A_435 = tpu.memref_slice %arg4[%arg0, %add3A_433, %dma_start3A_434] : memref<2x10240x128xf32, #tpu.memory_space<hbm>> -> memref<1x80x128xf32, #tpu.memory_space<hbm>>
    %dma_start3A_436 = tpu.memref_squeeze %dma_start3A_435 : memref<1x80x128xf32, #tpu.memory_space<hbm>> -> memref<80x128xf32, #tpu.memory_space<hbm>>
    %dma_start3A_437 = arith.constant 0 : i32
    %dma_start3A_438 = tpu.memref_slice %arg4[%arg0, %add3A_433, %dma_start3A_437] : memref<2x10240x128xf32, #tpu.memory_space<hbm>> -> memref<1x80x128xf32, #tpu.memory_space<hbm>>
    %dma_start3A_439 = tpu.memref_squeeze %dma_start3A_438 : memref<1x80x128xf32, #tpu.memory_space<hbm>> -> memref<80x128xf32, #tpu.memory_space<hbm>>
    tpu.enqueue_dma source(%arg6 : memref<80x128xf32, #tpu.memory_space<vmem>>) target(%dma_start3A_439 : memref<80x128xf32, #tpu.memory_space<hbm>>) target_semaphore(%arg20 : memref<!tpu.dma_semaphore, #tpu.memory_space<semaphore_mem>>)
    %dma_wait3A_440 = arith.constant 0 : i32
    %dma_wait3A_441 = arith.constant 0 : i32
    %dma_wait3A_442 = tpu.memref_slice %arg2[%dma_wait3A_440, %dma_wait3A_441] : memref<10000x128xf32, #tpu.memory_space<hbm>> -> memref<80x128xf32, #tpu.memory_space<hbm>>
    %dma_wait3A_443 = arith.constant 0 : i32
    %dma_wait3A_444 = arith.constant 0 : i32
    %dma_wait3A_445 = tpu.memref_slice %arg2[%dma_wait3A_443, %dma_wait3A_444] : memref<10000x128xf32, #tpu.memory_space<hbm>> -> memref<80x128xf32, #tpu.memory_space<hbm>>
    tpu.wait_dma2 semaphore(%arg20 : memref<!tpu.dma_semaphore, #tpu.memory_space<semaphore_mem>>) src(%dma_wait3A_445 : memref<80x128xf32, #tpu.memory_space<hbm>>) dst(%arg6 : memref<80x128xf32, #tpu.memory_space<vmem>>)
    %dma_wait3A_446 = arith.constant 0 : i32
    %dma_wait3A_447 = arith.constant 0 : i32
    %dma_wait3A_448 = tpu.memref_slice %arg2[%dma_wait3A_446, %dma_wait3A_447] : memref<10000x128xf32, #tpu.memory_space<hbm>> -> memref<80x128xf32, #tpu.memory_space<hbm>>
    %dma_wait3A_449 = arith.constant 0 : i32
    %dma_wait3A_450 = arith.constant 0 : i32
    %dma_wait3A_451 = tpu.memref_slice %arg2[%dma_wait3A_449, %dma_wait3A_450] : memref<10000x128xf32, #tpu.memory_space<hbm>> -> memref<80x128xf32, #tpu.memory_space<hbm>>
    tpu.wait_dma2 semaphore(%arg19 : memref<!tpu.dma_semaphore, #tpu.memory_space<semaphore_mem>>) src(%dma_wait3A_451 : memref<80x128xf32, #tpu.memory_space<hbm>>) dst(%arg5 : memref<80x128xf32, #tpu.memory_space<vmem>>)
    %add3A_452 = arith.constant 400 : i32
    %add3A_453 = arith.addi %mul3A_6, %add3A_452 : i32
    %dma_start3A_454 = arith.constant 0 : i32
    %dma_start3A_455 = tpu.memref_slice %arg17[%add3A_453, %dma_start3A_454] : memref<10240x128xf32, #tpu.memory_space<vmem_shared>> -> memref<80x128xf32, #tpu.memory_space<vmem_shared>>
    %dma_start3A_456 = arith.constant 0 : i32
    %dma_start3A_457 = tpu.memref_slice %arg17[%add3A_453, %dma_start3A_456] : memref<10240x128xf32, #tpu.memory_space<vmem_shared>> -> memref<80x128xf32, #tpu.memory_space<vmem_shared>>
    tpu.enqueue_dma source(%dma_start3A_457 : memref<80x128xf32, #tpu.memory_space<vmem_shared>>) target(%arg6 : memref<80x128xf32, #tpu.memory_space<vmem>>) target_semaphore(%arg19 : memref<!tpu.dma_semaphore, #tpu.memory_space<semaphore_mem>>)
    %add3A_458 = arith.constant 320 : i32
    %add3A_459 = arith.addi %mul3A_6, %add3A_458 : i32
    %dma_start3A_460 = arith.constant 0 : i32
    %dma_start3A_461 = tpu.memref_slice %arg4[%arg0, %add3A_459, %dma_start3A_460] : memref<2x10240x128xf32, #tpu.memory_space<hbm>> -> memref<1x80x128xf32, #tpu.memory_space<hbm>>
    %dma_start3A_462 = tpu.memref_squeeze %dma_start3A_461 : memref<1x80x128xf32, #tpu.memory_space<hbm>> -> memref<80x128xf32, #tpu.memory_space<hbm>>
    %dma_start3A_463 = arith.constant 0 : i32
    %dma_start3A_464 = tpu.memref_slice %arg4[%arg0, %add3A_459, %dma_start3A_463] : memref<2x10240x128xf32, #tpu.memory_space<hbm>> -> memref<1x80x128xf32, #tpu.memory_space<hbm>>
    %dma_start3A_465 = tpu.memref_squeeze %dma_start3A_464 : memref<1x80x128xf32, #tpu.memory_space<hbm>> -> memref<80x128xf32, #tpu.memory_space<hbm>>
    tpu.enqueue_dma source(%arg5 : memref<80x128xf32, #tpu.memory_space<vmem>>) target(%dma_start3A_465 : memref<80x128xf32, #tpu.memory_space<hbm>>) target_semaphore(%arg20 : memref<!tpu.dma_semaphore, #tpu.memory_space<semaphore_mem>>)
    %dma_wait3A_466 = arith.constant 0 : i32
    %dma_wait3A_467 = arith.constant 0 : i32
    %dma_wait3A_468 = tpu.memref_slice %arg2[%dma_wait3A_466, %dma_wait3A_467] : memref<10000x128xf32, #tpu.memory_space<hbm>> -> memref<80x128xf32, #tpu.memory_space<hbm>>
    %dma_wait3A_469 = arith.constant 0 : i32
    %dma_wait3A_470 = arith.constant 0 : i32
    %dma_wait3A_471 = tpu.memref_slice %arg2[%dma_wait3A_469, %dma_wait3A_470] : memref<10000x128xf32, #tpu.memory_space<hbm>> -> memref<80x128xf32, #tpu.memory_space<hbm>>
    tpu.wait_dma2 semaphore(%arg20 : memref<!tpu.dma_semaphore, #tpu.memory_space<semaphore_mem>>) src(%dma_wait3A_471 : memref<80x128xf32, #tpu.memory_space<hbm>>) dst(%arg5 : memref<80x128xf32, #tpu.memory_space<vmem>>)
    %dma_wait3A_472 = arith.constant 0 : i32
    %dma_wait3A_473 = arith.constant 0 : i32
    %dma_wait3A_474 = tpu.memref_slice %arg2[%dma_wait3A_472, %dma_wait3A_473] : memref<10000x128xf32, #tpu.memory_space<hbm>> -> memref<80x128xf32, #tpu.memory_space<hbm>>
    %dma_wait3A_475 = arith.constant 0 : i32
    %dma_wait3A_476 = arith.constant 0 : i32
    %dma_wait3A_477 = tpu.memref_slice %arg2[%dma_wait3A_475, %dma_wait3A_476] : memref<10000x128xf32, #tpu.memory_space<hbm>> -> memref<80x128xf32, #tpu.memory_space<hbm>>
    tpu.wait_dma2 semaphore(%arg19 : memref<!tpu.dma_semaphore, #tpu.memory_space<semaphore_mem>>) src(%dma_wait3A_477 : memref<80x128xf32, #tpu.memory_space<hbm>>) dst(%arg6 : memref<80x128xf32, #tpu.memory_space<vmem>>)
    %add3A_478 = arith.constant 480 : i32
    %add3A_479 = arith.addi %mul3A_6, %add3A_478 : i32
    %dma_start3A_480 = arith.constant 0 : i32
    %dma_start3A_481 = tpu.memref_slice %arg17[%add3A_479, %dma_start3A_480] : memref<10240x128xf32, #tpu.memory_space<vmem_shared>> -> memref<80x128xf32, #tpu.memory_space<vmem_shared>>
    %dma_start3A_482 = arith.constant 0 : i32
    %dma_start3A_483 = tpu.memref_slice %arg17[%add3A_479, %dma_start3A_482] : memref<10240x128xf32, #tpu.memory_space<vmem_shared>> -> memref<80x128xf32, #tpu.memory_space<vmem_shared>>
    tpu.enqueue_dma source(%dma_start3A_483 : memref<80x128xf32, #tpu.memory_space<vmem_shared>>) target(%arg5 : memref<80x128xf32, #tpu.memory_space<vmem>>) target_semaphore(%arg19 : memref<!tpu.dma_semaphore, #tpu.memory_space<semaphore_mem>>)
    %add3A_484 = arith.constant 400 : i32
    %add3A_485 = arith.addi %mul3A_6, %add3A_484 : i32
    %dma_start3A_486 = arith.constant 0 : i32
    %dma_start3A_487 = tpu.memref_slice %arg4[%arg0, %add3A_485, %dma_start3A_486] : memref<2x10240x128xf32, #tpu.memory_space<hbm>> -> memref<1x80x128xf32, #tpu.memory_space<hbm>>
    %dma_start3A_488 = tpu.memref_squeeze %dma_start3A_487 : memref<1x80x128xf32, #tpu.memory_space<hbm>> -> memref<80x128xf32, #tpu.memory_space<hbm>>
    %dma_start3A_489 = arith.constant 0 : i32
    %dma_start3A_490 = tpu.memref_slice %arg4[%arg0, %add3A_485, %dma_start3A_489] : memref<2x10240x128xf32, #tpu.memory_space<hbm>> -> memref<1x80x128xf32, #tpu.memory_space<hbm>>
    %dma_start3A_491 = tpu.memref_squeeze %dma_start3A_490 : memref<1x80x128xf32, #tpu.memory_space<hbm>> -> memref<80x128xf32, #tpu.memory_space<hbm>>
    tpu.enqueue_dma source(%arg6 : memref<80x128xf32, #tpu.memory_space<vmem>>) target(%dma_start3A_491 : memref<80x128xf32, #tpu.memory_space<hbm>>) target_semaphore(%arg20 : memref<!tpu.dma_semaphore, #tpu.memory_space<semaphore_mem>>)
    %dma_wait3A_492 = arith.constant 0 : i32
    %dma_wait3A_493 = arith.constant 0 : i32
    %dma_wait3A_494 = tpu.memref_slice %arg2[%dma_wait3A_492, %dma_wait3A_493] : memref<10000x128xf32, #tpu.memory_space<hbm>> -> memref<80x128xf32, #tpu.memory_space<hbm>>
    %dma_wait3A_495 = arith.constant 0 : i32
    %dma_wait3A_496 = arith.constant 0 : i32
    %dma_wait3A_497 = tpu.memref_slice %arg2[%dma_wait3A_495, %dma_wait3A_496] : memref<10000x128xf32, #tpu.memory_space<hbm>> -> memref<80x128xf32, #tpu.memory_space<hbm>>
    tpu.wait_dma2 semaphore(%arg20 : memref<!tpu.dma_semaphore, #tpu.memory_space<semaphore_mem>>) src(%dma_wait3A_497 : memref<80x128xf32, #tpu.memory_space<hbm>>) dst(%arg6 : memref<80x128xf32, #tpu.memory_space<vmem>>)
    %dma_wait3A_498 = arith.constant 0 : i32
    %dma_wait3A_499 = arith.constant 0 : i32
    %dma_wait3A_500 = tpu.memref_slice %arg2[%dma_wait3A_498, %dma_wait3A_499] : memref<10000x128xf32, #tpu.memory_space<hbm>> -> memref<80x128xf32, #tpu.memory_space<hbm>>
    %dma_wait3A_501 = arith.constant 0 : i32
    %dma_wait3A_502 = arith.constant 0 : i32
    %dma_wait3A_503 = tpu.memref_slice %arg2[%dma_wait3A_501, %dma_wait3A_502] : memref<10000x128xf32, #tpu.memory_space<hbm>> -> memref<80x128xf32, #tpu.memory_space<hbm>>
    tpu.wait_dma2 semaphore(%arg19 : memref<!tpu.dma_semaphore, #tpu.memory_space<semaphore_mem>>) src(%dma_wait3A_503 : memref<80x128xf32, #tpu.memory_space<hbm>>) dst(%arg5 : memref<80x128xf32, #tpu.memory_space<vmem>>)
    %add3A_504 = arith.constant 560 : i32
    %add3A_505 = arith.addi %mul3A_6, %add3A_504 : i32
    %dma_start3A_506 = arith.constant 0 : i32
    %dma_start3A_507 = tpu.memref_slice %arg17[%add3A_505, %dma_start3A_506] : memref<10240x128xf32, #tpu.memory_space<vmem_shared>> -> memref<80x128xf32, #tpu.memory_space<vmem_shared>>
    %dma_start3A_508 = arith.constant 0 : i32
    %dma_start3A_509 = tpu.memref_slice %arg17[%add3A_505, %dma_start3A_508] : memref<10240x128xf32, #tpu.memory_space<vmem_shared>> -> memref<80x128xf32, #tpu.memory_space<vmem_shared>>
    tpu.enqueue_dma source(%dma_start3A_509 : memref<80x128xf32, #tpu.memory_space<vmem_shared>>) target(%arg6 : memref<80x128xf32, #tpu.memory_space<vmem>>) target_semaphore(%arg19 : memref<!tpu.dma_semaphore, #tpu.memory_space<semaphore_mem>>)
    %add3A_510 = arith.constant 480 : i32
    %add3A_511 = arith.addi %mul3A_6, %add3A_510 : i32
    %dma_start3A_512 = arith.constant 0 : i32
    %dma_start3A_513 = tpu.memref_slice %arg4[%arg0, %add3A_511, %dma_start3A_512] : memref<2x10240x128xf32, #tpu.memory_space<hbm>> -> memref<1x80x128xf32, #tpu.memory_space<hbm>>
    %dma_start3A_514 = tpu.memref_squeeze %dma_start3A_513 : memref<1x80x128xf32, #tpu.memory_space<hbm>> -> memref<80x128xf32, #tpu.memory_space<hbm>>
    %dma_start3A_515 = arith.constant 0 : i32
    %dma_start3A_516 = tpu.memref_slice %arg4[%arg0, %add3A_511, %dma_start3A_515] : memref<2x10240x128xf32, #tpu.memory_space<hbm>> -> memref<1x80x128xf32, #tpu.memory_space<hbm>>
    %dma_start3A_517 = tpu.memref_squeeze %dma_start3A_516 : memref<1x80x128xf32, #tpu.memory_space<hbm>> -> memref<80x128xf32, #tpu.memory_space<hbm>>
    tpu.enqueue_dma source(%arg5 : memref<80x128xf32, #tpu.memory_space<vmem>>) target(%dma_start3A_517 : memref<80x128xf32, #tpu.memory_space<hbm>>) target_semaphore(%arg20 : memref<!tpu.dma_semaphore, #tpu.memory_space<semaphore_mem>>)
    %dma_wait3A_518 = arith.constant 0 : i32
    %dma_wait3A_519 = arith.constant 0 : i32
    %dma_wait3A_520 = tpu.memref_slice %arg2[%dma_wait3A_518, %dma_wait3A_519] : memref<10000x128xf32, #tpu.memory_space<hbm>> -> memref<80x128xf32, #tpu.memory_space<hbm>>
    %dma_wait3A_521 = arith.constant 0 : i32
    %dma_wait3A_522 = arith.constant 0 : i32
    %dma_wait3A_523 = tpu.memref_slice %arg2[%dma_wait3A_521, %dma_wait3A_522] : memref<10000x128xf32, #tpu.memory_space<hbm>> -> memref<80x128xf32, #tpu.memory_space<hbm>>
    tpu.wait_dma2 semaphore(%arg20 : memref<!tpu.dma_semaphore, #tpu.memory_space<semaphore_mem>>) src(%dma_wait3A_523 : memref<80x128xf32, #tpu.memory_space<hbm>>) dst(%arg5 : memref<80x128xf32, #tpu.memory_space<vmem>>)
    %dma_wait3A_524 = arith.constant 0 : i32
    %dma_wait3A_525 = arith.constant 0 : i32
    %dma_wait3A_526 = tpu.memref_slice %arg2[%dma_wait3A_524, %dma_wait3A_525] : memref<10000x128xf32, #tpu.memory_space<hbm>> -> memref<80x128xf32, #tpu.memory_space<hbm>>
    %dma_wait3A_527 = arith.constant 0 : i32
    %dma_wait3A_528 = arith.constant 0 : i32
    %dma_wait3A_529 = tpu.memref_slice %arg2[%dma_wait3A_527, %dma_wait3A_528] : memref<10000x128xf32, #tpu.memory_space<hbm>> -> memref<80x128xf32, #tpu.memory_space<hbm>>
    tpu.wait_dma2 semaphore(%arg19 : memref<!tpu.dma_semaphore, #tpu.memory_space<semaphore_mem>>) src(%dma_wait3A_529 : memref<80x128xf32, #tpu.memory_space<hbm>>) dst(%arg6 : memref<80x128xf32, #tpu.memory_space<vmem>>)
    %add3A_530 = arith.constant 560 : i32
    %add3A_531 = arith.addi %mul3A_6, %add3A_530 : i32
    %dma_start3A_532 = arith.constant 0 : i32
    %dma_start3A_533 = tpu.memref_slice %arg4[%arg0, %add3A_531, %dma_start3A_532] : memref<2x10240x128xf32, #tpu.memory_space<hbm>> -> memref<1x80x128xf32, #tpu.memory_space<hbm>>
    %dma_start3A_534 = tpu.memref_squeeze %dma_start3A_533 : memref<1x80x128xf32, #tpu.memory_space<hbm>> -> memref<80x128xf32, #tpu.memory_space<hbm>>
    %dma_start3A_535 = arith.constant 0 : i32
    %dma_start3A_536 = tpu.memref_slice %arg4[%arg0, %add3A_531, %dma_start3A_535] : memref<2x10240x128xf32, #tpu.memory_space<hbm>> -> memref<1x80x128xf32, #tpu.memory_space<hbm>>
    %dma_start3A_537 = tpu.memref_squeeze %dma_start3A_536 : memref<1x80x128xf32, #tpu.memory_space<hbm>> -> memref<80x128xf32, #tpu.memory_space<hbm>>
    tpu.enqueue_dma source(%arg6 : memref<80x128xf32, #tpu.memory_space<vmem>>) target(%dma_start3A_537 : memref<80x128xf32, #tpu.memory_space<hbm>>) target_semaphore(%arg20 : memref<!tpu.dma_semaphore, #tpu.memory_space<semaphore_mem>>)
    %dma_wait3A_538 = arith.constant 0 : i32
    %dma_wait3A_539 = arith.constant 0 : i32
    %dma_wait3A_540 = tpu.memref_slice %arg2[%dma_wait3A_538, %dma_wait3A_539] : memref<10000x128xf32, #tpu.memory_space<hbm>> -> memref<80x128xf32, #tpu.memory_space<hbm>>
    %dma_wait3A_541 = arith.constant 0 : i32
    %dma_wait3A_542 = arith.constant 0 : i32
    %dma_wait3A_543 = tpu.memref_slice %arg2[%dma_wait3A_541, %dma_wait3A_542] : memref<10000x128xf32, #tpu.memory_space<hbm>> -> memref<80x128xf32, #tpu.memory_space<hbm>>
    tpu.wait_dma2 semaphore(%arg20 : memref<!tpu.dma_semaphore, #tpu.memory_space<semaphore_mem>>) src(%dma_wait3A_543 : memref<80x128xf32, #tpu.memory_space<hbm>>) dst(%arg6 : memref<80x128xf32, #tpu.memory_space<vmem>>)
    %dma_wait3A_544 = arith.constant 0 : i32
    %dma_wait3A_545 = arith.constant 0 : i32
    %dma_wait3A_546 = tpu.memref_slice %arg2[%dma_wait3A_544, %dma_wait3A_545] : memref<10000x128xf32, #tpu.memory_space<hbm>> -> memref<80x128xf32, #tpu.memory_space<hbm>>
    %dma_wait3A_547 = arith.constant 0 : i32
    %dma_wait3A_548 = arith.constant 0 : i32
    %dma_wait3A_549 = tpu.memref_slice %arg2[%dma_wait3A_547, %dma_wait3A_548] : memref<10000x128xf32, #tpu.memory_space<hbm>> -> memref<80x128xf32, #tpu.memory_space<hbm>>
    tpu.wait_dma2 semaphore(%arg20 : memref<!tpu.dma_semaphore, #tpu.memory_space<semaphore_mem>>) src(%dma_wait3A_549 : memref<80x128xf32, #tpu.memory_space<hbm>>) dst(%arg5 : memref<80x128xf32, #tpu.memory_space<vmem>>)
    return
  }
}

module attributes {stable_mosaic.version = 14 : i64} {
  func.func @tc2(%arg0: i32, %arg1: memref<2x2000x128xf32, #tpu.memory_space<vmem>>, %arg2: memref<2000x128xf32, #tpu.memory_space<vmem>>, %arg3: memref<2000x1xf32, #tpu.memory_space<vmem>>, %arg4: memref<2000x128xf32, #tpu.memory_space<vmem>>, %arg5: memref<128x128xf32, #tpu.memory_space<vmem>>, %arg6: memref<1x128xf32, #tpu.memory_space<vmem>>, %arg7: memref<1x128xf32, #tpu.memory_space<vmem>>, %arg8: memref<1x128xf32, #tpu.memory_space<vmem>>, %arg9: memref<2000x128xf32, #tpu.memory_space<vmem>>, %arg10: memref<2000x128xf32, #tpu.memory_space<vmem>>) attributes {dimension_semantics = [#tpu.dimension_semantics<arbitrary>], iteration_bounds = array<i64: 5>, scalar_prefetch = 0 : i64, scratch_operands = 0 : i64, tpu.core_type = #tpu.core_type<tc>, window_params = [{transform_indices = @transform_0, window_bounds = array<i64: 2, 2000, 128>}, {transform_indices = @transform_1, window_bounds = array<i64: 2000, 128>}, {transform_indices = @transform_2, window_bounds = array<i64: 2000, 1>}, {transform_indices = @transform_3, window_bounds = array<i64: 2000, 128>}, {pipeline_mode = #tpu.pipeline_mode<synchronous>, transform_indices = @transform_4, window_bounds = array<i64: 128, 128>}, {pipeline_mode = #tpu.pipeline_mode<synchronous>, transform_indices = @transform_5, window_bounds = array<i64: 1, 128>}, {pipeline_mode = #tpu.pipeline_mode<synchronous>, transform_indices = @transform_6, window_bounds = array<i64: 1, 128>}, {pipeline_mode = #tpu.pipeline_mode<synchronous>, transform_indices = @transform_7, window_bounds = array<i64: 1, 128>}, {transform_indices = @transform_8, window_bounds = array<i64: 2000, 128>}, {transform_indices = @transform_9, window_bounds = array<i64: 2000, 128>}]} {
    %get3A = arith.constant 0 : index
    %get3A_0 = arith.constant 0 : index
    %get3A_1 = arith.constant 0 : index
    %get3A_2 = vector.load %arg1[%get3A, %get3A_0, %get3A_1] : memref<2x2000x128xf32, #tpu.memory_space<vmem>>, vector<2x2000x128xf32>
    %get3A_3 = arith.constant 0 : index
    %get3A_4 = arith.constant 0 : index
    %get3A_5 = vector.load %arg3[%get3A_3, %get3A_4] : memref<2000x1xf32, #tpu.memory_space<vmem>>, vector<2000x1xf32>
    %slice3A = vector.extract_strided_slice %get3A_2 {offsets = [0, 0, 0], sizes = [1, 2000, 128], strides = [1, 1, 1]} : vector<2x2000x128xf32> to vector<1x2000x128xf32>
    %squeeze3A = vector.shape_cast %slice3A : vector<1x2000x128xf32> to vector<2000x128xf32>
    %slice3A_6 = vector.extract_strided_slice %get3A_2 {offsets = [1, 0, 0], sizes = [1, 2000, 128], strides = [1, 1, 1]} : vector<2x2000x128xf32> to vector<1x2000x128xf32>
    %squeeze3A_7 = vector.shape_cast %slice3A_6 : vector<1x2000x128xf32> to vector<2000x128xf32>
    %add3A = arith.addf %squeeze3A, %squeeze3A_7 : vector<2000x128xf32>
    %get3A_8 = arith.constant 0 : index
    %get3A_9 = arith.constant 0 : index
    %get3A_10 = vector.load %arg2[%get3A_8, %get3A_9] : memref<2000x128xf32, #tpu.memory_space<vmem>>, vector<2000x128xf32>
    %add3A_11 = arith.addf %add3A, %get3A_10 : vector<2000x128xf32>
    %mul3A = vector.broadcast %get3A_5 : vector<2000x1xf32> to vector<2000x128xf32>
    %mul3A_12 = arith.mulf %add3A_11, %mul3A : vector<2000x128xf32>
    %get3A_13 = arith.constant 0 : index
    %get3A_14 = arith.constant 0 : index
    %get3A_15 = vector.load %arg6[%get3A_13, %get3A_14] : memref<1x128xf32, #tpu.memory_space<vmem>>, vector<1x128xf32>
    %add3A_16 = vector.broadcast %get3A_15 : vector<1x128xf32> to vector<2000x128xf32>
    %add3A_17 = arith.addf %mul3A_12, %add3A_16 : vector<2000x128xf32>
    %get3A_18 = arith.constant 0 : index
    %get3A_19 = arith.constant 0 : index
    %get3A_20 = vector.load %arg7[%get3A_18, %get3A_19] : memref<1x128xf32, #tpu.memory_space<vmem>>, vector<1x128xf32>
    %mul3A_21 = arith.constant 0.999994993 : f32
    %mul3A_22 = vector.broadcast %mul3A_21 : f32 to vector<1x128xf32>
    %mul3A_23 = arith.mulf %get3A_20, %mul3A_22 : vector<1x128xf32>
    %mul3A_24 = vector.broadcast %mul3A_23 : vector<1x128xf32> to vector<2000x128xf32>
    %mul3A_25 = arith.mulf %add3A_17, %mul3A_24 : vector<2000x128xf32>
    %get3A_26 = arith.constant 0 : index
    %get3A_27 = arith.constant 0 : index
    %get3A_28 = vector.load %arg8[%get3A_26, %get3A_27] : memref<1x128xf32, #tpu.memory_space<vmem>>, vector<1x128xf32>
    %add3A_29 = vector.broadcast %get3A_28 : vector<1x128xf32> to vector<2000x128xf32>
    %add3A_30 = arith.addf %mul3A_25, %add3A_29 : vector<2000x128xf32>
    %max3A = arith.constant 0.000000e+00 : f32
    %max3A_31 = vector.broadcast %max3A : f32 to vector<2000x128xf32>
    %max3A_32 = arith.maximumf %add3A_30, %max3A_31 : vector<2000x128xf32>
    %get3A_33 = arith.constant 0 : index
    %get3A_34 = arith.constant 0 : index
    %get3A_35 = vector.load %arg4[%get3A_33, %get3A_34] : memref<2000x128xf32, #tpu.memory_space<vmem>>, vector<2000x128xf32>
    %add3A_36 = arith.addf %max3A_32, %get3A_35 : vector<2000x128xf32>
    %swap3A = arith.constant 0 : index
    %swap3A_37 = arith.constant 0 : index
    %swap3A_38 = vector.load %arg9[%swap3A, %swap3A_37] : memref<2000x128xf32, #tpu.memory_space<vmem>>, vector<2000x128xf32>
    tpu.vector_store %arg9[%swap3A, %swap3A_37], %add3A_36 {strides = array<i32>} : memref<2000x128xf32, #tpu.memory_space<vmem>>, vector<2000x128xf32>,
    %get3A_39 = arith.constant 0 : index
    %get3A_40 = arith.constant 0 : index
    %get3A_41 = vector.load %arg5[%get3A_39, %get3A_40] : memref<128x128xf32, #tpu.memory_space<vmem>>, vector<128x128xf32>
    %dot_general3A = arith.constant dense<0.000000e+00> : vector<2000x128xf32>
    %dot_general3A_42 = tpu.matmul %add3A_36, %get3A_41, %dot_general3A {dimension_numbers = #tpu.dot_dimension_numbers<[1], [0], [0], [1], [0, 0, 1, 1], [], []>, transpose_lhs_hint = false} : vector<2000x128xf32>, vector<128x128xf32>, vector<2000x128xf32> -> vector<2000x128xf32>
    %mul3A_43 = vector.broadcast %get3A_5 : vector<2000x1xf32> to vector<2000x128xf32>
    %mul3A_44 = arith.mulf %dot_general3A_42, %mul3A_43 : vector<2000x128xf32>
    %swap3A_45 = arith.constant 0 : index
    %swap3A_46 = arith.constant 0 : index
    %swap3A_47 = vector.load %arg10[%swap3A_45, %swap3A_46] : memref<2000x128xf32, #tpu.memory_space<vmem>>, vector<2000x128xf32>
    tpu.vector_store %arg10[%swap3A_45, %swap3A_46], %mul3A_44 {strides = array<i32>} : memref<2000x128xf32, #tpu.memory_space<vmem>>, vector<2000x128xf32>,
    return
  }
  func.func @transform_0(%arg0: i32) -> (i32, i32, i32) {
    %c0_i32 = arith.constant 0 : i32
    %c0_i32_0 = arith.constant 0 : i32
    %c0_i32_1 = arith.constant 0 : i32
    return %c0_i32, %arg0, %c0_i32_0 : i32, i32, i32
  }
  func.func @transform_1(%arg0: i32) -> (i32, i32) {
    %c0_i32 = arith.constant 0 : i32
    %c0_i32_0 = arith.constant 0 : i32
    return %arg0, %c0_i32 : i32, i32
  }
  func.func @transform_2(%arg0: i32) -> (i32, i32) {
    %c0_i32 = arith.constant 0 : i32
    %c0_i32_0 = arith.constant 0 : i32
    return %arg0, %c0_i32 : i32, i32
  }
  func.func @transform_3(%arg0: i32) -> (i32, i32) {
    %c0_i32 = arith.constant 0 : i32
    %c0_i32_0 = arith.constant 0 : i32
    return %arg0, %c0_i32 : i32, i32
  }
  func.func @transform_4(%arg0: i32) -> (i32, i32) {
    %c0_i32 = arith.constant 0 : i32
    %c0_i32_0 = arith.constant 0 : i32
    %c0_i32_1 = arith.constant 0 : i32
    return %c0_i32, %c0_i32_0 : i32, i32
  }
  func.func @transform_5(%arg0: i32) -> (i32, i32) {
    %c0_i32 = arith.constant 0 : i32
    %c0_i32_0 = arith.constant 0 : i32
    %c0_i32_1 = arith.constant 0 : i32
    return %c0_i32, %c0_i32_0 : i32, i32
  }
  func.func @transform_6(%arg0: i32) -> (i32, i32) {
    %c0_i32 = arith.constant 0 : i32
    %c0_i32_0 = arith.constant 0 : i32
    %c0_i32_1 = arith.constant 0 : i32
    return %c0_i32, %c0_i32_0 : i32, i32
  }
  func.func @transform_7(%arg0: i32) -> (i32, i32) {
    %c0_i32 = arith.constant 0 : i32
    %c0_i32_0 = arith.constant 0 : i32
    %c0_i32_1 = arith.constant 0 : i32
    return %c0_i32, %c0_i32_0 : i32, i32
  }
  func.func @transform_8(%arg0: i32) -> (i32, i32) {
    %c0_i32 = arith.constant 0 : i32
    %c0_i32_0 = arith.constant 0 : i32
    return %arg0, %c0_i32 : i32, i32
  }
  func.func @transform_9(%arg0: i32) -> (i32, i32) {
    %c0_i32 = arith.constant 0 : i32
    %c0_i32_0 = arith.constant 0 : i32
    return %arg0, %c0_i32 : i32, i32
  }
}

module attributes {stable_mosaic.version = 14 : i64} {
  func.func @tc1(%arg0: i32, %arg1: memref<2048x128xf32, #tpu.memory_space<vmem>>, %arg2: memref<128x128xf32, #tpu.memory_space<vmem>>, %arg3: memref<32x2048xf32, #tpu.memory_space<vmem>>, %arg4: memref<2048x128xf32, #tpu.memory_space<vmem>>, %arg5: memref<2048x1xf32, #tpu.memory_space<vmem>>) attributes {dimension_semantics = [#tpu.dimension_semantics<arbitrary>], iteration_bounds = array<i64: 5>, scalar_prefetch = 0 : i64, scratch_operands = 0 : i64, tpu.core_type = #tpu.core_type<tc>, window_params = [{transform_indices = @transform_0, window_bounds = array<i64: 2048, 128>}, {pipeline_mode = #tpu.pipeline_mode<synchronous>, transform_indices = @transform_1, window_bounds = array<i64: 128, 128>}, {transform_indices = @transform_2, window_bounds = array<i64: 32, 2048>}, {transform_indices = @transform_3, window_bounds = array<i64: 2048, 128>}, {transform_indices = @transform_4, window_bounds = array<i64: 2048, 1>}]} {
    %get3A = arith.constant 0 : index
    %get3A_0 = arith.constant 0 : index
    %get3A_1 = vector.load %arg3[%get3A, %get3A_0] : memref<32x2048xf32, #tpu.memory_space<vmem>>, vector<32x2048xf32>
    %transpose3A = tpu.transpose %get3A_1, [1, 0] : vector<32x2048xf32> -> vector<2048x32xf32>
    %broadcast_in_dim3A = arith.constant 1.000000e+00 : f32
    %broadcast_in_dim3A_2 = vector.broadcast %broadcast_in_dim3A : f32 to vector<32x1xf32>
    %dot_general3A = arith.constant dense<0.000000e+00> : vector<2048x1xf32>
    %dot_general3A_3 = tpu.matmul %transpose3A, %broadcast_in_dim3A_2, %dot_general3A {dimension_numbers = #tpu.dot_dimension_numbers<[1], [0], [0], [1], [0, 0, 1, 1], [], []>, transpose_lhs_hint = false} : vector<2048x32xf32>, vector<32x1xf32>, vector<2048x1xf32> -> vector<2048x1xf32>
    %add3A = arith.constant 1.000000e+00 : f32
    %add3A_4 = vector.broadcast %add3A : f32 to vector<2048x1xf32>
    %add3A_5 = arith.addf %dot_general3A_3, %add3A_4 : vector<2048x1xf32>
    %rsqrt3A = math.rsqrt %add3A_5 : vector<2048x1xf32>
    %get3A_6 = arith.constant 0 : index
    %get3A_7 = arith.constant 0 : index
    %get3A_8 = vector.load %arg1[%get3A_6, %get3A_7] : memref<2048x128xf32, #tpu.memory_space<vmem>>, vector<2048x128xf32>
    %get3A_9 = arith.constant 0 : index
    %get3A_10 = arith.constant 0 : index
    %get3A_11 = vector.load %arg2[%get3A_9, %get3A_10] : memref<128x128xf32, #tpu.memory_space<vmem>>, vector<128x128xf32>
    %dot_general3A_12 = arith.constant dense<0.000000e+00> : vector<2048x128xf32>
    %dot_general3A_13 = tpu.matmul %get3A_8, %get3A_11, %dot_general3A_12 {dimension_numbers = #tpu.dot_dimension_numbers<[1], [0], [0], [1], [0, 0, 1, 1], [], []>, transpose_lhs_hint = false} : vector<2048x128xf32>, vector<128x128xf32>, vector<2048x128xf32> -> vector<2048x128xf32>
    %mul3A = vector.broadcast %rsqrt3A : vector<2048x1xf32> to vector<2048x128xf32>
    %mul3A_14 = arith.mulf %dot_general3A_13, %mul3A : vector<2048x128xf32>
    %swap3A = arith.constant 0 : index
    %swap3A_15 = arith.constant 0 : index
    %swap3A_16 = vector.load %arg4[%swap3A, %swap3A_15] : memref<2048x128xf32, #tpu.memory_space<vmem>>, vector<2048x128xf32>
    tpu.vector_store %arg4[%swap3A, %swap3A_15], %mul3A_14 {strides = array<i32>} : memref<2048x128xf32, #tpu.memory_space<vmem>>, vector<2048x128xf32>,
    %swap3A_17 = arith.constant 0 : index
    %swap3A_18 = arith.constant 0 : index
    %swap3A_19 = vector.load %arg5[%swap3A_17, %swap3A_18] : memref<2048x1xf32, #tpu.memory_space<vmem>>, vector<2048x1xf32>
    tpu.vector_store %arg5[%swap3A_17, %swap3A_18], %rsqrt3A {strides = array<i32>} : memref<2048x1xf32, #tpu.memory_space<vmem>>, vector<2048x1xf32>,
    return
  }
  func.func @transform_0(%arg0: i32) -> (i32, i32) {
    %c0_i32 = arith.constant 0 : i32
    %c0_i32_0 = arith.constant 0 : i32
    return %arg0, %c0_i32 : i32, i32
  }
  func.func @transform_1(%arg0: i32) -> (i32, i32) {
    %c0_i32 = arith.constant 0 : i32
    %c0_i32_0 = arith.constant 0 : i32
    %c0_i32_1 = arith.constant 0 : i32
    return %c0_i32, %c0_i32_0 : i32, i32
  }
  func.func @transform_2(%arg0: i32) -> (i32, i32) {
    %c0_i32 = arith.constant 0 : i32
    %c0_i32_0 = arith.constant 0 : i32
    return %c0_i32, %arg0 : i32, i32
  }
  func.func @transform_3(%arg0: i32) -> (i32, i32) {
    %c0_i32 = arith.constant 0 : i32
    %c0_i32_0 = arith.constant 0 : i32
    return %arg0, %c0_i32 : i32, i32
  }
  func.func @transform_4(%arg0: i32) -> (i32, i32) {
    %c0_i32 = arith.constant 0 : i32
    %c0_i32_0 = arith.constant 0 : i32
    return %arg0, %c0_i32 : i32, i32
  }
}

module attributes {stable_mosaic.version = 14 : i64} {
  func.func @tc3(%arg0: i32, %arg1: memref<2x2000x128xf32, #tpu.memory_space<vmem>>, %arg2: memref<2000x128xf32, #tpu.memory_space<vmem>>, %arg3: memref<2000x1xf32, #tpu.memory_space<vmem>>, %arg4: memref<2000x128xf32, #tpu.memory_space<vmem>>, %arg5: memref<1x128xf32, #tpu.memory_space<vmem>>, %arg6: memref<1x128xf32, #tpu.memory_space<vmem>>, %arg7: memref<1x128xf32, #tpu.memory_space<vmem>>, %arg8: memref<128x64xf32, #tpu.memory_space<vmem>>, %arg9: memref<1x64xf32, #tpu.memory_space<vmem>>, %arg10: memref<64x2xf32, #tpu.memory_space<vmem>>, %arg11: memref<1x2xf32, #tpu.memory_space<vmem>>, %arg12: memref<2000x2xf32, #tpu.memory_space<vmem>>) attributes {dimension_semantics = [#tpu.dimension_semantics<arbitrary>], iteration_bounds = array<i64: 5>, scalar_prefetch = 0 : i64, scratch_operands = 0 : i64, tpu.core_type = #tpu.core_type<tc>, window_params = [{transform_indices = @transform_0, window_bounds = array<i64: 2, 2000, 128>}, {transform_indices = @transform_1, window_bounds = array<i64: 2000, 128>}, {transform_indices = @transform_2, window_bounds = array<i64: 2000, 1>}, {transform_indices = @transform_3, window_bounds = array<i64: 2000, 128>}, {pipeline_mode = #tpu.pipeline_mode<synchronous>, transform_indices = @transform_4, window_bounds = array<i64: 1, 128>}, {pipeline_mode = #tpu.pipeline_mode<synchronous>, transform_indices = @transform_5, window_bounds = array<i64: 1, 128>}, {pipeline_mode = #tpu.pipeline_mode<synchronous>, transform_indices = @transform_6, window_bounds = array<i64: 1, 128>}, {pipeline_mode = #tpu.pipeline_mode<synchronous>, transform_indices = @transform_7, window_bounds = array<i64: 128, 64>}, {pipeline_mode = #tpu.pipeline_mode<synchronous>, transform_indices = @transform_8, window_bounds = array<i64: 1, 64>}, {pipeline_mode = #tpu.pipeline_mode<synchronous>, transform_indices = @transform_9, window_bounds = array<i64: 64, 2>}, {pipeline_mode = #tpu.pipeline_mode<synchronous>, transform_indices = @transform_10, window_bounds = array<i64: 1, 2>}, {transform_indices = @transform_11, window_bounds = array<i64: 2000, 2>}]} {
    %get3A = arith.constant 0 : index
    %get3A_0 = arith.constant 0 : index
    %get3A_1 = arith.constant 0 : index
    %get3A_2 = vector.load %arg1[%get3A, %get3A_0, %get3A_1] : memref<2x2000x128xf32, #tpu.memory_space<vmem>>, vector<2x2000x128xf32>
    %get3A_3 = arith.constant 0 : index
    %get3A_4 = arith.constant 0 : index
    %get3A_5 = vector.load %arg3[%get3A_3, %get3A_4] : memref<2000x1xf32, #tpu.memory_space<vmem>>, vector<2000x1xf32>
    %slice3A = vector.extract_strided_slice %get3A_2 {offsets = [0, 0, 0], sizes = [1, 2000, 128], strides = [1, 1, 1]} : vector<2x2000x128xf32> to vector<1x2000x128xf32>
    %squeeze3A = vector.shape_cast %slice3A : vector<1x2000x128xf32> to vector<2000x128xf32>
    %slice3A_6 = vector.extract_strided_slice %get3A_2 {offsets = [1, 0, 0], sizes = [1, 2000, 128], strides = [1, 1, 1]} : vector<2x2000x128xf32> to vector<1x2000x128xf32>
    %squeeze3A_7 = vector.shape_cast %slice3A_6 : vector<1x2000x128xf32> to vector<2000x128xf32>
    %add3A = arith.addf %squeeze3A, %squeeze3A_7 : vector<2000x128xf32>
    %get3A_8 = arith.constant 0 : index
    %get3A_9 = arith.constant 0 : index
    %get3A_10 = vector.load %arg2[%get3A_8, %get3A_9] : memref<2000x128xf32, #tpu.memory_space<vmem>>, vector<2000x128xf32>
    %add3A_11 = arith.addf %add3A, %get3A_10 : vector<2000x128xf32>
    %mul3A = vector.broadcast %get3A_5 : vector<2000x1xf32> to vector<2000x128xf32>
    %mul3A_12 = arith.mulf %add3A_11, %mul3A : vector<2000x128xf32>
    %get3A_13 = arith.constant 0 : index
    %get3A_14 = arith.constant 0 : index
    %get3A_15 = vector.load %arg5[%get3A_13, %get3A_14] : memref<1x128xf32, #tpu.memory_space<vmem>>, vector<1x128xf32>
    %add3A_16 = vector.broadcast %get3A_15 : vector<1x128xf32> to vector<2000x128xf32>
    %add3A_17 = arith.addf %mul3A_12, %add3A_16 : vector<2000x128xf32>
    %get3A_18 = arith.constant 0 : index
    %get3A_19 = arith.constant 0 : index
    %get3A_20 = vector.load %arg6[%get3A_18, %get3A_19] : memref<1x128xf32, #tpu.memory_space<vmem>>, vector<1x128xf32>
    %mul3A_21 = arith.constant 0.999994993 : f32
    %mul3A_22 = vector.broadcast %mul3A_21 : f32 to vector<1x128xf32>
    %mul3A_23 = arith.mulf %get3A_20, %mul3A_22 : vector<1x128xf32>
    %mul3A_24 = vector.broadcast %mul3A_23 : vector<1x128xf32> to vector<2000x128xf32>
    %mul3A_25 = arith.mulf %add3A_17, %mul3A_24 : vector<2000x128xf32>
    %get3A_26 = arith.constant 0 : index
    %get3A_27 = arith.constant 0 : index
    %get3A_28 = vector.load %arg7[%get3A_26, %get3A_27] : memref<1x128xf32, #tpu.memory_space<vmem>>, vector<1x128xf32>
    %add3A_29 = vector.broadcast %get3A_28 : vector<1x128xf32> to vector<2000x128xf32>
    %add3A_30 = arith.addf %mul3A_25, %add3A_29 : vector<2000x128xf32>
    %max3A = arith.constant 0.000000e+00 : f32
    %max3A_31 = vector.broadcast %max3A : f32 to vector<2000x128xf32>
    %max3A_32 = arith.maximumf %add3A_30, %max3A_31 : vector<2000x128xf32>
    %get3A_33 = arith.constant 0 : index
    %get3A_34 = arith.constant 0 : index
    %get3A_35 = vector.load %arg4[%get3A_33, %get3A_34] : memref<2000x128xf32, #tpu.memory_space<vmem>>, vector<2000x128xf32>
    %add3A_36 = arith.addf %max3A_32, %get3A_35 : vector<2000x128xf32>
    %get3A_37 = arith.constant 0 : index
    %get3A_38 = arith.constant 0 : index
    %get3A_39 = vector.load %arg8[%get3A_37, %get3A_38] : memref<128x64xf32, #tpu.memory_space<vmem>>, vector<128x64xf32>
    %dot_general3A = arith.constant dense<0.000000e+00> : vector<2000x64xf32>
    %dot_general3A_40 = tpu.matmul %add3A_36, %get3A_39, %dot_general3A {dimension_numbers = #tpu.dot_dimension_numbers<[1], [0], [0], [1], [0, 0, 1, 1], [], []>, transpose_lhs_hint = false} : vector<2000x128xf32>, vector<128x64xf32>, vector<2000x64xf32> -> vector<2000x64xf32>
    %get3A_41 = arith.constant 0 : index
    %get3A_42 = arith.constant 0 : index
    %get3A_43 = vector.load %arg9[%get3A_41, %get3A_42] : memref<1x64xf32, #tpu.memory_space<vmem>>, vector<1x64xf32>
    %add3A_44 = vector.broadcast %get3A_43 : vector<1x64xf32> to vector<2000x64xf32>
    %add3A_45 = arith.addf %dot_general3A_40, %add3A_44 : vector<2000x64xf32>
    %max3A_46 = arith.constant 0.000000e+00 : f32
    %max3A_47 = vector.broadcast %max3A_46 : f32 to vector<2000x64xf32>
    %max3A_48 = arith.maximumf %add3A_45, %max3A_47 : vector<2000x64xf32>
    %get3A_49 = arith.constant 0 : index
    %get3A_50 = arith.constant 0 : index
    %get3A_51 = vector.load %arg10[%get3A_49, %get3A_50] : memref<64x2xf32, #tpu.memory_space<vmem>>, vector<64x2xf32>
    %dot_general3A_52 = arith.constant dense<0.000000e+00> : vector<2000x2xf32>
    %dot_general3A_53 = tpu.matmul %max3A_48, %get3A_51, %dot_general3A_52 {dimension_numbers = #tpu.dot_dimension_numbers<[1], [0], [0], [1], [0, 0, 1, 1], [], []>, transpose_lhs_hint = false} : vector<2000x64xf32>, vector<64x2xf32>, vector<2000x2xf32> -> vector<2000x2xf32>
    %get3A_54 = arith.constant 0 : index
    %get3A_55 = arith.constant 0 : index
    %get3A_56 = vector.load %arg11[%get3A_54, %get3A_55] : memref<1x2xf32, #tpu.memory_space<vmem>>, vector<1x2xf32>
    %add3A_57 = vector.broadcast %get3A_56 : vector<1x2xf32> to vector<2000x2xf32>
    %add3A_58 = arith.addf %dot_general3A_53, %add3A_57 : vector<2000x2xf32>
    %swap3A = arith.constant 0 : index
    %swap3A_59 = arith.constant 0 : index
    %swap3A_60 = vector.load %arg12[%swap3A, %swap3A_59] : memref<2000x2xf32, #tpu.memory_space<vmem>>, vector<2000x2xf32>
    tpu.vector_store %arg12[%swap3A, %swap3A_59], %add3A_58 {strides = array<i32>} : memref<2000x2xf32, #tpu.memory_space<vmem>>, vector<2000x2xf32>,
    return
  }
  func.func @transform_0(%arg0: i32) -> (i32, i32, i32) {
    %c0_i32 = arith.constant 0 : i32
    %c0_i32_0 = arith.constant 0 : i32
    %c0_i32_1 = arith.constant 0 : i32
    return %c0_i32, %arg0, %c0_i32_0 : i32, i32, i32
  }
  func.func @transform_1(%arg0: i32) -> (i32, i32) {
    %c0_i32 = arith.constant 0 : i32
    %c0_i32_0 = arith.constant 0 : i32
    return %arg0, %c0_i32 : i32, i32
  }
  func.func @transform_2(%arg0: i32) -> (i32, i32) {
    %c0_i32 = arith.constant 0 : i32
    %c0_i32_0 = arith.constant 0 : i32
    return %arg0, %c0_i32 : i32, i32
  }
  func.func @transform_3(%arg0: i32) -> (i32, i32) {
    %c0_i32 = arith.constant 0 : i32
    %c0_i32_0 = arith.constant 0 : i32
    return %arg0, %c0_i32 : i32, i32
  }
  func.func @transform_4(%arg0: i32) -> (i32, i32) {
    %c0_i32 = arith.constant 0 : i32
    %c0_i32_0 = arith.constant 0 : i32
    %c0_i32_1 = arith.constant 0 : i32
    return %c0_i32, %c0_i32_0 : i32, i32
  }
  func.func @transform_5(%arg0: i32) -> (i32, i32) {
    %c0_i32 = arith.constant 0 : i32
    %c0_i32_0 = arith.constant 0 : i32
    %c0_i32_1 = arith.constant 0 : i32
    return %c0_i32, %c0_i32_0 : i32, i32
  }
  func.func @transform_6(%arg0: i32) -> (i32, i32) {
    %c0_i32 = arith.constant 0 : i32
    %c0_i32_0 = arith.constant 0 : i32
    %c0_i32_1 = arith.constant 0 : i32
    return %c0_i32, %c0_i32_0 : i32, i32
  }
  func.func @transform_7(%arg0: i32) -> (i32, i32) {
    %c0_i32 = arith.constant 0 : i32
    %c0_i32_0 = arith.constant 0 : i32
    %c0_i32_1 = arith.constant 0 : i32
    return %c0_i32, %c0_i32_0 : i32, i32
  }
  func.func @transform_8(%arg0: i32) -> (i32, i32) {
    %c0_i32 = arith.constant 0 : i32
    %c0_i32_0 = arith.constant 0 : i32
    %c0_i32_1 = arith.constant 0 : i32
    return %c0_i32, %c0_i32_0 : i32, i32
  }
  func.func @transform_9(%arg0: i32) -> (i32, i32) {
    %c0_i32 = arith.constant 0 : i32
    %c0_i32_0 = arith.constant 0 : i32
    %c0_i32_1 = arith.constant 0 : i32
    return %c0_i32, %c0_i32_0 : i32, i32
  }
  func.func @transform_10(%arg0: i32) -> (i32, i32) {
    %c0_i32 = arith.constant 0 : i32
    %c0_i32_0 = arith.constant 0 : i32
    %c0_i32_1 = arith.constant 0 : i32
    return %c0_i32, %c0_i32_0 : i32, i32
  }
  func.func @transform_11(%arg0: i32) -> (i32, i32) {
    %c0_i32 = arith.constant 0 : i32
    %c0_i32_0 = arith.constant 0 : i32
    return %arg0, %c0_i32 : i32, i32
  }
}

</mosaic_0001>

<sc_bundles>
// kernel: kernel.11.cloned.1.call-start
scs
__scs_entry_jumppad:
0x0: {  	(pc) =	sbr.rel $0x88, $3  }
0x1: {  	(tag) =	ssettag $0x0;
	lr =	simm.s32 $0x1  }
0x2: {  	[smem:$0x3F93] =	sst lr;
	_ =	strace $0xD0000000  }
0x3: {  	_ = 	snop  }
0x4: {  	_ = 	snop  }
0x5: {  	_ = 	snop  }
0x6: {  	_ = 	snop  }
0x7: {  	_ = 	snop  }
__scs_overlays_trampoline_lowered:
0x8: {  	[smem:$0x3FA2] =	sst s0  }
0x9: {  	[smem:$0x3FA3] =	sst s1  }
0xa: {  	[smem:$0x3FA4] =	sst s2  }
0xb: {  	[smem:$0x3FA5] =	sst s3  }
0xc: {  	[smem:$0x3FA6] =	sst s4  }
0xd: {  	[smem:$0x3FA7] =	sst s5  }
0xe: {  	[smem:$0x3FA8] =	sst s6  }
0xf: {  	[smem:$0x3FA9] =	sst s7  }
0x10: {  	[smem:$0x3FAA] =	sst s8  }
0x11: {  	[smem:$0x3FAB] =	sst s9;
	s0 =	simm.s32 @!p0 $0x0  }
0x12: {  	s1 =	sld [smem:$0x3F91];
	s0 =	simm.s32 @p0 $0x1  }
0x13: {  	[smem:$0x3FAC] =	sst s0;
	s0 =	simm.s32 @!p1 $0x0  }
0x14: {  	s2 =	sld [smem:$0x3F90];
	s0 =	simm.s32 @p1 $0x1  }
0x15: {  	[smem:$0x3FAD] =	sst s0;
	s0 =	simm.s32 @!p2 $0x0  }
0x16: {  	s3 =	sld [smem:$0x3FDB];
	s0 =	simm.s32 @p2 $0x1  }
0x17: {  	s4 =	simm.s32 $0x1BF5;
	[smem:$0x3FAF] =	sst s0  }
0x18: {  	s0 =	sld [smem:$0x3F92];
	_ =	swait.ge [sflag:s4], $0x0  }
0x19: {  	s7 =	sld [smem:$0x3F93]  }
0x1a: {  	s8 =	sadd.s32 $0xFFFFE003, lr  }
0x1b: {  	s9 =	sadd.s32 $0xFFFFFEF7, lr;
	s5 =	simm.s32 $0xFFFFFFFF;
	p2 =	slt.u32 s8, $0xFFFFF086  }
0x1c: {  	p1 =	slt.u32 s9, $0xF7A;
	s5 =	simm.s32 @!p2 $0x0  }
0x1d: {  	s5 =	simm.s32 @p1 $0x1;
	p0 =	seq.s32 s7, s2  }
0x1e: {  	s7 =	smul.u32 @!p0 $0xF7A, s2;
	p2 =	seq.s32 @!p0 s5, $0x0  }
0x1f: {  	s9 =	smul.u32 $0xF7A, s1;
	s8 =	simm.s32 @!p0 $0x1BF5;
	p2 =	por !p2, p0  }
0x20: {  	[sflag:s8] =	ssyncset.s32 @!p0 $0xFFFFF086;
	s6 =	sadd.s32 @!p0 s3, s7;
	s7 =	simm.s32 @!p0 $0x108  }
0x21: {  	s3 =	sadd.s32 s3, s9;
	s6 =	sadd.s32 @!p0 $0x88, s6;
	s7 =	simm.s32 @p2 $0x1082  }
0x22: {  	[simem:s7], [sflag:s8] =	dma.local @!p0 [hbm:s6], $0xF7A  }
0x23: {  	s9 =	sor.u32 $0xD0000000, s2;
	s6 =	simm.s32 $0x108;
	_ =	swait.ge @!p0 [sflag:s8], $0x0  }
0x24: {  	s3 =	sadd.s32 $0x88, s3;
	s6 =	simm.s32 @!p1 $0x1082;
	[sflag:s4] =	ssyncset.s32 $0xFFFFF086  }
0x25: {  	[simem:s6], [sflag:s4] =	dma.local [hbm:s3], $0xF7A  }
0x26: {  	[smem:$0x3F93] =	sst s1;
	(tag) =	ssettag s2;
	_ =	strace s9  }
0x27: {  	s1 =	sld [smem:$0x3FA3]  }
0x28: {  	s2 =	sld [smem:$0x3FA4]  }
0x29: {  	s4 =	sld [smem:$0x3FA6]  }
0x2a: {  	p0 =	seq.s32 s5, $0x0;
	s5 =	sld [smem:$0x3FA7]  }
0x2b: {  	s6 =	sld [smem:$0x3FA8]  }
0x2c: {  	s7 =	sld [smem:$0x3FA9]  }
0x2d: {  	s3 =	simm.s32 $0x108;
	s8 =	sld [smem:$0x3FAA]  }
0x2e: {  	s3 =	simm.s32 @!p0 $0x1082;
	s9 =	sld [smem:$0x3FAB]  }
0x2f: {  	lr =	sadd.s32 s0, s3;
	s0 =	sld [smem:$0x3FA2]  }
0x30: {  	s3 =	sld [smem:$0x3FA5]  }
0x31: {  	[smem:$0x3FAE] =	sst s10  }
0x32: {  	s10 =	sld [smem:$0x3FAC];
	_ =	sdelay $0x3  }
0x33: {  	p0 =	seq.s32 s10, $0x1;
	s10 =	sld [smem:$0x3FAE];
	_ =	sdelay $0x3  }
0x34: {  	[smem:$0x3FAE] =	sst s10  }
0x35: {  	s10 =	sld [smem:$0x3FAD];
	_ =	sdelay $0x3  }
0x36: {  	p1 =	seq.s32 s10, $0x1;
	s10 =	sld [smem:$0x3FAE];
	_ =	sdelay $0x3  }
0x37: {  	[smem:$0x3FAE] =	sst s10  }
0x38: {  	s10 =	sld [smem:$0x3FAF]  }
0x39: {  	_ = 	snop;
	(pc) =	sbr.ind lr, $3  }
0x3a: {  	_ = 	snop  }
0x3b: {  	_ = 	snop  }
0x3c: {  	p2 =	seq.s32 s10, $0x1;
	s10 =	sld [smem:$0x3FAE]  }
0x3d: {  	_ =	shalt  }
0x3e: {  	_ =	shalt  }
0x3f: {  	_ =	shalt  }
0x40: {  	_ =	shalt  }
0x41: {  	_ =	shalt  }
0x42: {  	_ =	shalt  }
0x43: {  	_ =	shalt  }
0x44: {  	_ =	shalt  }
0x45: {  	_ =	shalt  }
0x46: {  	_ =	shalt  }
0x47: {  	_ =	shalt  }
0x48: {  	_ =	shalt  }
0x49: {  	_ =	shalt  }
0x4a: {  	_ =	shalt  }
0x4b: {  	_ =	shalt  }
0x4c: {  	_ =	shalt  }
0x4d: {  	_ =	shalt  }
0x4e: {  	_ =	shalt  }
0x4f: {  	_ =	shalt  }
0x50: {  	_ =	shalt  }
0x51: {  	_ =	shalt  }
0x52: {  	_ =	shalt  }
0x53: {  	_ =	shalt  }
0x54: {  	_ =	shalt  }
0x55: {  	_ =	shalt  }
0x56: {  	_ =	shalt  }
0x57: {  	_ =	shalt  }
0x58: {  	_ =	shalt  }
0x59: {  	_ =	shalt  }
0x5a: {  	_ =	shalt  }
0x5b: {  	_ =	shalt  }
0x5c: {  	_ =	shalt  }
0x5d: {  	_ =	shalt  }
0x5e: {  	_ =	shalt  }
0x5f: {  	_ =	shalt  }
0x60: {  	_ =	shalt  }
0x61: {  	_ =	shalt  }
0x62: {  	_ =	shalt  }
0x63: {  	_ =	shalt  }
0x64: {  	_ =	shalt  }
0x65: {  	_ =	shalt  }
0x66: {  	_ =	shalt  }
0x67: {  	_ =	shalt  }
0x68: {  	_ =	shalt  }
0x69: {  	_ =	shalt  }
0x6a: {  	_ =	shalt  }
0x6b: {  	_ =	shalt  }
0x6c: {  	_ =	shalt  }
0x6d: {  	_ =	shalt  }
0x6e: {  	_ =	shalt  }
0x6f: {  	_ =	shalt  }
0x70: {  	_ =	shalt  }
0x71: {  	_ =	shalt  }
0x72: {  	_ =	shalt  }
0x73: {  	_ =	shalt  }
0x74: {  	_ =	shalt  }
0x75: {  	_ =	shalt  }
0x76: {  	_ =	shalt  }
0x77: {  	_ =	shalt  }
0x78: {  	_ =	shalt  }
0x79: {  	_ =	shalt  }
0x7a: {  	_ =	shalt  }
0x7b: {  	_ =	shalt  }
0x7c: {  	_ =	shalt  }
0x7d: {  	_ =	shalt  }
0x7e: {  	_ =	shalt  }
0x7f: {  	_ =	shalt  }
0x80: {  	_ =	shalt  }
0x81: {  	_ =	shalt  }
0x82: {  	_ =	shalt  }
0x83: {  	_ =	shalt  }
0x84: {  	_ =	shalt  }
0x85: {  	_ =	shalt  }
0x86: {  	_ =	shalt  }
0x87: {  	_ =	shalt  }
.Lfunc_end0:
.L_simem_size_0:
called_computation.1_lowered:
.L_overlay_start_0:
0x88: {  	s2 =	sld [smem:$0x3FD9]  }
0x89: {  	s3 =	sld [smem:$0x3FFE];
	_ =	sdelay $0x1  }
0x8a: {  	s1 =	srdreg.scid  }
0x8b: {  	s0 =	sand.u32 $0x1, s1  }
0x8c: {  	s16 =	sshll.u32 s0, $0xA;
	s2 =	sadd.s32 s3, s2  }
0x8d: {  	s2 =	sadd.s32 s2, s16  }
0x8e: {  	[smem:$0x3FBA] =	sst s2  }
0x8f: {  	_ = 	snop  }
0x90: {  	(tm) =	ssettm $0x1  }
0x91: {  	s17 =	sld [smem:$0x3FFB];
	_ =	sdelay $0x3  }
0x92: {  	_ =	strace s17  }
0x93: {  	s2 =	sld [smem:$0x3FFC];
	_ =	sdelay $0x3  }
0x94: {  	_ =	strace s2  }
0x95: {  	s2 =	sld [smem:$0x3FFD];
	_ =	sdelay $0x3  }
0x96: {  	_ =	strace s2  }
0x97: {  	_ =	strace $0x8FFFFFFF  }
0x98: {  	s18 =	sld [smem:$0x3FDB];
	_ =	sdelay $0x1  }
0x99: {  	s19 =	simm.s32 $_scs_section_size  }
0x9a: {  	s4 =	simm.s32 $_size__tile_overlayer_lowered;
	s5 =	simm.s32 $_tile_overlayer_lowered  }
0x9b: {  	s22 =	simm.s32 $0x1BFF;
	s21 =	sshll.u32 s5, $0x1;
	s2 =	sadd.s32 s19, s18  }
0x9c: {  	s6 =	simm.s32 $0x0;
	s20 =	sshll.u32 s4, $0x1;
	s4 =	sadd.s32 s21, s2  }
0x9d: {  	[timem:s6], [sflag:s22] =	dma.local [hbm:s4], s20  }
0x9e: {  	_ =	swait.ge [sflag:s22], s20  }
0x9f: {  	s3 =	ssub.s32 $0x0, s20;
	[sflag:s22] =	ssyncset.done $0x0  }
0xa0: {  	[sflag:s22] =	ssyncadd.s32 s3;
	_ =	sdelay $0x1  }
0xa1: {  	s23 =	simm.s32 $0x1B8B  }
0xa2: {  	_ =	swait.ge [sflag:s23], $0x1  }
0xa3: {  	[sflag:s23] =	ssyncset.done $0x0  }
0xa4: {  	s25 =	simm.s32 $0x1B8E;
	s24 =	sld [smem:$0x3FFE];
	[sflag:s23] =	ssyncadd.s32 $0xFFFFFFFF  }
0xa5: {  	s26 =	simm.s32 $execute0_lowered;
	[smem:$0x3FD2] =	sst s25  }
0xa6: {  	s4 =	sshll.u32 s26, $0x1;
	_ =	strace $0x80000049;
	[dreg:$0x1] =	wrdreg $0xFFFFFFFF  }
0xa7: {  	s28 =	simm.s32 $_size_execute0_lowered;
	s2 =	sadd.s32 s2, s4;
	[dreg:$0x0] =	wrdreg $0x0  }
0xa8: {  	s4 =	sshll.u32 s28, $0x1;
	[dreg:$0x2] =	wrdreg s2  }
0xa9: {  	[dreg:$0x3] =	wrdreg s4  }
0xaa: {  	[dreg:$0x4] =	wrdreg $0xC0  }
0xab: {  	_ =	task [dreg:s6], $0x5FFFF  }
0xac: {  	[dreg:$0x1] =	wrdreg $0xFFFFFFFF  }
0xad: {  	[dreg:$0x0] =	wrdreg $0x60  }
0xae: {  	[dreg:$0x2] =	wrdreg s24  }
0xaf: {  	[dreg:$0x3] =	wrdreg $0xA8000  }
0xb0: {  	[dreg:$0x4] =	wrdreg $0x9  }
0xb1: {  	_ =	task.clear_ibuf [dreg:s6], $0x5FFFF;
	_ =	strace $0x90000049  }
0xb2: {  	s29 =	simm.s32 $0x9;
	_ =	strace $0x8000004B  }
0xb3: {  	_ =	swait.ge [sflag:s29], $0x1  }
0xb4: {  	[sflag:s29] =	ssyncadd.s32 $0xFFFFFFFF  }
0xb5: {  	_ =	strace $0x9000004B  }
0xb6: {  	_ =	sfence  }
0xb7: {  	s30 =	sld [smem:$0x0];
	_ =	sdelay $0x2  }
0xb8: {  	s31 =	sshll.u32 s1, $0xD;
	s1 =	sshrl.u32 s1, $0x2  }
0xb9: {  	s3 =	sand.u32 $0x4000, s31;
	s1 =	sadd.s32 s1, s30  }
0xba: {  	s0 =	sor.u32 s3, s0;
	s1 =	sshll.u32 s1, $0x11  }
0xbb: {  	s0 =	sor.u32 s1, s0  }
0xbc: {  	s0 =	sadd.s32 $0x8F2B, s0  }
0xbd: {  	[sflag:s0] =	ssyncadd.remote.s32 $0x1  }
0xbe: {  	_ =	sfence.sel $0xFFFF  }
0xbf: {  	[dreg:$0x0] =	wrdreg $0xFFFFFFFF;
	(pc) =	sbr.abs _section_cstart, $3  }
0xc0: {  	[dreg:$0x1] =	wrdreg $0xFFFFFFFF  }
0xc1: {  	_ =	task.clear_ibuf [dreg:s6], $0x2FFFF;
	_ =	strace $0x9FFFFFFF  }
0xc2: {  	(tm) =	ssettm $0x7FFFFFFF  }
0xc3: {  	_ =	shalt  }
tec
execute0_lowered:
.L_overlay_start_1:
0x0: {  	(tag) =	ssettag $0x1  }
0x1: {  	s5 =	rddreg [dreg:$0x0]  }
0x2: {  	s2 =	rddreg [dreg:$0x1];
	s0 =	srdreg.scid;
	s3 =	simm.s32 $0x0  }
0x3: {  	s19 =	stileid.u32;
	s30 =	simm.s32 $0xA000;
	s31 =	simm.s32 $0xA100  }
0x4: {  	s28 =	simm.s32 $0xA280;
	s29 =	simm.s32 $0xA600;
	s7 =	sand.u32 $0x1, s0  }
0x5: {  	[smem:$0x7FF] =	sst s3;
	s1 =	smul.u32 $0x14000, s19;
	s4 =	sadd.s32 $0x3A00, s5  }
0x6: {  	s14 =	sadd.s32 $0x4A000, s5;
	s0 =	ssub.s32 $0x2, s7;
	s13 =	smul.u32 $0x140000, s7  }
0x7: {  	s21 =	smul.u32 $0x7D000, s7;
	s7 =	sshll.u32 s7, $0x4;
	s6 =	sshrl.u32 s0, $0x1  }
0x8: {  	s12 =	sor.u32 $0x2800, s1;
	s8 =	sadd.s32 $0x5000, s1;
	s9 =	sadd.s32 $0x7800, s1  }
0x9: {  	s10 =	sadd.s32 $0xA000, s1;
	s11 =	sadd.s32 $0xC800, s1;
	s7 =	sor.u32 s19, s7  }
0xa: {  	s0 =	ssub.s32 s0, s6;
	s25 =	sadd.s32 s1, s13;
	s6 =	sadd.s32 $0xF000, s1  }
0xb: {  	s1 =	sadd.s32 $0x11800, s1;
	s26 =	sadd.s32 s13, s12;
	s16 =	sadd.s32 s13, s8  }
0xc: {  	s17 =	sadd.s32 s13, s9;
	s18 =	sadd.s32 s13, s10;
	s20 =	sadd.s32 s13, s11  }
0xd: {  	s9 =	sadd.s32 s9, s2;
	s10 =	sadd.s32 s10, s2;
	s11 =	sadd.s32 s11, s2  }
0xe: {  	s7 =	smul.u32 $0x7D00, s7;
	s15 =	sshrl.u32 s25, $0x3;
	s16 =	sshrl.u32 s16, $0x3  }
0xf: {  	s17 =	sshrl.u32 s17, $0x3;
	s23 =	sadd.s32 s13, s6;
	s13 =	sadd.s32 s13, s1  }
0x10: {  	s6 =	sadd.s32 s6, s2;
	s1 =	sadd.s32 s1, s2;
	s15 =	sadd.s32 s14, s15  }
0x11: {  	s16 =	sadd.s32 s14, s16;
	s17 =	sadd.s32 s14, s17;
	[dreg:$0xd] =	wrdreg s15  }
0x12: {  	s13 =	sshrl.u32 s13, $0x3;
	s15 =	sshrl.u32 s26, $0x3;
	[dreg:$0xf] =	wrdreg s16  }
0x13: {  	[dreg:$0x10] =	wrdreg s17;
	s16 =	sshrl.u32 s20, $0x3;
	s13 =	sadd.s32 s14, s13  }
0x14: {  	s15 =	sadd.s32 s14, s15;
	s22 =	sadd.s32 s14, s16;
	[dreg:$0x14] =	wrdreg s13  }
0x15: {  	[dreg:$0xe] =	wrdreg s15;
	s15 =	sshrl.u32 s18, $0x3;
	s18 =	smul.u32 $0x7D00, s19  }
0x16: {  	s0 =	smax.u32 s0, $0x1;
	[dreg:$0x12] =	wrdreg s22;
	s15 =	sadd.s32 s14, s15  }
0x17: {  	[dreg:$0x11] =	wrdreg s15;
	s15 =	sshrl.u32 s23, $0x3;
	s16 =	sadd.s32 s18, s21  }
0x18: {  	s23 =	smul.u32 $0x50000, s19;
	s15 =	sadd.s32 s14, s15;
	s24 =	sadd.s32 $0x900, s16  }
0x19: {  	s26 =	sadd.s32 $0xA00, s16;
	s18 =	sadd.s32 $0x600, s16;
	s20 =	sadd.s32 $0x500, s16  }
0x1a: {  	[dreg:$0x13] =	wrdreg s15;
	s25 =	sshrl.u32 s24, $0x3;
	s14 =	sshrl.u32 s26, $0x3  }
0x1b: {  	s15 =	sadd.s32 $0xB00, s16;
	_ =	strace $0x8000004A;
	[dreg:$0x17] =	wrdreg s9  }
0x1c: {  	s22 =	sshrl.u32 s20, $0x3;
	s24 =	sadd.s32 $0x400, s16;
	[dreg:$0x18] =	wrdreg s10  }
0x1d: {  	s26 =	sadd.s32 $0x700, s16;
	s13 =	sadd.s32 s25, s4;
	[dreg:$0x19] =	wrdreg s11  }
0x1e: {  	s14 =	sadd.s32 s14, s4;
	s17 =	sshrl.u32 s15, $0x3;
	[dreg:$0x1a] =	wrdreg s6  }
0x1f: {  	s25 =	sshrl.u32 s23, $0x2;
	s15 =	sshrl.u32 s7, $0x3;
	[dreg:$0x1b] =	wrdreg s1  }
0x20: {  	[dreg:$0x1e] =	wrdreg s0;
	s0 =	simm.s32 $0xA200;
	s1 =	simm.s32 $0xA300  }
0x21: {  	s6 =	simm.s32 $0x1;
	s7 =	simm.s32 $0x50;
	[dreg:$0x3] =	wrdreg s13  }
0x22: {  	s9 =	simm.s32 $0x2;
	[dreg:$0x4] =	wrdreg s14;
	s13 =	sadd.s32 s17, s4  }
0x23: {  	s10 =	simm.s32 $0xA080;
	s17 =	simm.s32 $0xA780;
	[dreg:$0x5] =	wrdreg s13  }
0x24: {  	s14 =	sshrl.u32 s18, $0x3;
	s18 =	sadd.s32 s4, s15;
	[dreg:$0xc] =	wrdreg s17  }
0x25: {  	s20 =	sadd.s32 s25, s2;
	s25 =	sadd.s32 s8, s2;
	[dreg:$0x1c] =	wrdreg s18  }
0x26: {  	s11 =	simm.s32 $0x5000;
	s21 =	sadd.s32 s14, s4;
	[dreg:$0x16] =	wrdreg s25  }
0x27: {  	s8 =	simm.s32 $0x2800;
	s14 =	sadd.s32 s22, s4;
	[dreg:$0x6] =	wrdreg s21  }
0x28: {  	s15 =	simm.s32 $0xA480;
	s19 =	sadd.s32 $0x20, s18;
	[dreg:$0x7] =	wrdreg s14  }
0x29: {  	s13 =	sadd.s32 $0x22E00, s5;
	s22 =	sadd.s32 $0x800, s16;
	[dreg:$0x1d] =	wrdreg s19  }
0x2a: {  	s5 =	sshrl.u32 s24, $0x3;
	s23 =	sadd.s32 $0x40, s18;
	[dreg:$0x1f] =	wrdreg s22  }
0x2b: {  	s24 =	sadd.s32 $0x60, s18;
	s16 =	simm.s32 $0x0;
	[smem:$0x7FB] =	sst s23  }
0x2c: {  	s5 =	sadd.s32 s5, s4;
	s21 =	sadd.s32 s12, s2;
	[smem:$0x7FC] =	sst s24  }
0x2d: {  	s12 =	simm.s32 $0xA580;
	s14 =	simm.s32 $0xA680;
	[dreg:$0x8] =	wrdreg s5  }
0x2e: {  	s23 =	simm.s32 $0xA180;
	s24 =	simm.s32 $0x7800;
	[dreg:$0xa] =	wrdreg s12  }
0x2f: {  	s22 =	simm.s32 $0xA380;
	s5 =	sshrl.u32 s26, $0x3;
	[dreg:$0xb] =	wrdreg s14  }
0x30: {  	s26 =	sadd.s32 $0xF80, s18;
	s12 =	simm.s32 $0xA400;
	[dreg:$0x15] =	wrdreg s21  }
0x31: {  	s14 =	simm.s32 $0xA700;
	s5 =	sadd.s32 s5, s4;
	[smem:$0x7FD] =	sst s26  }
0x32: {  	v0 =	vimm.f32 $0.0e+00;
	s26 =	simm.s32 $0xA500;
	[dreg:$0x9] =	wrdreg s5;
	s5 =	simm.s32 $0x3  }
.LBB2_1:
0x33: {  	s17 =	simm.s32 $0x0;
	s18 =	simm.s32 $0x200  }
.LBB2_2:
0x34: {  	p0 =	sne.s32 s18, $0x9E00;
	[tilespmem:s17+$0x70] =	vst v0  }
0x35: {  	[tilespmem:s17+$0x0] =	vst v0  }
0x36: {  	[tilespmem:s17+$0x10] =	vst v0  }
.Ltmp0:
0x37: {  	[tilespmem:s17+$0x20] =	vst v0;
	(pc) =	sbr.rel @p0 .LBB2_2-.Ltmp0, $4  }
0x38: {  	[tilespmem:s17+$0x30] =	vst v0  }
0x39: {  	[tilespmem:s17+$0x40] =	vst v0  }
0x3a: {  	[tilespmem:s17+$0x50] =	vst v0  }
0x3b: {  	[tilespmem:s17+$0x60] =	vst v0;
	s17 =	sshra.s32 s18, $0x2;
	s18 =	sadd.s32 $0x200, s18  }
0x3c: {  	[tilespmem:s17+$0x70] =	vst v0  }
0x3d: {  	[tilespmem:s17+$0x0] =	vst v0  }
0x3e: {  	[tilespmem:s17+$0x10] =	vst v0  }
0x3f: {  	[tilespmem:s17+$0x20] =	vst v0  }
0x40: {  	[tilespmem:s17+$0x30] =	vst v0  }
0x41: {  	[tilespmem:s17+$0x40] =	vst v0  }
0x42: {  	[tilespmem:s17+$0x50] =	vst v0  }
0x43: {  	[tilespmem:s17+$0x60] =	vst v0;
	s17 =	simm.s32 $0x0  }
0x44: {  	[spmem:s20] =	stream.linear.scatter [tilespmem:s17], [sflag:$0x3], $0x2800, $0x38;
	[tilespmem:$0x1E800] =	vst v63  }
0x45: {  	_ = 	snop  }
0x46: {  	[spmem:s21] =	stream.linear.scatter [tilespmem:s17], [sflag:$0x3], $0x2800, $0x38;
	[tilespmem:$0x1E800] =	vst v63  }
0x47: {  	s18 =	rddreg [dreg:$0x17]  }
0x48: {  	[spmem:s25] =	stream.linear.scatter [tilespmem:s17], [sflag:$0x3], $0x2800, $0x38;
	[tilespmem:$0x1E800] =	vst v63  }
0x49: {  	s19 =	smov.u32 s20;
	s20 =	rddreg [dreg:$0x18]  }
0x4a: {  	[spmem:s18] =	stream.linear.scatter [tilespmem:s17], [sflag:$0x3], $0x2800, $0x38;
	[tilespmem:$0x1E800] =	vst v63  }
0x4b: {  	s21 =	rddreg [dreg:$0x19]  }
0x4c: {  	[spmem:s20] =	stream.linear.scatter [tilespmem:s17], [sflag:$0x3], $0x2800, $0x38;
	[tilespmem:$0x1E800] =	vst v63  }
0x4d: {  	s25 =	rddreg [dreg:$0x1a]  }
0x4e: {  	[spmem:s21] =	stream.linear.scatter [tilespmem:s17], [sflag:$0x3], $0x2800, $0x38;
	[tilespmem:$0x1E800] =	vst v63  }
0x4f: {  	s20 =	rddreg [dreg:$0x1b]  }
0x50: {  	[spmem:s25] =	stream.linear.scatter [tilespmem:s17], [sflag:$0x3], $0x2800, $0x38;
	[tilespmem:$0x1E800] =	vst v63  }
0x51: {  	s21 =	rddreg [dreg:$0x1c]  }
0x52: {  	[spmem:s20] =	stream.linear.scatter [tilespmem:s17], [sflag:$0x3], $0x2800, $0x38;
	[tilespmem:$0x1E800] =	vst v63  }
0x53: {  	s25 =	rddreg [dreg:$0x1d]  }
0x54: {  	[tilespmem:s30], [sflag:$0x1] =	stream.linear.gather [hbm4b:s21+s17], $0x100, $0x38;
	[tilespmem:$0x1E800] =	vst v63  }
0x55: {  	s20 =	sld [smem:$0x7FB]  }
0x56: {  	[tilespmem:s31], [sflag:$0x1] =	stream.linear.gather [hbm4b:s25+s17], $0x100, $0x38;
	[tilespmem:$0x1E800] =	vst v63  }
0x57: {  	s21 =	sld [smem:$0x7FC]  }
0x58: {  	[tilespmem:s0], [sflag:$0x1] =	stream.linear.gather [hbm4b:s20+s17], $0x100, $0x38;
	[tilespmem:$0x1E800] =	vst v63  }
0x59: {  	_ = 	snop  }
0x5a: {  	[tilespmem:s1], [sflag:$0x1] =	stream.linear.gather [hbm4b:s21+s17], $0x100, $0x38;
	[tilespmem:$0x1E800] =	vst v63  }
0x5b: {  	_ =	swait.ge [sflag:s5], $0x2800  }
0x5c: {  	[sflag:s5] =	ssyncset.done $0x0  }
0x5d: {  	[sflag:s5] =	ssyncadd.s32 $0xFFFFD800  }
0x5e: {  	_ =	swait.ge [sflag:s5], $0x2800  }
0x5f: {  	[sflag:s5] =	ssyncset.done $0x0  }
0x60: {  	[sflag:s5] =	ssyncadd.s32 $0xFFFFD800  }
0x61: {  	_ =	swait.ge [sflag:s5], $0x2800  }
0x62: {  	[sflag:s5] =	ssyncset.done $0x0  }
0x63: {  	[sflag:s5] =	ssyncadd.s32 $0xFFFFD800  }
0x64: {  	_ =	swait.ge [sflag:s5], $0x2800  }
0x65: {  	[sflag:s5] =	ssyncset.done $0x0  }
0x66: {  	[sflag:s5] =	ssyncadd.s32 $0xFFFFD800  }
0x67: {  	_ =	swait.ge [sflag:s5], $0x2800  }
0x68: {  	[sflag:s5] =	ssyncset.done $0x0  }
0x69: {  	[sflag:s5] =	ssyncadd.s32 $0xFFFFD800  }
0x6a: {  	_ =	swait.ge [sflag:s5], $0x2800  }
0x6b: {  	[sflag:s5] =	ssyncset.done $0x0  }
0x6c: {  	[sflag:s5] =	ssyncadd.s32 $0xFFFFD800  }
0x6d: {  	_ =	swait.ge [sflag:s5], $0x2800  }
0x6e: {  	[sflag:s5] =	ssyncset.done $0x0  }
0x6f: {  	[sflag:s5] =	ssyncadd.s32 $0xFFFFD800  }
0x70: {  	_ =	swait.ge [sflag:s5], $0x2800  }
0x71: {  	[sflag:s5] =	ssyncset.done $0x0  }
0x72: {  	[sflag:s5] =	ssyncadd.s32 $0xFFFFD800  }
0x73: {  	[bflag:$0x0] =	sbarrier.arrive $0xFFFF  }
0x74: {  	_ =	swait.ge [sflag:s6], $0x100  }
0x75: {  	[sflag:s6] =	ssyncset.done $0x0  }
0x76: {  	[sflag:s6] =	ssyncadd.s32 $0xFFFFFF00  }
0x77: {  	[tilespmem:s17], [sflag:$0x2] =	stream.indirect.gather [hbm4b:s13+s7], $0x80, s30, s7, $0xb8;
	[tilespmem:$0x1E800] =	vst v63  }
0x78: {  	_ =	swait.ge [sflag:s6], $0x100  }
0x79: {  	[sflag:s6] =	ssyncset.done $0x0  }
0x7a: {  	[sflag:s6] =	ssyncadd.s32 $0xFFFFFF00  }
0x7b: {  	[tilespmem:s8], [sflag:$0x2] =	stream.indirect.gather [hbm4b:s13+s7], $0x80, s31, s7, $0xb8;
	[tilespmem:$0x1E800] =	vst v63  }
0x7c: {  	_ =	swait.ge [sflag:s9], $0x2800  }
0x7d: {  	p0 =	por $0x1, $0x1;
	[sflag:s9] =	ssyncset.done $0x0  }
0x7e: {  	s18 =	simm.s32 @!p0 $0x3;
	[sflag:s9] =	ssyncadd.s32 $0xFFFFD800  }
0x7f: {  	[spmem:s2] =	stream.indirect.scatter.add.f32 [tilespmem:s3], [sflag:$0x3], $0x80, s10, s7, $0xb8;
	[tilespmem:$0x1E800] =	vst v63  }
0x80: {  	_ =	swait.ge @!p0 [sflag:s18], $0x2800  }
0x81: {  	[sflag:s18] =	ssyncset.done @!p0 $0x0  }
0x82: {  	[sflag:s18] =	ssyncadd.s32 @!p0 $0xFFFFD800  }
0x83: {  	_ =	swait.ge [sflag:s6], $0x100  }
0x84: {  	[sflag:s6] =	ssyncset.done $0x0  }
0x85: {  	s25 =	rddreg [dreg:$0x8];
	[sflag:s6] =	ssyncadd.s32 $0xFFFFFF00  }
0x86: {  	[tilespmem:s11], [sflag:$0x2] =	stream.indirect.gather [hbm4b:s13+s7], $0x80, s0, s7, $0xb8;
	[tilespmem:$0x1E800] =	vst v63  }
0x87: {  	s20 =	sadd.s32 $0x0, s25  }
0x88: {  	[tilespmem:s12], [sflag:$0x1] =	stream.linear.gather [hbm4b:s20+s3], $0x100, $0x38;
	[tilespmem:$0x1E800] =	vst v63  }
0x89: {  	_ =	swait.ge [sflag:s9], $0x2800  }
0x8a: {  	[sflag:s9] =	ssyncset.done $0x0  }
0x8b: {  	[sflag:s9] =	ssyncadd.s32 $0xFFFFD800  }
0x8c: {  	[spmem:s2] =	stream.indirect.scatter.add.f32 [tilespmem:s8], [sflag:$0x3], $0x80, s23, s7, $0xb8;
	[tilespmem:$0x1E800] =	vst v63  }
0x8d: {  	_ =	swait.ge @!p0 [sflag:s18], $0x2800  }
0x8e: {  	[sflag:s18] =	ssyncset.done @!p0 $0x0  }
0x8f: {  	[sflag:s18] =	ssyncadd.s32 @!p0 $0xFFFFD800  }
0x90: {  	_ =	swait.ge [sflag:s6], $0x100  }
0x91: {  	[sflag:s6] =	ssyncset.done $0x0  }
0x92: {  	s20 =	rddreg [dreg:$0x7];
	[sflag:s6] =	ssyncadd.s32 $0xFFFFFF00  }
0x93: {  	[tilespmem:s24], [sflag:$0x2] =	stream.indirect.gather [hbm4b:s13+s7], $0x80, s1, s7, $0xb8;
	[tilespmem:$0x1E800] =	vst v63  }
0x94: {  	s18 =	sadd.s32 $0x0, s20  }
0x95: {  	[tilespmem:s26], [sflag:$0x1] =	stream.linear.gather [hbm4b:s18+s3], $0x100, $0x38;
	[tilespmem:$0x1E800] =	vst v63  }
0x96: {  	_ =	swait.ge [sflag:s9], $0x2800  }
0x97: {  	[sflag:s9] =	ssyncset.done $0x0  }
0x98: {  	[sflag:s9] =	ssyncadd.s32 $0xFFFFD800  }
0x99: {  	[spmem:s2] =	stream.indirect.scatter.add.f32 [tilespmem:s11], [sflag:$0x3], $0x80, s28, s7, $0xb8;
	[tilespmem:$0x1E800] =	vst v63  }
0x9a: {  	_ =	swait.ge [sflag:s5], $0x2800  }
0x9b: {  	[sflag:s5] =	ssyncset.done $0x0  }
0x9c: {  	[sflag:s5] =	ssyncadd.s32 $0xFFFFD800  }
0x9d: {  	_ =	swait.ge [sflag:s6], $0x100  }
0x9e: {  	[sflag:s6] =	ssyncset.done $0x0  }
0x9f: {  	s21 =	rddreg [dreg:$0x6];
	[sflag:s6] =	ssyncadd.s32 $0xFFFFFF00  }
0xa0: {  	[tilespmem:s3], [sflag:$0x2] =	stream.indirect.gather [hbm4b:s13+s7], $0x80, s12, s7, $0xb8;
	[tilespmem:$0x1E800] =	vst v63  }
0xa1: {  	s18 =	sadd.s32 $0x0, s21  }
0xa2: {  	[tilespmem:s29], [sflag:$0x1] =	stream.linear.gather [hbm4b:s18+s3], $0x100, $0x38;
	[tilespmem:$0x1E800] =	vst v63  }
0xa3: {  	_ =	swait.ge [sflag:s9], $0x2800  }
0xa4: {  	[sflag:s9] =	ssyncset.done $0x0  }
0xa5: {  	[sflag:s9] =	ssyncadd.s32 $0xFFFFD800  }
0xa6: {  	[spmem:s2] =	stream.indirect.scatter.add.f32 [tilespmem:s24], [sflag:$0x3], $0x80, s22, s7, $0xb8;
	[tilespmem:$0x1E800] =	vst v63  }
0xa7: {  	_ =	swait.ge [sflag:s5], $0x2800  }
0xa8: {  	[sflag:s5] =	ssyncset.done $0x0  }
0xa9: {  	[sflag:s5] =	ssyncadd.s32 $0xFFFFD800  }
0xaa: {  	_ =	swait.ge [sflag:s6], $0x100  }
0xab: {  	[sflag:s6] =	ssyncset.done $0x0  }
0xac: {  	s25 =	rddreg [dreg:$0x9];
	[sflag:s6] =	ssyncadd.s32 $0xFFFFFF00  }
0xad: {  	[tilespmem:s8], [sflag:$0x2] =	stream.indirect.gather [hbm4b:s13+s7], $0x80, s26, s7, $0xb8;
	[tilespmem:$0x1E800] =	vst v63  }
0xae: {  	s18 =	sadd.s32 $0x0, s25  }
0xaf: {  	[tilespmem:s14], [sflag:$0x1] =	stream.linear.gather [hbm4b:s18+s3], $0x100, $0x38;
	[tilespmem:$0x1E800] =	vst v63  }
0xb0: {  	_ =	swait.ge [sflag:s9], $0x2800  }
0xb1: {  	[sflag:s9] =	ssyncset.done $0x0  }
0xb2: {  	[sflag:s9] =	ssyncadd.s32 $0xFFFFD800  }
0xb3: {  	[spmem:s2] =	stream.indirect.scatter.add.f32 [tilespmem:s3], [sflag:$0x3], $0x80, s15, s7, $0xb8;
	[tilespmem:$0x1E800] =	vst v63  }
0xb4: {  	_ =	swait.ge [sflag:s5], $0x2800  }
0xb5: {  	[sflag:s5] =	ssyncset.done $0x0  }
0xb6: {  	[sflag:s5] =	ssyncadd.s32 $0xFFFFD800  }
0xb7: {  	_ =	swait.ge [sflag:s6], $0x100  }
0xb8: {  	[sflag:s6] =	ssyncset.done $0x0;
	s25 =	rddreg [dreg:$0x1f]  }
0xb9: {  	[sflag:s6] =	ssyncadd.s32 $0xFFFFFF00;
	s20 =	sshrl.u32 s25, $0x3  }
0xba: {  	[tilespmem:s11], [sflag:$0x2] =	stream.indirect.gather [hbm4b:s13+s7], $0x80, s29, s7, $0xb8;
	[tilespmem:$0x1E800] =	vst v63  }
0xbb: {  	s18 =	sadd.s32 s4, s20  }
0xbc: {  	[tilespmem:s30], [sflag:$0x1] =	stream.linear.gather [hbm4b:s18+s3], $0x100, $0x38;
	[tilespmem:$0x1E800] =	vst v63  }
0xbd: {  	_ =	swait.ge [sflag:s9], $0x2800  }
0xbe: {  	[sflag:s9] =	ssyncset.done $0x0  }
0xbf: {  	s21 =	rddreg [dreg:$0xa];
	[sflag:s9] =	ssyncadd.s32 $0xFFFFD800  }
0xc0: {  	[spmem:s2] =	stream.indirect.scatter.add.f32 [tilespmem:s8], [sflag:$0x3], $0x80, s21, s7, $0xb8;
	[tilespmem:$0x1E800] =	vst v63  }
0xc1: {  	_ =	swait.ge [sflag:s5], $0x2800  }
0xc2: {  	[sflag:s5] =	ssyncset.done $0x0  }
0xc3: {  	[sflag:s5] =	ssyncadd.s32 $0xFFFFD800  }
0xc4: {  	_ =	swait.ge [sflag:s6], $0x100  }
0xc5: {  	[sflag:s6] =	ssyncset.done $0x0  }
0xc6: {  	s20 =	rddreg [dreg:$0x3];
	[sflag:s6] =	ssyncadd.s32 $0xFFFFFF00  }
0xc7: {  	[tilespmem:s24], [sflag:$0x2] =	stream.indirect.gather [hbm4b:s13+s7], $0x80, s14, s7, $0xb8;
	[tilespmem:$0x1E800] =	vst v63  }
0xc8: {  	s18 =	sadd.s32 $0x0, s20  }
0xc9: {  	[tilespmem:s31], [sflag:$0x1] =	stream.linear.gather [hbm4b:s18+s3], $0x100, $0x38;
	[tilespmem:$0x1E800] =	vst v63  }
0xca: {  	_ =	swait.ge [sflag:s9], $0x2800  }
0xcb: {  	[sflag:s9] =	ssyncset.done $0x0  }
0xcc: {  	s21 =	rddreg [dreg:$0xb];
	[sflag:s9] =	ssyncadd.s32 $0xFFFFD800  }
0xcd: {  	[spmem:s2] =	stream.indirect.scatter.add.f32 [tilespmem:s11], [sflag:$0x3], $0x80, s21, s7, $0xb8;
	[tilespmem:$0x1E800] =	vst v63  }
0xce: {  	_ =	swait.ge [sflag:s5], $0x2800  }
0xcf: {  	[sflag:s5] =	ssyncset.done $0x0  }
0xd0: {  	[sflag:s5] =	ssyncadd.s32 $0xFFFFD800  }
0xd1: {  	_ =	swait.ge [sflag:s6], $0x100  }
0xd2: {  	[sflag:s6] =	ssyncset.done $0x0  }
0xd3: {  	s20 =	rddreg [dreg:$0x4];
	[sflag:s6] =	ssyncadd.s32 $0xFFFFFF00  }
0xd4: {  	[tilespmem:s3], [sflag:$0x2] =	stream.indirect.gather [hbm4b:s13+s7], $0x80, s30, s7, $0xb8;
	[tilespmem:$0x1E800] =	vst v63  }
0xd5: {  	s18 =	sadd.s32 $0x0, s20  }
0xd6: {  	[tilespmem:s0], [sflag:$0x1] =	stream.linear.gather [hbm4b:s18+s3], $0x100, $0x38;
	[tilespmem:$0x1E800] =	vst v63  }
0xd7: {  	_ =	swait.ge [sflag:s9], $0x2800  }
0xd8: {  	[sflag:s9] =	ssyncset.done $0x0  }
0xd9: {  	s21 =	rddreg [dreg:$0xc];
	[sflag:s9] =	ssyncadd.s32 $0xFFFFD800  }
0xda: {  	[spmem:s2] =	stream.indirect.scatter.add.f32 [tilespmem:s24], [sflag:$0x3], $0x80, s21, s7, $0xb8;
	[tilespmem:$0x1E800] =	vst v63  }
0xdb: {  	_ =	swait.ge [sflag:s5], $0x2800  }
0xdc: {  	[sflag:s5] =	ssyncset.done $0x0  }
0xdd: {  	[sflag:s5] =	ssyncadd.s32 $0xFFFFD800  }
0xde: {  	_ =	swait.ge [sflag:s6], $0x100  }
0xdf: {  	[sflag:s6] =	ssyncset.done $0x0  }
0xe0: {  	s18 =	simm.s32 $0x100;
	s20 =	rddreg [dreg:$0x5];
	[sflag:s6] =	ssyncadd.s32 $0xFFFFFF00  }
0xe1: {  	[tilespmem:s8], [sflag:$0x2] =	stream.indirect.gather [hbm4b:s13+s7], $0x80, s31, s7, $0xb8;
	[tilespmem:$0x1E800] =	vst v63  }
.LBB2_4:
0xe2: {  	s20 =	sadd.s32 s17, s20  }
0xe3: {  	[tilespmem:s1], [sflag:$0x1] =	stream.linear.gather [hbm4b:s20+s3], $0x100, $0x38;
	[tilespmem:$0x1E800] =	vst v63  }
0xe4: {  	s17 =	smov.u32 s18;
	_ =	swait.ge [sflag:s9], $0x2800  }
0xe5: {  	p1 =	seq.s32 s17, $0x0;
	[sflag:s9] =	ssyncset.done $0x0  }
0xe6: {  	s20 =	simm.s32 @!p1 $0x3;
	[sflag:s9] =	ssyncadd.s32 $0xFFFFD800  }
0xe7: {  	[spmem:s2] =	stream.indirect.scatter.add.f32 [tilespmem:s3], [sflag:$0x3], $0x80, s10, s7, $0xb8;
	[tilespmem:$0x1E800] =	vst v63  }
0xe8: {  	_ =	swait.ge @!p1 [sflag:s20], $0x2800  }
0xe9: {  	[sflag:s20] =	ssyncset.done @!p1 $0x0  }
0xea: {  	[sflag:s20] =	ssyncadd.s32 @!p1 $0xFFFFD800  }
0xeb: {  	_ =	swait.ge [sflag:s6], $0x100  }
0xec: {  	[sflag:s6] =	ssyncset.done $0x0  }
0xed: {  	s21 =	rddreg [dreg:$0x8];
	[sflag:s6] =	ssyncadd.s32 $0xFFFFFF00  }
0xee: {  	[tilespmem:s11], [sflag:$0x2] =	stream.indirect.gather [hbm4b:s13+s7], $0x80, s0, s7, $0xb8;
	[tilespmem:$0x1E800] =	vst v63  }
0xef: {  	s21 =	sadd.s32 s17, s21  }
0xf0: {  	[tilespmem:s12], [sflag:$0x1] =	stream.linear.gather [hbm4b:s21+s3], $0x100, $0x38;
	[tilespmem:$0x1E800] =	vst v63  }
0xf1: {  	_ =	swait.ge [sflag:s9], $0x2800  }
0xf2: {  	[sflag:s9] =	ssyncset.done $0x0  }
0xf3: {  	[sflag:s9] =	ssyncadd.s32 $0xFFFFD800  }
0xf4: {  	[spmem:s2] =	stream.indirect.scatter.add.f32 [tilespmem:s8], [sflag:$0x3], $0x80, s23, s7, $0xb8;
	[tilespmem:$0x1E800] =	vst v63  }
0xf5: {  	_ =	swait.ge @!p1 [sflag:s20], $0x2800  }
0xf6: {  	[sflag:s20] =	ssyncset.done @!p1 $0x0  }
0xf7: {  	[sflag:s20] =	ssyncadd.s32 @!p1 $0xFFFFD800  }
0xf8: {  	_ =	swait.ge [sflag:s6], $0x100  }
0xf9: {  	[sflag:s6] =	ssyncset.done $0x0  }
0xfa: {  	s21 =	rddreg [dreg:$0x7];
	[sflag:s6] =	ssyncadd.s32 $0xFFFFFF00  }
0xfb: {  	[tilespmem:s24], [sflag:$0x2] =	stream.indirect.gather [hbm4b:s13+s7], $0x80, s1, s7, $0xb8;
	[tilespmem:$0x1E800] =	vst v63  }
0xfc: {  	s20 =	sadd.s32 s17, s21  }
0xfd: {  	[tilespmem:s26], [sflag:$0x1] =	stream.linear.gather [hbm4b:s20+s3], $0x100, $0x38;
	[tilespmem:$0x1E800] =	vst v63  }
0xfe: {  	_ =	swait.ge [sflag:s9], $0x2800  }
0xff: {  	[sflag:s9] =	ssyncset.done $0x0  }
0x100: {  	[sflag:s9] =	ssyncadd.s32 $0xFFFFD800  }
0x101: {  	[spmem:s2] =	stream.indirect.scatter.add.f32 [tilespmem:s11], [sflag:$0x3], $0x80, s28, s7, $0xb8;
	[tilespmem:$0x1E800] =	vst v63  }
0x102: {  	_ =	swait.ge [sflag:s5], $0x2800  }
0x103: {  	[sflag:s5] =	ssyncset.done $0x0  }
0x104: {  	[sflag:s5] =	ssyncadd.s32 $0xFFFFD800  }
0x105: {  	_ =	swait.ge [sflag:s6], $0x100  }
0x106: {  	[sflag:s6] =	ssyncset.done $0x0  }
0x107: {  	s21 =	rddreg [dreg:$0x6];
	[sflag:s6] =	ssyncadd.s32 $0xFFFFFF00  }
0x108: {  	[tilespmem:s3], [sflag:$0x2] =	stream.indirect.gather [hbm4b:s13+s7], $0x80, s12, s7, $0xb8;
	[tilespmem:$0x1E800] =	vst v63  }
0x109: {  	s20 =	sadd.s32 s17, s21  }
0x10a: {  	[tilespmem:s29], [sflag:$0x1] =	stream.linear.gather [hbm4b:s20+s3], $0x100, $0x38;
	[tilespmem:$0x1E800] =	vst v63  }
0x10b: {  	_ =	swait.ge [sflag:s9], $0x2800  }
0x10c: {  	[sflag:s9] =	ssyncset.done $0x0  }
0x10d: {  	[sflag:s9] =	ssyncadd.s32 $0xFFFFD800  }
0x10e: {  	[spmem:s2] =	stream.indirect.scatter.add.f32 [tilespmem:s24], [sflag:$0x3], $0x80, s22, s7, $0xb8;
	[tilespmem:$0x1E800] =	vst v63  }
0x10f: {  	_ =	swait.ge [sflag:s5], $0x2800  }
0x110: {  	[sflag:s5] =	ssyncset.done $0x0  }
0x111: {  	[sflag:s5] =	ssyncadd.s32 $0xFFFFD800  }
0x112: {  	_ =	swait.ge [sflag:s6], $0x100  }
0x113: {  	[sflag:s6] =	ssyncset.done $0x0  }
0x114: {  	s21 =	rddreg [dreg:$0x9];
	[sflag:s6] =	ssyncadd.s32 $0xFFFFFF00  }
0x115: {  	[tilespmem:s8], [sflag:$0x2] =	stream.indirect.gather [hbm4b:s13+s7], $0x80, s26, s7, $0xb8;
	[tilespmem:$0x1E800] =	vst v63  }
0x116: {  	s20 =	sadd.s32 s17, s21  }
0x117: {  	[tilespmem:s14], [sflag:$0x1] =	stream.linear.gather [hbm4b:s20+s3], $0x100, $0x38;
	[tilespmem:$0x1E800] =	vst v63  }
0x118: {  	_ =	swait.ge [sflag:s9], $0x2800  }
0x119: {  	[sflag:s9] =	ssyncset.done $0x0  }
0x11a: {  	[sflag:s9] =	ssyncadd.s32 $0xFFFFD800  }
0x11b: {  	[spmem:s2] =	stream.indirect.scatter.add.f32 [tilespmem:s3], [sflag:$0x3], $0x80, s15, s7, $0xb8;
	[tilespmem:$0x1E800] =	vst v63  }
0x11c: {  	_ =	swait.ge [sflag:s5], $0x2800  }
0x11d: {  	[sflag:s5] =	ssyncset.done $0x0  }
0x11e: {  	[sflag:s5] =	ssyncadd.s32 $0xFFFFD800  }
0x11f: {  	_ =	swait.ge [sflag:s6], $0x100  }
0x120: {  	s25 =	sadd.s32 $0x800, s25;
	[sflag:s6] =	ssyncset.done $0x0  }
0x121: {  	s21 =	sshrl.u32 s25, $0x3;
	[sflag:s6] =	ssyncadd.s32 $0xFFFFFF00  }
0x122: {  	[tilespmem:s11], [sflag:$0x2] =	stream.indirect.gather [hbm4b:s13+s7], $0x80, s29, s7, $0xb8;
	[tilespmem:$0x1E800] =	vst v63  }
0x123: {  	s20 =	sadd.s32 s4, s21  }
0x124: {  	[tilespmem:s30], [sflag:$0x1] =	stream.linear.gather [hbm4b:s20+s3], $0x100, $0x38;
	[tilespmem:$0x1E800] =	vst v63  }
0x125: {  	_ =	swait.ge [sflag:s9], $0x2800  }
0x126: {  	[sflag:s9] =	ssyncset.done $0x0  }
0x127: {  	s21 =	rddreg [dreg:$0xa];
	[sflag:s9] =	ssyncadd.s32 $0xFFFFD800  }
0x128: {  	[spmem:s2] =	stream.indirect.scatter.add.f32 [tilespmem:s8], [sflag:$0x3], $0x80, s21, s7, $0xb8;
	[tilespmem:$0x1E800] =	vst v63  }
0x129: {  	_ =	swait.ge [sflag:s5], $0x2800  }
0x12a: {  	[sflag:s5] =	ssyncset.done $0x0  }
0x12b: {  	[sflag:s5] =	ssyncadd.s32 $0xFFFFD800  }
0x12c: {  	_ =	swait.ge [sflag:s6], $0x100  }
0x12d: {  	[sflag:s6] =	ssyncset.done $0x0  }
0x12e: {  	s21 =	rddreg [dreg:$0x3];
	[sflag:s6] =	ssyncadd.s32 $0xFFFFFF00  }
0x12f: {  	[tilespmem:s24], [sflag:$0x2] =	stream.indirect.gather [hbm4b:s13+s7], $0x80, s14, s7, $0xb8;
	[tilespmem:$0x1E800] =	vst v63  }
0x130: {  	s20 =	sadd.s32 s17, s21  }
0x131: {  	[tilespmem:s31], [sflag:$0x1] =	stream.linear.gather [hbm4b:s20+s3], $0x100, $0x38;
	[tilespmem:$0x1E800] =	vst v63  }
0x132: {  	_ =	swait.ge [sflag:s9], $0x2800  }
0x133: {  	[sflag:s9] =	ssyncset.done $0x0  }
0x134: {  	s21 =	rddreg [dreg:$0xb];
	[sflag:s9] =	ssyncadd.s32 $0xFFFFD800  }
0x135: {  	[spmem:s2] =	stream.indirect.scatter.add.f32 [tilespmem:s11], [sflag:$0x3], $0x80, s21, s7, $0xb8;
	[tilespmem:$0x1E800] =	vst v63  }
0x136: {  	_ =	swait.ge [sflag:s5], $0x2800  }
0x137: {  	[sflag:s5] =	ssyncset.done $0x0  }
0x138: {  	[sflag:s5] =	ssyncadd.s32 $0xFFFFD800  }
0x139: {  	_ =	swait.ge [sflag:s6], $0x100  }
0x13a: {  	[sflag:s6] =	ssyncset.done $0x0  }
0x13b: {  	s21 =	rddreg [dreg:$0x4];
	[sflag:s6] =	ssyncadd.s32 $0xFFFFFF00  }
0x13c: {  	[tilespmem:s3], [sflag:$0x2] =	stream.indirect.gather [hbm4b:s13+s7], $0x80, s30, s7, $0xb8;
	[tilespmem:$0x1E800] =	vst v63  }
0x13d: {  	s20 =	sadd.s32 s17, s21  }
0x13e: {  	[tilespmem:s0], [sflag:$0x1] =	stream.linear.gather [hbm4b:s20+s3], $0x100, $0x38;
	[tilespmem:$0x1E800] =	vst v63  }
0x13f: {  	_ =	swait.ge [sflag:s9], $0x2800  }
0x140: {  	[sflag:s9] =	ssyncset.done $0x0  }
0x141: {  	s21 =	rddreg [dreg:$0xc];
	[sflag:s9] =	ssyncadd.s32 $0xFFFFD800  }
0x142: {  	[spmem:s2] =	stream.indirect.scatter.add.f32 [tilespmem:s24], [sflag:$0x3], $0x80, s21, s7, $0xb8;
	[tilespmem:$0x1E800] =	vst v63  }
0x143: {  	s18 =	sadd.s32 $0x100, s18;
	_ =	swait.ge [sflag:s5], $0x2800  }
0x144: {  	p0 =	sne.s32 s18, $0xF00;
	[sflag:s5] =	ssyncset.done $0x0  }
.Ltmp1:
0x145: {  	[sflag:s5] =	ssyncadd.s32 $0xFFFFD800;
	(pc) =	sbr.rel @p0 .LBB2_4-.Ltmp1, $4  }
0x146: {  	_ =	swait.ge [sflag:s6], $0x100  }
0x147: {  	[sflag:s6] =	ssyncset.done $0x0  }
0x148: {  	s20 =	rddreg [dreg:$0x5];
	[sflag:s6] =	ssyncadd.s32 $0xFFFFFF00  }
0x149: {  	[tilespmem:s8], [sflag:$0x2] =	stream.indirect.gather [hbm4b:s13+s7], $0x80, s31, s7, $0xb8;
	[tilespmem:$0x1E800] =	vst v63  }
0x14a: {  	s17 =	sadd.s32 s17, s20  }
0x14b: {  	[tilespmem:s1], [sflag:$0x1] =	stream.linear.gather [hbm4b:s17+s3], $0x100, $0x38;
	[tilespmem:$0x1E800] =	vst v63  }
0x14c: {  	_ =	swait.ge [sflag:s9], $0x2800  }
0x14d: {  	[sflag:s9] =	ssyncset.done $0x0  }
0x14e: {  	[sflag:s9] =	ssyncadd.s32 $0xFFFFD800  }
0x14f: {  	[spmem:s2] =	stream.indirect.scatter.add.f32 [tilespmem:s3], [sflag:$0x3], $0x80, s10, s7, $0xb8;
	[tilespmem:$0x1E800] =	vst v63  }
0x150: {  	_ =	swait.ge [sflag:s5], $0x2800  }
0x151: {  	[sflag:s5] =	ssyncset.done $0x0  }
0x152: {  	[sflag:s5] =	ssyncadd.s32 $0xFFFFD800  }
0x153: {  	_ =	swait.ge [sflag:s6], $0x100  }
0x154: {  	[sflag:s6] =	ssyncset.done $0x0  }
0x155: {  	s25 =	sld [smem:$0x7FD];
	[sflag:s6] =	ssyncadd.s32 $0xFFFFFF00  }
0x156: {  	[tilespmem:s11], [sflag:$0x2] =	stream.indirect.gather [hbm4b:s13+s7], $0x80, s0, s7, $0xb8;
	[tilespmem:$0x1E800] =	vst v63  }
0x157: {  	_ = 	snop  }
0x158: {  	[tilespmem:s12], [sflag:$0x1] =	stream.linear.gather [hbm4b:s25+s3], $0x100, $0x38;
	[tilespmem:$0x1E800] =	vst v63  }
0x159: {  	_ =	swait.ge [sflag:s9], $0x2800  }
0x15a: {  	[sflag:s9] =	ssyncset.done $0x0  }
0x15b: {  	[sflag:s9] =	ssyncadd.s32 $0xFFFFD800  }
0x15c: {  	[spmem:s2] =	stream.indirect.scatter.add.f32 [tilespmem:s8], [sflag:$0x3], $0x80, s23, s7, $0xb8;
	[tilespmem:$0x1E800] =	vst v63  }
0x15d: {  	_ =	swait.ge [sflag:s5], $0x2800  }
0x15e: {  	[sflag:s5] =	ssyncset.done $0x0  }
0x15f: {  	[sflag:s5] =	ssyncadd.s32 $0xFFFFD800  }
0x160: {  	_ =	swait.ge [sflag:s6], $0x100  }
0x161: {  	[sflag:s6] =	ssyncset.done $0x0  }
0x162: {  	[sflag:s6] =	ssyncadd.s32 $0xFFFFFF00  }
0x163: {  	[tilespmem:s24], [sflag:$0x2] =	stream.indirect.gather [hbm4b:s13+s7], $0x80, s1, s7, $0xb8;
	[tilespmem:$0x1E800] =	vst v63  }
0x164: {  	_ =	swait.ge [sflag:s9], $0x2800  }
0x165: {  	[sflag:s9] =	ssyncset.done $0x0  }
0x166: {  	[sflag:s9] =	ssyncadd.s32 $0xFFFFD800  }
0x167: {  	[spmem:s2] =	stream.indirect.scatter.add.f32 [tilespmem:s11], [sflag:$0x3], $0x80, s28, s7, $0xb8;
	[tilespmem:$0x1E800] =	vst v63  }
0x168: {  	_ =	swait.ge [sflag:s5], $0x2800  }
0x169: {  	[sflag:s5] =	ssyncset.done $0x0  }
0x16a: {  	[sflag:s5] =	ssyncadd.s32 $0xFFFFD800  }
0x16b: {  	_ =	swait.ge [sflag:s6], $0x100  }
0x16c: {  	[sflag:s6] =	ssyncset.done $0x0  }
0x16d: {  	[sflag:s6] =	ssyncadd.s32 $0xFFFFFF00  }
0x16e: {  	[tilespmem:s3], [sflag:$0x2] =	stream.indirect.gather [hbm4b:s13+s7], $0x80, s12, s7, $0xb8;
	[tilespmem:$0x1E800] =	vst v63  }
0x16f: {  	_ =	swait.ge [sflag:s9], $0x2800  }
0x170: {  	[sflag:s9] =	ssyncset.done $0x0  }
0x171: {  	[sflag:s9] =	ssyncadd.s32 $0xFFFFD800  }
0x172: {  	[spmem:s2] =	stream.indirect.scatter.add.f32 [tilespmem:s24], [sflag:$0x3], $0x80, s22, s7, $0xb8;
	[tilespmem:$0x1E800] =	vst v63  }
0x173: {  	_ =	swait.ge [sflag:s5], $0x2800  }
0x174: {  	[sflag:s5] =	ssyncset.done $0x0  }
0x175: {  	[sflag:s5] =	ssyncadd.s32 $0xFFFFD800  }
0x176: {  	_ =	swait.ge [sflag:s9], $0x2800  }
0x177: {  	[sflag:s9] =	ssyncset.done $0x0  }
0x178: {  	[sflag:s9] =	ssyncadd.s32 $0xFFFFD800  }
0x179: {  	[spmem:s2] =	stream.indirect.scatter.add.f32 [tilespmem:s3], [sflag:$0x3], $0x80, s15, s7, $0xb8;
	[tilespmem:$0x1E800] =	vst v63  }
0x17a: {  	_ =	swait.ge [sflag:s5], $0x2800  }
0x17b: {  	[sflag:s5] =	ssyncset.done $0x0  }
0x17c: {  	[sflag:s5] =	ssyncadd.s32 $0xFFFFD800  }
0x17d: {  	_ =	swait.ge [sflag:s5], $0x2800  }
0x17e: {  	[sflag:s5] =	ssyncset.done $0x0  }
0x17f: {  	[sflag:s5] =	ssyncadd.s32 $0xFFFFD800  }
0x180: {  	_ =	swait.ge [sflag:s5], $0x2800  }
0x181: {  	[sflag:s5] =	ssyncset.done $0x0  }
0x182: {  	[sflag:s5] =	ssyncadd.s32 $0xFFFFD800  }
0x183: {  	[bflag:$0x0] =	sbarrier.arrive $0xFFFF  }
0x184: {  	[tilespmem:s3], [sflag:$0x2] =	stream.linear.gather [spmem:s19], $0x2800, $0x38;
	[tilespmem:$0x1E800] =	vst v63  }
0x185: {  	_ =	swait.ge [sflag:s9], $0x2800  }
0x186: {  	[sflag:s9] =	ssyncset.done $0x0  }
0x187: {  	s21 =	rddreg [dreg:$0x15];
	[sflag:s9] =	ssyncadd.s32 $0xFFFFD800  }
0x188: {  	[tilespmem:s8], [sflag:$0x2] =	stream.linear.gather [spmem:s21], $0x2800, $0x38;
	[tilespmem:$0x1E800] =	vst v63  }
0x189: {  	s18 =	rddreg [dreg:$0xd]  }
0x18a: {  	[hbm4b:s18+s3] =	stream.linear.scatter [tilespmem:s3], [sflag:$0x3], $0x2800, $0x38;
	[tilespmem:$0x1E800] =	vst v63  }
0x18b: {  	_ =	swait.ge [sflag:s9], $0x2800  }
0x18c: {  	[sflag:s9] =	ssyncset.done $0x0  }
0x18d: {  	s25 =	rddreg [dreg:$0x16];
	[sflag:s9] =	ssyncadd.s32 $0xFFFFD800  }
0x18e: {  	[tilespmem:s3], [sflag:$0x2] =	stream.linear.gather [spmem:s25], $0x2800, $0x38;
	[tilespmem:$0x1E800] =	vst v63  }
0x18f: {  	s20 =	smov.u32 s19;
	s19 =	rddreg [dreg:$0xe]  }
0x190: {  	[hbm4b:s19+s3] =	stream.linear.scatter [tilespmem:s8], [sflag:$0x3], $0x2800, $0x38;
	[tilespmem:$0x1E800] =	vst v63  }
0x191: {  	_ =	swait.ge [sflag:s5], $0x2800  }
0x192: {  	[sflag:s5] =	ssyncset.done $0x0  }
0x193: {  	[sflag:s5] =	ssyncadd.s32 $0xFFFFD800  }
0x194: {  	_ =	swait.ge [sflag:s9], $0x2800  }
0x195: {  	[sflag:s9] =	ssyncset.done $0x0  }
0x196: {  	s18 =	rddreg [dreg:$0x17];
	[sflag:s9] =	ssyncadd.s32 $0xFFFFD800  }
0x197: {  	[tilespmem:s8], [sflag:$0x2] =	stream.linear.gather [spmem:s18], $0x2800, $0x38;
	[tilespmem:$0x1E800] =	vst v63  }
0x198: {  	s19 =	rddreg [dreg:$0xf]  }
0x199: {  	[hbm4b:s19+s3] =	stream.linear.scatter [tilespmem:s3], [sflag:$0x3], $0x2800, $0x38;
	[tilespmem:$0x1E800] =	vst v63  }
0x19a: {  	_ =	swait.ge [sflag:s5], $0x2800  }
0x19b: {  	[sflag:s5] =	ssyncset.done $0x0  }
0x19c: {  	[sflag:s5] =	ssyncadd.s32 $0xFFFFD800  }
0x19d: {  	_ =	swait.ge [sflag:s9], $0x2800  }
0x19e: {  	[sflag:s9] =	ssyncset.done $0x0  }
0x19f: {  	s18 =	rddreg [dreg:$0x18];
	[sflag:s9] =	ssyncadd.s32 $0xFFFFD800  }
0x1a0: {  	[tilespmem:s3], [sflag:$0x2] =	stream.linear.gather [spmem:s18], $0x2800, $0x38;
	[tilespmem:$0x1E800] =	vst v63  }
0x1a1: {  	s19 =	rddreg [dreg:$0x10]  }
0x1a2: {  	[hbm4b:s19+s3] =	stream.linear.scatter [tilespmem:s8], [sflag:$0x3], $0x2800, $0x38;
	[tilespmem:$0x1E800] =	vst v63  }
0x1a3: {  	_ =	swait.ge [sflag:s5], $0x2800  }
0x1a4: {  	[sflag:s5] =	ssyncset.done $0x0  }
0x1a5: {  	[sflag:s5] =	ssyncadd.s32 $0xFFFFD800  }
0x1a6: {  	_ =	swait.ge [sflag:s9], $0x2800  }
0x1a7: {  	[sflag:s9] =	ssyncset.done $0x0  }
0x1a8: {  	s18 =	rddreg [dreg:$0x19];
	[sflag:s9] =	ssyncadd.s32 $0xFFFFD800  }
0x1a9: {  	[tilespmem:s8], [sflag:$0x2] =	stream.linear.gather [spmem:s18], $0x2800, $0x38;
	[tilespmem:$0x1E800] =	vst v63  }
0x1aa: {  	s19 =	rddreg [dreg:$0x11]  }
0x1ab: {  	[hbm4b:s19+s3] =	stream.linear.scatter [tilespmem:s3], [sflag:$0x3], $0x2800, $0x38;
	[tilespmem:$0x1E800] =	vst v63  }
0x1ac: {  	_ =	swait.ge [sflag:s5], $0x2800  }
0x1ad: {  	[sflag:s5] =	ssyncset.done $0x0  }
0x1ae: {  	[sflag:s5] =	ssyncadd.s32 $0xFFFFD800  }
0x1af: {  	_ =	swait.ge [sflag:s9], $0x2800  }
0x1b0: {  	[sflag:s9] =	ssyncset.done $0x0  }
0x1b1: {  	s18 =	rddreg [dreg:$0x1a];
	[sflag:s9] =	ssyncadd.s32 $0xFFFFD800  }
0x1b2: {  	[tilespmem:s3], [sflag:$0x2] =	stream.linear.gather [spmem:s18], $0x2800, $0x38;
	[tilespmem:$0x1E800] =	vst v63  }
0x1b3: {  	s19 =	rddreg [dreg:$0x12]  }
0x1b4: {  	[hbm4b:s19+s3] =	stream.linear.scatter [tilespmem:s8], [sflag:$0x3], $0x2800, $0x38;
	[tilespmem:$0x1E800] =	vst v63  }
0x1b5: {  	_ =	swait.ge [sflag:s5], $0x2800  }
0x1b6: {  	[sflag:s5] =	ssyncset.done $0x0  }
0x1b7: {  	[sflag:s5] =	ssyncadd.s32 $0xFFFFD800  }
0x1b8: {  	_ =	swait.ge [sflag:s9], $0x2800  }
0x1b9: {  	[sflag:s9] =	ssyncset.done $0x0  }
0x1ba: {  	s18 =	rddreg [dreg:$0x1b];
	[sflag:s9] =	ssyncadd.s32 $0xFFFFD800  }
0x1bb: {  	[tilespmem:s8], [sflag:$0x2] =	stream.linear.gather [spmem:s18], $0x2800, $0x38;
	[tilespmem:$0x1E800] =	vst v63  }
0x1bc: {  	s19 =	rddreg [dreg:$0x13]  }
0x1bd: {  	[hbm4b:s19+s3] =	stream.linear.scatter [tilespmem:s3], [sflag:$0x3], $0x2800, $0x38;
	[tilespmem:$0x1E800] =	vst v63  }
0x1be: {  	_ =	swait.ge [sflag:s5], $0x2800  }
0x1bf: {  	[sflag:s5] =	ssyncset.done $0x0  }
0x1c0: {  	[sflag:s5] =	ssyncadd.s32 $0xFFFFD800  }
0x1c1: {  	_ =	swait.ge [sflag:s9], $0x2800  }
0x1c2: {  	[sflag:s9] =	ssyncset.done $0x0  }
0x1c3: {  	s18 =	rddreg [dreg:$0x14];
	[sflag:s9] =	ssyncadd.s32 $0xFFFFD800  }
0x1c4: {  	[hbm4b:s18+s3] =	stream.linear.scatter [tilespmem:s8], [sflag:$0x3], $0x2800, $0x38;
	[tilespmem:$0x1E800] =	vst v63  }
0x1c5: {  	_ =	swait.ge [sflag:s5], $0x2800  }
0x1c6: {  	[sflag:s5] =	ssyncset.done $0x0  }
0x1c7: {  	[sflag:s5] =	ssyncadd.s32 $0xFFFFD800  }
0x1c8: {  	_ =	swait.ge [sflag:s5], $0x2800  }
0x1c9: {  	s16 =	sadd.s32 $0x1, s16;
	s19 =	rddreg [dreg:$0x1e]  }
0x1ca: {  	p0 =	sne.s32 s16, s19  }
.Ltmp2:
0x1cb: {  	_ = 	snop;
	(pc) =	sbr.rel @p0 .LBB2_1-.Ltmp2, $3  }
0x1cc: {  	_ =	sdelay $0x1  }
0x1cd: {  	[sflag:s5] =	ssyncset.done $0x0  }
0x1ce: {  	[sflag:s5] =	ssyncadd.s32 $0xFFFFD800  }
0x1cf: {  	_ =	sfence.sel $0x180000  }
0x1d0: {  	[bflag:$0x0] =	sbarrier.arrive $0xFFFF  }
0x1d1: {  	_ =	strace $0x9000004A  }
0x1d2: {  	s0 =	stileid.u32;
	[bflag:$0x2] =	sbarrier.arrive $0xFFFF  }
0x1d3: {  	p0 =	sne.s32 s0, $0x0;
	s0 =	rddreg [dreg:$0x2]  }
0x1d4: {  	s0 =	sadd.s32 @!p0 $0x100000, s0  }
0x1d5: {  	[sflag:s0] =	ssyncadd.tile.s32 @!p0 $0x1;
	_ =	shalt  }
.Lfunc_end2:
_tile_overlayer_lowered:
.L_overlay_start_2:
0x1d6: {  	(tag) =	ssettag $0x2  }
0x1d7: {  	s0 =	rddreg [dreg:$0x0];
	s2 =	stileid.u32  }
0x1d8: {  	s1 =	rddreg [dreg:$0x1];
	p0 =	sne.s32 s2, $0x0  }
0x1d9: {  	s3 =	rddreg [dreg:$0x2];
	[bflag:$0x3] =	sbarrier.arrive $0xFFFF;
	s2 =	simm.s32 @!p0 $0x1C04  }
0x1da: {  	[timem:s3], [sflag:s2] =	dma.local @!p0 [hbm:s0], s1  }
0x1db: {  	s0 =	simm.s32 @!p0 $0x4  }
0x1dc: {  	_ =	swait.ge @!p0 [sflag:s0], s1  }
0x1dd: {  	s1 =	ssub.s32 @!p0 $0x0, s1;
	[sflag:s0] =	ssyncset.done @!p0 $0x0  }
0x1de: {  	[sflag:s0] =	ssyncadd.s32 @!p0 s1  }
0x1df: {  	[bflag:$0x3] =	sbarrier.arrive $0xFFFF  }
0x1e0: {  	_ =	shalt  }

// kernel: kernel.14.cloned.1.call-start
scs
__scs_entry_jumppad:
0x0: {  	(pc) =	sbr.rel $0x88, $3  }
0x1: {  	(tag) =	ssettag $0x0;
	lr =	simm.s32 $0x1  }
0x2: {  	[smem:$0x3F93] =	sst lr;
	_ =	strace $0xD0000000  }
0x3: {  	_ = 	snop  }
0x4: {  	_ = 	snop  }
0x5: {  	_ = 	snop  }
0x6: {  	_ = 	snop  }
0x7: {  	_ = 	snop  }
__scs_overlays_trampoline_lowered:
0x8: {  	[smem:$0x3FA2] =	sst s0  }
0x9: {  	[smem:$0x3FA3] =	sst s1  }
0xa: {  	[smem:$0x3FA4] =	sst s2  }
0xb: {  	[smem:$0x3FA5] =	sst s3  }
0xc: {  	[smem:$0x3FA6] =	sst s4  }
0xd: {  	[smem:$0x3FA7] =	sst s5  }
0xe: {  	[smem:$0x3FA8] =	sst s6  }
0xf: {  	[smem:$0x3FA9] =	sst s7  }
0x10: {  	[smem:$0x3FAA] =	sst s8  }
0x11: {  	[smem:$0x3FAB] =	sst s9;
	s0 =	simm.s32 @!p0 $0x0  }
0x12: {  	s1 =	sld [smem:$0x3F91];
	s0 =	simm.s32 @p0 $0x1  }
0x13: {  	[smem:$0x3FAC] =	sst s0;
	s0 =	simm.s32 @!p1 $0x0  }
0x14: {  	s2 =	sld [smem:$0x3F90];
	s0 =	simm.s32 @p1 $0x1  }
0x15: {  	[smem:$0x3FAD] =	sst s0;
	s0 =	simm.s32 @!p2 $0x0  }
0x16: {  	s3 =	sld [smem:$0x3FDB];
	s0 =	simm.s32 @p2 $0x1  }
0x17: {  	s4 =	simm.s32 $0x1BF5;
	[smem:$0x3FAF] =	sst s0  }
0x18: {  	s0 =	sld [smem:$0x3F92];
	_ =	swait.ge [sflag:s4], $0x0  }
0x19: {  	s7 =	sld [smem:$0x3F93]  }
0x1a: {  	s8 =	sadd.s32 $0xFFFFE003, lr  }
0x1b: {  	s9 =	sadd.s32 $0xFFFFFEF7, lr;
	s5 =	simm.s32 $0xFFFFFFFF;
	p2 =	slt.u32 s8, $0xFFFFF086  }
0x1c: {  	p1 =	slt.u32 s9, $0xF7A;
	s5 =	simm.s32 @!p2 $0x0  }
0x1d: {  	s5 =	simm.s32 @p1 $0x1;
	p0 =	seq.s32 s7, s2  }
0x1e: {  	s7 =	smul.u32 @!p0 $0xF7A, s2;
	p2 =	seq.s32 @!p0 s5, $0x0  }
0x1f: {  	s9 =	smul.u32 $0xF7A, s1;
	s8 =	simm.s32 @!p0 $0x1BF5;
	p2 =	por !p2, p0  }
0x20: {  	[sflag:s8] =	ssyncset.s32 @!p0 $0xFFFFF086;
	s6 =	sadd.s32 @!p0 s3, s7;
	s7 =	simm.s32 @!p0 $0x108  }
0x21: {  	s3 =	sadd.s32 s3, s9;
	s6 =	sadd.s32 @!p0 $0x88, s6;
	s7 =	simm.s32 @p2 $0x1082  }
0x22: {  	[simem:s7], [sflag:s8] =	dma.local @!p0 [hbm:s6], $0xF7A  }
0x23: {  	s9 =	sor.u32 $0xD0000000, s2;
	s6 =	simm.s32 $0x108;
	_ =	swait.ge @!p0 [sflag:s8], $0x0  }
0x24: {  	s3 =	sadd.s32 $0x88, s3;
	s6 =	simm.s32 @!p1 $0x1082;
	[sflag:s4] =	ssyncset.s32 $0xFFFFF086  }
0x25: {  	[simem:s6], [sflag:s4] =	dma.local [hbm:s3], $0xF7A  }
0x26: {  	[smem:$0x3F93] =	sst s1;
	(tag) =	ssettag s2;
	_ =	strace s9  }
0x27: {  	s1 =	sld [smem:$0x3FA3]  }
0x28: {  	s2 =	sld [smem:$0x3FA4]  }
0x29: {  	s4 =	sld [smem:$0x3FA6]  }
0x2a: {  	p0 =	seq.s32 s5, $0x0;
	s5 =	sld [smem:$0x3FA7]  }
0x2b: {  	s6 =	sld [smem:$0x3FA8]  }
0x2c: {  	s7 =	sld [smem:$0x3FA9]  }
0x2d: {  	s3 =	simm.s32 $0x108;
	s8 =	sld [smem:$0x3FAA]  }
0x2e: {  	s3 =	simm.s32 @!p0 $0x1082;
	s9 =	sld [smem:$0x3FAB]  }
0x2f: {  	lr =	sadd.s32 s0, s3;
	s0 =	sld [smem:$0x3FA2]  }
0x30: {  	s3 =	sld [smem:$0x3FA5]  }
0x31: {  	[smem:$0x3FAE] =	sst s10  }
0x32: {  	s10 =	sld [smem:$0x3FAC];
	_ =	sdelay $0x3  }
0x33: {  	p0 =	seq.s32 s10, $0x1;
	s10 =	sld [smem:$0x3FAE];
	_ =	sdelay $0x3  }
0x34: {  	[smem:$0x3FAE] =	sst s10  }
0x35: {  	s10 =	sld [smem:$0x3FAD];
	_ =	sdelay $0x3  }
0x36: {  	p1 =	seq.s32 s10, $0x1;
	s10 =	sld [smem:$0x3FAE];
	_ =	sdelay $0x3  }
0x37: {  	[smem:$0x3FAE] =	sst s10  }
0x38: {  	s10 =	sld [smem:$0x3FAF]  }
0x39: {  	_ = 	snop;
	(pc) =	sbr.ind lr, $3  }
0x3a: {  	_ = 	snop  }
0x3b: {  	_ = 	snop  }
0x3c: {  	p2 =	seq.s32 s10, $0x1;
	s10 =	sld [smem:$0x3FAE]  }
0x3d: {  	_ =	shalt  }
0x3e: {  	_ =	shalt  }
0x3f: {  	_ =	shalt  }
0x40: {  	_ =	shalt  }
0x41: {  	_ =	shalt  }
0x42: {  	_ =	shalt  }
0x43: {  	_ =	shalt  }
0x44: {  	_ =	shalt  }
0x45: {  	_ =	shalt  }
0x46: {  	_ =	shalt  }
0x47: {  	_ =	shalt  }
0x48: {  	_ =	shalt  }
0x49: {  	_ =	shalt  }
0x4a: {  	_ =	shalt  }
0x4b: {  	_ =	shalt  }
0x4c: {  	_ =	shalt  }
0x4d: {  	_ =	shalt  }
0x4e: {  	_ =	shalt  }
0x4f: {  	_ =	shalt  }
0x50: {  	_ =	shalt  }
0x51: {  	_ =	shalt  }
0x52: {  	_ =	shalt  }
0x53: {  	_ =	shalt  }
0x54: {  	_ =	shalt  }
0x55: {  	_ =	shalt  }
0x56: {  	_ =	shalt  }
0x57: {  	_ =	shalt  }
0x58: {  	_ =	shalt  }
0x59: {  	_ =	shalt  }
0x5a: {  	_ =	shalt  }
0x5b: {  	_ =	shalt  }
0x5c: {  	_ =	shalt  }
0x5d: {  	_ =	shalt  }
0x5e: {  	_ =	shalt  }
0x5f: {  	_ =	shalt  }
0x60: {  	_ =	shalt  }
0x61: {  	_ =	shalt  }
0x62: {  	_ =	shalt  }
0x63: {  	_ =	shalt  }
0x64: {  	_ =	shalt  }
0x65: {  	_ =	shalt  }
0x66: {  	_ =	shalt  }
0x67: {  	_ =	shalt  }
0x68: {  	_ =	shalt  }
0x69: {  	_ =	shalt  }
0x6a: {  	_ =	shalt  }
0x6b: {  	_ =	shalt  }
0x6c: {  	_ =	shalt  }
0x6d: {  	_ =	shalt  }
0x6e: {  	_ =	shalt  }
0x6f: {  	_ =	shalt  }
0x70: {  	_ =	shalt  }
0x71: {  	_ =	shalt  }
0x72: {  	_ =	shalt  }
0x73: {  	_ =	shalt  }
0x74: {  	_ =	shalt  }
0x75: {  	_ =	shalt  }
0x76: {  	_ =	shalt  }
0x77: {  	_ =	shalt  }
0x78: {  	_ =	shalt  }
0x79: {  	_ =	shalt  }
0x7a: {  	_ =	shalt  }
0x7b: {  	_ =	shalt  }
0x7c: {  	_ =	shalt  }
0x7d: {  	_ =	shalt  }
0x7e: {  	_ =	shalt  }
0x7f: {  	_ =	shalt  }
0x80: {  	_ =	shalt  }
0x81: {  	_ =	shalt  }
0x82: {  	_ =	shalt  }
0x83: {  	_ =	shalt  }
0x84: {  	_ =	shalt  }
0x85: {  	_ =	shalt  }
0x86: {  	_ =	shalt  }
0x87: {  	_ =	shalt  }
.Lfunc_end0:
.L_simem_size_0:
called_computation.2_lowered:
.L_overlay_start_0:
0x88: {  	s2 =	sld [smem:$0x3FD9]  }
0x89: {  	s3 =	sld [smem:$0x3FFE];
	_ =	sdelay $0x1  }
0x8a: {  	s1 =	srdreg.scid  }
0x8b: {  	s0 =	sand.u32 $0x1, s1  }
0x8c: {  	s16 =	sshll.u32 s0, $0xA;
	s2 =	sadd.s32 s3, s2  }
0x8d: {  	s2 =	sadd.s32 s2, s16  }
0x8e: {  	[smem:$0x3FBA] =	sst s2  }
0x8f: {  	_ = 	snop  }
0x90: {  	(tm) =	ssettm $0x1  }
0x91: {  	s17 =	sld [smem:$0x3FFB];
	_ =	sdelay $0x3  }
0x92: {  	_ =	strace s17  }
0x93: {  	s2 =	sld [smem:$0x3FFC];
	_ =	sdelay $0x3  }
0x94: {  	_ =	strace s2  }
0x95: {  	s2 =	sld [smem:$0x3FFD];
	_ =	sdelay $0x3  }
0x96: {  	_ =	strace s2  }
0x97: {  	_ =	strace $0x8FFFFFFF  }
0x98: {  	s18 =	sld [smem:$0x3FDB];
	_ =	sdelay $0x1  }
0x99: {  	s19 =	simm.s32 $_scs_section_size  }
0x9a: {  	s4 =	simm.s32 $_size__tile_overlayer_lowered;
	s5 =	simm.s32 $_tile_overlayer_lowered  }
0x9b: {  	s22 =	simm.s32 $0x1BFF;
	s21 =	sshll.u32 s5, $0x1;
	s2 =	sadd.s32 s19, s18  }
0x9c: {  	s6 =	simm.s32 $0x0;
	s20 =	sshll.u32 s4, $0x1;
	s4 =	sadd.s32 s21, s2  }
0x9d: {  	[timem:s6], [sflag:s22] =	dma.local [hbm:s4], s20  }
0x9e: {  	_ =	swait.ge [sflag:s22], s20  }
0x9f: {  	s3 =	ssub.s32 $0x0, s20;
	[sflag:s22] =	ssyncset.done $0x0  }
0xa0: {  	[sflag:s22] =	ssyncadd.s32 s3;
	_ =	sdelay $0x1  }
0xa1: {  	s23 =	simm.s32 $0x1B8B  }
0xa2: {  	_ =	swait.ge [sflag:s23], $0x1  }
0xa3: {  	[sflag:s23] =	ssyncset.done $0x0  }
0xa4: {  	s25 =	simm.s32 $0x1B8E;
	s24 =	sld [smem:$0x3FFE];
	[sflag:s23] =	ssyncadd.s32 $0xFFFFFFFF  }
0xa5: {  	s26 =	simm.s32 $execute0_lowered;
	[smem:$0x3FD2] =	sst s25  }
0xa6: {  	s4 =	sshll.u32 s26, $0x1;
	_ =	strace $0x8000004C;
	[dreg:$0x1] =	wrdreg $0xFFFFFFFF  }
0xa7: {  	s28 =	simm.s32 $_size_execute0_lowered;
	s2 =	sadd.s32 s2, s4;
	[dreg:$0x0] =	wrdreg $0x0  }
0xa8: {  	s4 =	sshll.u32 s28, $0x1;
	[dreg:$0x2] =	wrdreg s2  }
0xa9: {  	[dreg:$0x3] =	wrdreg s4  }
0xaa: {  	[dreg:$0x4] =	wrdreg $0xC0  }
0xab: {  	_ =	task [dreg:s6], $0x5FFFF  }
0xac: {  	[dreg:$0x1] =	wrdreg $0xFFFFFFFF  }
0xad: {  	[dreg:$0x0] =	wrdreg $0x60  }
0xae: {  	[dreg:$0x2] =	wrdreg s24  }
0xaf: {  	[dreg:$0x3] =	wrdreg $0xA8000  }
0xb0: {  	[dreg:$0x4] =	wrdreg $0x9  }
0xb1: {  	_ =	task.clear_ibuf [dreg:s6], $0x5FFFF;
	_ =	strace $0x9000004C  }
0xb2: {  	s29 =	simm.s32 $0x9;
	_ =	strace $0x8000004E  }
0xb3: {  	_ =	swait.ge [sflag:s29], $0x1  }
0xb4: {  	[sflag:s29] =	ssyncadd.s32 $0xFFFFFFFF  }
0xb5: {  	_ =	strace $0x9000004E  }
0xb6: {  	_ =	sfence  }
0xb7: {  	s30 =	sld [smem:$0x0];
	_ =	sdelay $0x2  }
0xb8: {  	s31 =	sshll.u32 s1, $0xD;
	s1 =	sshrl.u32 s1, $0x2  }
0xb9: {  	s3 =	sand.u32 $0x4000, s31;
	s1 =	sadd.s32 s1, s30  }
0xba: {  	s0 =	sor.u32 s3, s0;
	s1 =	sshll.u32 s1, $0x11  }
0xbb: {  	s0 =	sor.u32 s1, s0  }
0xbc: {  	s0 =	sadd.s32 $0x8F2B, s0  }
0xbd: {  	[sflag:s0] =	ssyncadd.remote.s32 $0x1  }
0xbe: {  	_ =	sfence.sel $0xFFFF  }
0xbf: {  	[dreg:$0x0] =	wrdreg $0xFFFFFFFF;
	(pc) =	sbr.abs _section_cstart, $3  }
0xc0: {  	[dreg:$0x1] =	wrdreg $0xFFFFFFFF  }
0xc1: {  	_ =	task.clear_ibuf [dreg:s6], $0x2FFFF;
	_ =	strace $0x9FFFFFFF  }
0xc2: {  	(tm) =	ssettm $0x7FFFFFFF  }
0xc3: {  	_ =	shalt  }
tec
execute0_lowered:
.L_overlay_start_1:
0x0: {  	(tag) =	ssettag $0x1  }
0x1: {  	s5 =	rddreg [dreg:$0x0]  }
0x2: {  	s2 =	rddreg [dreg:$0x1];
	s0 =	srdreg.scid;
	s3 =	simm.s32 $0x0  }
0x3: {  	s19 =	stileid.u32;
	s30 =	simm.s32 $0xA000;
	s31 =	simm.s32 $0xA100  }
0x4: {  	s28 =	simm.s32 $0xA280;
	s29 =	simm.s32 $0xA600;
	s7 =	sand.u32 $0x1, s0  }
0x5: {  	[smem:$0x7FF] =	sst s3;
	s1 =	smul.u32 $0x14000, s19;
	s4 =	sadd.s32 $0x3A00, s5  }
0x6: {  	s14 =	sadd.s32 $0x4A000, s5;
	s0 =	ssub.s32 $0x2, s7;
	s13 =	smul.u32 $0x140000, s7  }
0x7: {  	s21 =	smul.u32 $0x7D000, s7;
	s7 =	sshll.u32 s7, $0x4;
	s6 =	sshrl.u32 s0, $0x1  }
0x8: {  	s12 =	sor.u32 $0x2800, s1;
	s8 =	sadd.s32 $0x5000, s1;
	s9 =	sadd.s32 $0x7800, s1  }
0x9: {  	s10 =	sadd.s32 $0xA000, s1;
	s11 =	sadd.s32 $0xC800, s1;
	s7 =	sor.u32 s19, s7  }
0xa: {  	s0 =	ssub.s32 s0, s6;
	s25 =	sadd.s32 s1, s13;
	s6 =	sadd.s32 $0xF000, s1  }
0xb: {  	s1 =	sadd.s32 $0x11800, s1;
	s26 =	sadd.s32 s13, s12;
	s16 =	sadd.s32 s13, s8  }
0xc: {  	s17 =	sadd.s32 s13, s9;
	s18 =	sadd.s32 s13, s10;
	s20 =	sadd.s32 s13, s11  }
0xd: {  	s9 =	sadd.s32 s9, s2;
	s10 =	sadd.s32 s10, s2;
	s11 =	sadd.s32 s11, s2  }
0xe: {  	s7 =	smul.u32 $0x7D00, s7;
	s15 =	sshrl.u32 s25, $0x3;
	s16 =	sshrl.u32 s16, $0x3  }
0xf: {  	s17 =	sshrl.u32 s17, $0x3;
	s23 =	sadd.s32 s13, s6;
	s13 =	sadd.s32 s13, s1  }
0x10: {  	s6 =	sadd.s32 s6, s2;
	s1 =	sadd.s32 s1, s2;
	s15 =	sadd.s32 s14, s15  }
0x11: {  	s16 =	sadd.s32 s14, s16;
	s17 =	sadd.s32 s14, s17;
	[dreg:$0xd] =	wrdreg s15  }
0x12: {  	s13 =	sshrl.u32 s13, $0x3;
	s15 =	sshrl.u32 s26, $0x3;
	[dreg:$0xf] =	wrdreg s16  }
0x13: {  	[dreg:$0x10] =	wrdreg s17;
	s16 =	sshrl.u32 s20, $0x3;
	s13 =	sadd.s32 s14, s13  }
0x14: {  	s15 =	sadd.s32 s14, s15;
	s22 =	sadd.s32 s14, s16;
	[dreg:$0x14] =	wrdreg s13  }
0x15: {  	[dreg:$0xe] =	wrdreg s15;
	s15 =	sshrl.u32 s18, $0x3;
	s18 =	smul.u32 $0x7D00, s19  }
0x16: {  	s0 =	smax.u32 s0, $0x1;
	[dreg:$0x12] =	wrdreg s22;
	s15 =	sadd.s32 s14, s15  }
0x17: {  	[dreg:$0x11] =	wrdreg s15;
	s15 =	sshrl.u32 s23, $0x3;
	s16 =	sadd.s32 s18, s21  }
0x18: {  	s23 =	smul.u32 $0x50000, s19;
	s15 =	sadd.s32 s14, s15;
	s24 =	sadd.s32 $0x900, s16  }
0x19: {  	s26 =	sadd.s32 $0xA00, s16;
	s18 =	sadd.s32 $0x600, s16;
	s20 =	sadd.s32 $0x500, s16  }
0x1a: {  	[dreg:$0x13] =	wrdreg s15;
	s25 =	sshrl.u32 s24, $0x3;
	s14 =	sshrl.u32 s26, $0x3  }
0x1b: {  	s15 =	sadd.s32 $0xB00, s16;
	_ =	strace $0x8000004D;
	[dreg:$0x17] =	wrdreg s9  }
0x1c: {  	s22 =	sshrl.u32 s20, $0x3;
	s24 =	sadd.s32 $0x400, s16;
	[dreg:$0x18] =	wrdreg s10  }
0x1d: {  	s26 =	sadd.s32 $0x700, s16;
	s13 =	sadd.s32 s25, s4;
	[dreg:$0x19] =	wrdreg s11  }
0x1e: {  	s14 =	sadd.s32 s14, s4;
	s17 =	sshrl.u32 s15, $0x3;
	[dreg:$0x1a] =	wrdreg s6  }
0x1f: {  	s25 =	sshrl.u32 s23, $0x2;
	s15 =	sshrl.u32 s7, $0x3;
	[dreg:$0x1b] =	wrdreg s1  }
0x20: {  	[dreg:$0x1e] =	wrdreg s0;
	s0 =	simm.s32 $0xA200;
	s1 =	simm.s32 $0xA300  }
0x21: {  	s6 =	simm.s32 $0x1;
	s7 =	simm.s32 $0x50;
	[dreg:$0x3] =	wrdreg s13  }
0x22: {  	s9 =	simm.s32 $0x2;
	[dreg:$0x4] =	wrdreg s14;
	s13 =	sadd.s32 s17, s4  }
0x23: {  	s10 =	simm.s32 $0xA080;
	s17 =	simm.s32 $0xA780;
	[dreg:$0x5] =	wrdreg s13  }
0x24: {  	s14 =	sshrl.u32 s18, $0x3;
	s18 =	sadd.s32 s4, s15;
	[dreg:$0xc] =	wrdreg s17  }
0x25: {  	s20 =	sadd.s32 s25, s2;
	s25 =	sadd.s32 s8, s2;
	[dreg:$0x1c] =	wrdreg s18  }
0x26: {  	s11 =	simm.s32 $0x5000;
	s21 =	sadd.s32 s14, s4;
	[dreg:$0x16] =	wrdreg s25  }
0x27: {  	s8 =	simm.s32 $0x2800;
	s14 =	sadd.s32 s22, s4;
	[dreg:$0x6] =	wrdreg s21  }
0x28: {  	s15 =	simm.s32 $0xA480;
	s19 =	sadd.s32 $0x20, s18;
	[dreg:$0x7] =	wrdreg s14  }
0x29: {  	s13 =	sadd.s32 $0x22E00, s5;
	s22 =	sadd.s32 $0x800, s16;
	[dreg:$0x1d] =	wrdreg s19  }
0x2a: {  	s5 =	sshrl.u32 s24, $0x3;
	s23 =	sadd.s32 $0x40, s18;
	[dreg:$0x1f] =	wrdreg s22  }
0x2b: {  	s24 =	sadd.s32 $0x60, s18;
	s16 =	simm.s32 $0x0;
	[smem:$0x7FB] =	sst s23  }
0x2c: {  	s5 =	sadd.s32 s5, s4;
	s21 =	sadd.s32 s12, s2;
	[smem:$0x7FC] =	sst s24  }
0x2d: {  	s12 =	simm.s32 $0xA580;
	s14 =	simm.s32 $0xA680;
	[dreg:$0x8] =	wrdreg s5  }
0x2e: {  	s23 =	simm.s32 $0xA180;
	s24 =	simm.s32 $0x7800;
	[dreg:$0xa] =	wrdreg s12  }
0x2f: {  	s22 =	simm.s32 $0xA380;
	s5 =	sshrl.u32 s26, $0x3;
	[dreg:$0xb] =	wrdreg s14  }
0x30: {  	s26 =	sadd.s32 $0xF80, s18;
	s12 =	simm.s32 $0xA400;
	[dreg:$0x15] =	wrdreg s21  }
0x31: {  	s14 =	simm.s32 $0xA700;
	s5 =	sadd.s32 s5, s4;
	[smem:$0x7FD] =	sst s26  }
0x32: {  	v0 =	vimm.f32 $0.0e+00;
	s26 =	simm.s32 $0xA500;
	[dreg:$0x9] =	wrdreg s5;
	s5 =	simm.s32 $0x3  }
.LBB2_1:
0x33: {  	s17 =	simm.s32 $0x0;
	s18 =	simm.s32 $0x200  }
.LBB2_2:
0x34: {  	p0 =	sne.s32 s18, $0x9E00;
	[tilespmem:s17+$0x70] =	vst v0  }
0x35: {  	[tilespmem:s17+$0x0] =	vst v0  }
0x36: {  	[tilespmem:s17+$0x10] =	vst v0  }
.Ltmp0:
0x37: {  	[tilespmem:s17+$0x20] =	vst v0;
	(pc) =	sbr.rel @p0 .LBB2_2-.Ltmp0, $4  }
0x38: {  	[tilespmem:s17+$0x30] =	vst v0  }
0x39: {  	[tilespmem:s17+$0x40] =	vst v0  }
0x3a: {  	[tilespmem:s17+$0x50] =	vst v0  }
0x3b: {  	[tilespmem:s17+$0x60] =	vst v0;
	s17 =	sshra.s32 s18, $0x2;
	s18 =	sadd.s32 $0x200, s18  }
0x3c: {  	[tilespmem:s17+$0x70] =	vst v0  }
0x3d: {  	[tilespmem:s17+$0x0] =	vst v0  }
0x3e: {  	[tilespmem:s17+$0x10] =	vst v0  }
0x3f: {  	[tilespmem:s17+$0x20] =	vst v0  }
0x40: {  	[tilespmem:s17+$0x30] =	vst v0  }
0x41: {  	[tilespmem:s17+$0x40] =	vst v0  }
0x42: {  	[tilespmem:s17+$0x50] =	vst v0  }
0x43: {  	[tilespmem:s17+$0x60] =	vst v0;
	s17 =	simm.s32 $0x0  }
0x44: {  	[spmem:s20] =	stream.linear.scatter [tilespmem:s17], [sflag:$0x3], $0x2800, $0x38;
	[tilespmem:$0x1E800] =	vst v63  }
0x45: {  	_ = 	snop  }
0x46: {  	[spmem:s21] =	stream.linear.scatter [tilespmem:s17], [sflag:$0x3], $0x2800, $0x38;
	[tilespmem:$0x1E800] =	vst v63  }
0x47: {  	s18 =	rddreg [dreg:$0x17]  }
0x48: {  	[spmem:s25] =	stream.linear.scatter [tilespmem:s17], [sflag:$0x3], $0x2800, $0x38;
	[tilespmem:$0x1E800] =	vst v63  }
0x49: {  	s19 =	smov.u32 s20;
	s20 =	rddreg [dreg:$0x18]  }
0x4a: {  	[spmem:s18] =	stream.linear.scatter [tilespmem:s17], [sflag:$0x3], $0x2800, $0x38;
	[tilespmem:$0x1E800] =	vst v63  }
0x4b: {  	s21 =	rddreg [dreg:$0x19]  }
0x4c: {  	[spmem:s20] =	stream.linear.scatter [tilespmem:s17], [sflag:$0x3], $0x2800, $0x38;
	[tilespmem:$0x1E800] =	vst v63  }
0x4d: {  	s25 =	rddreg [dreg:$0x1a]  }
0x4e: {  	[spmem:s21] =	stream.linear.scatter [tilespmem:s17], [sflag:$0x3], $0x2800, $0x38;
	[tilespmem:$0x1E800] =	vst v63  }
0x4f: {  	s20 =	rddreg [dreg:$0x1b]  }
0x50: {  	[spmem:s25] =	stream.linear.scatter [tilespmem:s17], [sflag:$0x3], $0x2800, $0x38;
	[tilespmem:$0x1E800] =	vst v63  }
0x51: {  	s21 =	rddreg [dreg:$0x1c]  }
0x52: {  	[spmem:s20] =	stream.linear.scatter [tilespmem:s17], [sflag:$0x3], $0x2800, $0x38;
	[tilespmem:$0x1E800] =	vst v63  }
0x53: {  	s25 =	rddreg [dreg:$0x1d]  }
0x54: {  	[tilespmem:s30], [sflag:$0x1] =	stream.linear.gather [hbm4b:s21+s17], $0x100, $0x38;
	[tilespmem:$0x1E800] =	vst v63  }
0x55: {  	s20 =	sld [smem:$0x7FB]  }
0x56: {  	[tilespmem:s31], [sflag:$0x1] =	stream.linear.gather [hbm4b:s25+s17], $0x100, $0x38;
	[tilespmem:$0x1E800] =	vst v63  }
0x57: {  	s21 =	sld [smem:$0x7FC]  }
0x58: {  	[tilespmem:s0], [sflag:$0x1] =	stream.linear.gather [hbm4b:s20+s17], $0x100, $0x38;
	[tilespmem:$0x1E800] =	vst v63  }
0x59: {  	_ = 	snop  }
0x5a: {  	[tilespmem:s1], [sflag:$0x1] =	stream.linear.gather [hbm4b:s21+s17], $0x100, $0x38;
	[tilespmem:$0x1E800] =	vst v63  }
0x5b: {  	_ =	swait.ge [sflag:s5], $0x2800  }
0x5c: {  	[sflag:s5] =	ssyncset.done $0x0  }
0x5d: {  	[sflag:s5] =	ssyncadd.s32 $0xFFFFD800  }
0x5e: {  	_ =	swait.ge [sflag:s5], $0x2800  }
0x5f: {  	[sflag:s5] =	ssyncset.done $0x0  }
0x60: {  	[sflag:s5] =	ssyncadd.s32 $0xFFFFD800  }
0x61: {  	_ =	swait.ge [sflag:s5], $0x2800  }
0x62: {  	[sflag:s5] =	ssyncset.done $0x0  }
0x63: {  	[sflag:s5] =	ssyncadd.s32 $0xFFFFD800  }
0x64: {  	_ =	swait.ge [sflag:s5], $0x2800  }
0x65: {  	[sflag:s5] =	ssyncset.done $0x0  }
0x66: {  	[sflag:s5] =	ssyncadd.s32 $0xFFFFD800  }
0x67: {  	_ =	swait.ge [sflag:s5], $0x2800  }
0x68: {  	[sflag:s5] =	ssyncset.done $0x0  }
0x69: {  	[sflag:s5] =	ssyncadd.s32 $0xFFFFD800  }
0x6a: {  	_ =	swait.ge [sflag:s5], $0x2800  }
0x6b: {  	[sflag:s5] =	ssyncset.done $0x0  }
0x6c: {  	[sflag:s5] =	ssyncadd.s32 $0xFFFFD800  }
0x6d: {  	_ =	swait.ge [sflag:s5], $0x2800  }
0x6e: {  	[sflag:s5] =	ssyncset.done $0x0  }
0x6f: {  	[sflag:s5] =	ssyncadd.s32 $0xFFFFD800  }
0x70: {  	_ =	swait.ge [sflag:s5], $0x2800  }
0x71: {  	[sflag:s5] =	ssyncset.done $0x0  }
0x72: {  	[sflag:s5] =	ssyncadd.s32 $0xFFFFD800  }
0x73: {  	[bflag:$0x0] =	sbarrier.arrive $0xFFFF  }
0x74: {  	_ =	swait.ge [sflag:s6], $0x100  }
0x75: {  	[sflag:s6] =	ssyncset.done $0x0  }
0x76: {  	[sflag:s6] =	ssyncadd.s32 $0xFFFFFF00  }
0x77: {  	[tilespmem:s17], [sflag:$0x2] =	stream.indirect.gather [hbm4b:s13+s7], $0x80, s30, s7, $0xb8;
	[tilespmem:$0x1E800] =	vst v63  }
0x78: {  	_ =	swait.ge [sflag:s6], $0x100  }
0x79: {  	[sflag:s6] =	ssyncset.done $0x0  }
0x7a: {  	[sflag:s6] =	ssyncadd.s32 $0xFFFFFF00  }
0x7b: {  	[tilespmem:s8], [sflag:$0x2] =	stream.indirect.gather [hbm4b:s13+s7], $0x80, s31, s7, $0xb8;
	[tilespmem:$0x1E800] =	vst v63  }
0x7c: {  	_ =	swait.ge [sflag:s9], $0x2800  }
0x7d: {  	p0 =	por $0x1, $0x1;
	[sflag:s9] =	ssyncset.done $0x0  }
0x7e: {  	s18 =	simm.s32 @!p0 $0x3;
	[sflag:s9] =	ssyncadd.s32 $0xFFFFD800  }
0x7f: {  	[spmem:s2] =	stream.indirect.scatter.add.f32 [tilespmem:s3], [sflag:$0x3], $0x80, s10, s7, $0xb8;
	[tilespmem:$0x1E800] =	vst v63  }
0x80: {  	_ =	swait.ge @!p0 [sflag:s18], $0x2800  }
0x81: {  	[sflag:s18] =	ssyncset.done @!p0 $0x0  }
0x82: {  	[sflag:s18] =	ssyncadd.s32 @!p0 $0xFFFFD800  }
0x83: {  	_ =	swait.ge [sflag:s6], $0x100  }
0x84: {  	[sflag:s6] =	ssyncset.done $0x0  }
0x85: {  	s25 =	rddreg [dreg:$0x8];
	[sflag:s6] =	ssyncadd.s32 $0xFFFFFF00  }
0x86: {  	[tilespmem:s11], [sflag:$0x2] =	stream.indirect.gather [hbm4b:s13+s7], $0x80, s0, s7, $0xb8;
	[tilespmem:$0x1E800] =	vst v63  }
0x87: {  	s20 =	sadd.s32 $0x0, s25  }
0x88: {  	[tilespmem:s12], [sflag:$0x1] =	stream.linear.gather [hbm4b:s20+s3], $0x100, $0x38;
	[tilespmem:$0x1E800] =	vst v63  }
0x89: {  	_ =	swait.ge [sflag:s9], $0x2800  }
0x8a: {  	[sflag:s9] =	ssyncset.done $0x0  }
0x8b: {  	[sflag:s9] =	ssyncadd.s32 $0xFFFFD800  }
0x8c: {  	[spmem:s2] =	stream.indirect.scatter.add.f32 [tilespmem:s8], [sflag:$0x3], $0x80, s23, s7, $0xb8;
	[tilespmem:$0x1E800] =	vst v63  }
0x8d: {  	_ =	swait.ge @!p0 [sflag:s18], $0x2800  }
0x8e: {  	[sflag:s18] =	ssyncset.done @!p0 $0x0  }
0x8f: {  	[sflag:s18] =	ssyncadd.s32 @!p0 $0xFFFFD800  }
0x90: {  	_ =	swait.ge [sflag:s6], $0x100  }
0x91: {  	[sflag:s6] =	ssyncset.done $0x0  }
0x92: {  	s20 =	rddreg [dreg:$0x7];
	[sflag:s6] =	ssyncadd.s32 $0xFFFFFF00  }
0x93: {  	[tilespmem:s24], [sflag:$0x2] =	stream.indirect.gather [hbm4b:s13+s7], $0x80, s1, s7, $0xb8;
	[tilespmem:$0x1E800] =	vst v63  }
0x94: {  	s18 =	sadd.s32 $0x0, s20  }
0x95: {  	[tilespmem:s26], [sflag:$0x1] =	stream.linear.gather [hbm4b:s18+s3], $0x100, $0x38;
	[tilespmem:$0x1E800] =	vst v63  }
0x96: {  	_ =	swait.ge [sflag:s9], $0x2800  }
0x97: {  	[sflag:s9] =	ssyncset.done $0x0  }
0x98: {  	[sflag:s9] =	ssyncadd.s32 $0xFFFFD800  }
0x99: {  	[spmem:s2] =	stream.indirect.scatter.add.f32 [tilespmem:s11], [sflag:$0x3], $0x80, s28, s7, $0xb8;
	[tilespmem:$0x1E800] =	vst v63  }
0x9a: {  	_ =	swait.ge [sflag:s5], $0x2800  }
0x9b: {  	[sflag:s5] =	ssyncset.done $0x0  }
0x9c: {  	[sflag:s5] =	ssyncadd.s32 $0xFFFFD800  }
0x9d: {  	_ =	swait.ge [sflag:s6], $0x100  }
0x9e: {  	[sflag:s6] =	ssyncset.done $0x0  }
0x9f: {  	s21 =	rddreg [dreg:$0x6];
	[sflag:s6] =	ssyncadd.s32 $0xFFFFFF00  }
0xa0: {  	[tilespmem:s3], [sflag:$0x2] =	stream.indirect.gather [hbm4b:s13+s7], $0x80, s12, s7, $0xb8;
	[tilespmem:$0x1E800] =	vst v63  }
0xa1: {  	s18 =	sadd.s32 $0x0, s21  }
0xa2: {  	[tilespmem:s29], [sflag:$0x1] =	stream.linear.gather [hbm4b:s18+s3], $0x100, $0x38;
	[tilespmem:$0x1E800] =	vst v63  }
0xa3: {  	_ =	swait.ge [sflag:s9], $0x2800  }
0xa4: {  	[sflag:s9] =	ssyncset.done $0x0  }
0xa5: {  	[sflag:s9] =	ssyncadd.s32 $0xFFFFD800  }
0xa6: {  	[spmem:s2] =	stream.indirect.scatter.add.f32 [tilespmem:s24], [sflag:$0x3], $0x80, s22, s7, $0xb8;
	[tilespmem:$0x1E800] =	vst v63  }
0xa7: {  	_ =	swait.ge [sflag:s5], $0x2800  }
0xa8: {  	[sflag:s5] =	ssyncset.done $0x0  }
0xa9: {  	[sflag:s5] =	ssyncadd.s32 $0xFFFFD800  }
0xaa: {  	_ =	swait.ge [sflag:s6], $0x100  }
0xab: {  	[sflag:s6] =	ssyncset.done $0x0  }
0xac: {  	s25 =	rddreg [dreg:$0x9];
	[sflag:s6] =	ssyncadd.s32 $0xFFFFFF00  }
0xad: {  	[tilespmem:s8], [sflag:$0x2] =	stream.indirect.gather [hbm4b:s13+s7], $0x80, s26, s7, $0xb8;
	[tilespmem:$0x1E800] =	vst v63  }
0xae: {  	s18 =	sadd.s32 $0x0, s25  }
0xaf: {  	[tilespmem:s14], [sflag:$0x1] =	stream.linear.gather [hbm4b:s18+s3], $0x100, $0x38;
	[tilespmem:$0x1E800] =	vst v63  }
0xb0: {  	_ =	swait.ge [sflag:s9], $0x2800  }
0xb1: {  	[sflag:s9] =	ssyncset.done $0x0  }
0xb2: {  	[sflag:s9] =	ssyncadd.s32 $0xFFFFD800  }
0xb3: {  	[spmem:s2] =	stream.indirect.scatter.add.f32 [tilespmem:s3], [sflag:$0x3], $0x80, s15, s7, $0xb8;
	[tilespmem:$0x1E800] =	vst v63  }
0xb4: {  	_ =	swait.ge [sflag:s5], $0x2800  }
0xb5: {  	[sflag:s5] =	ssyncset.done $0x0  }
0xb6: {  	[sflag:s5] =	ssyncadd.s32 $0xFFFFD800  }
0xb7: {  	_ =	swait.ge [sflag:s6], $0x100  }
0xb8: {  	[sflag:s6] =	ssyncset.done $0x0;
	s25 =	rddreg [dreg:$0x1f]  }
0xb9: {  	[sflag:s6] =	ssyncadd.s32 $0xFFFFFF00;
	s20 =	sshrl.u32 s25, $0x3  }
0xba: {  	[tilespmem:s11], [sflag:$0x2] =	stream.indirect.gather [hbm4b:s13+s7], $0x80, s29, s7, $0xb8;
	[tilespmem:$0x1E800] =	vst v63  }
0xbb: {  	s18 =	sadd.s32 s4, s20  }
0xbc: {  	[tilespmem:s30], [sflag:$0x1] =	stream.linear.gather [hbm4b:s18+s3], $0x100, $0x38;
	[tilespmem:$0x1E800] =	vst v63  }
0xbd: {  	_ =	swait.ge [sflag:s9], $0x2800  }
0xbe: {  	[sflag:s9] =	ssyncset.done $0x0  }
0xbf: {  	s21 =	rddreg [dreg:$0xa];
	[sflag:s9] =	ssyncadd.s32 $0xFFFFD800  }
0xc0: {  	[spmem:s2] =	stream.indirect.scatter.add.f32 [tilespmem:s8], [sflag:$0x3], $0x80, s21, s7, $0xb8;
	[tilespmem:$0x1E800] =	vst v63  }
0xc1: {  	_ =	swait.ge [sflag:s5], $0x2800  }
0xc2: {  	[sflag:s5] =	ssyncset.done $0x0  }
0xc3: {  	[sflag:s5] =	ssyncadd.s32 $0xFFFFD800  }
0xc4: {  	_ =	swait.ge [sflag:s6], $0x100  }
0xc5: {  	[sflag:s6] =	ssyncset.done $0x0  }
0xc6: {  	s20 =	rddreg [dreg:$0x3];
	[sflag:s6] =	ssyncadd.s32 $0xFFFFFF00  }
0xc7: {  	[tilespmem:s24], [sflag:$0x2] =	stream.indirect.gather [hbm4b:s13+s7], $0x80, s14, s7, $0xb8;
	[tilespmem:$0x1E800] =	vst v63  }
0xc8: {  	s18 =	sadd.s32 $0x0, s20  }
0xc9: {  	[tilespmem:s31], [sflag:$0x1] =	stream.linear.gather [hbm4b:s18+s3], $0x100, $0x38;
	[tilespmem:$0x1E800] =	vst v63  }
0xca: {  	_ =	swait.ge [sflag:s9], $0x2800  }
0xcb: {  	[sflag:s9] =	ssyncset.done $0x0  }
0xcc: {  	s21 =	rddreg [dreg:$0xb];
	[sflag:s9] =	ssyncadd.s32 $0xFFFFD800  }
0xcd: {  	[spmem:s2] =	stream.indirect.scatter.add.f32 [tilespmem:s11], [sflag:$0x3], $0x80, s21, s7, $0xb8;
	[tilespmem:$0x1E800] =	vst v63  }
0xce: {  	_ =	swait.ge [sflag:s5], $0x2800  }
0xcf: {  	[sflag:s5] =	ssyncset.done $0x0  }
0xd0: {  	[sflag:s5] =	ssyncadd.s32 $0xFFFFD800  }
0xd1: {  	_ =	swait.ge [sflag:s6], $0x100  }
0xd2: {  	[sflag:s6] =	ssyncset.done $0x0  }
0xd3: {  	s20 =	rddreg [dreg:$0x4];
	[sflag:s6] =	ssyncadd.s32 $0xFFFFFF00  }
0xd4: {  	[tilespmem:s3], [sflag:$0x2] =	stream.indirect.gather [hbm4b:s13+s7], $0x80, s30, s7, $0xb8;
	[tilespmem:$0x1E800] =	vst v63  }
0xd5: {  	s18 =	sadd.s32 $0x0, s20  }
0xd6: {  	[tilespmem:s0], [sflag:$0x1] =	stream.linear.gather [hbm4b:s18+s3], $0x100, $0x38;
	[tilespmem:$0x1E800] =	vst v63  }
0xd7: {  	_ =	swait.ge [sflag:s9], $0x2800  }
0xd8: {  	[sflag:s9] =	ssyncset.done $0x0  }
0xd9: {  	s21 =	rddreg [dreg:$0xc];
	[sflag:s9] =	ssyncadd.s32 $0xFFFFD800  }
0xda: {  	[spmem:s2] =	stream.indirect.scatter.add.f32 [tilespmem:s24], [sflag:$0x3], $0x80, s21, s7, $0xb8;
	[tilespmem:$0x1E800] =	vst v63  }
0xdb: {  	_ =	swait.ge [sflag:s5], $0x2800  }
0xdc: {  	[sflag:s5] =	ssyncset.done $0x0  }
0xdd: {  	[sflag:s5] =	ssyncadd.s32 $0xFFFFD800  }
0xde: {  	_ =	swait.ge [sflag:s6], $0x100  }
0xdf: {  	[sflag:s6] =	ssyncset.done $0x0  }
0xe0: {  	s18 =	simm.s32 $0x100;
	s20 =	rddreg [dreg:$0x5];
	[sflag:s6] =	ssyncadd.s32 $0xFFFFFF00  }
0xe1: {  	[tilespmem:s8], [sflag:$0x2] =	stream.indirect.gather [hbm4b:s13+s7], $0x80, s31, s7, $0xb8;
	[tilespmem:$0x1E800] =	vst v63  }
.LBB2_4:
0xe2: {  	s20 =	sadd.s32 s17, s20  }
0xe3: {  	[tilespmem:s1], [sflag:$0x1] =	stream.linear.gather [hbm4b:s20+s3], $0x100, $0x38;
	[tilespmem:$0x1E800] =	vst v63  }
0xe4: {  	s17 =	smov.u32 s18;
	_ =	swait.ge [sflag:s9], $0x2800  }
0xe5: {  	p1 =	seq.s32 s17, $0x0;
	[sflag:s9] =	ssyncset.done $0x0  }
0xe6: {  	s20 =	simm.s32 @!p1 $0x3;
	[sflag:s9] =	ssyncadd.s32 $0xFFFFD800  }
0xe7: {  	[spmem:s2] =	stream.indirect.scatter.add.f32 [tilespmem:s3], [sflag:$0x3], $0x80, s10, s7, $0xb8;
	[tilespmem:$0x1E800] =	vst v63  }
0xe8: {  	_ =	swait.ge @!p1 [sflag:s20], $0x2800  }
0xe9: {  	[sflag:s20] =	ssyncset.done @!p1 $0x0  }
0xea: {  	[sflag:s20] =	ssyncadd.s32 @!p1 $0xFFFFD800  }
0xeb: {  	_ =	swait.ge [sflag:s6], $0x100  }
0xec: {  	[sflag:s6] =	ssyncset.done $0x0  }
0xed: {  	s21 =	rddreg [dreg:$0x8];
	[sflag:s6] =	ssyncadd.s32 $0xFFFFFF00  }
0xee: {  	[tilespmem:s11], [sflag:$0x2] =	stream.indirect.gather [hbm4b:s13+s7], $0x80, s0, s7, $0xb8;
	[tilespmem:$0x1E800] =	vst v63  }
0xef: {  	s21 =	sadd.s32 s17, s21  }
0xf0: {  	[tilespmem:s12], [sflag:$0x1] =	stream.linear.gather [hbm4b:s21+s3], $0x100, $0x38;
	[tilespmem:$0x1E800] =	vst v63  }
0xf1: {  	_ =	swait.ge [sflag:s9], $0x2800  }
0xf2: {  	[sflag:s9] =	ssyncset.done $0x0  }
0xf3: {  	[sflag:s9] =	ssyncadd.s32 $0xFFFFD800  }
0xf4: {  	[spmem:s2] =	stream.indirect.scatter.add.f32 [tilespmem:s8], [sflag:$0x3], $0x80, s23, s7, $0xb8;
	[tilespmem:$0x1E800] =	vst v63  }
0xf5: {  	_ =	swait.ge @!p1 [sflag:s20], $0x2800  }
0xf6: {  	[sflag:s20] =	ssyncset.done @!p1 $0x0  }
0xf7: {  	[sflag:s20] =	ssyncadd.s32 @!p1 $0xFFFFD800  }
0xf8: {  	_ =	swait.ge [sflag:s6], $0x100  }
0xf9: {  	[sflag:s6] =	ssyncset.done $0x0  }
0xfa: {  	s21 =	rddreg [dreg:$0x7];
	[sflag:s6] =	ssyncadd.s32 $0xFFFFFF00  }
0xfb: {  	[tilespmem:s24], [sflag:$0x2] =	stream.indirect.gather [hbm4b:s13+s7], $0x80, s1, s7, $0xb8;
	[tilespmem:$0x1E800] =	vst v63  }
0xfc: {  	s20 =	sadd.s32 s17, s21  }
0xfd: {  	[tilespmem:s26], [sflag:$0x1] =	stream.linear.gather [hbm4b:s20+s3], $0x100, $0x38;
	[tilespmem:$0x1E800] =	vst v63  }
0xfe: {  	_ =	swait.ge [sflag:s9], $0x2800  }
0xff: {  	[sflag:s9] =	ssyncset.done $0x0  }
0x100: {  	[sflag:s9] =	ssyncadd.s32 $0xFFFFD800  }
0x101: {  	[spmem:s2] =	stream.indirect.scatter.add.f32 [tilespmem:s11], [sflag:$0x3], $0x80, s28, s7, $0xb8;
	[tilespmem:$0x1E800] =	vst v63  }
0x102: {  	_ =	swait.ge [sflag:s5], $0x2800  }
0x103: {  	[sflag:s5] =	ssyncset.done $0x0  }
0x104: {  	[sflag:s5] =	ssyncadd.s32 $0xFFFFD800  }
0x105: {  	_ =	swait.ge [sflag:s6], $0x100  }
0x106: {  	[sflag:s6] =	ssyncset.done $0x0  }
0x107: {  	s21 =	rddreg [dreg:$0x6];
	[sflag:s6] =	ssyncadd.s32 $0xFFFFFF00  }
0x108: {  	[tilespmem:s3], [sflag:$0x2] =	stream.indirect.gather [hbm4b:s13+s7], $0x80, s12, s7, $0xb8;
	[tilespmem:$0x1E800] =	vst v63  }
0x109: {  	s20 =	sadd.s32 s17, s21  }
0x10a: {  	[tilespmem:s29], [sflag:$0x1] =	stream.linear.gather [hbm4b:s20+s3], $0x100, $0x38;
	[tilespmem:$0x1E800] =	vst v63  }
0x10b: {  	_ =	swait.ge [sflag:s9], $0x2800  }
0x10c: {  	[sflag:s9] =	ssyncset.done $0x0  }
0x10d: {  	[sflag:s9] =	ssyncadd.s32 $0xFFFFD800  }
0x10e: {  	[spmem:s2] =	stream.indirect.scatter.add.f32 [tilespmem:s24], [sflag:$0x3], $0x80, s22, s7, $0xb8;
	[tilespmem:$0x1E800] =	vst v63  }
0x10f: {  	_ =	swait.ge [sflag:s5], $0x2800  }
0x110: {  	[sflag:s5] =	ssyncset.done $0x0  }
0x111: {  	[sflag:s5] =	ssyncadd.s32 $0xFFFFD800  }
0x112: {  	_ =	swait.ge [sflag:s6], $0x100  }
0x113: {  	[sflag:s6] =	ssyncset.done $0x0  }
0x114: {  	s21 =	rddreg [dreg:$0x9];
	[sflag:s6] =	ssyncadd.s32 $0xFFFFFF00  }
0x115: {  	[tilespmem:s8], [sflag:$0x2] =	stream.indirect.gather [hbm4b:s13+s7], $0x80, s26, s7, $0xb8;
	[tilespmem:$0x1E800] =	vst v63  }
0x116: {  	s20 =	sadd.s32 s17, s21  }
0x117: {  	[tilespmem:s14], [sflag:$0x1] =	stream.linear.gather [hbm4b:s20+s3], $0x100, $0x38;
	[tilespmem:$0x1E800] =	vst v63  }
0x118: {  	_ =	swait.ge [sflag:s9], $0x2800  }
0x119: {  	[sflag:s9] =	ssyncset.done $0x0  }
0x11a: {  	[sflag:s9] =	ssyncadd.s32 $0xFFFFD800  }
0x11b: {  	[spmem:s2] =	stream.indirect.scatter.add.f32 [tilespmem:s3], [sflag:$0x3], $0x80, s15, s7, $0xb8;
	[tilespmem:$0x1E800] =	vst v63  }
0x11c: {  	_ =	swait.ge [sflag:s5], $0x2800  }
0x11d: {  	[sflag:s5] =	ssyncset.done $0x0  }
0x11e: {  	[sflag:s5] =	ssyncadd.s32 $0xFFFFD800  }
0x11f: {  	_ =	swait.ge [sflag:s6], $0x100  }
0x120: {  	s25 =	sadd.s32 $0x800, s25;
	[sflag:s6] =	ssyncset.done $0x0  }
0x121: {  	s21 =	sshrl.u32 s25, $0x3;
	[sflag:s6] =	ssyncadd.s32 $0xFFFFFF00  }
0x122: {  	[tilespmem:s11], [sflag:$0x2] =	stream.indirect.gather [hbm4b:s13+s7], $0x80, s29, s7, $0xb8;
	[tilespmem:$0x1E800] =	vst v63  }
0x123: {  	s20 =	sadd.s32 s4, s21  }
0x124: {  	[tilespmem:s30], [sflag:$0x1] =	stream.linear.gather [hbm4b:s20+s3], $0x100, $0x38;
	[tilespmem:$0x1E800] =	vst v63  }
0x125: {  	_ =	swait.ge [sflag:s9], $0x2800  }
0x126: {  	[sflag:s9] =	ssyncset.done $0x0  }
0x127: {  	s21 =	rddreg [dreg:$0xa];
	[sflag:s9] =	ssyncadd.s32 $0xFFFFD800  }
0x128: {  	[spmem:s2] =	stream.indirect.scatter.add.f32 [tilespmem:s8], [sflag:$0x3], $0x80, s21, s7, $0xb8;
	[tilespmem:$0x1E800] =	vst v63  }
0x129: {  	_ =	swait.ge [sflag:s5], $0x2800  }
0x12a: {  	[sflag:s5] =	ssyncset.done $0x0  }
0x12b: {  	[sflag:s5] =	ssyncadd.s32 $0xFFFFD800  }
0x12c: {  	_ =	swait.ge [sflag:s6], $0x100  }
0x12d: {  	[sflag:s6] =	ssyncset.done $0x0  }
0x12e: {  	s21 =	rddreg [dreg:$0x3];
	[sflag:s6] =	ssyncadd.s32 $0xFFFFFF00  }
0x12f: {  	[tilespmem:s24], [sflag:$0x2] =	stream.indirect.gather [hbm4b:s13+s7], $0x80, s14, s7, $0xb8;
	[tilespmem:$0x1E800] =	vst v63  }
0x130: {  	s20 =	sadd.s32 s17, s21  }
0x131: {  	[tilespmem:s31], [sflag:$0x1] =	stream.linear.gather [hbm4b:s20+s3], $0x100, $0x38;
	[tilespmem:$0x1E800] =	vst v63  }
0x132: {  	_ =	swait.ge [sflag:s9], $0x2800  }
0x133: {  	[sflag:s9] =	ssyncset.done $0x0  }
0x134: {  	s21 =	rddreg [dreg:$0xb];
	[sflag:s9] =	ssyncadd.s32 $0xFFFFD800  }
0x135: {  	[spmem:s2] =	stream.indirect.scatter.add.f32 [tilespmem:s11], [sflag:$0x3], $0x80, s21, s7, $0xb8;
	[tilespmem:$0x1E800] =	vst v63  }
0x136: {  	_ =	swait.ge [sflag:s5], $0x2800  }
0x137: {  	[sflag:s5] =	ssyncset.done $0x0  }
0x138: {  	[sflag:s5] =	ssyncadd.s32 $0xFFFFD800  }
0x139: {  	_ =	swait.ge [sflag:s6], $0x100  }
0x13a: {  	[sflag:s6] =	ssyncset.done $0x0  }
0x13b: {  	s21 =	rddreg [dreg:$0x4];
	[sflag:s6] =	ssyncadd.s32 $0xFFFFFF00  }
0x13c: {  	[tilespmem:s3], [sflag:$0x2] =	stream.indirect.gather [hbm4b:s13+s7], $0x80, s30, s7, $0xb8;
	[tilespmem:$0x1E800] =	vst v63  }
0x13d: {  	s20 =	sadd.s32 s17, s21  }
0x13e: {  	[tilespmem:s0], [sflag:$0x1] =	stream.linear.gather [hbm4b:s20+s3], $0x100, $0x38;
	[tilespmem:$0x1E800] =	vst v63  }
0x13f: {  	_ =	swait.ge [sflag:s9], $0x2800  }
0x140: {  	[sflag:s9] =	ssyncset.done $0x0  }
0x141: {  	s21 =	rddreg [dreg:$0xc];
	[sflag:s9] =	ssyncadd.s32 $0xFFFFD800  }
0x142: {  	[spmem:s2] =	stream.indirect.scatter.add.f32 [tilespmem:s24], [sflag:$0x3], $0x80, s21, s7, $0xb8;
	[tilespmem:$0x1E800] =	vst v63  }
0x143: {  	s18 =	sadd.s32 $0x100, s18;
	_ =	swait.ge [sflag:s5], $0x2800  }
0x144: {  	p0 =	sne.s32 s18, $0xF00;
	[sflag:s5] =	ssyncset.done $0x0  }
.Ltmp1:
0x145: {  	[sflag:s5] =	ssyncadd.s32 $0xFFFFD800;
	(pc) =	sbr.rel @p0 .LBB2_4-.Ltmp1, $4  }
0x146: {  	_ =	swait.ge [sflag:s6], $0x100  }
0x147: {  	[sflag:s6] =	ssyncset.done $0x0  }
0x148: {  	s20 =	rddreg [dreg:$0x5];
	[sflag:s6] =	ssyncadd.s32 $0xFFFFFF00  }
0x149: {  	[tilespmem:s8], [sflag:$0x2] =	stream.indirect.gather [hbm4b:s13+s7], $0x80, s31, s7, $0xb8;
	[tilespmem:$0x1E800] =	vst v63  }
0x14a: {  	s17 =	sadd.s32 s17, s20  }
0x14b: {  	[tilespmem:s1], [sflag:$0x1] =	stream.linear.gather [hbm4b:s17+s3], $0x100, $0x38;
	[tilespmem:$0x1E800] =	vst v63  }
0x14c: {  	_ =	swait.ge [sflag:s9], $0x2800  }
0x14d: {  	[sflag:s9] =	ssyncset.done $0x0  }
0x14e: {  	[sflag:s9] =	ssyncadd.s32 $0xFFFFD800  }
0x14f: {  	[spmem:s2] =	stream.indirect.scatter.add.f32 [tilespmem:s3], [sflag:$0x3], $0x80, s10, s7, $0xb8;
	[tilespmem:$0x1E800] =	vst v63  }
0x150: {  	_ =	swait.ge [sflag:s5], $0x2800  }
0x151: {  	[sflag:s5] =	ssyncset.done $0x0  }
0x152: {  	[sflag:s5] =	ssyncadd.s32 $0xFFFFD800  }
0x153: {  	_ =	swait.ge [sflag:s6], $0x100  }
0x154: {  	[sflag:s6] =	ssyncset.done $0x0  }
0x155: {  	s25 =	sld [smem:$0x7FD];
	[sflag:s6] =	ssyncadd.s32 $0xFFFFFF00  }
0x156: {  	[tilespmem:s11], [sflag:$0x2] =	stream.indirect.gather [hbm4b:s13+s7], $0x80, s0, s7, $0xb8;
	[tilespmem:$0x1E800] =	vst v63  }
0x157: {  	_ = 	snop  }
0x158: {  	[tilespmem:s12], [sflag:$0x1] =	stream.linear.gather [hbm4b:s25+s3], $0x100, $0x38;
	[tilespmem:$0x1E800] =	vst v63  }
0x159: {  	_ =	swait.ge [sflag:s9], $0x2800  }
0x15a: {  	[sflag:s9] =	ssyncset.done $0x0  }
0x15b: {  	[sflag:s9] =	ssyncadd.s32 $0xFFFFD800  }
0x15c: {  	[spmem:s2] =	stream.indirect.scatter.add.f32 [tilespmem:s8], [sflag:$0x3], $0x80, s23, s7, $0xb8;
	[tilespmem:$0x1E800] =	vst v63  }
0x15d: {  	_ =	swait.ge [sflag:s5], $0x2800  }
0x15e: {  	[sflag:s5] =	ssyncset.done $0x0  }
0x15f: {  	[sflag:s5] =	ssyncadd.s32 $0xFFFFD800  }
0x160: {  	_ =	swait.ge [sflag:s6], $0x100  }
0x161: {  	[sflag:s6] =	ssyncset.done $0x0  }
0x162: {  	[sflag:s6] =	ssyncadd.s32 $0xFFFFFF00  }
0x163: {  	[tilespmem:s24], [sflag:$0x2] =	stream.indirect.gather [hbm4b:s13+s7], $0x80, s1, s7, $0xb8;
	[tilespmem:$0x1E800] =	vst v63  }
0x164: {  	_ =	swait.ge [sflag:s9], $0x2800  }
0x165: {  	[sflag:s9] =	ssyncset.done $0x0  }
0x166: {  	[sflag:s9] =	ssyncadd.s32 $0xFFFFD800  }
0x167: {  	[spmem:s2] =	stream.indirect.scatter.add.f32 [tilespmem:s11], [sflag:$0x3], $0x80, s28, s7, $0xb8;
	[tilespmem:$0x1E800] =	vst v63  }
0x168: {  	_ =	swait.ge [sflag:s5], $0x2800  }
0x169: {  	[sflag:s5] =	ssyncset.done $0x0  }
0x16a: {  	[sflag:s5] =	ssyncadd.s32 $0xFFFFD800  }
0x16b: {  	_ =	swait.ge [sflag:s6], $0x100  }
0x16c: {  	[sflag:s6] =	ssyncset.done $0x0  }
0x16d: {  	[sflag:s6] =	ssyncadd.s32 $0xFFFFFF00  }
0x16e: {  	[tilespmem:s3], [sflag:$0x2] =	stream.indirect.gather [hbm4b:s13+s7], $0x80, s12, s7, $0xb8;
	[tilespmem:$0x1E800] =	vst v63  }
0x16f: {  	_ =	swait.ge [sflag:s9], $0x2800  }
0x170: {  	[sflag:s9] =	ssyncset.done $0x0  }
0x171: {  	[sflag:s9] =	ssyncadd.s32 $0xFFFFD800  }
0x172: {  	[spmem:s2] =	stream.indirect.scatter.add.f32 [tilespmem:s24], [sflag:$0x3], $0x80, s22, s7, $0xb8;
	[tilespmem:$0x1E800] =	vst v63  }
0x173: {  	_ =	swait.ge [sflag:s5], $0x2800  }
0x174: {  	[sflag:s5] =	ssyncset.done $0x0  }
0x175: {  	[sflag:s5] =	ssyncadd.s32 $0xFFFFD800  }
0x176: {  	_ =	swait.ge [sflag:s9], $0x2800  }
0x177: {  	[sflag:s9] =	ssyncset.done $0x0  }
0x178: {  	[sflag:s9] =	ssyncadd.s32 $0xFFFFD800  }
0x179: {  	[spmem:s2] =	stream.indirect.scatter.add.f32 [tilespmem:s3], [sflag:$0x3], $0x80, s15, s7, $0xb8;
	[tilespmem:$0x1E800] =	vst v63  }
0x17a: {  	_ =	swait.ge [sflag:s5], $0x2800  }
0x17b: {  	[sflag:s5] =	ssyncset.done $0x0  }
0x17c: {  	[sflag:s5] =	ssyncadd.s32 $0xFFFFD800  }
0x17d: {  	_ =	swait.ge [sflag:s5], $0x2800  }
0x17e: {  	[sflag:s5] =	ssyncset.done $0x0  }
0x17f: {  	[sflag:s5] =	ssyncadd.s32 $0xFFFFD800  }
0x180: {  	_ =	swait.ge [sflag:s5], $0x2800  }
0x181: {  	[sflag:s5] =	ssyncset.done $0x0  }
0x182: {  	[sflag:s5] =	ssyncadd.s32 $0xFFFFD800  }
0x183: {  	[bflag:$0x0] =	sbarrier.arrive $0xFFFF  }
0x184: {  	[tilespmem:s3], [sflag:$0x2] =	stream.linear.gather [spmem:s19], $0x2800, $0x38;
	[tilespmem:$0x1E800] =	vst v63  }
0x185: {  	_ =	swait.ge [sflag:s9], $0x2800  }
0x186: {  	[sflag:s9] =	ssyncset.done $0x0  }
0x187: {  	s21 =	rddreg [dreg:$0x15];
	[sflag:s9] =	ssyncadd.s32 $0xFFFFD800  }
0x188: {  	[tilespmem:s8], [sflag:$0x2] =	stream.linear.gather [spmem:s21], $0x2800, $0x38;
	[tilespmem:$0x1E800] =	vst v63  }
0x189: {  	s18 =	rddreg [dreg:$0xd]  }
0x18a: {  	[hbm4b:s18+s3] =	stream.linear.scatter [tilespmem:s3], [sflag:$0x3], $0x2800, $0x38;
	[tilespmem:$0x1E800] =	vst v63  }
0x18b: {  	_ =	swait.ge [sflag:s9], $0x2800  }
0x18c: {  	[sflag:s9] =	ssyncset.done $0x0  }
0x18d: {  	s25 =	rddreg [dreg:$0x16];
	[sflag:s9] =	ssyncadd.s32 $0xFFFFD800  }
0x18e: {  	[tilespmem:s3], [sflag:$0x2] =	stream.linear.gather [spmem:s25], $0x2800, $0x38;
	[tilespmem:$0x1E800] =	vst v63  }
0x18f: {  	s20 =	smov.u32 s19;
	s19 =	rddreg [dreg:$0xe]  }
0x190: {  	[hbm4b:s19+s3] =	stream.linear.scatter [tilespmem:s8], [sflag:$0x3], $0x2800, $0x38;
	[tilespmem:$0x1E800] =	vst v63  }
0x191: {  	_ =	swait.ge [sflag:s5], $0x2800  }
0x192: {  	[sflag:s5] =	ssyncset.done $0x0  }
0x193: {  	[sflag:s5] =	ssyncadd.s32 $0xFFFFD800  }
0x194: {  	_ =	swait.ge [sflag:s9], $0x2800  }
0x195: {  	[sflag:s9] =	ssyncset.done $0x0  }
0x196: {  	s18 =	rddreg [dreg:$0x17];
	[sflag:s9] =	ssyncadd.s32 $0xFFFFD800  }
0x197: {  	[tilespmem:s8], [sflag:$0x2] =	stream.linear.gather [spmem:s18], $0x2800, $0x38;
	[tilespmem:$0x1E800] =	vst v63  }
0x198: {  	s19 =	rddreg [dreg:$0xf]  }
0x199: {  	[hbm4b:s19+s3] =	stream.linear.scatter [tilespmem:s3], [sflag:$0x3], $0x2800, $0x38;
	[tilespmem:$0x1E800] =	vst v63  }
0x19a: {  	_ =	swait.ge [sflag:s5], $0x2800  }
0x19b: {  	[sflag:s5] =	ssyncset.done $0x0  }
0x19c: {  	[sflag:s5] =	ssyncadd.s32 $0xFFFFD800  }
0x19d: {  	_ =	swait.ge [sflag:s9], $0x2800  }
0x19e: {  	[sflag:s9] =	ssyncset.done $0x0  }
0x19f: {  	s18 =	rddreg [dreg:$0x18];
	[sflag:s9] =	ssyncadd.s32 $0xFFFFD800  }
0x1a0: {  	[tilespmem:s3], [sflag:$0x2] =	stream.linear.gather [spmem:s18], $0x2800, $0x38;
	[tilespmem:$0x1E800] =	vst v63  }
0x1a1: {  	s19 =	rddreg [dreg:$0x10]  }
0x1a2: {  	[hbm4b:s19+s3] =	stream.linear.scatter [tilespmem:s8], [sflag:$0x3], $0x2800, $0x38;
	[tilespmem:$0x1E800] =	vst v63  }
0x1a3: {  	_ =	swait.ge [sflag:s5], $0x2800  }
0x1a4: {  	[sflag:s5] =	ssyncset.done $0x0  }
0x1a5: {  	[sflag:s5] =	ssyncadd.s32 $0xFFFFD800  }
0x1a6: {  	_ =	swait.ge [sflag:s9], $0x2800  }
0x1a7: {  	[sflag:s9] =	ssyncset.done $0x0  }
0x1a8: {  	s18 =	rddreg [dreg:$0x19];
	[sflag:s9] =	ssyncadd.s32 $0xFFFFD800  }
0x1a9: {  	[tilespmem:s8], [sflag:$0x2] =	stream.linear.gather [spmem:s18], $0x2800, $0x38;
	[tilespmem:$0x1E800] =	vst v63  }
0x1aa: {  	s19 =	rddreg [dreg:$0x11]  }
0x1ab: {  	[hbm4b:s19+s3] =	stream.linear.scatter [tilespmem:s3], [sflag:$0x3], $0x2800, $0x38;
	[tilespmem:$0x1E800] =	vst v63  }
0x1ac: {  	_ =	swait.ge [sflag:s5], $0x2800  }
0x1ad: {  	[sflag:s5] =	ssyncset.done $0x0  }
0x1ae: {  	[sflag:s5] =	ssyncadd.s32 $0xFFFFD800  }
0x1af: {  	_ =	swait.ge [sflag:s9], $0x2800  }
0x1b0: {  	[sflag:s9] =	ssyncset.done $0x0  }
0x1b1: {  	s18 =	rddreg [dreg:$0x1a];
	[sflag:s9] =	ssyncadd.s32 $0xFFFFD800  }
0x1b2: {  	[tilespmem:s3], [sflag:$0x2] =	stream.linear.gather [spmem:s18], $0x2800, $0x38;
	[tilespmem:$0x1E800] =	vst v63  }
0x1b3: {  	s19 =	rddreg [dreg:$0x12]  }
0x1b4: {  	[hbm4b:s19+s3] =	stream.linear.scatter [tilespmem:s8], [sflag:$0x3], $0x2800, $0x38;
	[tilespmem:$0x1E800] =	vst v63  }
0x1b5: {  	_ =	swait.ge [sflag:s5], $0x2800  }
0x1b6: {  	[sflag:s5] =	ssyncset.done $0x0  }
0x1b7: {  	[sflag:s5] =	ssyncadd.s32 $0xFFFFD800  }
0x1b8: {  	_ =	swait.ge [sflag:s9], $0x2800  }
0x1b9: {  	[sflag:s9] =	ssyncset.done $0x0  }
0x1ba: {  	s18 =	rddreg [dreg:$0x1b];
	[sflag:s9] =	ssyncadd.s32 $0xFFFFD800  }
0x1bb: {  	[tilespmem:s8], [sflag:$0x2] =	stream.linear.gather [spmem:s18], $0x2800, $0x38;
	[tilespmem:$0x1E800] =	vst v63  }
0x1bc: {  	s19 =	rddreg [dreg:$0x13]  }
0x1bd: {  	[hbm4b:s19+s3] =	stream.linear.scatter [tilespmem:s3], [sflag:$0x3], $0x2800, $0x38;
	[tilespmem:$0x1E800] =	vst v63  }
0x1be: {  	_ =	swait.ge [sflag:s5], $0x2800  }
0x1bf: {  	[sflag:s5] =	ssyncset.done $0x0  }
0x1c0: {  	[sflag:s5] =	ssyncadd.s32 $0xFFFFD800  }
0x1c1: {  	_ =	swait.ge [sflag:s9], $0x2800  }
0x1c2: {  	[sflag:s9] =	ssyncset.done $0x0  }
0x1c3: {  	s18 =	rddreg [dreg:$0x14];
	[sflag:s9] =	ssyncadd.s32 $0xFFFFD800  }
0x1c4: {  	[hbm4b:s18+s3] =	stream.linear.scatter [tilespmem:s8], [sflag:$0x3], $0x2800, $0x38;
	[tilespmem:$0x1E800] =	vst v63  }
0x1c5: {  	_ =	swait.ge [sflag:s5], $0x2800  }
0x1c6: {  	[sflag:s5] =	ssyncset.done $0x0  }
0x1c7: {  	[sflag:s5] =	ssyncadd.s32 $0xFFFFD800  }
0x1c8: {  	_ =	swait.ge [sflag:s5], $0x2800  }
0x1c9: {  	s16 =	sadd.s32 $0x1, s16;
	s19 =	rddreg [dreg:$0x1e]  }
0x1ca: {  	p0 =	sne.s32 s16, s19  }
.Ltmp2:
0x1cb: {  	_ = 	snop;
	(pc) =	sbr.rel @p0 .LBB2_1-.Ltmp2, $3  }
0x1cc: {  	_ =	sdelay $0x1  }
0x1cd: {  	[sflag:s5] =	ssyncset.done $0x0  }
0x1ce: {  	[sflag:s5] =	ssyncadd.s32 $0xFFFFD800  }
0x1cf: {  	_ =	sfence.sel $0x180000  }
0x1d0: {  	[bflag:$0x0] =	sbarrier.arrive $0xFFFF  }
0x1d1: {  	_ =	strace $0x9000004D  }
0x1d2: {  	s0 =	stileid.u32;
	[bflag:$0x2] =	sbarrier.arrive $0xFFFF  }
0x1d3: {  	p0 =	sne.s32 s0, $0x0;
	s0 =	rddreg [dreg:$0x2]  }
0x1d4: {  	s0 =	sadd.s32 @!p0 $0x100000, s0  }
0x1d5: {  	[sflag:s0] =	ssyncadd.tile.s32 @!p0 $0x1;
	_ =	shalt  }
.Lfunc_end2:
_tile_overlayer_lowered:
.L_overlay_start_2:
0x1d6: {  	(tag) =	ssettag $0x2  }
0x1d7: {  	s0 =	rddreg [dreg:$0x0];
	s2 =	stileid.u32  }
0x1d8: {  	s1 =	rddreg [dreg:$0x1];
	p0 =	sne.s32 s2, $0x0  }
0x1d9: {  	s3 =	rddreg [dreg:$0x2];
	[bflag:$0x3] =	sbarrier.arrive $0xFFFF;
	s2 =	simm.s32 @!p0 $0x1C04  }
0x1da: {  	[timem:s3], [sflag:s2] =	dma.local @!p0 [hbm:s0], s1  }
0x1db: {  	s0 =	simm.s32 @!p0 $0x4  }
0x1dc: {  	_ =	swait.ge @!p0 [sflag:s0], s1  }
0x1dd: {  	s1 =	ssub.s32 @!p0 $0x0, s1;
	[sflag:s0] =	ssyncset.done @!p0 $0x0  }
0x1de: {  	[sflag:s0] =	ssyncadd.s32 @!p0 s1  }
0x1df: {  	[bflag:$0x3] =	sbarrier.arrive $0xFFFF  }
0x1e0: {  	_ =	shalt  }

// kernel: kernel.8.cloned.1.call-start
scs
__scs_entry_jumppad:
0x0: {  	(pc) =	sbr.rel $0x88, $3  }
0x1: {  	(tag) =	ssettag $0x0;
	lr =	simm.s32 $0x1  }
0x2: {  	[smem:$0x3F93] =	sst lr;
	_ =	strace $0xD0000000  }
0x3: {  	_ = 	snop  }
0x4: {  	_ = 	snop  }
0x5: {  	_ = 	snop  }
0x6: {  	_ = 	snop  }
0x7: {  	_ = 	snop  }
__scs_overlays_trampoline_lowered:
0x8: {  	[smem:$0x3FA2] =	sst s0  }
0x9: {  	[smem:$0x3FA3] =	sst s1  }
0xa: {  	[smem:$0x3FA4] =	sst s2  }
0xb: {  	[smem:$0x3FA5] =	sst s3  }
0xc: {  	[smem:$0x3FA6] =	sst s4  }
0xd: {  	[smem:$0x3FA7] =	sst s5  }
0xe: {  	[smem:$0x3FA8] =	sst s6  }
0xf: {  	[smem:$0x3FA9] =	sst s7  }
0x10: {  	[smem:$0x3FAA] =	sst s8  }
0x11: {  	[smem:$0x3FAB] =	sst s9;
	s0 =	simm.s32 @!p0 $0x0  }
0x12: {  	s1 =	sld [smem:$0x3F91];
	s0 =	simm.s32 @p0 $0x1  }
0x13: {  	[smem:$0x3FAC] =	sst s0;
	s0 =	simm.s32 @!p1 $0x0  }
0x14: {  	s2 =	sld [smem:$0x3F90];
	s0 =	simm.s32 @p1 $0x1  }
0x15: {  	[smem:$0x3FAD] =	sst s0;
	s0 =	simm.s32 @!p2 $0x0  }
0x16: {  	s3 =	sld [smem:$0x3FDB];
	s0 =	simm.s32 @p2 $0x1  }
0x17: {  	s4 =	simm.s32 $0x1BF5;
	[smem:$0x3FAF] =	sst s0  }
0x18: {  	s0 =	sld [smem:$0x3F92];
	_ =	swait.ge [sflag:s4], $0x0  }
0x19: {  	s7 =	sld [smem:$0x3F93]  }
0x1a: {  	s8 =	sadd.s32 $0xFFFFE003, lr  }
0x1b: {  	s9 =	sadd.s32 $0xFFFFFEF7, lr;
	s5 =	simm.s32 $0xFFFFFFFF;
	p2 =	slt.u32 s8, $0xFFFFF086  }
0x1c: {  	p1 =	slt.u32 s9, $0xF7A;
	s5 =	simm.s32 @!p2 $0x0  }
0x1d: {  	s5 =	simm.s32 @p1 $0x1;
	p0 =	seq.s32 s7, s2  }
0x1e: {  	s7 =	smul.u32 @!p0 $0xF7A, s2;
	p2 =	seq.s32 @!p0 s5, $0x0  }
0x1f: {  	s9 =	smul.u32 $0xF7A, s1;
	s8 =	simm.s32 @!p0 $0x1BF5;
	p2 =	por !p2, p0  }
0x20: {  	[sflag:s8] =	ssyncset.s32 @!p0 $0xFFFFF086;
	s6 =	sadd.s32 @!p0 s3, s7;
	s7 =	simm.s32 @!p0 $0x108  }
0x21: {  	s3 =	sadd.s32 s3, s9;
	s6 =	sadd.s32 @!p0 $0x88, s6;
	s7 =	simm.s32 @p2 $0x1082  }
0x22: {  	[simem:s7], [sflag:s8] =	dma.local @!p0 [hbm:s6], $0xF7A  }
0x23: {  	s9 =	sor.u32 $0xD0000000, s2;
	s6 =	simm.s32 $0x108;
	_ =	swait.ge @!p0 [sflag:s8], $0x0  }
0x24: {  	s3 =	sadd.s32 $0x88, s3;
	s6 =	simm.s32 @!p1 $0x1082;
	[sflag:s4] =	ssyncset.s32 $0xFFFFF086  }
0x25: {  	[simem:s6], [sflag:s4] =	dma.local [hbm:s3], $0xF7A  }
0x26: {  	[smem:$0x3F93] =	sst s1;
	(tag) =	ssettag s2;
	_ =	strace s9  }
0x27: {  	s1 =	sld [smem:$0x3FA3]  }
0x28: {  	s2 =	sld [smem:$0x3FA4]  }
0x29: {  	s4 =	sld [smem:$0x3FA6]  }
0x2a: {  	p0 =	seq.s32 s5, $0x0;
	s5 =	sld [smem:$0x3FA7]  }
0x2b: {  	s6 =	sld [smem:$0x3FA8]  }
0x2c: {  	s7 =	sld [smem:$0x3FA9]  }
0x2d: {  	s3 =	simm.s32 $0x108;
	s8 =	sld [smem:$0x3FAA]  }
0x2e: {  	s3 =	simm.s32 @!p0 $0x1082;
	s9 =	sld [smem:$0x3FAB]  }
0x2f: {  	lr =	sadd.s32 s0, s3;
	s0 =	sld [smem:$0x3FA2]  }
0x30: {  	s3 =	sld [smem:$0x3FA5]  }
0x31: {  	[smem:$0x3FAE] =	sst s10  }
0x32: {  	s10 =	sld [smem:$0x3FAC];
	_ =	sdelay $0x3  }
0x33: {  	p0 =	seq.s32 s10, $0x1;
	s10 =	sld [smem:$0x3FAE];
	_ =	sdelay $0x3  }
0x34: {  	[smem:$0x3FAE] =	sst s10  }
0x35: {  	s10 =	sld [smem:$0x3FAD];
	_ =	sdelay $0x3  }
0x36: {  	p1 =	seq.s32 s10, $0x1;
	s10 =	sld [smem:$0x3FAE];
	_ =	sdelay $0x3  }
0x37: {  	[smem:$0x3FAE] =	sst s10  }
0x38: {  	s10 =	sld [smem:$0x3FAF]  }
0x39: {  	_ = 	snop;
	(pc) =	sbr.ind lr, $3  }
0x3a: {  	_ = 	snop  }
0x3b: {  	_ = 	snop  }
0x3c: {  	p2 =	seq.s32 s10, $0x1;
	s10 =	sld [smem:$0x3FAE]  }
0x3d: {  	_ =	shalt  }
0x3e: {  	_ =	shalt  }
0x3f: {  	_ =	shalt  }
0x40: {  	_ =	shalt  }
0x41: {  	_ =	shalt  }
0x42: {  	_ =	shalt  }
0x43: {  	_ =	shalt  }
0x44: {  	_ =	shalt  }
0x45: {  	_ =	shalt  }
0x46: {  	_ =	shalt  }
0x47: {  	_ =	shalt  }
0x48: {  	_ =	shalt  }
0x49: {  	_ =	shalt  }
0x4a: {  	_ =	shalt  }
0x4b: {  	_ =	shalt  }
0x4c: {  	_ =	shalt  }
0x4d: {  	_ =	shalt  }
0x4e: {  	_ =	shalt  }
0x4f: {  	_ =	shalt  }
0x50: {  	_ =	shalt  }
0x51: {  	_ =	shalt  }
0x52: {  	_ =	shalt  }
0x53: {  	_ =	shalt  }
0x54: {  	_ =	shalt  }
0x55: {  	_ =	shalt  }
0x56: {  	_ =	shalt  }
0x57: {  	_ =	shalt  }
0x58: {  	_ =	shalt  }
0x59: {  	_ =	shalt  }
0x5a: {  	_ =	shalt  }
0x5b: {  	_ =	shalt  }
0x5c: {  	_ =	shalt  }
0x5d: {  	_ =	shalt  }
0x5e: {  	_ =	shalt  }
0x5f: {  	_ =	shalt  }
0x60: {  	_ =	shalt  }
0x61: {  	_ =	shalt  }
0x62: {  	_ =	shalt  }
0x63: {  	_ =	shalt  }
0x64: {  	_ =	shalt  }
0x65: {  	_ =	shalt  }
0x66: {  	_ =	shalt  }
0x67: {  	_ =	shalt  }
0x68: {  	_ =	shalt  }
0x69: {  	_ =	shalt  }
0x6a: {  	_ =	shalt  }
0x6b: {  	_ =	shalt  }
0x6c: {  	_ =	shalt  }
0x6d: {  	_ =	shalt  }
0x6e: {  	_ =	shalt  }
0x6f: {  	_ =	shalt  }
0x70: {  	_ =	shalt  }
0x71: {  	_ =	shalt  }
0x72: {  	_ =	shalt  }
0x73: {  	_ =	shalt  }
0x74: {  	_ =	shalt  }
0x75: {  	_ =	shalt  }
0x76: {  	_ =	shalt  }
0x77: {  	_ =	shalt  }
0x78: {  	_ =	shalt  }
0x79: {  	_ =	shalt  }
0x7a: {  	_ =	shalt  }
0x7b: {  	_ =	shalt  }
0x7c: {  	_ =	shalt  }
0x7d: {  	_ =	shalt  }
0x7e: {  	_ =	shalt  }
0x7f: {  	_ =	shalt  }
0x80: {  	_ =	shalt  }
0x81: {  	_ =	shalt  }
0x82: {  	_ =	shalt  }
0x83: {  	_ =	shalt  }
0x84: {  	_ =	shalt  }
0x85: {  	_ =	shalt  }
0x86: {  	_ =	shalt  }
0x87: {  	_ =	shalt  }
.Lfunc_end0:
.L_simem_size_0:
called_computation_lowered:
.L_overlay_start_0:
0x88: {  	s2 =	sld [smem:$0x3FD9]  }
0x89: {  	s3 =	sld [smem:$0x3FFE];
	_ =	sdelay $0x1  }
0x8a: {  	s1 =	srdreg.scid  }
0x8b: {  	s0 =	sand.u32 $0x1, s1  }
0x8c: {  	s16 =	sshll.u32 s0, $0xA;
	s2 =	sadd.s32 s3, s2  }
0x8d: {  	s2 =	sadd.s32 s2, s16  }
0x8e: {  	[smem:$0x3FBA] =	sst s2  }
0x8f: {  	_ = 	snop  }
0x90: {  	(tm) =	ssettm $0x1  }
0x91: {  	s17 =	sld [smem:$0x3FFB];
	_ =	sdelay $0x3  }
0x92: {  	_ =	strace s17  }
0x93: {  	s2 =	sld [smem:$0x3FFC];
	_ =	sdelay $0x3  }
0x94: {  	_ =	strace s2  }
0x95: {  	s2 =	sld [smem:$0x3FFD];
	_ =	sdelay $0x3  }
0x96: {  	_ =	strace s2  }
0x97: {  	_ =	strace $0x8FFFFFFF  }
0x98: {  	s18 =	sld [smem:$0x3FDB];
	_ =	sdelay $0x1  }
0x99: {  	s19 =	simm.s32 $_scs_section_size  }
0x9a: {  	s4 =	simm.s32 $_size__tile_overlayer_lowered;
	s5 =	simm.s32 $_tile_overlayer_lowered  }
0x9b: {  	s22 =	simm.s32 $0x1BFF;
	s21 =	sshll.u32 s5, $0x1;
	s2 =	sadd.s32 s19, s18  }
0x9c: {  	s6 =	simm.s32 $0x0;
	s20 =	sshll.u32 s4, $0x1;
	s4 =	sadd.s32 s21, s2  }
0x9d: {  	[timem:s6], [sflag:s22] =	dma.local [hbm:s4], s20  }
0x9e: {  	_ =	swait.ge [sflag:s22], s20  }
0x9f: {  	s3 =	ssub.s32 $0x0, s20;
	[sflag:s22] =	ssyncset.done $0x0  }
0xa0: {  	[sflag:s22] =	ssyncadd.s32 s3;
	_ =	sdelay $0x1  }
0xa1: {  	s23 =	simm.s32 $0x1B8B  }
0xa2: {  	_ =	swait.ge [sflag:s23], $0x1  }
0xa3: {  	[sflag:s23] =	ssyncset.done $0x0  }
0xa4: {  	s25 =	simm.s32 $0x1B8E;
	s24 =	sld [smem:$0x3FFE];
	[sflag:s23] =	ssyncadd.s32 $0xFFFFFFFF  }
0xa5: {  	s26 =	simm.s32 $execute0_lowered;
	[smem:$0x3FD2] =	sst s25  }
0xa6: {  	s4 =	sshll.u32 s26, $0x1;
	_ =	strace $0x80000046;
	[dreg:$0x1] =	wrdreg $0xFFFFFFFF  }
0xa7: {  	s28 =	simm.s32 $_size_execute0_lowered;
	s2 =	sadd.s32 s2, s4;
	[dreg:$0x0] =	wrdreg $0x0  }
0xa8: {  	s4 =	sshll.u32 s28, $0x1;
	[dreg:$0x2] =	wrdreg s2  }
0xa9: {  	[dreg:$0x3] =	wrdreg s4  }
0xaa: {  	[dreg:$0x4] =	wrdreg $0xC0  }
0xab: {  	_ =	task [dreg:s6], $0x5FFFF  }
0xac: {  	[dreg:$0x1] =	wrdreg $0xFFFFFFFF  }
0xad: {  	[dreg:$0x0] =	wrdreg $0x60  }
0xae: {  	[dreg:$0x2] =	wrdreg s24  }
0xaf: {  	[dreg:$0x3] =	wrdreg $0x9  }
0xb0: {  	_ =	task.clear_ibuf [dreg:s6], $0x4FFFF;
	_ =	strace $0x90000046  }
0xb1: {  	s29 =	simm.s32 $0x9;
	_ =	strace $0x80000048  }
0xb2: {  	_ =	swait.ge [sflag:s29], $0x1  }
0xb3: {  	[sflag:s29] =	ssyncadd.s32 $0xFFFFFFFF  }
0xb4: {  	_ =	strace $0x90000048  }
0xb5: {  	_ =	sfence  }
0xb6: {  	s30 =	sld [smem:$0x0];
	_ =	sdelay $0x2  }
0xb7: {  	s31 =	sshll.u32 s1, $0xD;
	s1 =	sshrl.u32 s1, $0x2  }
0xb8: {  	s3 =	sand.u32 $0x4000, s31;
	s1 =	sadd.s32 s1, s30  }
0xb9: {  	s0 =	sor.u32 s3, s0;
	s1 =	sshll.u32 s1, $0x11  }
0xba: {  	s0 =	sor.u32 s1, s0  }
0xbb: {  	s0 =	sadd.s32 $0x8F2B, s0  }
0xbc: {  	[sflag:s0] =	ssyncadd.remote.s32 $0x1  }
0xbd: {  	_ =	sfence.sel $0xFFFF  }
0xbe: {  	[dreg:$0x0] =	wrdreg $0xFFFFFFFF;
	(pc) =	sbr.abs _section_cstart, $3  }
0xbf: {  	[dreg:$0x1] =	wrdreg $0xFFFFFFFF  }
0xc0: {  	_ =	task.clear_ibuf [dreg:s6], $0x2FFFF;
	_ =	strace $0x9FFFFFFF  }
0xc1: {  	(tm) =	ssettm $0x7FFFFFFF  }
tec
execute0_lowered:
.L_overlay_start_1:
0x0: {  	(tag) =	ssettag $0x1  }
0x1: {  	s0 =	srdreg.scid  }
0x2: {  	s5 =	rddreg [dreg:$0x0];
	s3 =	sand.u32 $0x1, s0  }
0x3: {  	s2 =	simm.s32 $0x0;
	s0 =	stileid.u32;
	s1 =	sshll.u32 s3, $0x4  }
0x4: {  	s8 =	simm.s32 $0x80;
	s9 =	simm.s32 $0x400;
	s4 =	sor.u32 s0, s1  }
0x5: {  	s10 =	simm.s32 $0x0;
	[smem:$0x7FF] =	sst s2;
	s1 =	sshrl.u32 s4, $0x3  }
0x6: {  	s7 =	sshll.u32 s0, $0x7;
	s3 =	ssub.s32 $0x2, s3;
	s6 =	smul.u32 $0x14000, s1  }
0x7: {  	s7 =	sand.u32 $0x380, s7;
	s31 =	sshrl.u32 s3, $0x1;
	s4 =	smul.u32 $0xFA0, s4  }
0x8: {  	s1 =	rddreg [dreg:$0x1];
	_ =	strace $0x80000047;
	s6 =	sor.u32 s7, s6  }
0x9: {  	s4 =	sadd.s32 s4, s5;
	s7 =	simm.s32 $0x7D00;
	s6 =	sshrl.u32 s6, $0x3  }
0xa: {  	s5 =	sadd.s32 s6, s5;
	s6 =	ssub.s32 s3, s31;
	s3 =	sadd.s32 $0x3A00, s4  }
0xb: {  	v0 =	vimm.f32 $0.0e+00;
	v1 =	vimm.f32 $1.000000000e+00;
	s4 =	sadd.s32 $0x22E00, s5;
	s5 =	smax.u32 s6, $0x1;
	s6 =	simm.s32 $0x1  }
.LBB2_1:
0xc: {  	s11 =	simm.s32 $0x40;
	s12 =	simm.s32 $0x0  }
.LBB2_2:
0xd: {  	p0 =	sne.s32 s11, $0x9FC0;
	[tilespmem:s12+$0x7D00] =	vst v0;
	s12 =	smov.u32 s11;
	s11 =	sadd.s32 $0x40, s11  }
.Ltmp0:
0xe: {  	(pc) =	sbr.rel @p0 .LBB2_2-.Ltmp0, $2  }
0xf: {  	_ =	sdelay $0x2  }
0x10: {  	s12 =	sshra.s32 s12, $0x2  }
0x11: {  	[tilespmem:s12+$0x7D00] =	vst v0  }
0x12: {  	[tilespmem:s2], [sflag:$0x1] =	stream.linear.gather [hbm4b:s3+s2], $0x7D00, $0x38;
	[tilespmem:$0xA500] =	vst v63  }
0x13: {  	_ =	swait.ge [sflag:s6], $0x7D00  }
0x14: {  	[sflag:s6] =	ssyncset.done $0x0  }
0x15: {  	s11 =	simm.s32 $0x300;
	[sflag:s6] =	ssyncadd.s32 $0xFFFF8300  }
.LBB2_4:
0x16: {  	s12 =	sshra.s32 s11, $0x2  }
0x17: {  	v2 =	vld [tilespmem:s12+$0xFFFFFFC0];
	_ =	sdelay $0x7  }
0x18: {  	[tilespmem:v2+s7+$0x0] =	vst.idx.add.f32.msk $0xffff, v1  }
0x19: {  	v2 =	vld [tilespmem:s12+$0xFFFFFFD0];
	_ =	sdelay $0x7  }
0x1a: {  	[tilespmem:v2+s7+$0x0] =	vst.idx.add.f32.msk $0xffff, v1  }
0x1b: {  	v2 =	vld [tilespmem:s12+$0xFFFFFFE0];
	_ =	sdelay $0x7  }
0x1c: {  	[tilespmem:v2+s7+$0x0] =	vst.idx.add.f32.msk $0xffff, v1  }
0x1d: {  	v2 =	vld [tilespmem:s12+$0xFFFFFFF0];
	_ =	sdelay $0x7  }
0x1e: {  	[tilespmem:v2+s7+$0x0] =	vst.idx.add.f32.msk $0xffff, v1  }
0x1f: {  	v2 =	vld [tilespmem:s12+$0x0];
	_ =	sdelay $0x2  }
0x20: {  	p0 =	sne.s32 s11, $0x1F300  }
.Ltmp1:
0x21: {  	_ = 	snop;
	(pc) =	sbr.rel @p0 .LBB2_4-.Ltmp1, $2  }
0x22: {  	_ =	sdelay $0x2  }
0x23: {  	s11 =	sadd.s32 $0x400, s11;
	[tilespmem:v2+s7+$0x0] =	vst.idx.add.f32.msk $0xffff, v1  }
0x24: {  	s10 =	sadd.s32 $0x1, s10  }
0x25: {  	p0 =	sne.s32 s10, s5  }
.Ltmp2:
0x26: {  	_ = 	snop;
	(pc) =	sbr.rel @p0 .LBB2_1-.Ltmp2, $4  }
0x27: {  	[hbm4b:s4+s8] =	stream.strided.scatter [tilespmem:s7], [sflag:$0x1], $0x2800, s9, s8, $0x38;
	[tilespmem:$0xA500] =	vst v63  }
0x28: {  	_ =	swait.ge [sflag:s6], $0x2800  }
0x29: {  	[sflag:s6] =	ssyncset.done $0x0  }
0x2a: {  	[sflag:s6] =	ssyncadd.s32 $0xFFFFD800  }
0x2b: {  	_ =	sfence.sel $0x180000  }
0x2c: {  	[bflag:$0x0] =	sbarrier.arrive $0xFFFF  }
0x2d: {  	p0 =	sne.s32 s0, $0x0;
	_ =	strace $0x90000047  }
0x2e: {  	s0 =	sadd.s32 @!p0 $0x100000, s1;
	[bflag:$0x2] =	sbarrier.arrive $0xFFFF  }
0x2f: {  	[sflag:s0] =	ssyncadd.tile.s32 @!p0 $0x1;
	_ =	shalt  }
.Lfunc_end2:
_tile_overlayer_lowered:
.L_overlay_start_2:
0x30: {  	(tag) =	ssettag $0x2  }
0x31: {  	s0 =	rddreg [dreg:$0x0];
	s2 =	stileid.u32  }
0x32: {  	s1 =	rddreg [dreg:$0x1];
	p0 =	sne.s32 s2, $0x0  }
0x33: {  	s3 =	rddreg [dreg:$0x2];
	[bflag:$0x3] =	sbarrier.arrive $0xFFFF;
	s2 =	simm.s32 @!p0 $0x1C01  }
0x34: {  	[timem:s3], [sflag:s2] =	dma.local @!p0 [hbm:s0], s1  }
0x35: {  	s0 =	simm.s32 @!p0 $0x1  }
0x36: {  	_ =	swait.ge @!p0 [sflag:s0], s1  }
0x37: {  	s1 =	ssub.s32 @!p0 $0x0, s1;
	[sflag:s0] =	ssyncset.done @!p0 $0x0  }
0x38: {  	[sflag:s0] =	ssyncadd.s32 @!p0 s1  }
0x39: {  	[bflag:$0x3] =	sbarrier.arrive $0xFFFF  }
0x3a: {  	_ =	shalt  }

</sc_bundles>
